<compile_context>
chip_gen: v7x
topology: tpu7x:2x2x1
jax: 0.10.2.dev20260603
libtpu: 0.0.44.dev20260713+nightly
codegen_flags: <defaults>
</compile_context>

<pallas_src>
import functools

import jax
import jax.numpy as jnp
from jax import lax
from jax.experimental import pallas as pl
from jax.experimental.pallas import tpu as pltpu
from jax.experimental.pallas import tpu_sc as plsc

N = 10000
E = 160000
D = 256
H = 8
C = 128
NC = 40

NP = 10240
EP = 172032
CH = 128
NCHUNK = EP // CH
CPS = NCHUNK // 16
NPH = NP // 2
NT = 5136
NTR = 48
RPT = NPH // 16
ZCH = 16
NC2 = 64
L = 16
ROWB = 512
NB = NP // ROWB

_SC_MESH = dict(core_axis_name="c", subcore_axis_name="s",
                num_cores=2, num_subcores=16)
_SC_PARAMS = pltpu.CompilerParams(needs_layout_passes=False)


def _proj1_body(x_ref, wl_ref, wr_ref, bl_ref, br_ref, xl_ref, xr_ref):
    x = x_ref[...]
    xl_ref[...] = jnp.dot(x, wl_ref[...],
                          preferred_element_type=jnp.float32) + bl_ref[...]
    xr_ref[...] = jnp.dot(x, wr_ref[...],
                          preferred_element_type=jnp.float32) + br_ref[...]


def _proj1(xp, W_l1, b_l1, W_r1, b_r1):
    return pl.pallas_call(
        _proj1_body,
        grid=(H, NB),
        in_specs=[
            pl.BlockSpec((ROWB, D), lambda h, i: (i, 0)),
            pl.BlockSpec((D, C), lambda h, i: (0, h)),
            pl.BlockSpec((D, C), lambda h, i: (0, h)),
            pl.BlockSpec((C,), lambda h, i: (h,)),
            pl.BlockSpec((C,), lambda h, i: (h,)),
        ],
        out_specs=[
            pl.BlockSpec((ROWB, C), lambda h, i: (h * NB + i, 0)),
            pl.BlockSpec((ROWB, C), lambda h, i: (h * NB + i, 0)),
        ],
        out_shape=[
            jax.ShapeDtypeStruct((H * NP, C), jnp.float32),
            jax.ShapeDtypeStruct((H * NP, C), jnp.float32),
        ],
    )(xp, W_l1, W_r1, b_l1, b_r1)


@functools.partial(
    pl.kernel,
    out_type=[
        jax.ShapeDtypeStruct((H * NP, C), jnp.float32),
        jax.ShapeDtypeStruct((H * NP // 128, C), jnp.float32),
    ],
    mesh=plsc.VectorSubcoreMesh(**_SC_MESH),
    scratch_types=[
        pltpu.VMEM((CH,), jnp.int32),
        pltpu.VMEM((CH,), jnp.int32),
        pltpu.VMEM((CH,), jnp.int32),
        pltpu.VMEM((CH,), jnp.int32),
        pltpu.VMEM((CH,), jnp.int32),
        pltpu.VMEM((CH, C), jnp.float32),
        pltpu.VMEM((CH, C), jnp.float32),
        pltpu.VMEM((CH, L), jnp.float32),
        pltpu.VMEM((CH,), jnp.float32),
        pltpu.VMEM((CPS, CH), jnp.float32),
        pltpu.VMEM((C,), jnp.float32),
        pltpu.VMEM((ZCH, C), jnp.float32),
        pltpu.VMEM((NTR, C), jnp.float32),
        pltpu.VMEM((NTR,), jnp.int32),
        pltpu.VMEM_SHARED((NT, C), jnp.float32),
        pltpu.VMEM_SHARED((NTR, C), jnp.float32),
        pltpu.SemaphoreType.DMA,
        pltpu.SemaphoreType.DMA,
    ],
    compiler_params=_SC_PARAMS,
)
def _sc_layer1(xl_hbm, xr_hbm, src_hbm, dst_hbm, att_hbm, outn_hbm, outd_hbm,
               srcv, dstv, gl, gr, si, bufL, bufR, accb, exb, exall, attb,
               zb, denv, idr, tableN, tableD, semA, semB):
    c = lax.axis_index("c")
    s = lax.axis_index("s")
    iota = lax.iota(jnp.int32, L)
    zeros = jnp.zeros((L,), jnp.float32)

    @pl.loop(0, ZCH)
    def _zrow(r):
        for k in range(C // L):
            zb[r, pl.ds(L * k, L)] = zeros

    for k in range(NTR // L):
        idr[pl.ds(L * k, L)] = iota + L * k

    @pl.loop(0, 8)
    def _round(r):
        hh = r >> 1
        half = r & 1
        h = c * 4 + hh
        hNP = h * NP
        lo = half * NPH
        pltpu.sync_copy(att_hbm.at[h], attb)
        attr = [attb[pl.ds(L * v, L)] for v in range(C // L)]

        @pl.loop(0, RPT // 8)
        def _ztab(k):
            pltpu.sync_copy(zb.at[pl.ds(0, 8)],
                            tableN.at[pl.ds(s * RPT + k * 8, 8)])

        @pl.when(s < 2)
        def _ztabdum():
            pltpu.sync_copy(zb.at[pl.ds(0, 8)],
                            tableN.at[pl.ds(NPH + s * 8, 8)])

        @pl.when(s < 6)
        def _ztabd():
            pltpu.sync_copy(zb.at[pl.ds(0, 8)], tableD.at[pl.ds(s * 8, 8)])

        @pl.loop(0, NTR)
        def _zden(i):
            for k in range(C // L):
                denv[i, pl.ds(L * k, L)] = zeros
        plsc.subcore_barrier()

        @pl.loop(0, CPS)
        def _chunk(ci):
            base = s * (CPS * CH) + ci * CH
            h1 = pltpu.async_copy(src_hbm.at[pl.ds(base, CH)], srcv, semA)
            h2 = pltpu.async_copy(dst_hbm.at[pl.ds(base, CH)], dstv, semB)
            h1.wait()
            h2.wait()
            for k in range(CH // L):
                sl = srcv[pl.ds(L * k, L)]
                dl = dstv[pl.ds(L * k, L)]
                loc = dl - lo
                loc = jnp.where((loc >= 0) & (loc < NPH), loc,
                                NPH + (dl & 15))
                gl[pl.ds(L * k, L)] = sl + hNP
                gr[pl.ds(L * k, L)] = dl + hNP
                si[pl.ds(L * k, L)] = loc
            g1 = pltpu.async_copy(xl_hbm.at[gl], bufL, semA)

            @pl.when(half == 0)
            def _gather_r():
                pltpu.async_copy(xr_hbm.at[gr], bufR, semB).wait()

            g1.wait()

            @pl.when(half == 0)
            def _compute_logits():
                @pl.loop(0, CH)
                def _edge(j):
                    acc = zeros
                    for v in range(C // L):
                        z = (bufL[j, pl.ds(L * v, L)]
                             + bufR[j, pl.ds(L * v, L)])
                        lz = jnp.maximum(z, 0.2 * z)
                        acc = acc + attr[v] * lz
                    accb[j, :] = acc

                for g in range(CH // L):
                    rows = g * L + iota
                    tot = zeros
                    for k in range(L):
                        tot = tot + plsc.load_gather(
                            accb, [rows, jnp.full((L,), k, jnp.int32)])
                    ex16 = jnp.exp(tot)
                    exb[pl.ds(g * L, L)] = ex16
                    exall[ci, pl.ds(g * L, L)] = ex16

            @pl.when(half == 1)
            def _reuse_logits():
                for g in range(CH // L):
                    exb[pl.ds(g * L, L)] = exall[ci, pl.ds(g * L, L)]

            for g in range(CH // L):
                sg = si[pl.ds(g * L, L)]
                plsc.addupdate_scatter(denv, [sg >> 7, sg & 127],
                                       exb[pl.ds(g * L, L)])

            @pl.loop(0, CH)
            def _scale(j):
                exs = plsc.load_gather(exb, [jnp.full((L,), j, jnp.int32)])
                for v in range(C // L):
                    bufL[j, pl.ds(L * v, L)] = bufL[j, pl.ds(L * v, L)] * exs

            pltpu.sync_copy(bufL, tableN.at[si], add=True)

        pltpu.sync_copy(denv, tableD.at[idr], add=True)
        plsc.subcore_barrier()
        pltpu.sync_copy(tableN.at[pl.ds(s * RPT, RPT)],
                        outn_hbm.at[pl.ds(hNP + lo + s * RPT, RPT)])

        @pl.when(s < 5)
        def _draind():
            pltpu.sync_copy(
                tableD.at[pl.ds(s * 8, 8)],
                outd_hbm.at[pl.ds(h * (NP // 128) + half * 40 + s * 8, 8)])


def _mid_body(o1n_ref, o1d_ref, wl_ref, wr_ref, bl_ref, br_ref, b1_ref,
              xl2_ref, xr2_ref):
    accl = jnp.zeros((ROWB, C), jnp.float32)
    accr = jnp.zeros((ROWB, C), jnp.float32)
    for h in range(H):
        den = o1d_ref[h, 0, 0][:, None] + 1e-16
        h1 = jnp.maximum(o1n_ref[h] / den + b1_ref[pl.ds(h * C, C)][None, :],
                         0.0)
        accl += jnp.dot(h1, wl_ref[pl.ds(h * C, C), :],
                        preferred_element_type=jnp.float32)
        accr += jnp.dot(h1, wr_ref[pl.ds(h * C, C), :],
                        preferred_element_type=jnp.float32)
    xl2_ref[...] = accl + bl_ref[...]
    xr2_ref[...] = accr + br_ref[...]


def _mid(out1n, out1d, W_l2p, b_l2p, W_r2p, b_r2p, bias1):
    return pl.pallas_call(
        _mid_body,
        grid=(NB,),
        in_specs=[
            pl.BlockSpec((H, ROWB, C), lambda i: (0, i, 0)),
            pl.BlockSpec((H, 1, 1, ROWB), lambda i: (0, i, 0, 0)),
            pl.BlockSpec((H * C, C), lambda i: (0, 0)),
            pl.BlockSpec((H * C, C), lambda i: (0, 0)),
            pl.BlockSpec((C,), lambda i: (0,)),
            pl.BlockSpec((C,), lambda i: (0,)),
            pl.BlockSpec((H * C,), lambda i: (0,)),
        ],
        out_specs=[
            pl.BlockSpec((ROWB, C), lambda i: (i, 0)),
            pl.BlockSpec((ROWB, C), lambda i: (i, 0)),
        ],
        out_shape=[
            jax.ShapeDtypeStruct((NP, C), jnp.float32),
            jax.ShapeDtypeStruct((NP, C), jnp.float32),
        ],
    )(out1n.reshape(H, NP, C), out1d.reshape(H, NB, 1, ROWB),
      W_l2p, W_r2p, b_l2p, b_r2p, bias1)


@functools.partial(
    pl.kernel,
    out_type=jax.ShapeDtypeStruct((NP, C), jnp.float32),
    mesh=plsc.VectorSubcoreMesh(**_SC_MESH),
    scratch_types=[
        pltpu.VMEM((CH,), jnp.int32),
        pltpu.VMEM((CH,), jnp.int32),
        pltpu.VMEM((CH,), jnp.int32),
        pltpu.VMEM((CH,), jnp.int32),
        pltpu.VMEM((CH,), jnp.int32),
        pltpu.VMEM((CH, C), jnp.float32),
        pltpu.VMEM((CH, C), jnp.float32),
        pltpu.VMEM((CH, L), jnp.float32),
        pltpu.VMEM((CH,), jnp.float32),
        pltpu.VMEM((C,), jnp.float32),
        pltpu.VMEM((ZCH, C), jnp.float32),
        pltpu.VMEM_SHARED((NT, C), jnp.float32),
        pltpu.SemaphoreType.DMA,
        pltpu.SemaphoreType.DMA,
    ],
    compiler_params=_SC_PARAMS,
)
def _sc_layer2(xl_hbm, xr_hbm, src_hbm, dst_hbm, att_hbm, outn_hbm,
               srcv, dstv, gl, gr, si, bufL, bufR, accb, exb, attb,
               zb, tableN, semA, semB):
    c = lax.axis_index("c")
    s = lax.axis_index("s")
    iota = lax.iota(jnp.int32, L)
    zeros = jnp.zeros((L,), jnp.float32)
    lo = c * NPH

    pltpu.sync_copy(att_hbm, attb)
    attr = [attb[pl.ds(L * v, L)] for v in range(C // L)]

    @pl.loop(0, ZCH)
    def _zrow(r):
        for k in range(C // L):
            zb[r, pl.ds(L * k, L)] = zeros

    @pl.loop(0, RPT // 8)
    def _ztab(k):
        pltpu.sync_copy(zb.at[pl.ds(0, 8)],
                        tableN.at[pl.ds(s * RPT + k * 8, 8)])

    @pl.when(s < 2)
    def _ztabdum():
        pltpu.sync_copy(zb.at[pl.ds(0, 8)],
                        tableN.at[pl.ds(NPH + s * 8, 8)])
    plsc.subcore_barrier()

    @pl.loop(0, CPS)
    def _chunk(ci):
        base = s * (CPS * CH) + ci * CH
        h1 = pltpu.async_copy(src_hbm.at[pl.ds(base, CH)], srcv, semA)
        h2 = pltpu.async_copy(dst_hbm.at[pl.ds(base, CH)], dstv, semB)
        h1.wait()
        h2.wait()
        for k in range(CH // L):
            dl = dstv[pl.ds(L * k, L)]
            loc = dl - lo
            loc = jnp.where((loc >= 0) & (loc < NPH), loc, NPH + (dl & 15))
            gl[pl.ds(L * k, L)] = srcv[pl.ds(L * k, L)]
            gr[pl.ds(L * k, L)] = dl
            si[pl.ds(L * k, L)] = loc
        g1 = pltpu.async_copy(xl_hbm.at[gl], bufL, semA)
        g2 = pltpu.async_copy(xr_hbm.at[gr], bufR, semB)
        g1.wait()
        g2.wait()

        @pl.loop(0, CH)
        def _edge(j):
            acc = zeros
            for v in range(C // L):
                z = bufL[j, pl.ds(L * v, L)] + bufR[j, pl.ds(L * v, L)]
                lz = jnp.maximum(z, 0.2 * z)
                acc = acc + attr[v] * lz
            accb[j, :] = acc

        for g in range(CH // L):
            rows = g * L + iota
            tot = zeros
            for k in range(L):
                tot = tot + plsc.load_gather(
                    accb, [rows, jnp.full((L,), k, jnp.int32)])
            exb[pl.ds(g * L, L)] = jnp.exp(tot)

        @pl.loop(0, CH)
        def _scale(j):
            exs = plsc.load_gather(exb, [jnp.full((L,), j, jnp.int32)])
            for v in range(NC2 // L):
                bufL[j, pl.ds(L * v, L)] = bufL[j, pl.ds(L * v, L)] * exs
            bufL[j, pl.ds(NC2, L)] = jnp.where(iota == 0, exs, 0.0)

        pltpu.sync_copy(bufL, tableN.at[si], add=True)

    plsc.subcore_barrier()
    pltpu.sync_copy(tableN.at[pl.ds(s * RPT, RPT)],
                    outn_hbm.at[pl.ds(lo + s * RPT, RPT)])


def _fin_body(p2n_ref, b2_ref, o_ref):
    den = p2n_ref[:, NC2:NC2 + 1] + 1e-16
    o_ref[...] = p2n_ref[:, :NC] / den + b2_ref[...][None, :]


def _fin(p2n, bias2):
    return pl.pallas_call(
        _fin_body,
        grid=(NB,),
        in_specs=[
            pl.BlockSpec((ROWB, C), lambda i: (i, 0)),
            pl.BlockSpec((NC,), lambda i: (0,)),
        ],
        out_specs=pl.BlockSpec((ROWB, NC), lambda i: (i, 0)),
        out_shape=jax.ShapeDtypeStruct((NP, NC), jnp.float32),
    )(p2n, bias2)


def kernel(x, edge_index, W_l1, b_l1, W_r1, b_r1, att1, bias1,
           W_l2, b_l2, W_r2, b_r2, att2, bias2):
    xp = jnp.pad(x, ((0, NP - N), (0, 0)))
    loop = jnp.arange(N, dtype=jnp.int32)
    pad = jnp.full((EP - E - N,), N, jnp.int32)
    src = jnp.concatenate([edge_index[0], loop, pad])
    dst = jnp.concatenate([edge_index[1], loop, pad])

    xl1, xr1 = _proj1(xp, W_l1, b_l1, W_r1, b_r1)
    out1n, out1d = _sc_layer1(xl1, xr1, src, dst, att1)

    W_l2p = jnp.pad(W_l2, ((0, 0), (0, C - NC)))
    W_r2p = jnp.pad(W_r2, ((0, 0), (0, C - NC)))
    b_l2p = jnp.pad(b_l2, (0, C - NC))
    b_r2p = jnp.pad(b_r2, (0, C - NC))
    att2p = jnp.pad(att2[0], (0, C - NC))

    xl2, xr2 = _mid(out1n, out1d, W_l2p, b_l2p, W_r2p, b_r2p, bias1)
    p2n = _sc_layer2(xl2, xr2, src, dst, att2p)
    return _fin(p2n, bias2)[:N]

# --- scband reference (transcript-rebuilt; emitter-appended) ---
"""Pipeline reference for scband-gat-83811991814643 (READ-ONLY COPY).

The authoritative reference and input builder live on the scoring server;
editing this copy changes nothing except your own understanding.
"""

import jax, jax.numpy as jnp
import numpy as np

N = 10000
E = 160000
D = 256
H = 8
C = 128
NC = 40


def _glorot(k, shape):
    fan_in, fan_out = shape[0], shape[-1]
    s = (6.0 / (fan_in + fan_out)) ** 0.5
    return jax.random.uniform(k, shape, jnp.float32, -s, s)


def setup_inputs(seed: int = 0) -> dict:
    key = jax.random.key(seed)
    ks = jax.random.split(key, 12)
    inp = {}
    inp["x"] = jax.random.normal(ks[0], (N, D), dtype=jnp.float32)
    inp["edge_index"] = jax.random.randint(ks[1], (2, E), 0, N, dtype=jnp.int32)
    # GATv2 layer 1: in=D, out=C per head, H heads (concat)
    inp["W_l1"] = _glorot(ks[2], (D, H * C))
    inp["b_l1"] = jnp.zeros((H * C,), jnp.float32)
    inp["W_r1"] = _glorot(ks[3], (D, H * C))
    inp["b_r1"] = jnp.zeros((H * C,), jnp.float32)
    inp["att1"] = _glorot(ks[4], (H, C))
    inp["bias1"] = jnp.zeros((H * C,), jnp.float32)
    # GATv2 layer 2: in=H*C, out=NC, 1 head
    inp["W_l2"] = _glorot(ks[5], (H * C, NC))
    inp["b_l2"] = jnp.zeros((NC,), jnp.float32)
    inp["W_r2"] = _glorot(ks[6], (H * C, NC))
    inp["b_r2"] = jnp.zeros((NC,), jnp.float32)
    inp["att2"] = _glorot(ks[7], (1, NC))
    inp["bias2"] = jnp.zeros((NC,), jnp.float32)
    return inp


def _gatv2_layer(x, src, dst, Wl, bl, Wr, br, att, bias, heads, out_ch, n_nodes):
    xl = (x @ Wl + bl).reshape(n_nodes, heads, out_ch)
    xr = (x @ Wr + br).reshape(n_nodes, heads, out_ch)
    xj = xl[src]  # messages from source nodes, [E', H, C]
    xi = xr[dst]
    e = jax.nn.leaky_relu(xi + xj, negative_slope=0.2)
    logits = jnp.sum(e * att[None, :, :], axis=-1)  # [E', H]
    # segment softmax over destination nodes
    m = jax.ops.segment_max(logits, dst, num_segments=n_nodes)
    m = jnp.where(jnp.isfinite(m), m, 0.0)
    ex = jnp.exp(logits - m[dst])
    denom = jax.ops.segment_sum(ex, dst, num_segments=n_nodes)
    alpha = ex / (denom[dst] + 1e-16)
    out = jax.ops.segment_sum(xj * alpha[:, :, None], dst, num_segments=n_nodes)
    return out.reshape(n_nodes, heads * out_ch) + bias


def reference(x, edge_index, W_l1, b_l1, W_r1, b_r1, att1, bias1, W_l2, b_l2, W_r2, b_r2, att2, bias2):
    # add self loops (PyG GATv2Conv default add_self_loops=True)
    loop = jnp.arange(N, dtype=edge_index.dtype)
    src = jnp.concatenate([edge_index[0], loop])
    dst = jnp.concatenate([edge_index[1], loop])
    h = _gatv2_layer(x, src, dst, W_l1, b_l1, W_r1, b_r1, att1, bias1, H, C, N)
    h = jax.nn.relu(h)
    out = _gatv2_layer(h, src, dst, W_l2, b_l2, W_r2, b_r2, att2, bias2, 1, NC, N)
    return out

if __name__ == "__main__":
    import jax
    _d = setup_inputs()
    print(jax.jit(kernel)(*tuple(_d.values())))

</pallas_src>

<mosaic_0001>
#map = affine_map<(d0, d1) -> (0, 0)>
#map1 = affine_map<(d0, d1) -> (0)>
module attributes {stable_mosaic.version = 14 : i64} {
  func.func @_sc_layer2(%arg0: i32, %arg1: i32, %arg2: memref<10240x128xf32, #tpu.memory_space<hbm>>, %arg3: memref<10240x128xf32, #tpu.memory_space<hbm>>, %arg4: memref<172032xi32, #tpu.memory_space<hbm>>, %arg5: memref<172032xi32, #tpu.memory_space<hbm>>, %arg6: memref<128xf32, #tpu.memory_space<hbm>>, %arg7: memref<10240x128xf32, #tpu.memory_space<hbm>>, %arg8: memref<128xi32, #tpu.memory_space<vmem>>, %arg9: memref<128xi32, #tpu.memory_space<vmem>>, %arg10: memref<128xi32, #tpu.memory_space<vmem>>, %arg11: memref<128xi32, #tpu.memory_space<vmem>>, %arg12: memref<128xi32, #tpu.memory_space<vmem>>, %arg13: memref<128x128xf32, #tpu.memory_space<vmem>>, %arg14: memref<128x128xf32, #tpu.memory_space<vmem>>, %arg15: memref<128x16xf32, #tpu.memory_space<vmem>>, %arg16: memref<128xf32, #tpu.memory_space<vmem>>, %arg17: memref<128xf32, #tpu.memory_space<vmem>>, %arg18: memref<16x128xf32, #tpu.memory_space<vmem>>, %arg19: memref<5136x128xf32, #tpu.memory_space<vmem_shared>>, %arg20: memref<!tpu.dma_semaphore, #tpu.memory_space<semaphore_mem>>, %arg21: memref<!tpu.dma_semaphore, #tpu.memory_space<semaphore_mem>>) attributes {dimension_semantics = [#tpu.dimension_semantics<core_parallel>, #tpu.dimension_semantics<subcore_parallel>], iteration_bounds = array<i64: 2, 16>, scalar_prefetch = 0 : i64, scratch_operands = 14 : i64, tpu.core_type = #tpu.core_type<sc_vector_subcore>, window_params = [{transform_indices = #map}, {transform_indices = #map}, {transform_indices = #map1}, {transform_indices = #map1}, {transform_indices = #map1}, {transform_indices = #map}]} {
    %iota3A = tpu.iota {dimensions = array<i32: 0>} : vector<16xi32>
    %broadcast_in_dim3A = arith.constant 0.000000e+00 : f32
    %broadcast_in_dim3A_0 = vector.broadcast %broadcast_in_dim3A : f32 to vector<16xf32>
    %mul3A = arith.constant 5120 : i32
    %mul3A_1 = arith.muli %arg0, %mul3A : i32
    "tpu.region"() ({
      %run_scoped3A = tpu.sem_alloc : memref<!tpu.dma_semaphore, #tpu.memory_space<semaphore_mem>>
      tpu.enqueue_dma source(%arg6 : memref<128xf32, #tpu.memory_space<hbm>>) target(%arg17 : memref<128xf32, #tpu.memory_space<vmem>>) target_semaphore(%run_scoped3A : memref<!tpu.dma_semaphore, #tpu.memory_space<semaphore_mem>>)
      tpu.wait_dma2 semaphore(%run_scoped3A : memref<!tpu.dma_semaphore, #tpu.memory_space<semaphore_mem>>) src(%arg6 : memref<128xf32, #tpu.memory_space<hbm>>) dst(%arg17 : memref<128xf32, #tpu.memory_space<vmem>>)
      tpu.yield
    }) : () -> ()
    %get3A = arith.constant 0 : index
    %get3A_2 = tpu.vector_load %arg17[%get3A] {strides = array<i32>} : memref<128xf32, #tpu.memory_space<vmem>>, vector<16xf32>,
    %get3A_3 = arith.constant 16 : index
    %get3A_4 = tpu.vector_load %arg17[%get3A_3] {strides = array<i32>} : memref<128xf32, #tpu.memory_space<vmem>>, vector<16xf32>,
    %get3A_5 = arith.constant 32 : index
    %get3A_6 = tpu.vector_load %arg17[%get3A_5] {strides = array<i32>} : memref<128xf32, #tpu.memory_space<vmem>>, vector<16xf32>,
    %get3A_7 = arith.constant 48 : index
    %get3A_8 = tpu.vector_load %arg17[%get3A_7] {strides = array<i32>} : memref<128xf32, #tpu.memory_space<vmem>>, vector<16xf32>,
    %get3A_9 = arith.constant 64 : index
    %get3A_10 = tpu.vector_load %arg17[%get3A_9] {strides = array<i32>} : memref<128xf32, #tpu.memory_space<vmem>>, vector<16xf32>,
    %get3A_11 = arith.constant 80 : index
    %get3A_12 = tpu.vector_load %arg17[%get3A_11] {strides = array<i32>} : memref<128xf32, #tpu.memory_space<vmem>>, vector<16xf32>,
    %get3A_13 = arith.constant 96 : index
    %get3A_14 = tpu.vector_load %arg17[%get3A_13] {strides = array<i32>} : memref<128xf32, #tpu.memory_space<vmem>>, vector<16xf32>,
    %get3A_15 = arith.constant 112 : index
    %get3A_16 = tpu.vector_load %arg17[%get3A_15] {strides = array<i32>} : memref<128xf32, #tpu.memory_space<vmem>>, vector<16xf32>,
    %scan3A = arith.constant 0 : i32
    %scan3A_17 = arith.constant 16 : i32
    %scan3A_18 = arith.addi %scan3A, %scan3A_17 : i32
    %scan3A_19 = arith.constant 1 : i32
    scf.for %scan3A_38 = %scan3A to %scan3A_18 step %scan3A_19  : i32 {
      %mul3A_39 = arith.constant 1 : i32
      %mul3A_40 = arith.muli %scan3A_38, %mul3A_39 : i32
      %add3A_41 = arith.constant 0 : i32
      %add3A_42 = arith.addi %add3A_41, %mul3A_40 : i32
      %swap3A = arith.index_cast %add3A_42 : i32 to index
      %swap3A_43 = arith.constant 0 : index
      %swap3A_44 = tpu.vector_load %arg18[%swap3A, %swap3A_43] {strides = array<i32>} : memref<16x128xf32, #tpu.memory_space<vmem>>, vector<16xf32>,
      tpu.vector_store %arg18[%swap3A, %swap3A_43], %broadcast_in_dim3A_0 {strides = array<i32>} : memref<16x128xf32, #tpu.memory_space<vmem>>, vector<16xf32>,
      %swap3A_45 = arith.index_cast %add3A_42 : i32 to index
      %swap3A_46 = arith.constant 16 : index
      %swap3A_47 = tpu.vector_load %arg18[%swap3A_45, %swap3A_46] {strides = array<i32>} : memref<16x128xf32, #tpu.memory_space<vmem>>, vector<16xf32>,
      tpu.vector_store %arg18[%swap3A_45, %swap3A_46], %broadcast_in_dim3A_0 {strides = array<i32>} : memref<16x128xf32, #tpu.memory_space<vmem>>, vector<16xf32>,
      %swap3A_48 = arith.index_cast %add3A_42 : i32 to index
      %swap3A_49 = arith.constant 32 : index
      %swap3A_50 = tpu.vector_load %arg18[%swap3A_48, %swap3A_49] {strides = array<i32>} : memref<16x128xf32, #tpu.memory_space<vmem>>, vector<16xf32>,
      tpu.vector_store %arg18[%swap3A_48, %swap3A_49], %broadcast_in_dim3A_0 {strides = array<i32>} : memref<16x128xf32, #tpu.memory_space<vmem>>, vector<16xf32>,
      %swap3A_51 = arith.index_cast %add3A_42 : i32 to index
      %swap3A_52 = arith.constant 48 : index
      %swap3A_53 = tpu.vector_load %arg18[%swap3A_51, %swap3A_52] {strides = array<i32>} : memref<16x128xf32, #tpu.memory_space<vmem>>, vector<16xf32>,
      tpu.vector_store %arg18[%swap3A_51, %swap3A_52], %broadcast_in_dim3A_0 {strides = array<i32>} : memref<16x128xf32, #tpu.memory_space<vmem>>, vector<16xf32>,
      %swap3A_54 = arith.index_cast %add3A_42 : i32 to index
      %swap3A_55 = arith.constant 64 : index
      %swap3A_56 = tpu.vector_load %arg18[%swap3A_54, %swap3A_55] {strides = array<i32>} : memref<16x128xf32, #tpu.memory_space<vmem>>, vector<16xf32>,
      tpu.vector_store %arg18[%swap3A_54, %swap3A_55], %broadcast_in_dim3A_0 {strides = array<i32>} : memref<16x128xf32, #tpu.memory_space<vmem>>, vector<16xf32>,
      %swap3A_57 = arith.index_cast %add3A_42 : i32 to index
      %swap3A_58 = arith.constant 80 : index
      %swap3A_59 = tpu.vector_load %arg18[%swap3A_57, %swap3A_58] {strides = array<i32>} : memref<16x128xf32, #tpu.memory_space<vmem>>, vector<16xf32>,
      tpu.vector_store %arg18[%swap3A_57, %swap3A_58], %broadcast_in_dim3A_0 {strides = array<i32>} : memref<16x128xf32, #tpu.memory_space<vmem>>, vector<16xf32>,
      %swap3A_60 = arith.index_cast %add3A_42 : i32 to index
      %swap3A_61 = arith.constant 96 : index
      %swap3A_62 = tpu.vector_load %arg18[%swap3A_60, %swap3A_61] {strides = array<i32>} : memref<16x128xf32, #tpu.memory_space<vmem>>, vector<16xf32>,
      tpu.vector_store %arg18[%swap3A_60, %swap3A_61], %broadcast_in_dim3A_0 {strides = array<i32>} : memref<16x128xf32, #tpu.memory_space<vmem>>, vector<16xf32>,
      %swap3A_63 = arith.index_cast %add3A_42 : i32 to index
      %swap3A_64 = arith.constant 112 : index
      %swap3A_65 = tpu.vector_load %arg18[%swap3A_63, %swap3A_64] {strides = array<i32>} : memref<16x128xf32, #tpu.memory_space<vmem>>, vector<16xf32>,
      tpu.vector_store %arg18[%swap3A_63, %swap3A_64], %broadcast_in_dim3A_0 {strides = array<i32>} : memref<16x128xf32, #tpu.memory_space<vmem>>, vector<16xf32>,
    }
    %scan3A_20 = arith.constant 16 : i32
    %scan3A_21 = arith.constant 0 : i32
    %scan3A_22 = arith.constant 40 : i32
    %scan3A_23 = arith.addi %scan3A_21, %scan3A_22 : i32
    %scan3A_24 = arith.constant 1 : i32
    scf.for %scan3A_38 = %scan3A_21 to %scan3A_23 step %scan3A_24  : i32 {
      %mul3A_39 = arith.constant 1 : i32
      %mul3A_40 = arith.muli %scan3A_38, %mul3A_39 : i32
      %add3A_41 = arith.constant 0 : i32
      %add3A_42 = arith.addi %add3A_41, %mul3A_40 : i32
      %mul3A_43 = arith.constant 320 : i32
      %mul3A_44 = arith.muli %arg1, %mul3A_43 : i32
      %mul3A_45 = arith.constant 8 : i32
      %mul3A_46 = arith.muli %add3A_42, %mul3A_45 : i32
      %add3A_47 = arith.addi %mul3A_44, %mul3A_46 : i32
      "tpu.region"() ({
        %run_scoped3A = tpu.sem_alloc : memref<!tpu.dma_semaphore, #tpu.memory_space<semaphore_mem>>
        %dma_start3A = arith.constant 0 : i32
        %dma_start3A_48 = arith.constant 0 : i32
        %dma_start3A_49 = tpu.memref_slice %arg18[%dma_start3A, %dma_start3A_48] : memref<16x128xf32, #tpu.memory_space<vmem>> -> memref<8x128xf32, #tpu.memory_space<vmem>>
        %dma_start3A_50 = arith.constant 0 : i32
        %dma_start3A_51 = tpu.memref_slice %arg19[%add3A_47, %dma_start3A_50] : memref<5136x128xf32, #tpu.memory_space<vmem_shared>> -> memref<8x128xf32, #tpu.memory_space<vmem_shared>>
        %dma_start3A_52 = arith.constant 0 : i32
        %dma_start3A_53 = tpu.memref_slice %arg19[%add3A_47, %dma_start3A_52] : memref<5136x128xf32, #tpu.memory_space<vmem_shared>> -> memref<8x128xf32, #tpu.memory_space<vmem_shared>>
        %dma_start3A_54 = arith.constant 0 : i32
        %dma_start3A_55 = arith.constant 0 : i32
        %dma_start3A_56 = tpu.memref_slice %arg18[%dma_start3A_54, %dma_start3A_55] : memref<16x128xf32, #tpu.memory_space<vmem>> -> memref<8x128xf32, #tpu.memory_space<vmem>>
        tpu.enqueue_dma source(%dma_start3A_56 : memref<8x128xf32, #tpu.memory_space<vmem>>) target(%dma_start3A_53 : memref<8x128xf32, #tpu.memory_space<vmem_shared>>) target_semaphore(%run_scoped3A : memref<!tpu.dma_semaphore, #tpu.memory_space<semaphore_mem>>)
        %dma_wait3A = arith.constant 0 : i32
        %dma_wait3A_57 = arith.constant 0 : i32
        %dma_wait3A_58 = tpu.memref_slice %arg18[%dma_wait3A, %dma_wait3A_57] : memref<16x128xf32, #tpu.memory_space<vmem>> -> memref<8x128xf32, #tpu.memory_space<vmem>>
        %dma_wait3A_59 = arith.constant 0 : i32
        %dma_wait3A_60 = tpu.memref_slice %arg19[%add3A_47, %dma_wait3A_59] : memref<5136x128xf32, #tpu.memory_space<vmem_shared>> -> memref<8x128xf32, #tpu.memory_space<vmem_shared>>
        %dma_wait3A_61 = arith.constant 0 : i32
        %dma_wait3A_62 = tpu.memref_slice %arg19[%add3A_47, %dma_wait3A_61] : memref<5136x128xf32, #tpu.memory_space<vmem_shared>> -> memref<8x128xf32, #tpu.memory_space<vmem_shared>>
        %dma_wait3A_63 = arith.constant 0 : i32
        %dma_wait3A_64 = arith.constant 0 : i32
        %dma_wait3A_65 = tpu.memref_slice %arg18[%dma_wait3A_63, %dma_wait3A_64] : memref<16x128xf32, #tpu.memory_space<vmem>> -> memref<8x128xf32, #tpu.memory_space<vmem>>
        tpu.wait_dma2 semaphore(%run_scoped3A : memref<!tpu.dma_semaphore, #tpu.memory_space<semaphore_mem>>) src(%dma_wait3A_65 : memref<8x128xf32, #tpu.memory_space<vmem>>) dst(%dma_wait3A_62 : memref<8x128xf32, #tpu.memory_space<vmem_shared>>)
        tpu.yield
      }) : () -> ()
    }
    %scan3A_25 = arith.constant 40 : i32
    %lt3A = arith.constant 2 : i32
    %lt3A_26 = arith.cmpi slt, %arg1, %lt3A : i32
    %convert_element_type3A = arith.extui %lt3A_26 : i1 to i32
    %cond3A = arith.constant 0 : i32
    %cond3A_27 = arith.cmpi ne, %convert_element_type3A, %cond3A : i32
    scf.if %cond3A_27 {
      %mul3A_38 = arith.constant 8 : i32
      %mul3A_39 = arith.muli %arg1, %mul3A_38 : i32
      %add3A_40 = arith.constant 5120 : i32
      %add3A_41 = arith.addi %add3A_40, %mul3A_39 : i32
      "tpu.region"() ({
        %run_scoped3A = tpu.sem_alloc : memref<!tpu.dma_semaphore, #tpu.memory_space<semaphore_mem>>
        %dma_start3A = arith.constant 0 : i32
        %dma_start3A_42 = arith.constant 0 : i32
        %dma_start3A_43 = tpu.memref_slice %arg18[%dma_start3A, %dma_start3A_42] : memref<16x128xf32, #tpu.memory_space<vmem>> -> memref<8x128xf32, #tpu.memory_space<vmem>>
        %dma_start3A_44 = arith.constant 0 : i32
        %dma_start3A_45 = tpu.memref_slice %arg19[%add3A_41, %dma_start3A_44] : memref<5136x128xf32, #tpu.memory_space<vmem_shared>> -> memref<8x128xf32, #tpu.memory_space<vmem_shared>>
        %dma_start3A_46 = arith.constant 0 : i32
        %dma_start3A_47 = tpu.memref_slice %arg19[%add3A_41, %dma_start3A_46] : memref<5136x128xf32, #tpu.memory_space<vmem_shared>> -> memref<8x128xf32, #tpu.memory_space<vmem_shared>>
        %dma_start3A_48 = arith.constant 0 : i32
        %dma_start3A_49 = arith.constant 0 : i32
        %dma_start3A_50 = tpu.memref_slice %arg18[%dma_start3A_48, %dma_start3A_49] : memref<16x128xf32, #tpu.memory_space<vmem>> -> memref<8x128xf32, #tpu.memory_space<vmem>>
        tpu.enqueue_dma source(%dma_start3A_50 : memref<8x128xf32, #tpu.memory_space<vmem>>) target(%dma_start3A_47 : memref<8x128xf32, #tpu.memory_space<vmem_shared>>) target_semaphore(%run_scoped3A : memref<!tpu.dma_semaphore, #tpu.memory_space<semaphore_mem>>)
        %dma_wait3A = arith.constant 0 : i32
        %dma_wait3A_51 = arith.constant 0 : i32
        %dma_wait3A_52 = tpu.memref_slice %arg18[%dma_wait3A, %dma_wait3A_51] : memref<16x128xf32, #tpu.memory_space<vmem>> -> memref<8x128xf32, #tpu.memory_space<vmem>>
        %dma_wait3A_53 = arith.constant 0 : i32
        %dma_wait3A_54 = tpu.memref_slice %arg19[%add3A_41, %dma_wait3A_53] : memref<5136x128xf32, #tpu.memory_space<vmem_shared>> -> memref<8x128xf32, #tpu.memory_space<vmem_shared>>
        %dma_wait3A_55 = arith.constant 0 : i32
        %dma_wait3A_56 = tpu.memref_slice %arg19[%add3A_41, %dma_wait3A_55] : memref<5136x128xf32, #tpu.memory_space<vmem_shared>> -> memref<8x128xf32, #tpu.memory_space<vmem_shared>>
        %dma_wait3A_57 = arith.constant 0 : i32
        %dma_wait3A_58 = arith.constant 0 : i32
        %dma_wait3A_59 = tpu.memref_slice %arg18[%dma_wait3A_57, %dma_wait3A_58] : memref<16x128xf32, #tpu.memory_space<vmem>> -> memref<8x128xf32, #tpu.memory_space<vmem>>
        tpu.wait_dma2 semaphore(%run_scoped3A : memref<!tpu.dma_semaphore, #tpu.memory_space<semaphore_mem>>) src(%dma_wait3A_59 : memref<8x128xf32, #tpu.memory_space<vmem>>) dst(%dma_wait3A_56 : memref<8x128xf32, #tpu.memory_space<vmem_shared>>)
        tpu.yield
      }) : () -> ()
    } else {
    }
    %barrier3A = arith.constant 0 : index
    tpu.barrier barrier_id(%barrier3A)
    %scan3A_28 = arith.constant 0 : i32
    %scan3A_29 = arith.constant 84 : i32
    %scan3A_30 = arith.addi %scan3A_28, %scan3A_29 : i32
    %scan3A_31 = arith.constant 1 : i32
    scf.for %scan3A_38 = %scan3A_28 to %scan3A_30 step %scan3A_31  : i32 {
      %mul3A_39 = arith.constant 1 : i32
      %mul3A_40 = arith.muli %scan3A_38, %mul3A_39 : i32
      %add3A_41 = arith.constant 0 : i32
      %add3A_42 = arith.addi %add3A_41, %mul3A_40 : i32
      %mul3A_43 = arith.constant 10752 : i32
      %mul3A_44 = arith.muli %arg1, %mul3A_43 : i32
      %mul3A_45 = arith.constant 128 : i32
      %mul3A_46 = arith.muli %add3A_42, %mul3A_45 : i32
      %add3A_47 = arith.addi %mul3A_44, %mul3A_46 : i32
      %dma_start3A = tpu.memref_slice %arg4[%add3A_47] : memref<172032xi32, #tpu.memory_space<hbm>> -> memref<128xi32, #tpu.memory_space<hbm>>
      %dma_start3A_48 = tpu.memref_slice %arg4[%add3A_47] : memref<172032xi32, #tpu.memory_space<hbm>> -> memref<128xi32, #tpu.memory_space<hbm>>
      tpu.enqueue_dma source(%dma_start3A_48 : memref<128xi32, #tpu.memory_space<hbm>>) target(%arg8 : memref<128xi32, #tpu.memory_space<vmem>>) target_semaphore(%arg20 : memref<!tpu.dma_semaphore, #tpu.memory_space<semaphore_mem>>)
      %dma_start3A_49 = tpu.memref_slice %arg5[%add3A_47] : memref<172032xi32, #tpu.memory_space<hbm>> -> memref<128xi32, #tpu.memory_space<hbm>>
      %dma_start3A_50 = tpu.memref_slice %arg5[%add3A_47] : memref<172032xi32, #tpu.memory_space<hbm>> -> memref<128xi32, #tpu.memory_space<hbm>>
      tpu.enqueue_dma source(%dma_start3A_50 : memref<128xi32, #tpu.memory_space<hbm>>) target(%arg9 : memref<128xi32, #tpu.memory_space<vmem>>) target_semaphore(%arg21 : memref<!tpu.dma_semaphore, #tpu.memory_space<semaphore_mem>>)
      %dma_wait3A = tpu.memref_slice %arg4[%add3A_47] : memref<172032xi32, #tpu.memory_space<hbm>> -> memref<128xi32, #tpu.memory_space<hbm>>
      %dma_wait3A_51 = tpu.memref_slice %arg4[%add3A_47] : memref<172032xi32, #tpu.memory_space<hbm>> -> memref<128xi32, #tpu.memory_space<hbm>>
      tpu.wait_dma2 semaphore(%arg20 : memref<!tpu.dma_semaphore, #tpu.memory_space<semaphore_mem>>) src(%dma_wait3A_51 : memref<128xi32, #tpu.memory_space<hbm>>) dst(%arg8 : memref<128xi32, #tpu.memory_space<vmem>>)
      %dma_wait3A_52 = tpu.memref_slice %arg5[%add3A_47] : memref<172032xi32, #tpu.memory_space<hbm>> -> memref<128xi32, #tpu.memory_space<hbm>>
      %dma_wait3A_53 = tpu.memref_slice %arg5[%add3A_47] : memref<172032xi32, #tpu.memory_space<hbm>> -> memref<128xi32, #tpu.memory_space<hbm>>
      tpu.wait_dma2 semaphore(%arg21 : memref<!tpu.dma_semaphore, #tpu.memory_space<semaphore_mem>>) src(%dma_wait3A_53 : memref<128xi32, #tpu.memory_space<hbm>>) dst(%arg9 : memref<128xi32, #tpu.memory_space<vmem>>)
      %get3A_54 = arith.constant 0 : index
      %get3A_55 = tpu.vector_load %arg9[%get3A_54] {strides = array<i32>} : memref<128xi32, #tpu.memory_space<vmem>>, vector<16xi32>,
      %sub3A = vector.broadcast %mul3A_1 : i32 to vector<16xi32>
      %sub3A_56 = arith.subi %get3A_55, %sub3A : vector<16xi32>
      %ge3A = arith.constant 0 : i32
      %ge3A_57 = vector.broadcast %ge3A : i32 to vector<16xi32>
      %ge3A_58 = arith.cmpi sge, %sub3A_56, %ge3A_57 : vector<16xi32>
      %lt3A_59 = arith.constant 5120 : i32
      %lt3A_60 = vector.broadcast %lt3A_59 : i32 to vector<16xi32>
      %lt3A_61 = arith.cmpi slt, %sub3A_56, %lt3A_60 : vector<16xi32>
      %and3A = arith.andi %ge3A_58, %lt3A_61 : vector<16xi1>
      %and3A_62 = arith.constant 15 : i32
      %and3A_63 = vector.broadcast %and3A_62 : i32 to vector<16xi32>
      %and3A_64 = arith.andi %get3A_55, %and3A_63 : vector<16xi32>
      %add3A_65 = arith.constant 5120 : i32
      %add3A_66 = vector.broadcast %add3A_65 : i32 to vector<16xi32>
      %add3A_67 = arith.addi %add3A_66, %and3A_64 : vector<16xi32>
      %select_n3A = arith.select %and3A, %sub3A_56, %add3A_67 : vector<16xi1>, vector<16xi32>
      %get3A_68 = arith.constant 0 : index
      %get3A_69 = tpu.vector_load %arg8[%get3A_68] {strides = array<i32>} : memref<128xi32, #tpu.memory_space<vmem>>, vector<16xi32>,
      %swap3A = arith.constant 0 : index
      %swap3A_70 = tpu.vector_load %arg10[%swap3A] {strides = array<i32>} : memref<128xi32, #tpu.memory_space<vmem>>, vector<16xi32>,
      tpu.vector_store %arg10[%swap3A], %get3A_69 {strides = array<i32>} : memref<128xi32, #tpu.memory_space<vmem>>, vector<16xi32>,
      %swap3A_71 = arith.constant 0 : index
      %swap3A_72 = tpu.vector_load %arg11[%swap3A_71] {strides = array<i32>} : memref<128xi32, #tpu.memory_space<vmem>>, vector<16xi32>,
      tpu.vector_store %arg11[%swap3A_71], %get3A_55 {strides = array<i32>} : memref<128xi32, #tpu.memory_space<vmem>>, vector<16xi32>,
      %swap3A_73 = arith.constant 0 : index
      %swap3A_74 = tpu.vector_load %arg12[%swap3A_73] {strides = array<i32>} : memref<128xi32, #tpu.memory_space<vmem>>, vector<16xi32>,
      tpu.vector_store %arg12[%swap3A_73], %select_n3A {strides = array<i32>} : memref<128xi32, #tpu.memory_space<vmem>>, vector<16xi32>,
      %get3A_75 = arith.constant 16 : index
      %get3A_76 = tpu.vector_load %arg9[%get3A_75] {strides = array<i32>} : memref<128xi32, #tpu.memory_space<vmem>>, vector<16xi32>,
      %sub3A_77 = vector.broadcast %mul3A_1 : i32 to vector<16xi32>
      %sub3A_78 = arith.subi %get3A_76, %sub3A_77 : vector<16xi32>
      %ge3A_79 = arith.constant 0 : i32
      %ge3A_80 = vector.broadcast %ge3A_79 : i32 to vector<16xi32>
      %ge3A_81 = arith.cmpi sge, %sub3A_78, %ge3A_80 : vector<16xi32>
      %lt3A_82 = arith.constant 5120 : i32
      %lt3A_83 = vector.broadcast %lt3A_82 : i32 to vector<16xi32>
      %lt3A_84 = arith.cmpi slt, %sub3A_78, %lt3A_83 : vector<16xi32>
      %and3A_85 = arith.andi %ge3A_81, %lt3A_84 : vector<16xi1>
      %and3A_86 = arith.constant 15 : i32
      %and3A_87 = vector.broadcast %and3A_86 : i32 to vector<16xi32>
      %and3A_88 = arith.andi %get3A_76, %and3A_87 : vector<16xi32>
      %add3A_89 = arith.constant 5120 : i32
      %add3A_90 = vector.broadcast %add3A_89 : i32 to vector<16xi32>
      %add3A_91 = arith.addi %add3A_90, %and3A_88 : vector<16xi32>
      %select_n3A_92 = arith.select %and3A_85, %sub3A_78, %add3A_91 : vector<16xi1>, vector<16xi32>
      %get3A_93 = arith.constant 16 : index
      %get3A_94 = tpu.vector_load %arg8[%get3A_93] {strides = array<i32>} : memref<128xi32, #tpu.memory_space<vmem>>, vector<16xi32>,
      %swap3A_95 = arith.constant 16 : index
      %swap3A_96 = tpu.vector_load %arg10[%swap3A_95] {strides = array<i32>} : memref<128xi32, #tpu.memory_space<vmem>>, vector<16xi32>,
      tpu.vector_store %arg10[%swap3A_95], %get3A_94 {strides = array<i32>} : memref<128xi32, #tpu.memory_space<vmem>>, vector<16xi32>,
      %swap3A_97 = arith.constant 16 : index
      %swap3A_98 = tpu.vector_load %arg11[%swap3A_97] {strides = array<i32>} : memref<128xi32, #tpu.memory_space<vmem>>, vector<16xi32>,
      tpu.vector_store %arg11[%swap3A_97], %get3A_76 {strides = array<i32>} : memref<128xi32, #tpu.memory_space<vmem>>, vector<16xi32>,
      %swap3A_99 = arith.constant 16 : index
      %swap3A_100 = tpu.vector_load %arg12[%swap3A_99] {strides = array<i32>} : memref<128xi32, #tpu.memory_space<vmem>>, vector<16xi32>,
      tpu.vector_store %arg12[%swap3A_99], %select_n3A_92 {strides = array<i32>} : memref<128xi32, #tpu.memory_space<vmem>>, vector<16xi32>,
      %get3A_101 = arith.constant 32 : index
      %get3A_102 = tpu.vector_load %arg9[%get3A_101] {strides = array<i32>} : memref<128xi32, #tpu.memory_space<vmem>>, vector<16xi32>,
      %sub3A_103 = vector.broadcast %mul3A_1 : i32 to vector<16xi32>
      %sub3A_104 = arith.subi %get3A_102, %sub3A_103 : vector<16xi32>
      %ge3A_105 = arith.constant 0 : i32
      %ge3A_106 = vector.broadcast %ge3A_105 : i32 to vector<16xi32>
      %ge3A_107 = arith.cmpi sge, %sub3A_104, %ge3A_106 : vector<16xi32>
      %lt3A_108 = arith.constant 5120 : i32
      %lt3A_109 = vector.broadcast %lt3A_108 : i32 to vector<16xi32>
      %lt3A_110 = arith.cmpi slt, %sub3A_104, %lt3A_109 : vector<16xi32>
      %and3A_111 = arith.andi %ge3A_107, %lt3A_110 : vector<16xi1>
      %and3A_112 = arith.constant 15 : i32
      %and3A_113 = vector.broadcast %and3A_112 : i32 to vector<16xi32>
      %and3A_114 = arith.andi %get3A_102, %and3A_113 : vector<16xi32>
      %add3A_115 = arith.constant 5120 : i32
      %add3A_116 = vector.broadcast %add3A_115 : i32 to vector<16xi32>
      %add3A_117 = arith.addi %add3A_116, %and3A_114 : vector<16xi32>
      %select_n3A_118 = arith.select %and3A_111, %sub3A_104, %add3A_117 : vector<16xi1>, vector<16xi32>
      %get3A_119 = arith.constant 32 : index
      %get3A_120 = tpu.vector_load %arg8[%get3A_119] {strides = array<i32>} : memref<128xi32, #tpu.memory_space<vmem>>, vector<16xi32>,
      %swap3A_121 = arith.constant 32 : index
      %swap3A_122 = tpu.vector_load %arg10[%swap3A_121] {strides = array<i32>} : memref<128xi32, #tpu.memory_space<vmem>>, vector<16xi32>,
      tpu.vector_store %arg10[%swap3A_121], %get3A_120 {strides = array<i32>} : memref<128xi32, #tpu.memory_space<vmem>>, vector<16xi32>,
      %swap3A_123 = arith.constant 32 : index
      %swap3A_124 = tpu.vector_load %arg11[%swap3A_123] {strides = array<i32>} : memref<128xi32, #tpu.memory_space<vmem>>, vector<16xi32>,
      tpu.vector_store %arg11[%swap3A_123], %get3A_102 {strides = array<i32>} : memref<128xi32, #tpu.memory_space<vmem>>, vector<16xi32>,
      %swap3A_125 = arith.constant 32 : index
      %swap3A_126 = tpu.vector_load %arg12[%swap3A_125] {strides = array<i32>} : memref<128xi32, #tpu.memory_space<vmem>>, vector<16xi32>,
      tpu.vector_store %arg12[%swap3A_125], %select_n3A_118 {strides = array<i32>} : memref<128xi32, #tpu.memory_space<vmem>>, vector<16xi32>,
      %get3A_127 = arith.constant 48 : index
      %get3A_128 = tpu.vector_load %arg9[%get3A_127] {strides = array<i32>} : memref<128xi32, #tpu.memory_space<vmem>>, vector<16xi32>,
      %sub3A_129 = vector.broadcast %mul3A_1 : i32 to vector<16xi32>
      %sub3A_130 = arith.subi %get3A_128, %sub3A_129 : vector<16xi32>
      %ge3A_131 = arith.constant 0 : i32
      %ge3A_132 = vector.broadcast %ge3A_131 : i32 to vector<16xi32>
      %ge3A_133 = arith.cmpi sge, %sub3A_130, %ge3A_132 : vector<16xi32>
      %lt3A_134 = arith.constant 5120 : i32
      %lt3A_135 = vector.broadcast %lt3A_134 : i32 to vector<16xi32>
      %lt3A_136 = arith.cmpi slt, %sub3A_130, %lt3A_135 : vector<16xi32>
      %and3A_137 = arith.andi %ge3A_133, %lt3A_136 : vector<16xi1>
      %and3A_138 = arith.constant 15 : i32
      %and3A_139 = vector.broadcast %and3A_138 : i32 to vector<16xi32>
      %and3A_140 = arith.andi %get3A_128, %and3A_139 : vector<16xi32>
      %add3A_141 = arith.constant 5120 : i32
      %add3A_142 = vector.broadcast %add3A_141 : i32 to vector<16xi32>
      %add3A_143 = arith.addi %add3A_142, %and3A_140 : vector<16xi32>
      %select_n3A_144 = arith.select %and3A_137, %sub3A_130, %add3A_143 : vector<16xi1>, vector<16xi32>
      %get3A_145 = arith.constant 48 : index
      %get3A_146 = tpu.vector_load %arg8[%get3A_145] {strides = array<i32>} : memref<128xi32, #tpu.memory_space<vmem>>, vector<16xi32>,
      %swap3A_147 = arith.constant 48 : index
      %swap3A_148 = tpu.vector_load %arg10[%swap3A_147] {strides = array<i32>} : memref<128xi32, #tpu.memory_space<vmem>>, vector<16xi32>,
      tpu.vector_store %arg10[%swap3A_147], %get3A_146 {strides = array<i32>} : memref<128xi32, #tpu.memory_space<vmem>>, vector<16xi32>,
      %swap3A_149 = arith.constant 48 : index
      %swap3A_150 = tpu.vector_load %arg11[%swap3A_149] {strides = array<i32>} : memref<128xi32, #tpu.memory_space<vmem>>, vector<16xi32>,
      tpu.vector_store %arg11[%swap3A_149], %get3A_128 {strides = array<i32>} : memref<128xi32, #tpu.memory_space<vmem>>, vector<16xi32>,
      %swap3A_151 = arith.constant 48 : index
      %swap3A_152 = tpu.vector_load %arg12[%swap3A_151] {strides = array<i32>} : memref<128xi32, #tpu.memory_space<vmem>>, vector<16xi32>,
      tpu.vector_store %arg12[%swap3A_151], %select_n3A_144 {strides = array<i32>} : memref<128xi32, #tpu.memory_space<vmem>>, vector<16xi32>,
      %get3A_153 = arith.constant 64 : index
      %get3A_154 = tpu.vector_load %arg9[%get3A_153] {strides = array<i32>} : memref<128xi32, #tpu.memory_space<vmem>>, vector<16xi32>,
      %sub3A_155 = vector.broadcast %mul3A_1 : i32 to vector<16xi32>
      %sub3A_156 = arith.subi %get3A_154, %sub3A_155 : vector<16xi32>
      %ge3A_157 = arith.constant 0 : i32
      %ge3A_158 = vector.broadcast %ge3A_157 : i32 to vector<16xi32>
      %ge3A_159 = arith.cmpi sge, %sub3A_156, %ge3A_158 : vector<16xi32>
      %lt3A_160 = arith.constant 5120 : i32
      %lt3A_161 = vector.broadcast %lt3A_160 : i32 to vector<16xi32>
      %lt3A_162 = arith.cmpi slt, %sub3A_156, %lt3A_161 : vector<16xi32>
      %and3A_163 = arith.andi %ge3A_159, %lt3A_162 : vector<16xi1>
      %and3A_164 = arith.constant 15 : i32
      %and3A_165 = vector.broadcast %and3A_164 : i32 to vector<16xi32>
      %and3A_166 = arith.andi %get3A_154, %and3A_165 : vector<16xi32>
      %add3A_167 = arith.constant 5120 : i32
      %add3A_168 = vector.broadcast %add3A_167 : i32 to vector<16xi32>
      %add3A_169 = arith.addi %add3A_168, %and3A_166 : vector<16xi32>
      %select_n3A_170 = arith.select %and3A_163, %sub3A_156, %add3A_169 : vector<16xi1>, vector<16xi32>
      %get3A_171 = arith.constant 64 : index
      %get3A_172 = tpu.vector_load %arg8[%get3A_171] {strides = array<i32>} : memref<128xi32, #tpu.memory_space<vmem>>, vector<16xi32>,
      %swap3A_173 = arith.constant 64 : index
      %swap3A_174 = tpu.vector_load %arg10[%swap3A_173] {strides = array<i32>} : memref<128xi32, #tpu.memory_space<vmem>>, vector<16xi32>,
      tpu.vector_store %arg10[%swap3A_173], %get3A_172 {strides = array<i32>} : memref<128xi32, #tpu.memory_space<vmem>>, vector<16xi32>,
      %swap3A_175 = arith.constant 64 : index
      %swap3A_176 = tpu.vector_load %arg11[%swap3A_175] {strides = array<i32>} : memref<128xi32, #tpu.memory_space<vmem>>, vector<16xi32>,
      tpu.vector_store %arg11[%swap3A_175], %get3A_154 {strides = array<i32>} : memref<128xi32, #tpu.memory_space<vmem>>, vector<16xi32>,
      %swap3A_177 = arith.constant 64 : index
      %swap3A_178 = tpu.vector_load %arg12[%swap3A_177] {strides = array<i32>} : memref<128xi32, #tpu.memory_space<vmem>>, vector<16xi32>,
      tpu.vector_store %arg12[%swap3A_177], %select_n3A_170 {strides = array<i32>} : memref<128xi32, #tpu.memory_space<vmem>>, vector<16xi32>,
      %get3A_179 = arith.constant 80 : index
      %get3A_180 = tpu.vector_load %arg9[%get3A_179] {strides = array<i32>} : memref<128xi32, #tpu.memory_space<vmem>>, vector<16xi32>,
      %sub3A_181 = vector.broadcast %mul3A_1 : i32 to vector<16xi32>
      %sub3A_182 = arith.subi %get3A_180, %sub3A_181 : vector<16xi32>
      %ge3A_183 = arith.constant 0 : i32
      %ge3A_184 = vector.broadcast %ge3A_183 : i32 to vector<16xi32>
      %ge3A_185 = arith.cmpi sge, %sub3A_182, %ge3A_184 : vector<16xi32>
      %lt3A_186 = arith.constant 5120 : i32
      %lt3A_187 = vector.broadcast %lt3A_186 : i32 to vector<16xi32>
      %lt3A_188 = arith.cmpi slt, %sub3A_182, %lt3A_187 : vector<16xi32>
      %and3A_189 = arith.andi %ge3A_185, %lt3A_188 : vector<16xi1>
      %and3A_190 = arith.constant 15 : i32
      %and3A_191 = vector.broadcast %and3A_190 : i32 to vector<16xi32>
      %and3A_192 = arith.andi %get3A_180, %and3A_191 : vector<16xi32>
      %add3A_193 = arith.constant 5120 : i32
      %add3A_194 = vector.broadcast %add3A_193 : i32 to vector<16xi32>
      %add3A_195 = arith.addi %add3A_194, %and3A_192 : vector<16xi32>
      %select_n3A_196 = arith.select %and3A_189, %sub3A_182, %add3A_195 : vector<16xi1>, vector<16xi32>
      %get3A_197 = arith.constant 80 : index
      %get3A_198 = tpu.vector_load %arg8[%get3A_197] {strides = array<i32>} : memref<128xi32, #tpu.memory_space<vmem>>, vector<16xi32>,
      %swap3A_199 = arith.constant 80 : index
      %swap3A_200 = tpu.vector_load %arg10[%swap3A_199] {strides = array<i32>} : memref<128xi32, #tpu.memory_space<vmem>>, vector<16xi32>,
      tpu.vector_store %arg10[%swap3A_199], %get3A_198 {strides = array<i32>} : memref<128xi32, #tpu.memory_space<vmem>>, vector<16xi32>,
      %swap3A_201 = arith.constant 80 : index
      %swap3A_202 = tpu.vector_load %arg11[%swap3A_201] {strides = array<i32>} : memref<128xi32, #tpu.memory_space<vmem>>, vector<16xi32>,
      tpu.vector_store %arg11[%swap3A_201], %get3A_180 {strides = array<i32>} : memref<128xi32, #tpu.memory_space<vmem>>, vector<16xi32>,
      %swap3A_203 = arith.constant 80 : index
      %swap3A_204 = tpu.vector_load %arg12[%swap3A_203] {strides = array<i32>} : memref<128xi32, #tpu.memory_space<vmem>>, vector<16xi32>,
      tpu.vector_store %arg12[%swap3A_203], %select_n3A_196 {strides = array<i32>} : memref<128xi32, #tpu.memory_space<vmem>>, vector<16xi32>,
      %get3A_205 = arith.constant 96 : index
      %get3A_206 = tpu.vector_load %arg9[%get3A_205] {strides = array<i32>} : memref<128xi32, #tpu.memory_space<vmem>>, vector<16xi32>,
      %sub3A_207 = vector.broadcast %mul3A_1 : i32 to vector<16xi32>
      %sub3A_208 = arith.subi %get3A_206, %sub3A_207 : vector<16xi32>
      %ge3A_209 = arith.constant 0 : i32
      %ge3A_210 = vector.broadcast %ge3A_209 : i32 to vector<16xi32>
      %ge3A_211 = arith.cmpi sge, %sub3A_208, %ge3A_210 : vector<16xi32>
      %lt3A_212 = arith.constant 5120 : i32
      %lt3A_213 = vector.broadcast %lt3A_212 : i32 to vector<16xi32>
      %lt3A_214 = arith.cmpi slt, %sub3A_208, %lt3A_213 : vector<16xi32>
      %and3A_215 = arith.andi %ge3A_211, %lt3A_214 : vector<16xi1>
      %and3A_216 = arith.constant 15 : i32
      %and3A_217 = vector.broadcast %and3A_216 : i32 to vector<16xi32>
      %and3A_218 = arith.andi %get3A_206, %and3A_217 : vector<16xi32>
      %add3A_219 = arith.constant 5120 : i32
      %add3A_220 = vector.broadcast %add3A_219 : i32 to vector<16xi32>
      %add3A_221 = arith.addi %add3A_220, %and3A_218 : vector<16xi32>
      %select_n3A_222 = arith.select %and3A_215, %sub3A_208, %add3A_221 : vector<16xi1>, vector<16xi32>
      %get3A_223 = arith.constant 96 : index
      %get3A_224 = tpu.vector_load %arg8[%get3A_223] {strides = array<i32>} : memref<128xi32, #tpu.memory_space<vmem>>, vector<16xi32>,
      %swap3A_225 = arith.constant 96 : index
      %swap3A_226 = tpu.vector_load %arg10[%swap3A_225] {strides = array<i32>} : memref<128xi32, #tpu.memory_space<vmem>>, vector<16xi32>,
      tpu.vector_store %arg10[%swap3A_225], %get3A_224 {strides = array<i32>} : memref<128xi32, #tpu.memory_space<vmem>>, vector<16xi32>,
      %swap3A_227 = arith.constant 96 : index
      %swap3A_228 = tpu.vector_load %arg11[%swap3A_227] {strides = array<i32>} : memref<128xi32, #tpu.memory_space<vmem>>, vector<16xi32>,
      tpu.vector_store %arg11[%swap3A_227], %get3A_206 {strides = array<i32>} : memref<128xi32, #tpu.memory_space<vmem>>, vector<16xi32>,
      %swap3A_229 = arith.constant 96 : index
      %swap3A_230 = tpu.vector_load %arg12[%swap3A_229] {strides = array<i32>} : memref<128xi32, #tpu.memory_space<vmem>>, vector<16xi32>,
      tpu.vector_store %arg12[%swap3A_229], %select_n3A_222 {strides = array<i32>} : memref<128xi32, #tpu.memory_space<vmem>>, vector<16xi32>,
      %get3A_231 = arith.constant 112 : index
      %get3A_232 = tpu.vector_load %arg9[%get3A_231] {strides = array<i32>} : memref<128xi32, #tpu.memory_space<vmem>>, vector<16xi32>,
      %sub3A_233 = vector.broadcast %mul3A_1 : i32 to vector<16xi32>
      %sub3A_234 = arith.subi %get3A_232, %sub3A_233 : vector<16xi32>
      %ge3A_235 = arith.constant 0 : i32
      %ge3A_236 = vector.broadcast %ge3A_235 : i32 to vector<16xi32>
      %ge3A_237 = arith.cmpi sge, %sub3A_234, %ge3A_236 : vector<16xi32>
      %lt3A_238 = arith.constant 5120 : i32
      %lt3A_239 = vector.broadcast %lt3A_238 : i32 to vector<16xi32>
      %lt3A_240 = arith.cmpi slt, %sub3A_234, %lt3A_239 : vector<16xi32>
      %and3A_241 = arith.andi %ge3A_237, %lt3A_240 : vector<16xi1>
      %and3A_242 = arith.constant 15 : i32
      %and3A_243 = vector.broadcast %and3A_242 : i32 to vector<16xi32>
      %and3A_244 = arith.andi %get3A_232, %and3A_243 : vector<16xi32>
      %add3A_245 = arith.constant 5120 : i32
      %add3A_246 = vector.broadcast %add3A_245 : i32 to vector<16xi32>
      %add3A_247 = arith.addi %add3A_246, %and3A_244 : vector<16xi32>
      %select_n3A_248 = arith.select %and3A_241, %sub3A_234, %add3A_247 : vector<16xi1>, vector<16xi32>
      %get3A_249 = arith.constant 112 : index
      %get3A_250 = tpu.vector_load %arg8[%get3A_249] {strides = array<i32>} : memref<128xi32, #tpu.memory_space<vmem>>, vector<16xi32>,
      %swap3A_251 = arith.constant 112 : index
      %swap3A_252 = tpu.vector_load %arg10[%swap3A_251] {strides = array<i32>} : memref<128xi32, #tpu.memory_space<vmem>>, vector<16xi32>,
      tpu.vector_store %arg10[%swap3A_251], %get3A_250 {strides = array<i32>} : memref<128xi32, #tpu.memory_space<vmem>>, vector<16xi32>,
      %swap3A_253 = arith.constant 112 : index
      %swap3A_254 = tpu.vector_load %arg11[%swap3A_253] {strides = array<i32>} : memref<128xi32, #tpu.memory_space<vmem>>, vector<16xi32>,
      tpu.vector_store %arg11[%swap3A_253], %get3A_232 {strides = array<i32>} : memref<128xi32, #tpu.memory_space<vmem>>, vector<16xi32>,
      %swap3A_255 = arith.constant 112 : index
      %swap3A_256 = tpu.vector_load %arg12[%swap3A_255] {strides = array<i32>} : memref<128xi32, #tpu.memory_space<vmem>>, vector<16xi32>,
      tpu.vector_store %arg12[%swap3A_255], %select_n3A_248 {strides = array<i32>} : memref<128xi32, #tpu.memory_space<vmem>>, vector<16xi32>,
      %dma_start3A_257 = arith.constant 0 : i32
      %dma_start3A_258 = arith.constant 0 : i32
      %dma_start3A_259 = tpu.memref_slice %arg2[%dma_start3A_257, %dma_start3A_258] : memref<10240x128xf32, #tpu.memory_space<hbm>> -> memref<10240x128xf32, #tpu.memory_space<hbm>>
      tpu.enqueue_indirect_dma source(%dma_start3A_259 : memref<10240x128xf32, #tpu.memory_space<hbm>>) target(%arg13 : memref<128x128xf32, #tpu.memory_space<vmem>>) offsets(%arg10 : memref<128xi32, #tpu.memory_space<vmem>>) semaphore(%arg20 : memref<!tpu.dma_semaphore, #tpu.memory_space<semaphore_mem>>)
      %dma_start3A_260 = arith.constant 0 : i32
      %dma_start3A_261 = arith.constant 0 : i32
      %dma_start3A_262 = tpu.memref_slice %arg3[%dma_start3A_260, %dma_start3A_261] : memref<10240x128xf32, #tpu.memory_space<hbm>> -> memref<10240x128xf32, #tpu.memory_space<hbm>>
      tpu.enqueue_indirect_dma source(%dma_start3A_262 : memref<10240x128xf32, #tpu.memory_space<hbm>>) target(%arg14 : memref<128x128xf32, #tpu.memory_space<vmem>>) offsets(%arg11 : memref<128xi32, #tpu.memory_space<vmem>>) semaphore(%arg21 : memref<!tpu.dma_semaphore, #tpu.memory_space<semaphore_mem>>)
      %dma_wait3A_263 = arith.constant 0 : i32
      %dma_wait3A_264 = arith.constant 0 : i32
      %dma_wait3A_265 = tpu.memref_slice %arg2[%dma_wait3A_263, %dma_wait3A_264] : memref<10240x128xf32, #tpu.memory_space<hbm>> -> memref<10240x128xf32, #tpu.memory_space<hbm>>
      tpu.wait_indirect_dma semaphore(%arg20 : memref<!tpu.dma_semaphore, #tpu.memory_space<semaphore_mem>>) src(%dma_wait3A_265 : memref<10240x128xf32, #tpu.memory_space<hbm>>) dst(%arg13 : memref<128x128xf32, #tpu.memory_space<vmem>>)
      %dma_wait3A_266 = arith.constant 0 : i32
      %dma_wait3A_267 = arith.constant 0 : i32
      %dma_wait3A_268 = tpu.memref_slice %arg3[%dma_wait3A_266, %dma_wait3A_267] : memref<10240x128xf32, #tpu.memory_space<hbm>> -> memref<10240x128xf32, #tpu.memory_space<hbm>>
      tpu.wait_indirect_dma semaphore(%arg21 : memref<!tpu.dma_semaphore, #tpu.memory_space<semaphore_mem>>) src(%dma_wait3A_268 : memref<10240x128xf32, #tpu.memory_space<hbm>>) dst(%arg14 : memref<128x128xf32, #tpu.memory_space<vmem>>)
      %scan3A_269 = arith.constant 0 : i32
      %scan3A_270 = arith.constant 128 : i32
      %scan3A_271 = arith.addi %scan3A_269, %scan3A_270 : i32
      %scan3A_272 = arith.constant 1 : i32
      scf.for %scan3A_837 = %scan3A_269 to %scan3A_271 step %scan3A_272  : i32 {
        %mul3A_838 = arith.constant 1 : i32
        %mul3A_839 = arith.muli %scan3A_837, %mul3A_838 : i32
        %add3A_840 = arith.constant 0 : i32
        %add3A_841 = arith.addi %add3A_840, %mul3A_839 : i32
        %get3A_842 = arith.index_cast %add3A_841 : i32 to index
        %get3A_843 = arith.constant 0 : index
        %get3A_844 = tpu.vector_load %arg13[%get3A_842, %get3A_843] {strides = array<i32>} : memref<128x128xf32, #tpu.memory_space<vmem>>, vector<16xf32>,
        %get3A_845 = arith.index_cast %add3A_841 : i32 to index
        %get3A_846 = arith.constant 0 : index
        %get3A_847 = tpu.vector_load %arg14[%get3A_845, %get3A_846] {strides = array<i32>} : memref<128x128xf32, #tpu.memory_space<vmem>>, vector<16xf32>,
        %add3A_848 = arith.addf %get3A_844, %get3A_847 : vector<16xf32>
        %mul3A_849 = arith.constant 2.000000e-01 : f32
        %mul3A_850 = vector.broadcast %mul3A_849 : f32 to vector<16xf32>
        %mul3A_851 = arith.mulf %mul3A_850, %add3A_848 : vector<16xf32>
        %max3A = arith.maximumf %add3A_848, %mul3A_851 : vector<16xf32>
        %mul3A_852 = arith.mulf %get3A_2, %max3A : vector<16xf32>
        %add3A_853 = arith.addf %broadcast_in_dim3A_0, %mul3A_852 : vector<16xf32>
        %get3A_854 = arith.index_cast %add3A_841 : i32 to index
        %get3A_855 = arith.constant 16 : index
        %get3A_856 = tpu.vector_load %arg13[%get3A_854, %get3A_855] {strides = array<i32>} : memref<128x128xf32, #tpu.memory_space<vmem>>, vector<16xf32>,
        %get3A_857 = arith.index_cast %add3A_841 : i32 to index
        %get3A_858 = arith.constant 16 : index
        %get3A_859 = tpu.vector_load %arg14[%get3A_857, %get3A_858] {strides = array<i32>} : memref<128x128xf32, #tpu.memory_space<vmem>>, vector<16xf32>,
        %add3A_860 = arith.addf %get3A_856, %get3A_859 : vector<16xf32>
        %mul3A_861 = arith.constant 2.000000e-01 : f32
        %mul3A_862 = vector.broadcast %mul3A_861 : f32 to vector<16xf32>
        %mul3A_863 = arith.mulf %mul3A_862, %add3A_860 : vector<16xf32>
        %max3A_864 = arith.maximumf %add3A_860, %mul3A_863 : vector<16xf32>
        %mul3A_865 = arith.mulf %get3A_4, %max3A_864 : vector<16xf32>
        %add3A_866 = arith.addf %add3A_853, %mul3A_865 : vector<16xf32>
        %get3A_867 = arith.index_cast %add3A_841 : i32 to index
        %get3A_868 = arith.constant 32 : index
        %get3A_869 = tpu.vector_load %arg13[%get3A_867, %get3A_868] {strides = array<i32>} : memref<128x128xf32, #tpu.memory_space<vmem>>, vector<16xf32>,
        %get3A_870 = arith.index_cast %add3A_841 : i32 to index
        %get3A_871 = arith.constant 32 : index
        %get3A_872 = tpu.vector_load %arg14[%get3A_870, %get3A_871] {strides = array<i32>} : memref<128x128xf32, #tpu.memory_space<vmem>>, vector<16xf32>,
        %add3A_873 = arith.addf %get3A_869, %get3A_872 : vector<16xf32>
        %mul3A_874 = arith.constant 2.000000e-01 : f32
        %mul3A_875 = vector.broadcast %mul3A_874 : f32 to vector<16xf32>
        %mul3A_876 = arith.mulf %mul3A_875, %add3A_873 : vector<16xf32>
        %max3A_877 = arith.maximumf %add3A_873, %mul3A_876 : vector<16xf32>
        %mul3A_878 = arith.mulf %get3A_6, %max3A_877 : vector<16xf32>
        %add3A_879 = arith.addf %add3A_866, %mul3A_878 : vector<16xf32>
        %get3A_880 = arith.index_cast %add3A_841 : i32 to index
        %get3A_881 = arith.constant 48 : index
        %get3A_882 = tpu.vector_load %arg13[%get3A_880, %get3A_881] {strides = array<i32>} : memref<128x128xf32, #tpu.memory_space<vmem>>, vector<16xf32>,
        %get3A_883 = arith.index_cast %add3A_841 : i32 to index
        %get3A_884 = arith.constant 48 : index
        %get3A_885 = tpu.vector_load %arg14[%get3A_883, %get3A_884] {strides = array<i32>} : memref<128x128xf32, #tpu.memory_space<vmem>>, vector<16xf32>,
        %add3A_886 = arith.addf %get3A_882, %get3A_885 : vector<16xf32>
        %mul3A_887 = arith.constant 2.000000e-01 : f32
        %mul3A_888 = vector.broadcast %mul3A_887 : f32 to vector<16xf32>
        %mul3A_889 = arith.mulf %mul3A_888, %add3A_886 : vector<16xf32>
        %max3A_890 = arith.maximumf %add3A_886, %mul3A_889 : vector<16xf32>
        %mul3A_891 = arith.mulf %get3A_8, %max3A_890 : vector<16xf32>
        %add3A_892 = arith.addf %add3A_879, %mul3A_891 : vector<16xf32>
        %get3A_893 = arith.index_cast %add3A_841 : i32 to index
        %get3A_894 = arith.constant 64 : index
        %get3A_895 = tpu.vector_load %arg13[%get3A_893, %get3A_894] {strides = array<i32>} : memref<128x128xf32, #tpu.memory_space<vmem>>, vector<16xf32>,
        %get3A_896 = arith.index_cast %add3A_841 : i32 to index
        %get3A_897 = arith.constant 64 : index
        %get3A_898 = tpu.vector_load %arg14[%get3A_896, %get3A_897] {strides = array<i32>} : memref<128x128xf32, #tpu.memory_space<vmem>>, vector<16xf32>,
        %add3A_899 = arith.addf %get3A_895, %get3A_898 : vector<16xf32>
        %mul3A_900 = arith.constant 2.000000e-01 : f32
        %mul3A_901 = vector.broadcast %mul3A_900 : f32 to vector<16xf32>
        %mul3A_902 = arith.mulf %mul3A_901, %add3A_899 : vector<16xf32>
        %max3A_903 = arith.maximumf %add3A_899, %mul3A_902 : vector<16xf32>
        %mul3A_904 = arith.mulf %get3A_10, %max3A_903 : vector<16xf32>
        %add3A_905 = arith.addf %add3A_892, %mul3A_904 : vector<16xf32>
        %get3A_906 = arith.index_cast %add3A_841 : i32 to index
        %get3A_907 = arith.constant 80 : index
        %get3A_908 = tpu.vector_load %arg13[%get3A_906, %get3A_907] {strides = array<i32>} : memref<128x128xf32, #tpu.memory_space<vmem>>, vector<16xf32>,
        %get3A_909 = arith.index_cast %add3A_841 : i32 to index
        %get3A_910 = arith.constant 80 : index
        %get3A_911 = tpu.vector_load %arg14[%get3A_909, %get3A_910] {strides = array<i32>} : memref<128x128xf32, #tpu.memory_space<vmem>>, vector<16xf32>,
        %add3A_912 = arith.addf %get3A_908, %get3A_911 : vector<16xf32>
        %mul3A_913 = arith.constant 2.000000e-01 : f32
        %mul3A_914 = vector.broadcast %mul3A_913 : f32 to vector<16xf32>
        %mul3A_915 = arith.mulf %mul3A_914, %add3A_912 : vector<16xf32>
        %max3A_916 = arith.maximumf %add3A_912, %mul3A_915 : vector<16xf32>
        %mul3A_917 = arith.mulf %get3A_12, %max3A_916 : vector<16xf32>
        %add3A_918 = arith.addf %add3A_905, %mul3A_917 : vector<16xf32>
        %get3A_919 = arith.index_cast %add3A_841 : i32 to index
        %get3A_920 = arith.constant 96 : index
        %get3A_921 = tpu.vector_load %arg13[%get3A_919, %get3A_920] {strides = array<i32>} : memref<128x128xf32, #tpu.memory_space<vmem>>, vector<16xf32>,
        %get3A_922 = arith.index_cast %add3A_841 : i32 to index
        %get3A_923 = arith.constant 96 : index
        %get3A_924 = tpu.vector_load %arg14[%get3A_922, %get3A_923] {strides = array<i32>} : memref<128x128xf32, #tpu.memory_space<vmem>>, vector<16xf32>,
        %add3A_925 = arith.addf %get3A_921, %get3A_924 : vector<16xf32>
        %mul3A_926 = arith.constant 2.000000e-01 : f32
        %mul3A_927 = vector.broadcast %mul3A_926 : f32 to vector<16xf32>
        %mul3A_928 = arith.mulf %mul3A_927, %add3A_925 : vector<16xf32>
        %max3A_929 = arith.maximumf %add3A_925, %mul3A_928 : vector<16xf32>
        %mul3A_930 = arith.mulf %get3A_14, %max3A_929 : vector<16xf32>
        %add3A_931 = arith.addf %add3A_918, %mul3A_930 : vector<16xf32>
        %get3A_932 = arith.index_cast %add3A_841 : i32 to index
        %get3A_933 = arith.constant 112 : index
        %get3A_934 = tpu.vector_load %arg13[%get3A_932, %get3A_933] {strides = array<i32>} : memref<128x128xf32, #tpu.memory_space<vmem>>, vector<16xf32>,
        %get3A_935 = arith.index_cast %add3A_841 : i32 to index
        %get3A_936 = arith.constant 112 : index
        %get3A_937 = tpu.vector_load %arg14[%get3A_935, %get3A_936] {strides = array<i32>} : memref<128x128xf32, #tpu.memory_space<vmem>>, vector<16xf32>,
        %add3A_938 = arith.addf %get3A_934, %get3A_937 : vector<16xf32>
        %mul3A_939 = arith.constant 2.000000e-01 : f32
        %mul3A_940 = vector.broadcast %mul3A_939 : f32 to vector<16xf32>
        %mul3A_941 = arith.mulf %mul3A_940, %add3A_938 : vector<16xf32>
        %max3A_942 = arith.maximumf %add3A_938, %mul3A_941 : vector<16xf32>
        %mul3A_943 = arith.mulf %get3A_16, %max3A_942 : vector<16xf32>
        %add3A_944 = arith.addf %add3A_931, %mul3A_943 : vector<16xf32>
        %swap3A_945 = arith.index_cast %add3A_841 : i32 to index
        %swap3A_946 = arith.constant 0 : index
        %swap3A_947 = tpu.vector_load %arg15[%swap3A_945, %swap3A_946] {strides = array<i32>} : memref<128x16xf32, #tpu.memory_space<vmem>>, vector<16xf32>,
        tpu.vector_store %arg15[%swap3A_945, %swap3A_946], %add3A_944 {strides = array<i32>} : memref<128x16xf32, #tpu.memory_space<vmem>>, vector<16xf32>,
      }
      %scan3A_273 = arith.constant 128 : i32
      %add3A_274 = arith.constant 0 : i32
      %add3A_275 = vector.broadcast %add3A_274 : i32 to vector<16xi32>
      %add3A_276 = arith.addi %add3A_275, %iota3A : vector<16xi32>
      %broadcast_in_dim3A_277 = arith.constant 0 : i32
      %broadcast_in_dim3A_278 = vector.broadcast %broadcast_in_dim3A_277 : i32 to vector<16xi32>
      %gather3A = tpu.vector_load_idx %arg15[%add3A_276, %broadcast_in_dim3A_278] : memref<128x16xf32, #tpu.memory_space<vmem>>[vector<16xi32>, vector<16xi32>], vector<16xf32>,
      %add3A_279 = arith.addf %broadcast_in_dim3A_0, %gather3A : vector<16xf32>
      %broadcast_in_dim3A_280 = arith.constant 1 : i32
      %broadcast_in_dim3A_281 = vector.broadcast %broadcast_in_dim3A_280 : i32 to vector<16xi32>
      %gather3A_282 = tpu.vector_load_idx %arg15[%add3A_276, %broadcast_in_dim3A_281] : memref<128x16xf32, #tpu.memory_space<vmem>>[vector<16xi32>, vector<16xi32>], vector<16xf32>,
      %add3A_283 = arith.addf %add3A_279, %gather3A_282 : vector<16xf32>
      %broadcast_in_dim3A_284 = arith.constant 2 : i32
      %broadcast_in_dim3A_285 = vector.broadcast %broadcast_in_dim3A_284 : i32 to vector<16xi32>
      %gather3A_286 = tpu.vector_load_idx %arg15[%add3A_276, %broadcast_in_dim3A_285] : memref<128x16xf32, #tpu.memory_space<vmem>>[vector<16xi32>, vector<16xi32>], vector<16xf32>,
      %add3A_287 = arith.addf %add3A_283, %gather3A_286 : vector<16xf32>
      %broadcast_in_dim3A_288 = arith.constant 3 : i32
      %broadcast_in_dim3A_289 = vector.broadcast %broadcast_in_dim3A_288 : i32 to vector<16xi32>
      %gather3A_290 = tpu.vector_load_idx %arg15[%add3A_276, %broadcast_in_dim3A_289] : memref<128x16xf32, #tpu.memory_space<vmem>>[vector<16xi32>, vector<16xi32>], vector<16xf32>,
      %add3A_291 = arith.addf %add3A_287, %gather3A_290 : vector<16xf32>
      %broadcast_in_dim3A_292 = arith.constant 4 : i32
      %broadcast_in_dim3A_293 = vector.broadcast %broadcast_in_dim3A_292 : i32 to vector<16xi32>
      %gather3A_294 = tpu.vector_load_idx %arg15[%add3A_276, %broadcast_in_dim3A_293] : memref<128x16xf32, #tpu.memory_space<vmem>>[vector<16xi32>, vector<16xi32>], vector<16xf32>,
      %add3A_295 = arith.addf %add3A_291, %gather3A_294 : vector<16xf32>
      %broadcast_in_dim3A_296 = arith.constant 5 : i32
      %broadcast_in_dim3A_297 = vector.broadcast %broadcast_in_dim3A_296 : i32 to vector<16xi32>
      %gather3A_298 = tpu.vector_load_idx %arg15[%add3A_276, %broadcast_in_dim3A_297] : memref<128x16xf32, #tpu.memory_space<vmem>>[vector<16xi32>, vector<16xi32>], vector<16xf32>,
      %add3A_299 = arith.addf %add3A_295, %gather3A_298 : vector<16xf32>
      %broadcast_in_dim3A_300 = arith.constant 6 : i32
      %broadcast_in_dim3A_301 = vector.broadcast %broadcast_in_dim3A_300 : i32 to vector<16xi32>
      %gather3A_302 = tpu.vector_load_idx %arg15[%add3A_276, %broadcast_in_dim3A_301] : memref<128x16xf32, #tpu.memory_space<vmem>>[vector<16xi32>, vector<16xi32>], vector<16xf32>,
      %add3A_303 = arith.addf %add3A_299, %gather3A_302 : vector<16xf32>
      %broadcast_in_dim3A_304 = arith.constant 7 : i32
      %broadcast_in_dim3A_305 = vector.broadcast %broadcast_in_dim3A_304 : i32 to vector<16xi32>
      %gather3A_306 = tpu.vector_load_idx %arg15[%add3A_276, %broadcast_in_dim3A_305] : memref<128x16xf32, #tpu.memory_space<vmem>>[vector<16xi32>, vector<16xi32>], vector<16xf32>,
      %add3A_307 = arith.addf %add3A_303, %gather3A_306 : vector<16xf32>
      %broadcast_in_dim3A_308 = arith.constant 8 : i32
      %broadcast_in_dim3A_309 = vector.broadcast %broadcast_in_dim3A_308 : i32 to vector<16xi32>
      %gather3A_310 = tpu.vector_load_idx %arg15[%add3A_276, %broadcast_in_dim3A_309] : memref<128x16xf32, #tpu.memory_space<vmem>>[vector<16xi32>, vector<16xi32>], vector<16xf32>,
      %add3A_311 = arith.addf %add3A_307, %gather3A_310 : vector<16xf32>
      %broadcast_in_dim3A_312 = arith.constant 9 : i32
      %broadcast_in_dim3A_313 = vector.broadcast %broadcast_in_dim3A_312 : i32 to vector<16xi32>
      %gather3A_314 = tpu.vector_load_idx %arg15[%add3A_276, %broadcast_in_dim3A_313] : memref<128x16xf32, #tpu.memory_space<vmem>>[vector<16xi32>, vector<16xi32>], vector<16xf32>,
      %add3A_315 = arith.addf %add3A_311, %gather3A_314 : vector<16xf32>
      %broadcast_in_dim3A_316 = arith.constant 10 : i32
      %broadcast_in_dim3A_317 = vector.broadcast %broadcast_in_dim3A_316 : i32 to vector<16xi32>
      %gather3A_318 = tpu.vector_load_idx %arg15[%add3A_276, %broadcast_in_dim3A_317] : memref<128x16xf32, #tpu.memory_space<vmem>>[vector<16xi32>, vector<16xi32>], vector<16xf32>,
      %add3A_319 = arith.addf %add3A_315, %gather3A_318 : vector<16xf32>
      %broadcast_in_dim3A_320 = arith.constant 11 : i32
      %broadcast_in_dim3A_321 = vector.broadcast %broadcast_in_dim3A_320 : i32 to vector<16xi32>
      %gather3A_322 = tpu.vector_load_idx %arg15[%add3A_276, %broadcast_in_dim3A_321] : memref<128x16xf32, #tpu.memory_space<vmem>>[vector<16xi32>, vector<16xi32>], vector<16xf32>,
      %add3A_323 = arith.addf %add3A_319, %gather3A_322 : vector<16xf32>
      %broadcast_in_dim3A_324 = arith.constant 12 : i32
      %broadcast_in_dim3A_325 = vector.broadcast %broadcast_in_dim3A_324 : i32 to vector<16xi32>
      %gather3A_326 = tpu.vector_load_idx %arg15[%add3A_276, %broadcast_in_dim3A_325] : memref<128x16xf32, #tpu.memory_space<vmem>>[vector<16xi32>, vector<16xi32>], vector<16xf32>,
      %add3A_327 = arith.addf %add3A_323, %gather3A_326 : vector<16xf32>
      %broadcast_in_dim3A_328 = arith.constant 13 : i32
      %broadcast_in_dim3A_329 = vector.broadcast %broadcast_in_dim3A_328 : i32 to vector<16xi32>
      %gather3A_330 = tpu.vector_load_idx %arg15[%add3A_276, %broadcast_in_dim3A_329] : memref<128x16xf32, #tpu.memory_space<vmem>>[vector<16xi32>, vector<16xi32>], vector<16xf32>,
      %add3A_331 = arith.addf %add3A_327, %gather3A_330 : vector<16xf32>
      %broadcast_in_dim3A_332 = arith.constant 14 : i32
      %broadcast_in_dim3A_333 = vector.broadcast %broadcast_in_dim3A_332 : i32 to vector<16xi32>
      %gather3A_334 = tpu.vector_load_idx %arg15[%add3A_276, %broadcast_in_dim3A_333] : memref<128x16xf32, #tpu.memory_space<vmem>>[vector<16xi32>, vector<16xi32>], vector<16xf32>,
      %add3A_335 = arith.addf %add3A_331, %gather3A_334 : vector<16xf32>
      %broadcast_in_dim3A_336 = arith.constant 15 : i32
      %broadcast_in_dim3A_337 = vector.broadcast %broadcast_in_dim3A_336 : i32 to vector<16xi32>
      %gather3A_338 = tpu.vector_load_idx %arg15[%add3A_276, %broadcast_in_dim3A_337] : memref<128x16xf32, #tpu.memory_space<vmem>>[vector<16xi32>, vector<16xi32>], vector<16xf32>,
      %add3A_339 = arith.addf %add3A_335, %gather3A_338 : vector<16xf32>
      %exp3A = math.exp %add3A_339 : vector<16xf32>
      %swap3A_340 = arith.constant 0 : index
      %swap3A_341 = tpu.vector_load %arg16[%swap3A_340] {strides = array<i32>} : memref<128xf32, #tpu.memory_space<vmem>>, vector<16xf32>,
      tpu.vector_store %arg16[%swap3A_340], %exp3A {strides = array<i32>} : memref<128xf32, #tpu.memory_space<vmem>>, vector<16xf32>,
      %add3A_342 = arith.constant 16 : i32
      %add3A_343 = vector.broadcast %add3A_342 : i32 to vector<16xi32>
      %add3A_344 = arith.addi %add3A_343, %iota3A : vector<16xi32>
      %broadcast_in_dim3A_345 = arith.constant 0 : i32
      %broadcast_in_dim3A_346 = vector.broadcast %broadcast_in_dim3A_345 : i32 to vector<16xi32>
      %gather3A_347 = tpu.vector_load_idx %arg15[%add3A_344, %broadcast_in_dim3A_346] : memref<128x16xf32, #tpu.memory_space<vmem>>[vector<16xi32>, vector<16xi32>], vector<16xf32>,
      %add3A_348 = arith.addf %broadcast_in_dim3A_0, %gather3A_347 : vector<16xf32>
      %broadcast_in_dim3A_349 = arith.constant 1 : i32
      %broadcast_in_dim3A_350 = vector.broadcast %broadcast_in_dim3A_349 : i32 to vector<16xi32>
      %gather3A_351 = tpu.vector_load_idx %arg15[%add3A_344, %broadcast_in_dim3A_350] : memref<128x16xf32, #tpu.memory_space<vmem>>[vector<16xi32>, vector<16xi32>], vector<16xf32>,
      %add3A_352 = arith.addf %add3A_348, %gather3A_351 : vector<16xf32>
      %broadcast_in_dim3A_353 = arith.constant 2 : i32
      %broadcast_in_dim3A_354 = vector.broadcast %broadcast_in_dim3A_353 : i32 to vector<16xi32>
      %gather3A_355 = tpu.vector_load_idx %arg15[%add3A_344, %broadcast_in_dim3A_354] : memref<128x16xf32, #tpu.memory_space<vmem>>[vector<16xi32>, vector<16xi32>], vector<16xf32>,
      %add3A_356 = arith.addf %add3A_352, %gather3A_355 : vector<16xf32>
      %broadcast_in_dim3A_357 = arith.constant 3 : i32
      %broadcast_in_dim3A_358 = vector.broadcast %broadcast_in_dim3A_357 : i32 to vector<16xi32>
      %gather3A_359 = tpu.vector_load_idx %arg15[%add3A_344, %broadcast_in_dim3A_358] : memref<128x16xf32, #tpu.memory_space<vmem>>[vector<16xi32>, vector<16xi32>], vector<16xf32>,
      %add3A_360 = arith.addf %add3A_356, %gather3A_359 : vector<16xf32>
      %broadcast_in_dim3A_361 = arith.constant 4 : i32
      %broadcast_in_dim3A_362 = vector.broadcast %broadcast_in_dim3A_361 : i32 to vector<16xi32>
      %gather3A_363 = tpu.vector_load_idx %arg15[%add3A_344, %broadcast_in_dim3A_362] : memref<128x16xf32, #tpu.memory_space<vmem>>[vector<16xi32>, vector<16xi32>], vector<16xf32>,
      %add3A_364 = arith.addf %add3A_360, %gather3A_363 : vector<16xf32>
      %broadcast_in_dim3A_365 = arith.constant 5 : i32
      %broadcast_in_dim3A_366 = vector.broadcast %broadcast_in_dim3A_365 : i32 to vector<16xi32>
      %gather3A_367 = tpu.vector_load_idx %arg15[%add3A_344, %broadcast_in_dim3A_366] : memref<128x16xf32, #tpu.memory_space<vmem>>[vector<16xi32>, vector<16xi32>], vector<16xf32>,
      %add3A_368 = arith.addf %add3A_364, %gather3A_367 : vector<16xf32>
      %broadcast_in_dim3A_369 = arith.constant 6 : i32
      %broadcast_in_dim3A_370 = vector.broadcast %broadcast_in_dim3A_369 : i32 to vector<16xi32>
      %gather3A_371 = tpu.vector_load_idx %arg15[%add3A_344, %broadcast_in_dim3A_370] : memref<128x16xf32, #tpu.memory_space<vmem>>[vector<16xi32>, vector<16xi32>], vector<16xf32>,
      %add3A_372 = arith.addf %add3A_368, %gather3A_371 : vector<16xf32>
      %broadcast_in_dim3A_373 = arith.constant 7 : i32
      %broadcast_in_dim3A_374 = vector.broadcast %broadcast_in_dim3A_373 : i32 to vector<16xi32>
      %gather3A_375 = tpu.vector_load_idx %arg15[%add3A_344, %broadcast_in_dim3A_374] : memref<128x16xf32, #tpu.memory_space<vmem>>[vector<16xi32>, vector<16xi32>], vector<16xf32>,
      %add3A_376 = arith.addf %add3A_372, %gather3A_375 : vector<16xf32>
      %broadcast_in_dim3A_377 = arith.constant 8 : i32
      %broadcast_in_dim3A_378 = vector.broadcast %broadcast_in_dim3A_377 : i32 to vector<16xi32>
      %gather3A_379 = tpu.vector_load_idx %arg15[%add3A_344, %broadcast_in_dim3A_378] : memref<128x16xf32, #tpu.memory_space<vmem>>[vector<16xi32>, vector<16xi32>], vector<16xf32>,
      %add3A_380 = arith.addf %add3A_376, %gather3A_379 : vector<16xf32>
      %broadcast_in_dim3A_381 = arith.constant 9 : i32
      %broadcast_in_dim3A_382 = vector.broadcast %broadcast_in_dim3A_381 : i32 to vector<16xi32>
      %gather3A_383 = tpu.vector_load_idx %arg15[%add3A_344, %broadcast_in_dim3A_382] : memref<128x16xf32, #tpu.memory_space<vmem>>[vector<16xi32>, vector<16xi32>], vector<16xf32>,
      %add3A_384 = arith.addf %add3A_380, %gather3A_383 : vector<16xf32>
      %broadcast_in_dim3A_385 = arith.constant 10 : i32
      %broadcast_in_dim3A_386 = vector.broadcast %broadcast_in_dim3A_385 : i32 to vector<16xi32>
      %gather3A_387 = tpu.vector_load_idx %arg15[%add3A_344, %broadcast_in_dim3A_386] : memref<128x16xf32, #tpu.memory_space<vmem>>[vector<16xi32>, vector<16xi32>], vector<16xf32>,
      %add3A_388 = arith.addf %add3A_384, %gather3A_387 : vector<16xf32>
      %broadcast_in_dim3A_389 = arith.constant 11 : i32
      %broadcast_in_dim3A_390 = vector.broadcast %broadcast_in_dim3A_389 : i32 to vector<16xi32>
      %gather3A_391 = tpu.vector_load_idx %arg15[%add3A_344, %broadcast_in_dim3A_390] : memref<128x16xf32, #tpu.memory_space<vmem>>[vector<16xi32>, vector<16xi32>], vector<16xf32>,
      %add3A_392 = arith.addf %add3A_388, %gather3A_391 : vector<16xf32>
      %broadcast_in_dim3A_393 = arith.constant 12 : i32
      %broadcast_in_dim3A_394 = vector.broadcast %broadcast_in_dim3A_393 : i32 to vector<16xi32>
      %gather3A_395 = tpu.vector_load_idx %arg15[%add3A_344, %broadcast_in_dim3A_394] : memref<128x16xf32, #tpu.memory_space<vmem>>[vector<16xi32>, vector<16xi32>], vector<16xf32>,
      %add3A_396 = arith.addf %add3A_392, %gather3A_395 : vector<16xf32>
      %broadcast_in_dim3A_397 = arith.constant 13 : i32
      %broadcast_in_dim3A_398 = vector.broadcast %broadcast_in_dim3A_397 : i32 to vector<16xi32>
      %gather3A_399 = tpu.vector_load_idx %arg15[%add3A_344, %broadcast_in_dim3A_398] : memref<128x16xf32, #tpu.memory_space<vmem>>[vector<16xi32>, vector<16xi32>], vector<16xf32>,
      %add3A_400 = arith.addf %add3A_396, %gather3A_399 : vector<16xf32>
      %broadcast_in_dim3A_401 = arith.constant 14 : i32
      %broadcast_in_dim3A_402 = vector.broadcast %broadcast_in_dim3A_401 : i32 to vector<16xi32>
      %gather3A_403 = tpu.vector_load_idx %arg15[%add3A_344, %broadcast_in_dim3A_402] : memref<128x16xf32, #tpu.memory_space<vmem>>[vector<16xi32>, vector<16xi32>], vector<16xf32>,
      %add3A_404 = arith.addf %add3A_400, %gather3A_403 : vector<16xf32>
      %broadcast_in_dim3A_405 = arith.constant 15 : i32
      %broadcast_in_dim3A_406 = vector.broadcast %broadcast_in_dim3A_405 : i32 to vector<16xi32>
      %gather3A_407 = tpu.vector_load_idx %arg15[%add3A_344, %broadcast_in_dim3A_406] : memref<128x16xf32, #tpu.memory_space<vmem>>[vector<16xi32>, vector<16xi32>], vector<16xf32>,
      %add3A_408 = arith.addf %add3A_404, %gather3A_407 : vector<16xf32>
      %exp3A_409 = math.exp %add3A_408 : vector<16xf32>
      %swap3A_410 = arith.constant 16 : index
      %swap3A_411 = tpu.vector_load %arg16[%swap3A_410] {strides = array<i32>} : memref<128xf32, #tpu.memory_space<vmem>>, vector<16xf32>,
      tpu.vector_store %arg16[%swap3A_410], %exp3A_409 {strides = array<i32>} : memref<128xf32, #tpu.memory_space<vmem>>, vector<16xf32>,
      %add3A_412 = arith.constant 32 : i32
      %add3A_413 = vector.broadcast %add3A_412 : i32 to vector<16xi32>
      %add3A_414 = arith.addi %add3A_413, %iota3A : vector<16xi32>
      %broadcast_in_dim3A_415 = arith.constant 0 : i32
      %broadcast_in_dim3A_416 = vector.broadcast %broadcast_in_dim3A_415 : i32 to vector<16xi32>
      %gather3A_417 = tpu.vector_load_idx %arg15[%add3A_414, %broadcast_in_dim3A_416] : memref<128x16xf32, #tpu.memory_space<vmem>>[vector<16xi32>, vector<16xi32>], vector<16xf32>,
      %add3A_418 = arith.addf %broadcast_in_dim3A_0, %gather3A_417 : vector<16xf32>
      %broadcast_in_dim3A_419 = arith.constant 1 : i32
      %broadcast_in_dim3A_420 = vector.broadcast %broadcast_in_dim3A_419 : i32 to vector<16xi32>
      %gather3A_421 = tpu.vector_load_idx %arg15[%add3A_414, %broadcast_in_dim3A_420] : memref<128x16xf32, #tpu.memory_space<vmem>>[vector<16xi32>, vector<16xi32>], vector<16xf32>,
      %add3A_422 = arith.addf %add3A_418, %gather3A_421 : vector<16xf32>
      %broadcast_in_dim3A_423 = arith.constant 2 : i32
      %broadcast_in_dim3A_424 = vector.broadcast %broadcast_in_dim3A_423 : i32 to vector<16xi32>
      %gather3A_425 = tpu.vector_load_idx %arg15[%add3A_414, %broadcast_in_dim3A_424] : memref<128x16xf32, #tpu.memory_space<vmem>>[vector<16xi32>, vector<16xi32>], vector<16xf32>,
      %add3A_426 = arith.addf %add3A_422, %gather3A_425 : vector<16xf32>
      %broadcast_in_dim3A_427 = arith.constant 3 : i32
      %broadcast_in_dim3A_428 = vector.broadcast %broadcast_in_dim3A_427 : i32 to vector<16xi32>
      %gather3A_429 = tpu.vector_load_idx %arg15[%add3A_414, %broadcast_in_dim3A_428] : memref<128x16xf32, #tpu.memory_space<vmem>>[vector<16xi32>, vector<16xi32>], vector<16xf32>,
      %add3A_430 = arith.addf %add3A_426, %gather3A_429 : vector<16xf32>
      %broadcast_in_dim3A_431 = arith.constant 4 : i32
      %broadcast_in_dim3A_432 = vector.broadcast %broadcast_in_dim3A_431 : i32 to vector<16xi32>
      %gather3A_433 = tpu.vector_load_idx %arg15[%add3A_414, %broadcast_in_dim3A_432] : memref<128x16xf32, #tpu.memory_space<vmem>>[vector<16xi32>, vector<16xi32>], vector<16xf32>,
      %add3A_434 = arith.addf %add3A_430, %gather3A_433 : vector<16xf32>
      %broadcast_in_dim3A_435 = arith.constant 5 : i32
      %broadcast_in_dim3A_436 = vector.broadcast %broadcast_in_dim3A_435 : i32 to vector<16xi32>
      %gather3A_437 = tpu.vector_load_idx %arg15[%add3A_414, %broadcast_in_dim3A_436] : memref<128x16xf32, #tpu.memory_space<vmem>>[vector<16xi32>, vector<16xi32>], vector<16xf32>,
      %add3A_438 = arith.addf %add3A_434, %gather3A_437 : vector<16xf32>
      %broadcast_in_dim3A_439 = arith.constant 6 : i32
      %broadcast_in_dim3A_440 = vector.broadcast %broadcast_in_dim3A_439 : i32 to vector<16xi32>
      %gather3A_441 = tpu.vector_load_idx %arg15[%add3A_414, %broadcast_in_dim3A_440] : memref<128x16xf32, #tpu.memory_space<vmem>>[vector<16xi32>, vector<16xi32>], vector<16xf32>,
      %add3A_442 = arith.addf %add3A_438, %gather3A_441 : vector<16xf32>
      %broadcast_in_dim3A_443 = arith.constant 7 : i32
      %broadcast_in_dim3A_444 = vector.broadcast %broadcast_in_dim3A_443 : i32 to vector<16xi32>
      %gather3A_445 = tpu.vector_load_idx %arg15[%add3A_414, %broadcast_in_dim3A_444] : memref<128x16xf32, #tpu.memory_space<vmem>>[vector<16xi32>, vector<16xi32>], vector<16xf32>,
      %add3A_446 = arith.addf %add3A_442, %gather3A_445 : vector<16xf32>
      %broadcast_in_dim3A_447 = arith.constant 8 : i32
      %broadcast_in_dim3A_448 = vector.broadcast %broadcast_in_dim3A_447 : i32 to vector<16xi32>
      %gather3A_449 = tpu.vector_load_idx %arg15[%add3A_414, %broadcast_in_dim3A_448] : memref<128x16xf32, #tpu.memory_space<vmem>>[vector<16xi32>, vector<16xi32>], vector<16xf32>,
      %add3A_450 = arith.addf %add3A_446, %gather3A_449 : vector<16xf32>
      %broadcast_in_dim3A_451 = arith.constant 9 : i32
      %broadcast_in_dim3A_452 = vector.broadcast %broadcast_in_dim3A_451 : i32 to vector<16xi32>
      %gather3A_453 = tpu.vector_load_idx %arg15[%add3A_414, %broadcast_in_dim3A_452] : memref<128x16xf32, #tpu.memory_space<vmem>>[vector<16xi32>, vector<16xi32>], vector<16xf32>,
      %add3A_454 = arith.addf %add3A_450, %gather3A_453 : vector<16xf32>
      %broadcast_in_dim3A_455 = arith.constant 10 : i32
      %broadcast_in_dim3A_456 = vector.broadcast %broadcast_in_dim3A_455 : i32 to vector<16xi32>
      %gather3A_457 = tpu.vector_load_idx %arg15[%add3A_414, %broadcast_in_dim3A_456] : memref<128x16xf32, #tpu.memory_space<vmem>>[vector<16xi32>, vector<16xi32>], vector<16xf32>,
      %add3A_458 = arith.addf %add3A_454, %gather3A_457 : vector<16xf32>
      %broadcast_in_dim3A_459 = arith.constant 11 : i32
      %broadcast_in_dim3A_460 = vector.broadcast %broadcast_in_dim3A_459 : i32 to vector<16xi32>
      %gather3A_461 = tpu.vector_load_idx %arg15[%add3A_414, %broadcast_in_dim3A_460] : memref<128x16xf32, #tpu.memory_space<vmem>>[vector<16xi32>, vector<16xi32>], vector<16xf32>,
      %add3A_462 = arith.addf %add3A_458, %gather3A_461 : vector<16xf32>
      %broadcast_in_dim3A_463 = arith.constant 12 : i32
      %broadcast_in_dim3A_464 = vector.broadcast %broadcast_in_dim3A_463 : i32 to vector<16xi32>
      %gather3A_465 = tpu.vector_load_idx %arg15[%add3A_414, %broadcast_in_dim3A_464] : memref<128x16xf32, #tpu.memory_space<vmem>>[vector<16xi32>, vector<16xi32>], vector<16xf32>,
      %add3A_466 = arith.addf %add3A_462, %gather3A_465 : vector<16xf32>
      %broadcast_in_dim3A_467 = arith.constant 13 : i32
      %broadcast_in_dim3A_468 = vector.broadcast %broadcast_in_dim3A_467 : i32 to vector<16xi32>
      %gather3A_469 = tpu.vector_load_idx %arg15[%add3A_414, %broadcast_in_dim3A_468] : memref<128x16xf32, #tpu.memory_space<vmem>>[vector<16xi32>, vector<16xi32>], vector<16xf32>,
      %add3A_470 = arith.addf %add3A_466, %gather3A_469 : vector<16xf32>
      %broadcast_in_dim3A_471 = arith.constant 14 : i32
      %broadcast_in_dim3A_472 = vector.broadcast %broadcast_in_dim3A_471 : i32 to vector<16xi32>
      %gather3A_473 = tpu.vector_load_idx %arg15[%add3A_414, %broadcast_in_dim3A_472] : memref<128x16xf32, #tpu.memory_space<vmem>>[vector<16xi32>, vector<16xi32>], vector<16xf32>,
      %add3A_474 = arith.addf %add3A_470, %gather3A_473 : vector<16xf32>
      %broadcast_in_dim3A_475 = arith.constant 15 : i32
      %broadcast_in_dim3A_476 = vector.broadcast %broadcast_in_dim3A_475 : i32 to vector<16xi32>
      %gather3A_477 = tpu.vector_load_idx %arg15[%add3A_414, %broadcast_in_dim3A_476] : memref<128x16xf32, #tpu.memory_space<vmem>>[vector<16xi32>, vector<16xi32>], vector<16xf32>,
      %add3A_478 = arith.addf %add3A_474, %gather3A_477 : vector<16xf32>
      %exp3A_479 = math.exp %add3A_478 : vector<16xf32>
      %swap3A_480 = arith.constant 32 : index
      %swap3A_481 = tpu.vector_load %arg16[%swap3A_480] {strides = array<i32>} : memref<128xf32, #tpu.memory_space<vmem>>, vector<16xf32>,
      tpu.vector_store %arg16[%swap3A_480], %exp3A_479 {strides = array<i32>} : memref<128xf32, #tpu.memory_space<vmem>>, vector<16xf32>,
      %add3A_482 = arith.constant 48 : i32
      %add3A_483 = vector.broadcast %add3A_482 : i32 to vector<16xi32>
      %add3A_484 = arith.addi %add3A_483, %iota3A : vector<16xi32>
      %broadcast_in_dim3A_485 = arith.constant 0 : i32
      %broadcast_in_dim3A_486 = vector.broadcast %broadcast_in_dim3A_485 : i32 to vector<16xi32>
      %gather3A_487 = tpu.vector_load_idx %arg15[%add3A_484, %broadcast_in_dim3A_486] : memref<128x16xf32, #tpu.memory_space<vmem>>[vector<16xi32>, vector<16xi32>], vector<16xf32>,
      %add3A_488 = arith.addf %broadcast_in_dim3A_0, %gather3A_487 : vector<16xf32>
      %broadcast_in_dim3A_489 = arith.constant 1 : i32
      %broadcast_in_dim3A_490 = vector.broadcast %broadcast_in_dim3A_489 : i32 to vector<16xi32>
      %gather3A_491 = tpu.vector_load_idx %arg15[%add3A_484, %broadcast_in_dim3A_490] : memref<128x16xf32, #tpu.memory_space<vmem>>[vector<16xi32>, vector<16xi32>], vector<16xf32>,
      %add3A_492 = arith.addf %add3A_488, %gather3A_491 : vector<16xf32>
      %broadcast_in_dim3A_493 = arith.constant 2 : i32
      %broadcast_in_dim3A_494 = vector.broadcast %broadcast_in_dim3A_493 : i32 to vector<16xi32>
      %gather3A_495 = tpu.vector_load_idx %arg15[%add3A_484, %broadcast_in_dim3A_494] : memref<128x16xf32, #tpu.memory_space<vmem>>[vector<16xi32>, vector<16xi32>], vector<16xf32>,
      %add3A_496 = arith.addf %add3A_492, %gather3A_495 : vector<16xf32>
      %broadcast_in_dim3A_497 = arith.constant 3 : i32
      %broadcast_in_dim3A_498 = vector.broadcast %broadcast_in_dim3A_497 : i32 to vector<16xi32>
      %gather3A_499 = tpu.vector_load_idx %arg15[%add3A_484, %broadcast_in_dim3A_498] : memref<128x16xf32, #tpu.memory_space<vmem>>[vector<16xi32>, vector<16xi32>], vector<16xf32>,
      %add3A_500 = arith.addf %add3A_496, %gather3A_499 : vector<16xf32>
      %broadcast_in_dim3A_501 = arith.constant 4 : i32
      %broadcast_in_dim3A_502 = vector.broadcast %broadcast_in_dim3A_501 : i32 to vector<16xi32>
      %gather3A_503 = tpu.vector_load_idx %arg15[%add3A_484, %broadcast_in_dim3A_502] : memref<128x16xf32, #tpu.memory_space<vmem>>[vector<16xi32>, vector<16xi32>], vector<16xf32>,
      %add3A_504 = arith.addf %add3A_500, %gather3A_503 : vector<16xf32>
      %broadcast_in_dim3A_505 = arith.constant 5 : i32
      %broadcast_in_dim3A_506 = vector.broadcast %broadcast_in_dim3A_505 : i32 to vector<16xi32>
      %gather3A_507 = tpu.vector_load_idx %arg15[%add3A_484, %broadcast_in_dim3A_506] : memref<128x16xf32, #tpu.memory_space<vmem>>[vector<16xi32>, vector<16xi32>], vector<16xf32>,
      %add3A_508 = arith.addf %add3A_504, %gather3A_507 : vector<16xf32>
      %broadcast_in_dim3A_509 = arith.constant 6 : i32
      %broadcast_in_dim3A_510 = vector.broadcast %broadcast_in_dim3A_509 : i32 to vector<16xi32>
      %gather3A_511 = tpu.vector_load_idx %arg15[%add3A_484, %broadcast_in_dim3A_510] : memref<128x16xf32, #tpu.memory_space<vmem>>[vector<16xi32>, vector<16xi32>], vector<16xf32>,
      %add3A_512 = arith.addf %add3A_508, %gather3A_511 : vector<16xf32>
      %broadcast_in_dim3A_513 = arith.constant 7 : i32
      %broadcast_in_dim3A_514 = vector.broadcast %broadcast_in_dim3A_513 : i32 to vector<16xi32>
      %gather3A_515 = tpu.vector_load_idx %arg15[%add3A_484, %broadcast_in_dim3A_514] : memref<128x16xf32, #tpu.memory_space<vmem>>[vector<16xi32>, vector<16xi32>], vector<16xf32>,
      %add3A_516 = arith.addf %add3A_512, %gather3A_515 : vector<16xf32>
      %broadcast_in_dim3A_517 = arith.constant 8 : i32
      %broadcast_in_dim3A_518 = vector.broadcast %broadcast_in_dim3A_517 : i32 to vector<16xi32>
      %gather3A_519 = tpu.vector_load_idx %arg15[%add3A_484, %broadcast_in_dim3A_518] : memref<128x16xf32, #tpu.memory_space<vmem>>[vector<16xi32>, vector<16xi32>], vector<16xf32>,
      %add3A_520 = arith.addf %add3A_516, %gather3A_519 : vector<16xf32>
      %broadcast_in_dim3A_521 = arith.constant 9 : i32
      %broadcast_in_dim3A_522 = vector.broadcast %broadcast_in_dim3A_521 : i32 to vector<16xi32>
      %gather3A_523 = tpu.vector_load_idx %arg15[%add3A_484, %broadcast_in_dim3A_522] : memref<128x16xf32, #tpu.memory_space<vmem>>[vector<16xi32>, vector<16xi32>], vector<16xf32>,
      %add3A_524 = arith.addf %add3A_520, %gather3A_523 : vector<16xf32>
      %broadcast_in_dim3A_525 = arith.constant 10 : i32
      %broadcast_in_dim3A_526 = vector.broadcast %broadcast_in_dim3A_525 : i32 to vector<16xi32>
      %gather3A_527 = tpu.vector_load_idx %arg15[%add3A_484, %broadcast_in_dim3A_526] : memref<128x16xf32, #tpu.memory_space<vmem>>[vector<16xi32>, vector<16xi32>], vector<16xf32>,
      %add3A_528 = arith.addf %add3A_524, %gather3A_527 : vector<16xf32>
      %broadcast_in_dim3A_529 = arith.constant 11 : i32
      %broadcast_in_dim3A_530 = vector.broadcast %broadcast_in_dim3A_529 : i32 to vector<16xi32>
      %gather3A_531 = tpu.vector_load_idx %arg15[%add3A_484, %broadcast_in_dim3A_530] : memref<128x16xf32, #tpu.memory_space<vmem>>[vector<16xi32>, vector<16xi32>], vector<16xf32>,
      %add3A_532 = arith.addf %add3A_528, %gather3A_531 : vector<16xf32>
      %broadcast_in_dim3A_533 = arith.constant 12 : i32
      %broadcast_in_dim3A_534 = vector.broadcast %broadcast_in_dim3A_533 : i32 to vector<16xi32>
      %gather3A_535 = tpu.vector_load_idx %arg15[%add3A_484, %broadcast_in_dim3A_534] : memref<128x16xf32, #tpu.memory_space<vmem>>[vector<16xi32>, vector<16xi32>], vector<16xf32>,
      %add3A_536 = arith.addf %add3A_532, %gather3A_535 : vector<16xf32>
      %broadcast_in_dim3A_537 = arith.constant 13 : i32
      %broadcast_in_dim3A_538 = vector.broadcast %broadcast_in_dim3A_537 : i32 to vector<16xi32>
      %gather3A_539 = tpu.vector_load_idx %arg15[%add3A_484, %broadcast_in_dim3A_538] : memref<128x16xf32, #tpu.memory_space<vmem>>[vector<16xi32>, vector<16xi32>], vector<16xf32>,
      %add3A_540 = arith.addf %add3A_536, %gather3A_539 : vector<16xf32>
      %broadcast_in_dim3A_541 = arith.constant 14 : i32
      %broadcast_in_dim3A_542 = vector.broadcast %broadcast_in_dim3A_541 : i32 to vector<16xi32>
      %gather3A_543 = tpu.vector_load_idx %arg15[%add3A_484, %broadcast_in_dim3A_542] : memref<128x16xf32, #tpu.memory_space<vmem>>[vector<16xi32>, vector<16xi32>], vector<16xf32>,
      %add3A_544 = arith.addf %add3A_540, %gather3A_543 : vector<16xf32>
      %broadcast_in_dim3A_545 = arith.constant 15 : i32
      %broadcast_in_dim3A_546 = vector.broadcast %broadcast_in_dim3A_545 : i32 to vector<16xi32>
      %gather3A_547 = tpu.vector_load_idx %arg15[%add3A_484, %broadcast_in_dim3A_546] : memref<128x16xf32, #tpu.memory_space<vmem>>[vector<16xi32>, vector<16xi32>], vector<16xf32>,
      %add3A_548 = arith.addf %add3A_544, %gather3A_547 : vector<16xf32>
      %exp3A_549 = math.exp %add3A_548 : vector<16xf32>
      %swap3A_550 = arith.constant 48 : index
      %swap3A_551 = tpu.vector_load %arg16[%swap3A_550] {strides = array<i32>} : memref<128xf32, #tpu.memory_space<vmem>>, vector<16xf32>,
      tpu.vector_store %arg16[%swap3A_550], %exp3A_549 {strides = array<i32>} : memref<128xf32, #tpu.memory_space<vmem>>, vector<16xf32>,
      %add3A_552 = arith.constant 64 : i32
      %add3A_553 = vector.broadcast %add3A_552 : i32 to vector<16xi32>
      %add3A_554 = arith.addi %add3A_553, %iota3A : vector<16xi32>
      %broadcast_in_dim3A_555 = arith.constant 0 : i32
      %broadcast_in_dim3A_556 = vector.broadcast %broadcast_in_dim3A_555 : i32 to vector<16xi32>
      %gather3A_557 = tpu.vector_load_idx %arg15[%add3A_554, %broadcast_in_dim3A_556] : memref<128x16xf32, #tpu.memory_space<vmem>>[vector<16xi32>, vector<16xi32>], vector<16xf32>,
      %add3A_558 = arith.addf %broadcast_in_dim3A_0, %gather3A_557 : vector<16xf32>
      %broadcast_in_dim3A_559 = arith.constant 1 : i32
      %broadcast_in_dim3A_560 = vector.broadcast %broadcast_in_dim3A_559 : i32 to vector<16xi32>
      %gather3A_561 = tpu.vector_load_idx %arg15[%add3A_554, %broadcast_in_dim3A_560] : memref<128x16xf32, #tpu.memory_space<vmem>>[vector<16xi32>, vector<16xi32>], vector<16xf32>,
      %add3A_562 = arith.addf %add3A_558, %gather3A_561 : vector<16xf32>
      %broadcast_in_dim3A_563 = arith.constant 2 : i32
      %broadcast_in_dim3A_564 = vector.broadcast %broadcast_in_dim3A_563 : i32 to vector<16xi32>
      %gather3A_565 = tpu.vector_load_idx %arg15[%add3A_554, %broadcast_in_dim3A_564] : memref<128x16xf32, #tpu.memory_space<vmem>>[vector<16xi32>, vector<16xi32>], vector<16xf32>,
      %add3A_566 = arith.addf %add3A_562, %gather3A_565 : vector<16xf32>
      %broadcast_in_dim3A_567 = arith.constant 3 : i32
      %broadcast_in_dim3A_568 = vector.broadcast %broadcast_in_dim3A_567 : i32 to vector<16xi32>
      %gather3A_569 = tpu.vector_load_idx %arg15[%add3A_554, %broadcast_in_dim3A_568] : memref<128x16xf32, #tpu.memory_space<vmem>>[vector<16xi32>, vector<16xi32>], vector<16xf32>,
      %add3A_570 = arith.addf %add3A_566, %gather3A_569 : vector<16xf32>
      %broadcast_in_dim3A_571 = arith.constant 4 : i32
      %broadcast_in_dim3A_572 = vector.broadcast %broadcast_in_dim3A_571 : i32 to vector<16xi32>
      %gather3A_573 = tpu.vector_load_idx %arg15[%add3A_554, %broadcast_in_dim3A_572] : memref<128x16xf32, #tpu.memory_space<vmem>>[vector<16xi32>, vector<16xi32>], vector<16xf32>,
      %add3A_574 = arith.addf %add3A_570, %gather3A_573 : vector<16xf32>
      %broadcast_in_dim3A_575 = arith.constant 5 : i32
      %broadcast_in_dim3A_576 = vector.broadcast %broadcast_in_dim3A_575 : i32 to vector<16xi32>
      %gather3A_577 = tpu.vector_load_idx %arg15[%add3A_554, %broadcast_in_dim3A_576] : memref<128x16xf32, #tpu.memory_space<vmem>>[vector<16xi32>, vector<16xi32>], vector<16xf32>,
      %add3A_578 = arith.addf %add3A_574, %gather3A_577 : vector<16xf32>
      %broadcast_in_dim3A_579 = arith.constant 6 : i32
      %broadcast_in_dim3A_580 = vector.broadcast %broadcast_in_dim3A_579 : i32 to vector<16xi32>
      %gather3A_581 = tpu.vector_load_idx %arg15[%add3A_554, %broadcast_in_dim3A_580] : memref<128x16xf32, #tpu.memory_space<vmem>>[vector<16xi32>, vector<16xi32>], vector<16xf32>,
      %add3A_582 = arith.addf %add3A_578, %gather3A_581 : vector<16xf32>
      %broadcast_in_dim3A_583 = arith.constant 7 : i32
      %broadcast_in_dim3A_584 = vector.broadcast %broadcast_in_dim3A_583 : i32 to vector<16xi32>
      %gather3A_585 = tpu.vector_load_idx %arg15[%add3A_554, %broadcast_in_dim3A_584] : memref<128x16xf32, #tpu.memory_space<vmem>>[vector<16xi32>, vector<16xi32>], vector<16xf32>,
      %add3A_586 = arith.addf %add3A_582, %gather3A_585 : vector<16xf32>
      %broadcast_in_dim3A_587 = arith.constant 8 : i32
      %broadcast_in_dim3A_588 = vector.broadcast %broadcast_in_dim3A_587 : i32 to vector<16xi32>
      %gather3A_589 = tpu.vector_load_idx %arg15[%add3A_554, %broadcast_in_dim3A_588] : memref<128x16xf32, #tpu.memory_space<vmem>>[vector<16xi32>, vector<16xi32>], vector<16xf32>,
      %add3A_590 = arith.addf %add3A_586, %gather3A_589 : vector<16xf32>
      %broadcast_in_dim3A_591 = arith.constant 9 : i32
      %broadcast_in_dim3A_592 = vector.broadcast %broadcast_in_dim3A_591 : i32 to vector<16xi32>
      %gather3A_593 = tpu.vector_load_idx %arg15[%add3A_554, %broadcast_in_dim3A_592] : memref<128x16xf32, #tpu.memory_space<vmem>>[vector<16xi32>, vector<16xi32>], vector<16xf32>,
      %add3A_594 = arith.addf %add3A_590, %gather3A_593 : vector<16xf32>
      %broadcast_in_dim3A_595 = arith.constant 10 : i32
      %broadcast_in_dim3A_596 = vector.broadcast %broadcast_in_dim3A_595 : i32 to vector<16xi32>
      %gather3A_597 = tpu.vector_load_idx %arg15[%add3A_554, %broadcast_in_dim3A_596] : memref<128x16xf32, #tpu.memory_space<vmem>>[vector<16xi32>, vector<16xi32>], vector<16xf32>,
      %add3A_598 = arith.addf %add3A_594, %gather3A_597 : vector<16xf32>
      %broadcast_in_dim3A_599 = arith.constant 11 : i32
      %broadcast_in_dim3A_600 = vector.broadcast %broadcast_in_dim3A_599 : i32 to vector<16xi32>
      %gather3A_601 = tpu.vector_load_idx %arg15[%add3A_554, %broadcast_in_dim3A_600] : memref<128x16xf32, #tpu.memory_space<vmem>>[vector<16xi32>, vector<16xi32>], vector<16xf32>,
      %add3A_602 = arith.addf %add3A_598, %gather3A_601 : vector<16xf32>
      %broadcast_in_dim3A_603 = arith.constant 12 : i32
      %broadcast_in_dim3A_604 = vector.broadcast %broadcast_in_dim3A_603 : i32 to vector<16xi32>
      %gather3A_605 = tpu.vector_load_idx %arg15[%add3A_554, %broadcast_in_dim3A_604] : memref<128x16xf32, #tpu.memory_space<vmem>>[vector<16xi32>, vector<16xi32>], vector<16xf32>,
      %add3A_606 = arith.addf %add3A_602, %gather3A_605 : vector<16xf32>
      %broadcast_in_dim3A_607 = arith.constant 13 : i32
      %broadcast_in_dim3A_608 = vector.broadcast %broadcast_in_dim3A_607 : i32 to vector<16xi32>
      %gather3A_609 = tpu.vector_load_idx %arg15[%add3A_554, %broadcast_in_dim3A_608] : memref<128x16xf32, #tpu.memory_space<vmem>>[vector<16xi32>, vector<16xi32>], vector<16xf32>,
      %add3A_610 = arith.addf %add3A_606, %gather3A_609 : vector<16xf32>
      %broadcast_in_dim3A_611 = arith.constant 14 : i32
      %broadcast_in_dim3A_612 = vector.broadcast %broadcast_in_dim3A_611 : i32 to vector<16xi32>
      %gather3A_613 = tpu.vector_load_idx %arg15[%add3A_554, %broadcast_in_dim3A_612] : memref<128x16xf32, #tpu.memory_space<vmem>>[vector<16xi32>, vector<16xi32>], vector<16xf32>,
      %add3A_614 = arith.addf %add3A_610, %gather3A_613 : vector<16xf32>
      %broadcast_in_dim3A_615 = arith.constant 15 : i32
      %broadcast_in_dim3A_616 = vector.broadcast %broadcast_in_dim3A_615 : i32 to vector<16xi32>
      %gather3A_617 = tpu.vector_load_idx %arg15[%add3A_554, %broadcast_in_dim3A_616] : memref<128x16xf32, #tpu.memory_space<vmem>>[vector<16xi32>, vector<16xi32>], vector<16xf32>,
      %add3A_618 = arith.addf %add3A_614, %gather3A_617 : vector<16xf32>
      %exp3A_619 = math.exp %add3A_618 : vector<16xf32>
      %swap3A_620 = arith.constant 64 : index
      %swap3A_621 = tpu.vector_load %arg16[%swap3A_620] {strides = array<i32>} : memref<128xf32, #tpu.memory_space<vmem>>, vector<16xf32>,
      tpu.vector_store %arg16[%swap3A_620], %exp3A_619 {strides = array<i32>} : memref<128xf32, #tpu.memory_space<vmem>>, vector<16xf32>,
      %add3A_622 = arith.constant 80 : i32
      %add3A_623 = vector.broadcast %add3A_622 : i32 to vector<16xi32>
      %add3A_624 = arith.addi %add3A_623, %iota3A : vector<16xi32>
      %broadcast_in_dim3A_625 = arith.constant 0 : i32
      %broadcast_in_dim3A_626 = vector.broadcast %broadcast_in_dim3A_625 : i32 to vector<16xi32>
      %gather3A_627 = tpu.vector_load_idx %arg15[%add3A_624, %broadcast_in_dim3A_626] : memref<128x16xf32, #tpu.memory_space<vmem>>[vector<16xi32>, vector<16xi32>], vector<16xf32>,
      %add3A_628 = arith.addf %broadcast_in_dim3A_0, %gather3A_627 : vector<16xf32>
      %broadcast_in_dim3A_629 = arith.constant 1 : i32
      %broadcast_in_dim3A_630 = vector.broadcast %broadcast_in_dim3A_629 : i32 to vector<16xi32>
      %gather3A_631 = tpu.vector_load_idx %arg15[%add3A_624, %broadcast_in_dim3A_630] : memref<128x16xf32, #tpu.memory_space<vmem>>[vector<16xi32>, vector<16xi32>], vector<16xf32>,
      %add3A_632 = arith.addf %add3A_628, %gather3A_631 : vector<16xf32>
      %broadcast_in_dim3A_633 = arith.constant 2 : i32
      %broadcast_in_dim3A_634 = vector.broadcast %broadcast_in_dim3A_633 : i32 to vector<16xi32>
      %gather3A_635 = tpu.vector_load_idx %arg15[%add3A_624, %broadcast_in_dim3A_634] : memref<128x16xf32, #tpu.memory_space<vmem>>[vector<16xi32>, vector<16xi32>], vector<16xf32>,
      %add3A_636 = arith.addf %add3A_632, %gather3A_635 : vector<16xf32>
      %broadcast_in_dim3A_637 = arith.constant 3 : i32
      %broadcast_in_dim3A_638 = vector.broadcast %broadcast_in_dim3A_637 : i32 to vector<16xi32>
      %gather3A_639 = tpu.vector_load_idx %arg15[%add3A_624, %broadcast_in_dim3A_638] : memref<128x16xf32, #tpu.memory_space<vmem>>[vector<16xi32>, vector<16xi32>], vector<16xf32>,
      %add3A_640 = arith.addf %add3A_636, %gather3A_639 : vector<16xf32>
      %broadcast_in_dim3A_641 = arith.constant 4 : i32
      %broadcast_in_dim3A_642 = vector.broadcast %broadcast_in_dim3A_641 : i32 to vector<16xi32>
      %gather3A_643 = tpu.vector_load_idx %arg15[%add3A_624, %broadcast_in_dim3A_642] : memref<128x16xf32, #tpu.memory_space<vmem>>[vector<16xi32>, vector<16xi32>], vector<16xf32>,
      %add3A_644 = arith.addf %add3A_640, %gather3A_643 : vector<16xf32>
      %broadcast_in_dim3A_645 = arith.constant 5 : i32
      %broadcast_in_dim3A_646 = vector.broadcast %broadcast_in_dim3A_645 : i32 to vector<16xi32>
      %gather3A_647 = tpu.vector_load_idx %arg15[%add3A_624, %broadcast_in_dim3A_646] : memref<128x16xf32, #tpu.memory_space<vmem>>[vector<16xi32>, vector<16xi32>], vector<16xf32>,
      %add3A_648 = arith.addf %add3A_644, %gather3A_647 : vector<16xf32>
      %broadcast_in_dim3A_649 = arith.constant 6 : i32
      %broadcast_in_dim3A_650 = vector.broadcast %broadcast_in_dim3A_649 : i32 to vector<16xi32>
      %gather3A_651 = tpu.vector_load_idx %arg15[%add3A_624, %broadcast_in_dim3A_650] : memref<128x16xf32, #tpu.memory_space<vmem>>[vector<16xi32>, vector<16xi32>], vector<16xf32>,
      %add3A_652 = arith.addf %add3A_648, %gather3A_651 : vector<16xf32>
      %broadcast_in_dim3A_653 = arith.constant 7 : i32
      %broadcast_in_dim3A_654 = vector.broadcast %broadcast_in_dim3A_653 : i32 to vector<16xi32>
      %gather3A_655 = tpu.vector_load_idx %arg15[%add3A_624, %broadcast_in_dim3A_654] : memref<128x16xf32, #tpu.memory_space<vmem>>[vector<16xi32>, vector<16xi32>], vector<16xf32>,
      %add3A_656 = arith.addf %add3A_652, %gather3A_655 : vector<16xf32>
      %broadcast_in_dim3A_657 = arith.constant 8 : i32
      %broadcast_in_dim3A_658 = vector.broadcast %broadcast_in_dim3A_657 : i32 to vector<16xi32>
      %gather3A_659 = tpu.vector_load_idx %arg15[%add3A_624, %broadcast_in_dim3A_658] : memref<128x16xf32, #tpu.memory_space<vmem>>[vector<16xi32>, vector<16xi32>], vector<16xf32>,
      %add3A_660 = arith.addf %add3A_656, %gather3A_659 : vector<16xf32>
      %broadcast_in_dim3A_661 = arith.constant 9 : i32
      %broadcast_in_dim3A_662 = vector.broadcast %broadcast_in_dim3A_661 : i32 to vector<16xi32>
      %gather3A_663 = tpu.vector_load_idx %arg15[%add3A_624, %broadcast_in_dim3A_662] : memref<128x16xf32, #tpu.memory_space<vmem>>[vector<16xi32>, vector<16xi32>], vector<16xf32>,
      %add3A_664 = arith.addf %add3A_660, %gather3A_663 : vector<16xf32>
      %broadcast_in_dim3A_665 = arith.constant 10 : i32
      %broadcast_in_dim3A_666 = vector.broadcast %broadcast_in_dim3A_665 : i32 to vector<16xi32>
      %gather3A_667 = tpu.vector_load_idx %arg15[%add3A_624, %broadcast_in_dim3A_666] : memref<128x16xf32, #tpu.memory_space<vmem>>[vector<16xi32>, vector<16xi32>], vector<16xf32>,
      %add3A_668 = arith.addf %add3A_664, %gather3A_667 : vector<16xf32>
      %broadcast_in_dim3A_669 = arith.constant 11 : i32
      %broadcast_in_dim3A_670 = vector.broadcast %broadcast_in_dim3A_669 : i32 to vector<16xi32>
      %gather3A_671 = tpu.vector_load_idx %arg15[%add3A_624, %broadcast_in_dim3A_670] : memref<128x16xf32, #tpu.memory_space<vmem>>[vector<16xi32>, vector<16xi32>], vector<16xf32>,
      %add3A_672 = arith.addf %add3A_668, %gather3A_671 : vector<16xf32>
      %broadcast_in_dim3A_673 = arith.constant 12 : i32
      %broadcast_in_dim3A_674 = vector.broadcast %broadcast_in_dim3A_673 : i32 to vector<16xi32>
      %gather3A_675 = tpu.vector_load_idx %arg15[%add3A_624, %broadcast_in_dim3A_674] : memref<128x16xf32, #tpu.memory_space<vmem>>[vector<16xi32>, vector<16xi32>], vector<16xf32>,
      %add3A_676 = arith.addf %add3A_672, %gather3A_675 : vector<16xf32>
      %broadcast_in_dim3A_677 = arith.constant 13 : i32
      %broadcast_in_dim3A_678 = vector.broadcast %broadcast_in_dim3A_677 : i32 to vector<16xi32>
      %gather3A_679 = tpu.vector_load_idx %arg15[%add3A_624, %broadcast_in_dim3A_678] : memref<128x16xf32, #tpu.memory_space<vmem>>[vector<16xi32>, vector<16xi32>], vector<16xf32>,
      %add3A_680 = arith.addf %add3A_676, %gather3A_679 : vector<16xf32>
      %broadcast_in_dim3A_681 = arith.constant 14 : i32
      %broadcast_in_dim3A_682 = vector.broadcast %broadcast_in_dim3A_681 : i32 to vector<16xi32>
      %gather3A_683 = tpu.vector_load_idx %arg15[%add3A_624, %broadcast_in_dim3A_682] : memref<128x16xf32, #tpu.memory_space<vmem>>[vector<16xi32>, vector<16xi32>], vector<16xf32>,
      %add3A_684 = arith.addf %add3A_680, %gather3A_683 : vector<16xf32>
      %broadcast_in_dim3A_685 = arith.constant 15 : i32
      %broadcast_in_dim3A_686 = vector.broadcast %broadcast_in_dim3A_685 : i32 to vector<16xi32>
      %gather3A_687 = tpu.vector_load_idx %arg15[%add3A_624, %broadcast_in_dim3A_686] : memref<128x16xf32, #tpu.memory_space<vmem>>[vector<16xi32>, vector<16xi32>], vector<16xf32>,
      %add3A_688 = arith.addf %add3A_684, %gather3A_687 : vector<16xf32>
      %exp3A_689 = math.exp %add3A_688 : vector<16xf32>
      %swap3A_690 = arith.constant 80 : index
      %swap3A_691 = tpu.vector_load %arg16[%swap3A_690] {strides = array<i32>} : memref<128xf32, #tpu.memory_space<vmem>>, vector<16xf32>,
      tpu.vector_store %arg16[%swap3A_690], %exp3A_689 {strides = array<i32>} : memref<128xf32, #tpu.memory_space<vmem>>, vector<16xf32>,
      %add3A_692 = arith.constant 96 : i32
      %add3A_693 = vector.broadcast %add3A_692 : i32 to vector<16xi32>
      %add3A_694 = arith.addi %add3A_693, %iota3A : vector<16xi32>
      %broadcast_in_dim3A_695 = arith.constant 0 : i32
      %broadcast_in_dim3A_696 = vector.broadcast %broadcast_in_dim3A_695 : i32 to vector<16xi32>
      %gather3A_697 = tpu.vector_load_idx %arg15[%add3A_694, %broadcast_in_dim3A_696] : memref<128x16xf32, #tpu.memory_space<vmem>>[vector<16xi32>, vector<16xi32>], vector<16xf32>,
      %add3A_698 = arith.addf %broadcast_in_dim3A_0, %gather3A_697 : vector<16xf32>
      %broadcast_in_dim3A_699 = arith.constant 1 : i32
      %broadcast_in_dim3A_700 = vector.broadcast %broadcast_in_dim3A_699 : i32 to vector<16xi32>
      %gather3A_701 = tpu.vector_load_idx %arg15[%add3A_694, %broadcast_in_dim3A_700] : memref<128x16xf32, #tpu.memory_space<vmem>>[vector<16xi32>, vector<16xi32>], vector<16xf32>,
      %add3A_702 = arith.addf %add3A_698, %gather3A_701 : vector<16xf32>
      %broadcast_in_dim3A_703 = arith.constant 2 : i32
      %broadcast_in_dim3A_704 = vector.broadcast %broadcast_in_dim3A_703 : i32 to vector<16xi32>
      %gather3A_705 = tpu.vector_load_idx %arg15[%add3A_694, %broadcast_in_dim3A_704] : memref<128x16xf32, #tpu.memory_space<vmem>>[vector<16xi32>, vector<16xi32>], vector<16xf32>,
      %add3A_706 = arith.addf %add3A_702, %gather3A_705 : vector<16xf32>
      %broadcast_in_dim3A_707 = arith.constant 3 : i32
      %broadcast_in_dim3A_708 = vector.broadcast %broadcast_in_dim3A_707 : i32 to vector<16xi32>
      %gather3A_709 = tpu.vector_load_idx %arg15[%add3A_694, %broadcast_in_dim3A_708] : memref<128x16xf32, #tpu.memory_space<vmem>>[vector<16xi32>, vector<16xi32>], vector<16xf32>,
      %add3A_710 = arith.addf %add3A_706, %gather3A_709 : vector<16xf32>
      %broadcast_in_dim3A_711 = arith.constant 4 : i32
      %broadcast_in_dim3A_712 = vector.broadcast %broadcast_in_dim3A_711 : i32 to vector<16xi32>
      %gather3A_713 = tpu.vector_load_idx %arg15[%add3A_694, %broadcast_in_dim3A_712] : memref<128x16xf32, #tpu.memory_space<vmem>>[vector<16xi32>, vector<16xi32>], vector<16xf32>,
      %add3A_714 = arith.addf %add3A_710, %gather3A_713 : vector<16xf32>
      %broadcast_in_dim3A_715 = arith.constant 5 : i32
      %broadcast_in_dim3A_716 = vector.broadcast %broadcast_in_dim3A_715 : i32 to vector<16xi32>
      %gather3A_717 = tpu.vector_load_idx %arg15[%add3A_694, %broadcast_in_dim3A_716] : memref<128x16xf32, #tpu.memory_space<vmem>>[vector<16xi32>, vector<16xi32>], vector<16xf32>,
      %add3A_718 = arith.addf %add3A_714, %gather3A_717 : vector<16xf32>
      %broadcast_in_dim3A_719 = arith.constant 6 : i32
      %broadcast_in_dim3A_720 = vector.broadcast %broadcast_in_dim3A_719 : i32 to vector<16xi32>
      %gather3A_721 = tpu.vector_load_idx %arg15[%add3A_694, %broadcast_in_dim3A_720] : memref<128x16xf32, #tpu.memory_space<vmem>>[vector<16xi32>, vector<16xi32>], vector<16xf32>,
      %add3A_722 = arith.addf %add3A_718, %gather3A_721 : vector<16xf32>
      %broadcast_in_dim3A_723 = arith.constant 7 : i32
      %broadcast_in_dim3A_724 = vector.broadcast %broadcast_in_dim3A_723 : i32 to vector<16xi32>
      %gather3A_725 = tpu.vector_load_idx %arg15[%add3A_694, %broadcast_in_dim3A_724] : memref<128x16xf32, #tpu.memory_space<vmem>>[vector<16xi32>, vector<16xi32>], vector<16xf32>,
      %add3A_726 = arith.addf %add3A_722, %gather3A_725 : vector<16xf32>
      %broadcast_in_dim3A_727 = arith.constant 8 : i32
      %broadcast_in_dim3A_728 = vector.broadcast %broadcast_in_dim3A_727 : i32 to vector<16xi32>
      %gather3A_729 = tpu.vector_load_idx %arg15[%add3A_694, %broadcast_in_dim3A_728] : memref<128x16xf32, #tpu.memory_space<vmem>>[vector<16xi32>, vector<16xi32>], vector<16xf32>,
      %add3A_730 = arith.addf %add3A_726, %gather3A_729 : vector<16xf32>
      %broadcast_in_dim3A_731 = arith.constant 9 : i32
      %broadcast_in_dim3A_732 = vector.broadcast %broadcast_in_dim3A_731 : i32 to vector<16xi32>
      %gather3A_733 = tpu.vector_load_idx %arg15[%add3A_694, %broadcast_in_dim3A_732] : memref<128x16xf32, #tpu.memory_space<vmem>>[vector<16xi32>, vector<16xi32>], vector<16xf32>,
      %add3A_734 = arith.addf %add3A_730, %gather3A_733 : vector<16xf32>
      %broadcast_in_dim3A_735 = arith.constant 10 : i32
      %broadcast_in_dim3A_736 = vector.broadcast %broadcast_in_dim3A_735 : i32 to vector<16xi32>
      %gather3A_737 = tpu.vector_load_idx %arg15[%add3A_694, %broadcast_in_dim3A_736] : memref<128x16xf32, #tpu.memory_space<vmem>>[vector<16xi32>, vector<16xi32>], vector<16xf32>,
      %add3A_738 = arith.addf %add3A_734, %gather3A_737 : vector<16xf32>
      %broadcast_in_dim3A_739 = arith.constant 11 : i32
      %broadcast_in_dim3A_740 = vector.broadcast %broadcast_in_dim3A_739 : i32 to vector<16xi32>
      %gather3A_741 = tpu.vector_load_idx %arg15[%add3A_694, %broadcast_in_dim3A_740] : memref<128x16xf32, #tpu.memory_space<vmem>>[vector<16xi32>, vector<16xi32>], vector<16xf32>,
      %add3A_742 = arith.addf %add3A_738, %gather3A_741 : vector<16xf32>
      %broadcast_in_dim3A_743 = arith.constant 12 : i32
      %broadcast_in_dim3A_744 = vector.broadcast %broadcast_in_dim3A_743 : i32 to vector<16xi32>
      %gather3A_745 = tpu.vector_load_idx %arg15[%add3A_694, %broadcast_in_dim3A_744] : memref<128x16xf32, #tpu.memory_space<vmem>>[vector<16xi32>, vector<16xi32>], vector<16xf32>,
      %add3A_746 = arith.addf %add3A_742, %gather3A_745 : vector<16xf32>
      %broadcast_in_dim3A_747 = arith.constant 13 : i32
      %broadcast_in_dim3A_748 = vector.broadcast %broadcast_in_dim3A_747 : i32 to vector<16xi32>
      %gather3A_749 = tpu.vector_load_idx %arg15[%add3A_694, %broadcast_in_dim3A_748] : memref<128x16xf32, #tpu.memory_space<vmem>>[vector<16xi32>, vector<16xi32>], vector<16xf32>,
      %add3A_750 = arith.addf %add3A_746, %gather3A_749 : vector<16xf32>
      %broadcast_in_dim3A_751 = arith.constant 14 : i32
      %broadcast_in_dim3A_752 = vector.broadcast %broadcast_in_dim3A_751 : i32 to vector<16xi32>
      %gather3A_753 = tpu.vector_load_idx %arg15[%add3A_694, %broadcast_in_dim3A_752] : memref<128x16xf32, #tpu.memory_space<vmem>>[vector<16xi32>, vector<16xi32>], vector<16xf32>,
      %add3A_754 = arith.addf %add3A_750, %gather3A_753 : vector<16xf32>
      %broadcast_in_dim3A_755 = arith.constant 15 : i32
      %broadcast_in_dim3A_756 = vector.broadcast %broadcast_in_dim3A_755 : i32 to vector<16xi32>
      %gather3A_757 = tpu.vector_load_idx %arg15[%add3A_694, %broadcast_in_dim3A_756] : memref<128x16xf32, #tpu.memory_space<vmem>>[vector<16xi32>, vector<16xi32>], vector<16xf32>,
      %add3A_758 = arith.addf %add3A_754, %gather3A_757 : vector<16xf32>
      %exp3A_759 = math.exp %add3A_758 : vector<16xf32>
      %swap3A_760 = arith.constant 96 : index
      %swap3A_761 = tpu.vector_load %arg16[%swap3A_760] {strides = array<i32>} : memref<128xf32, #tpu.memory_space<vmem>>, vector<16xf32>,
      tpu.vector_store %arg16[%swap3A_760], %exp3A_759 {strides = array<i32>} : memref<128xf32, #tpu.memory_space<vmem>>, vector<16xf32>,
      %add3A_762 = arith.constant 112 : i32
      %add3A_763 = vector.broadcast %add3A_762 : i32 to vector<16xi32>
      %add3A_764 = arith.addi %add3A_763, %iota3A : vector<16xi32>
      %broadcast_in_dim3A_765 = arith.constant 0 : i32
      %broadcast_in_dim3A_766 = vector.broadcast %broadcast_in_dim3A_765 : i32 to vector<16xi32>
      %gather3A_767 = tpu.vector_load_idx %arg15[%add3A_764, %broadcast_in_dim3A_766] : memref<128x16xf32, #tpu.memory_space<vmem>>[vector<16xi32>, vector<16xi32>], vector<16xf32>,
      %add3A_768 = arith.addf %broadcast_in_dim3A_0, %gather3A_767 : vector<16xf32>
      %broadcast_in_dim3A_769 = arith.constant 1 : i32
      %broadcast_in_dim3A_770 = vector.broadcast %broadcast_in_dim3A_769 : i32 to vector<16xi32>
      %gather3A_771 = tpu.vector_load_idx %arg15[%add3A_764, %broadcast_in_dim3A_770] : memref<128x16xf32, #tpu.memory_space<vmem>>[vector<16xi32>, vector<16xi32>], vector<16xf32>,
      %add3A_772 = arith.addf %add3A_768, %gather3A_771 : vector<16xf32>
      %broadcast_in_dim3A_773 = arith.constant 2 : i32
      %broadcast_in_dim3A_774 = vector.broadcast %broadcast_in_dim3A_773 : i32 to vector<16xi32>
      %gather3A_775 = tpu.vector_load_idx %arg15[%add3A_764, %broadcast_in_dim3A_774] : memref<128x16xf32, #tpu.memory_space<vmem>>[vector<16xi32>, vector<16xi32>], vector<16xf32>,
      %add3A_776 = arith.addf %add3A_772, %gather3A_775 : vector<16xf32>
      %broadcast_in_dim3A_777 = arith.constant 3 : i32
      %broadcast_in_dim3A_778 = vector.broadcast %broadcast_in_dim3A_777 : i32 to vector<16xi32>
      %gather3A_779 = tpu.vector_load_idx %arg15[%add3A_764, %broadcast_in_dim3A_778] : memref<128x16xf32, #tpu.memory_space<vmem>>[vector<16xi32>, vector<16xi32>], vector<16xf32>,
      %add3A_780 = arith.addf %add3A_776, %gather3A_779 : vector<16xf32>
      %broadcast_in_dim3A_781 = arith.constant 4 : i32
      %broadcast_in_dim3A_782 = vector.broadcast %broadcast_in_dim3A_781 : i32 to vector<16xi32>
      %gather3A_783 = tpu.vector_load_idx %arg15[%add3A_764, %broadcast_in_dim3A_782] : memref<128x16xf32, #tpu.memory_space<vmem>>[vector<16xi32>, vector<16xi32>], vector<16xf32>,
      %add3A_784 = arith.addf %add3A_780, %gather3A_783 : vector<16xf32>
      %broadcast_in_dim3A_785 = arith.constant 5 : i32
      %broadcast_in_dim3A_786 = vector.broadcast %broadcast_in_dim3A_785 : i32 to vector<16xi32>
      %gather3A_787 = tpu.vector_load_idx %arg15[%add3A_764, %broadcast_in_dim3A_786] : memref<128x16xf32, #tpu.memory_space<vmem>>[vector<16xi32>, vector<16xi32>], vector<16xf32>,
      %add3A_788 = arith.addf %add3A_784, %gather3A_787 : vector<16xf32>
      %broadcast_in_dim3A_789 = arith.constant 6 : i32
      %broadcast_in_dim3A_790 = vector.broadcast %broadcast_in_dim3A_789 : i32 to vector<16xi32>
      %gather3A_791 = tpu.vector_load_idx %arg15[%add3A_764, %broadcast_in_dim3A_790] : memref<128x16xf32, #tpu.memory_space<vmem>>[vector<16xi32>, vector<16xi32>], vector<16xf32>,
      %add3A_792 = arith.addf %add3A_788, %gather3A_791 : vector<16xf32>
      %broadcast_in_dim3A_793 = arith.constant 7 : i32
      %broadcast_in_dim3A_794 = vector.broadcast %broadcast_in_dim3A_793 : i32 to vector<16xi32>
      %gather3A_795 = tpu.vector_load_idx %arg15[%add3A_764, %broadcast_in_dim3A_794] : memref<128x16xf32, #tpu.memory_space<vmem>>[vector<16xi32>, vector<16xi32>], vector<16xf32>,
      %add3A_796 = arith.addf %add3A_792, %gather3A_795 : vector<16xf32>
      %broadcast_in_dim3A_797 = arith.constant 8 : i32
      %broadcast_in_dim3A_798 = vector.broadcast %broadcast_in_dim3A_797 : i32 to vector<16xi32>
      %gather3A_799 = tpu.vector_load_idx %arg15[%add3A_764, %broadcast_in_dim3A_798] : memref<128x16xf32, #tpu.memory_space<vmem>>[vector<16xi32>, vector<16xi32>], vector<16xf32>,
      %add3A_800 = arith.addf %add3A_796, %gather3A_799 : vector<16xf32>
      %broadcast_in_dim3A_801 = arith.constant 9 : i32
      %broadcast_in_dim3A_802 = vector.broadcast %broadcast_in_dim3A_801 : i32 to vector<16xi32>
      %gather3A_803 = tpu.vector_load_idx %arg15[%add3A_764, %broadcast_in_dim3A_802] : memref<128x16xf32, #tpu.memory_space<vmem>>[vector<16xi32>, vector<16xi32>], vector<16xf32>,
      %add3A_804 = arith.addf %add3A_800, %gather3A_803 : vector<16xf32>
      %broadcast_in_dim3A_805 = arith.constant 10 : i32
      %broadcast_in_dim3A_806 = vector.broadcast %broadcast_in_dim3A_805 : i32 to vector<16xi32>
      %gather3A_807 = tpu.vector_load_idx %arg15[%add3A_764, %broadcast_in_dim3A_806] : memref<128x16xf32, #tpu.memory_space<vmem>>[vector<16xi32>, vector<16xi32>], vector<16xf32>,
      %add3A_808 = arith.addf %add3A_804, %gather3A_807 : vector<16xf32>
      %broadcast_in_dim3A_809 = arith.constant 11 : i32
      %broadcast_in_dim3A_810 = vector.broadcast %broadcast_in_dim3A_809 : i32 to vector<16xi32>
      %gather3A_811 = tpu.vector_load_idx %arg15[%add3A_764, %broadcast_in_dim3A_810] : memref<128x16xf32, #tpu.memory_space<vmem>>[vector<16xi32>, vector<16xi32>], vector<16xf32>,
      %add3A_812 = arith.addf %add3A_808, %gather3A_811 : vector<16xf32>
      %broadcast_in_dim3A_813 = arith.constant 12 : i32
      %broadcast_in_dim3A_814 = vector.broadcast %broadcast_in_dim3A_813 : i32 to vector<16xi32>
      %gather3A_815 = tpu.vector_load_idx %arg15[%add3A_764, %broadcast_in_dim3A_814] : memref<128x16xf32, #tpu.memory_space<vmem>>[vector<16xi32>, vector<16xi32>], vector<16xf32>,
      %add3A_816 = arith.addf %add3A_812, %gather3A_815 : vector<16xf32>
      %broadcast_in_dim3A_817 = arith.constant 13 : i32
      %broadcast_in_dim3A_818 = vector.broadcast %broadcast_in_dim3A_817 : i32 to vector<16xi32>
      %gather3A_819 = tpu.vector_load_idx %arg15[%add3A_764, %broadcast_in_dim3A_818] : memref<128x16xf32, #tpu.memory_space<vmem>>[vector<16xi32>, vector<16xi32>], vector<16xf32>,
      %add3A_820 = arith.addf %add3A_816, %gather3A_819 : vector<16xf32>
      %broadcast_in_dim3A_821 = arith.constant 14 : i32
      %broadcast_in_dim3A_822 = vector.broadcast %broadcast_in_dim3A_821 : i32 to vector<16xi32>
      %gather3A_823 = tpu.vector_load_idx %arg15[%add3A_764, %broadcast_in_dim3A_822] : memref<128x16xf32, #tpu.memory_space<vmem>>[vector<16xi32>, vector<16xi32>], vector<16xf32>,
      %add3A_824 = arith.addf %add3A_820, %gather3A_823 : vector<16xf32>
      %broadcast_in_dim3A_825 = arith.constant 15 : i32
      %broadcast_in_dim3A_826 = vector.broadcast %broadcast_in_dim3A_825 : i32 to vector<16xi32>
      %gather3A_827 = tpu.vector_load_idx %arg15[%add3A_764, %broadcast_in_dim3A_826] : memref<128x16xf32, #tpu.memory_space<vmem>>[vector<16xi32>, vector<16xi32>], vector<16xf32>,
      %add3A_828 = arith.addf %add3A_824, %gather3A_827 : vector<16xf32>
      %exp3A_829 = math.exp %add3A_828 : vector<16xf32>
      %swap3A_830 = arith.constant 112 : index
      %swap3A_831 = tpu.vector_load %arg16[%swap3A_830] {strides = array<i32>} : memref<128xf32, #tpu.memory_space<vmem>>, vector<16xf32>,
      tpu.vector_store %arg16[%swap3A_830], %exp3A_829 {strides = array<i32>} : memref<128xf32, #tpu.memory_space<vmem>>, vector<16xf32>,
      %scan3A_832 = arith.constant 0 : i32
      %scan3A_833 = arith.constant 128 : i32
      %scan3A_834 = arith.addi %scan3A_832, %scan3A_833 : i32
      %scan3A_835 = arith.constant 1 : i32
      scf.for %scan3A_837 = %scan3A_832 to %scan3A_834 step %scan3A_835  : i32 {
        %mul3A_838 = arith.constant 1 : i32
        %mul3A_839 = arith.muli %scan3A_837, %mul3A_838 : i32
        %add3A_840 = arith.constant 0 : i32
        %add3A_841 = arith.addi %add3A_840, %mul3A_839 : i32
        %broadcast_in_dim3A_842 = vector.broadcast %add3A_841 : i32 to vector<16xi32>
        %gather3A_843 = tpu.vector_load_idx %arg16[%broadcast_in_dim3A_842] : memref<128xf32, #tpu.memory_space<vmem>>[vector<16xi32>], vector<16xf32>,
        %get3A_844 = arith.index_cast %add3A_841 : i32 to index
        %get3A_845 = arith.constant 0 : index
        %get3A_846 = tpu.vector_load %arg13[%get3A_844, %get3A_845] {strides = array<i32>} : memref<128x128xf32, #tpu.memory_space<vmem>>, vector<16xf32>,
        %mul3A_847 = arith.mulf %get3A_846, %gather3A_843 : vector<16xf32>
        %swap3A_848 = arith.index_cast %add3A_841 : i32 to index
        %swap3A_849 = arith.constant 0 : index
        %swap3A_850 = tpu.vector_load %arg13[%swap3A_848, %swap3A_849] {strides = array<i32>} : memref<128x128xf32, #tpu.memory_space<vmem>>, vector<16xf32>,
        tpu.vector_store %arg13[%swap3A_848, %swap3A_849], %mul3A_847 {strides = array<i32>} : memref<128x128xf32, #tpu.memory_space<vmem>>, vector<16xf32>,
        %get3A_851 = arith.index_cast %add3A_841 : i32 to index
        %get3A_852 = arith.constant 16 : index
        %get3A_853 = tpu.vector_load %arg13[%get3A_851, %get3A_852] {strides = array<i32>} : memref<128x128xf32, #tpu.memory_space<vmem>>, vector<16xf32>,
        %mul3A_854 = arith.mulf %get3A_853, %gather3A_843 : vector<16xf32>
        %swap3A_855 = arith.index_cast %add3A_841 : i32 to index
        %swap3A_856 = arith.constant 16 : index
        %swap3A_857 = tpu.vector_load %arg13[%swap3A_855, %swap3A_856] {strides = array<i32>} : memref<128x128xf32, #tpu.memory_space<vmem>>, vector<16xf32>,
        tpu.vector_store %arg13[%swap3A_855, %swap3A_856], %mul3A_854 {strides = array<i32>} : memref<128x128xf32, #tpu.memory_space<vmem>>, vector<16xf32>,
        %get3A_858 = arith.index_cast %add3A_841 : i32 to index
        %get3A_859 = arith.constant 32 : index
        %get3A_860 = tpu.vector_load %arg13[%get3A_858, %get3A_859] {strides = array<i32>} : memref<128x128xf32, #tpu.memory_space<vmem>>, vector<16xf32>,
        %mul3A_861 = arith.mulf %get3A_860, %gather3A_843 : vector<16xf32>
        %swap3A_862 = arith.index_cast %add3A_841 : i32 to index
        %swap3A_863 = arith.constant 32 : index
        %swap3A_864 = tpu.vector_load %arg13[%swap3A_862, %swap3A_863] {strides = array<i32>} : memref<128x128xf32, #tpu.memory_space<vmem>>, vector<16xf32>,
        tpu.vector_store %arg13[%swap3A_862, %swap3A_863], %mul3A_861 {strides = array<i32>} : memref<128x128xf32, #tpu.memory_space<vmem>>, vector<16xf32>,
        %get3A_865 = arith.index_cast %add3A_841 : i32 to index
        %get3A_866 = arith.constant 48 : index
        %get3A_867 = tpu.vector_load %arg13[%get3A_865, %get3A_866] {strides = array<i32>} : memref<128x128xf32, #tpu.memory_space<vmem>>, vector<16xf32>,
        %mul3A_868 = arith.mulf %get3A_867, %gather3A_843 : vector<16xf32>
        %swap3A_869 = arith.index_cast %add3A_841 : i32 to index
        %swap3A_870 = arith.constant 48 : index
        %swap3A_871 = tpu.vector_load %arg13[%swap3A_869, %swap3A_870] {strides = array<i32>} : memref<128x128xf32, #tpu.memory_space<vmem>>, vector<16xf32>,
        tpu.vector_store %arg13[%swap3A_869, %swap3A_870], %mul3A_868 {strides = array<i32>} : memref<128x128xf32, #tpu.memory_space<vmem>>, vector<16xf32>,
        %eq3A = arith.constant 0 : i32
        %eq3A_872 = vector.broadcast %eq3A : i32 to vector<16xi32>
        %eq3A_873 = arith.cmpi eq, %iota3A, %eq3A_872 : vector<16xi32>
        %jit3A = arith.constant 0.000000e+00 : f32
        %broadcast_in_dim3A_874 = vector.broadcast %jit3A : f32 to vector<16xf32>
        %select_n3A_875 = arith.select %eq3A_873, %gather3A_843, %broadcast_in_dim3A_874 : vector<16xi1>, vector<16xf32>
        %swap3A_876 = arith.index_cast %add3A_841 : i32 to index
        %swap3A_877 = arith.constant 64 : index
        %swap3A_878 = tpu.vector_load %arg13[%swap3A_876, %swap3A_877] {strides = array<i32>} : memref<128x128xf32, #tpu.memory_space<vmem>>, vector<16xf32>,
        tpu.vector_store %arg13[%swap3A_876, %swap3A_877], %select_n3A_875 {strides = array<i32>} : memref<128x128xf32, #tpu.memory_space<vmem>>, vector<16xf32>,
      }
      %scan3A_836 = arith.constant 128 : i32
      "tpu.region"() ({
        %run_scoped3A = tpu.sem_alloc : memref<!tpu.dma_semaphore, #tpu.memory_space<semaphore_mem>>
        %dma_start3A_837 = arith.constant 0 : i32
        %dma_start3A_838 = arith.constant 0 : i32
        %dma_start3A_839 = tpu.memref_slice %arg19[%dma_start3A_837, %dma_start3A_838] : memref<5136x128xf32, #tpu.memory_space<vmem_shared>> -> memref<5136x128xf32, #tpu.memory_space<vmem_shared>>
        tpu.enqueue_indirect_dma source(%arg13 : memref<128x128xf32, #tpu.memory_space<vmem>>) target(%dma_start3A_839 : memref<5136x128xf32, #tpu.memory_space<vmem_shared>>) offsets(%arg12 : memref<128xi32, #tpu.memory_space<vmem>>) semaphore(%run_scoped3A : memref<!tpu.dma_semaphore, #tpu.memory_space<semaphore_mem>>) {add = true}
        %dma_wait3A_840 = arith.constant 0 : i32
        %dma_wait3A_841 = arith.constant 0 : i32
        %dma_wait3A_842 = tpu.memref_slice %arg19[%dma_wait3A_840, %dma_wait3A_841] : memref<5136x128xf32, #tpu.memory_space<vmem_shared>> -> memref<5136x128xf32, #tpu.memory_space<vmem_shared>>
        tpu.wait_indirect_dma semaphore(%run_scoped3A : memref<!tpu.dma_semaphore, #tpu.memory_space<semaphore_mem>>) src(%arg13 : memref<128x128xf32, #tpu.memory_space<vmem>>) dst(%dma_wait3A_842 : memref<5136x128xf32, #tpu.memory_space<vmem_shared>>)
        tpu.yield
      }) : () -> ()
    }
    %scan3A_32 = arith.constant 84 : i32
    %barrier3A_33 = arith.constant 0 : index
    tpu.barrier barrier_id(%barrier3A_33)
    %mul3A_34 = arith.constant 320 : i32
    %mul3A_35 = arith.muli %arg1, %mul3A_34 : i32
    %mul3A_36 = arith.constant 320 : i32
    %mul3A_37 = arith.muli %arg1, %mul3A_36 : i32
    %add3A = arith.addi %mul3A_1, %mul3A_37 : i32
    "tpu.region"() ({
      %run_scoped3A = tpu.sem_alloc : memref<!tpu.dma_semaphore, #tpu.memory_space<semaphore_mem>>
      %dma_start3A = arith.constant 0 : i32
      %dma_start3A_38 = tpu.memref_slice %arg7[%add3A, %dma_start3A] : memref<10240x128xf32, #tpu.memory_space<hbm>> -> memref<320x128xf32, #tpu.memory_space<hbm>>
      %dma_start3A_39 = arith.constant 0 : i32
      %dma_start3A_40 = tpu.memref_slice %arg19[%mul3A_35, %dma_start3A_39] : memref<5136x128xf32, #tpu.memory_space<vmem_shared>> -> memref<320x128xf32, #tpu.memory_space<vmem_shared>>
      tpu.enqueue_dma source(%dma_start3A_40 : memref<320x128xf32, #tpu.memory_space<vmem_shared>>) target(%dma_start3A_38 : memref<320x128xf32, #tpu.memory_space<hbm>>) target_semaphore(%run_scoped3A : memref<!tpu.dma_semaphore, #tpu.memory_space<semaphore_mem>>)
      %dma_wait3A = arith.constant 0 : i32
      %dma_wait3A_41 = tpu.memref_slice %arg7[%add3A, %dma_wait3A] : memref<10240x128xf32, #tpu.memory_space<hbm>> -> memref<320x128xf32, #tpu.memory_space<hbm>>
      %dma_wait3A_42 = arith.constant 0 : i32
      %dma_wait3A_43 = tpu.memref_slice %arg19[%mul3A_35, %dma_wait3A_42] : memref<5136x128xf32, #tpu.memory_space<vmem_shared>> -> memref<320x128xf32, #tpu.memory_space<vmem_shared>>
      tpu.wait_dma2 semaphore(%run_scoped3A : memref<!tpu.dma_semaphore, #tpu.memory_space<semaphore_mem>>) src(%dma_wait3A_43 : memref<320x128xf32, #tpu.memory_space<vmem_shared>>) dst(%dma_wait3A_41 : memref<320x128xf32, #tpu.memory_space<hbm>>)
      tpu.yield
    }) : () -> ()
    return
  }
}

#map = affine_map<(d0, d1) -> (0, 0)>
#map1 = affine_map<(d0, d1) -> (0)>
module attributes {stable_mosaic.version = 14 : i64} {
  func.func @_sc_layer1(%arg0: i32, %arg1: i32, %arg2: memref<81920x128xf32, #tpu.memory_space<hbm>>, %arg3: memref<81920x128xf32, #tpu.memory_space<hbm>>, %arg4: memref<172032xi32, #tpu.memory_space<hbm>>, %arg5: memref<172032xi32, #tpu.memory_space<hbm>>, %arg6: memref<8x128xf32, #tpu.memory_space<hbm>>, %arg7: memref<81920x128xf32, #tpu.memory_space<hbm>>, %arg8: memref<640x128xf32, #tpu.memory_space<hbm>>, %arg9: memref<128xi32, #tpu.memory_space<vmem>>, %arg10: memref<128xi32, #tpu.memory_space<vmem>>, %arg11: memref<128xi32, #tpu.memory_space<vmem>>, %arg12: memref<128xi32, #tpu.memory_space<vmem>>, %arg13: memref<128xi32, #tpu.memory_space<vmem>>, %arg14: memref<128x128xf32, #tpu.memory_space<vmem>>, %arg15: memref<128x128xf32, #tpu.memory_space<vmem>>, %arg16: memref<128x16xf32, #tpu.memory_space<vmem>>, %arg17: memref<128xf32, #tpu.memory_space<vmem>>, %arg18: memref<84x128xf32, #tpu.memory_space<vmem>>, %arg19: memref<128xf32, #tpu.memory_space<vmem>>, %arg20: memref<16x128xf32, #tpu.memory_space<vmem>>, %arg21: memref<48x128xf32, #tpu.memory_space<vmem>>, %arg22: memref<48xi32, #tpu.memory_space<vmem>>, %arg23: memref<5136x128xf32, #tpu.memory_space<vmem_shared>>, %arg24: memref<48x128xf32, #tpu.memory_space<vmem_shared>>, %arg25: memref<!tpu.dma_semaphore, #tpu.memory_space<semaphore_mem>>, %arg26: memref<!tpu.dma_semaphore, #tpu.memory_space<semaphore_mem>>) attributes {dimension_semantics = [#tpu.dimension_semantics<core_parallel>, #tpu.dimension_semantics<subcore_parallel>], iteration_bounds = array<i64: 2, 16>, scalar_prefetch = 0 : i64, scratch_operands = 18 : i64, tpu.core_type = #tpu.core_type<sc_vector_subcore>, window_params = [{transform_indices = #map}, {transform_indices = #map}, {transform_indices = #map1}, {transform_indices = #map1}, {transform_indices = #map}, {transform_indices = #map}, {transform_indices = #map}]} {
    %iota3A = tpu.iota {dimensions = array<i32: 0>} : vector<16xi32>
    %broadcast_in_dim3A = arith.constant 0.000000e+00 : f32
    %broadcast_in_dim3A_0 = vector.broadcast %broadcast_in_dim3A : f32 to vector<16xf32>
    %scan3A = arith.constant 0 : i32
    %scan3A_1 = arith.constant 16 : i32
    %scan3A_2 = arith.addi %scan3A, %scan3A_1 : i32
    %scan3A_3 = arith.constant 1 : i32
    scf.for %scan3A_23 = %scan3A to %scan3A_2 step %scan3A_3  : i32 {
      %mul3A = arith.constant 1 : i32
      %mul3A_24 = arith.muli %scan3A_23, %mul3A : i32
      %add3A_25 = arith.constant 0 : i32
      %add3A_26 = arith.addi %add3A_25, %mul3A_24 : i32
      %swap3A_27 = arith.index_cast %add3A_26 : i32 to index
      %swap3A_28 = arith.constant 0 : index
      %swap3A_29 = tpu.vector_load %arg20[%swap3A_27, %swap3A_28] {strides = array<i32>} : memref<16x128xf32, #tpu.memory_space<vmem>>, vector<16xf32>,
      tpu.vector_store %arg20[%swap3A_27, %swap3A_28], %broadcast_in_dim3A_0 {strides = array<i32>} : memref<16x128xf32, #tpu.memory_space<vmem>>, vector<16xf32>,
      %swap3A_30 = arith.index_cast %add3A_26 : i32 to index
      %swap3A_31 = arith.constant 16 : index
      %swap3A_32 = tpu.vector_load %arg20[%swap3A_30, %swap3A_31] {strides = array<i32>} : memref<16x128xf32, #tpu.memory_space<vmem>>, vector<16xf32>,
      tpu.vector_store %arg20[%swap3A_30, %swap3A_31], %broadcast_in_dim3A_0 {strides = array<i32>} : memref<16x128xf32, #tpu.memory_space<vmem>>, vector<16xf32>,
      %swap3A_33 = arith.index_cast %add3A_26 : i32 to index
      %swap3A_34 = arith.constant 32 : index
      %swap3A_35 = tpu.vector_load %arg20[%swap3A_33, %swap3A_34] {strides = array<i32>} : memref<16x128xf32, #tpu.memory_space<vmem>>, vector<16xf32>,
      tpu.vector_store %arg20[%swap3A_33, %swap3A_34], %broadcast_in_dim3A_0 {strides = array<i32>} : memref<16x128xf32, #tpu.memory_space<vmem>>, vector<16xf32>,
      %swap3A_36 = arith.index_cast %add3A_26 : i32 to index
      %swap3A_37 = arith.constant 48 : index
      %swap3A_38 = tpu.vector_load %arg20[%swap3A_36, %swap3A_37] {strides = array<i32>} : memref<16x128xf32, #tpu.memory_space<vmem>>, vector<16xf32>,
      tpu.vector_store %arg20[%swap3A_36, %swap3A_37], %broadcast_in_dim3A_0 {strides = array<i32>} : memref<16x128xf32, #tpu.memory_space<vmem>>, vector<16xf32>,
      %swap3A_39 = arith.index_cast %add3A_26 : i32 to index
      %swap3A_40 = arith.constant 64 : index
      %swap3A_41 = tpu.vector_load %arg20[%swap3A_39, %swap3A_40] {strides = array<i32>} : memref<16x128xf32, #tpu.memory_space<vmem>>, vector<16xf32>,
      tpu.vector_store %arg20[%swap3A_39, %swap3A_40], %broadcast_in_dim3A_0 {strides = array<i32>} : memref<16x128xf32, #tpu.memory_space<vmem>>, vector<16xf32>,
      %swap3A_42 = arith.index_cast %add3A_26 : i32 to index
      %swap3A_43 = arith.constant 80 : index
      %swap3A_44 = tpu.vector_load %arg20[%swap3A_42, %swap3A_43] {strides = array<i32>} : memref<16x128xf32, #tpu.memory_space<vmem>>, vector<16xf32>,
      tpu.vector_store %arg20[%swap3A_42, %swap3A_43], %broadcast_in_dim3A_0 {strides = array<i32>} : memref<16x128xf32, #tpu.memory_space<vmem>>, vector<16xf32>,
      %swap3A_45 = arith.index_cast %add3A_26 : i32 to index
      %swap3A_46 = arith.constant 96 : index
      %swap3A_47 = tpu.vector_load %arg20[%swap3A_45, %swap3A_46] {strides = array<i32>} : memref<16x128xf32, #tpu.memory_space<vmem>>, vector<16xf32>,
      tpu.vector_store %arg20[%swap3A_45, %swap3A_46], %broadcast_in_dim3A_0 {strides = array<i32>} : memref<16x128xf32, #tpu.memory_space<vmem>>, vector<16xf32>,
      %swap3A_48 = arith.index_cast %add3A_26 : i32 to index
      %swap3A_49 = arith.constant 112 : index
      %swap3A_50 = tpu.vector_load %arg20[%swap3A_48, %swap3A_49] {strides = array<i32>} : memref<16x128xf32, #tpu.memory_space<vmem>>, vector<16xf32>,
      tpu.vector_store %arg20[%swap3A_48, %swap3A_49], %broadcast_in_dim3A_0 {strides = array<i32>} : memref<16x128xf32, #tpu.memory_space<vmem>>, vector<16xf32>,
    }
    %scan3A_4 = arith.constant 16 : i32
    %add3A = arith.constant 0 : i32
    %add3A_5 = vector.broadcast %add3A : i32 to vector<16xi32>
    %add3A_6 = arith.addi %iota3A, %add3A_5 : vector<16xi32>
    %swap3A = arith.constant 0 : index
    %swap3A_7 = tpu.vector_load %arg22[%swap3A] {strides = array<i32>} : memref<48xi32, #tpu.memory_space<vmem>>, vector<16xi32>,
    tpu.vector_store %arg22[%swap3A], %add3A_6 {strides = array<i32>} : memref<48xi32, #tpu.memory_space<vmem>>, vector<16xi32>,
    %add3A_8 = arith.constant 16 : i32
    %add3A_9 = vector.broadcast %add3A_8 : i32 to vector<16xi32>
    %add3A_10 = arith.addi %iota3A, %add3A_9 : vector<16xi32>
    %swap3A_11 = arith.constant 16 : index
    %swap3A_12 = tpu.vector_load %arg22[%swap3A_11] {strides = array<i32>} : memref<48xi32, #tpu.memory_space<vmem>>, vector<16xi32>,
    tpu.vector_store %arg22[%swap3A_11], %add3A_10 {strides = array<i32>} : memref<48xi32, #tpu.memory_space<vmem>>, vector<16xi32>,
    %add3A_13 = arith.constant 32 : i32
    %add3A_14 = vector.broadcast %add3A_13 : i32 to vector<16xi32>
    %add3A_15 = arith.addi %iota3A, %add3A_14 : vector<16xi32>
    %swap3A_16 = arith.constant 32 : index
    %swap3A_17 = tpu.vector_load %arg22[%swap3A_16] {strides = array<i32>} : memref<48xi32, #tpu.memory_space<vmem>>, vector<16xi32>,
    tpu.vector_store %arg22[%swap3A_16], %add3A_15 {strides = array<i32>} : memref<48xi32, #tpu.memory_space<vmem>>, vector<16xi32>,
    %scan3A_18 = arith.constant 0 : i32
    %scan3A_19 = arith.constant 8 : i32
    %scan3A_20 = arith.addi %scan3A_18, %scan3A_19 : i32
    %scan3A_21 = arith.constant 1 : i32
    scf.for %scan3A_23 = %scan3A_18 to %scan3A_20 step %scan3A_21  : i32 {
      %mul3A = arith.constant 1 : i32
      %mul3A_24 = arith.muli %scan3A_23, %mul3A : i32
      %add3A_25 = arith.constant 0 : i32
      %add3A_26 = arith.addi %add3A_25, %mul3A_24 : i32
      %shift_right_arithmetic3A = arith.constant 1 : i32
      %shift_right_arithmetic3A_27 = arith.shrsi %add3A_26, %shift_right_arithmetic3A : i32
      %and3A = arith.constant 1 : i32
      %and3A_28 = arith.andi %add3A_26, %and3A : i32
      %mul3A_29 = arith.constant 4 : i32
      %mul3A_30 = arith.muli %arg0, %mul3A_29 : i32
      %add3A_31 = arith.addi %mul3A_30, %shift_right_arithmetic3A_27 : i32
      %mul3A_32 = arith.constant 10240 : i32
      %mul3A_33 = arith.muli %add3A_31, %mul3A_32 : i32
      %mul3A_34 = arith.constant 5120 : i32
      %mul3A_35 = arith.muli %and3A_28, %mul3A_34 : i32
      "tpu.region"() ({
        %run_scoped3A = tpu.sem_alloc : memref<!tpu.dma_semaphore, #tpu.memory_space<semaphore_mem>>
        %dma_start3A = arith.constant 0 : i32
        %dma_start3A_85 = tpu.memref_slice %arg6[%add3A_31, %dma_start3A] : memref<8x128xf32, #tpu.memory_space<hbm>> -> memref<1x128xf32, #tpu.memory_space<hbm>>
        %dma_start3A_86 = tpu.memref_squeeze %dma_start3A_85 : memref<1x128xf32, #tpu.memory_space<hbm>> -> memref<128xf32, #tpu.memory_space<hbm>>
        %dma_start3A_87 = arith.constant 0 : i32
        %dma_start3A_88 = tpu.memref_slice %arg6[%add3A_31, %dma_start3A_87] : memref<8x128xf32, #tpu.memory_space<hbm>> -> memref<1x128xf32, #tpu.memory_space<hbm>>
        %dma_start3A_89 = tpu.memref_squeeze %dma_start3A_88 : memref<1x128xf32, #tpu.memory_space<hbm>> -> memref<128xf32, #tpu.memory_space<hbm>>
        tpu.enqueue_dma source(%dma_start3A_89 : memref<128xf32, #tpu.memory_space<hbm>>) target(%arg19 : memref<128xf32, #tpu.memory_space<vmem>>) target_semaphore(%run_scoped3A : memref<!tpu.dma_semaphore, #tpu.memory_space<semaphore_mem>>)
        %dma_wait3A = arith.constant 0 : i32
        %dma_wait3A_90 = tpu.memref_slice %arg6[%add3A_31, %dma_wait3A] : memref<8x128xf32, #tpu.memory_space<hbm>> -> memref<1x128xf32, #tpu.memory_space<hbm>>
        %dma_wait3A_91 = tpu.memref_squeeze %dma_wait3A_90 : memref<1x128xf32, #tpu.memory_space<hbm>> -> memref<128xf32, #tpu.memory_space<hbm>>
        %dma_wait3A_92 = arith.constant 0 : i32
        %dma_wait3A_93 = tpu.memref_slice %arg6[%add3A_31, %dma_wait3A_92] : memref<8x128xf32, #tpu.memory_space<hbm>> -> memref<1x128xf32, #tpu.memory_space<hbm>>
        %dma_wait3A_94 = tpu.memref_squeeze %dma_wait3A_93 : memref<1x128xf32, #tpu.memory_space<hbm>> -> memref<128xf32, #tpu.memory_space<hbm>>
        tpu.wait_dma2 semaphore(%run_scoped3A : memref<!tpu.dma_semaphore, #tpu.memory_space<semaphore_mem>>) src(%dma_wait3A_94 : memref<128xf32, #tpu.memory_space<hbm>>) dst(%arg19 : memref<128xf32, #tpu.memory_space<vmem>>)
        tpu.yield
      }) : () -> ()
      %get3A = arith.constant 0 : index
      %get3A_36 = tpu.vector_load %arg19[%get3A] {strides = array<i32>} : memref<128xf32, #tpu.memory_space<vmem>>, vector<16xf32>,
      %get3A_37 = arith.constant 16 : index
      %get3A_38 = tpu.vector_load %arg19[%get3A_37] {strides = array<i32>} : memref<128xf32, #tpu.memory_space<vmem>>, vector<16xf32>,
      %get3A_39 = arith.constant 32 : index
      %get3A_40 = tpu.vector_load %arg19[%get3A_39] {strides = array<i32>} : memref<128xf32, #tpu.memory_space<vmem>>, vector<16xf32>,
      %get3A_41 = arith.constant 48 : index
      %get3A_42 = tpu.vector_load %arg19[%get3A_41] {strides = array<i32>} : memref<128xf32, #tpu.memory_space<vmem>>, vector<16xf32>,
      %get3A_43 = arith.constant 64 : index
      %get3A_44 = tpu.vector_load %arg19[%get3A_43] {strides = array<i32>} : memref<128xf32, #tpu.memory_space<vmem>>, vector<16xf32>,
      %get3A_45 = arith.constant 80 : index
      %get3A_46 = tpu.vector_load %arg19[%get3A_45] {strides = array<i32>} : memref<128xf32, #tpu.memory_space<vmem>>, vector<16xf32>,
      %get3A_47 = arith.constant 96 : index
      %get3A_48 = tpu.vector_load %arg19[%get3A_47] {strides = array<i32>} : memref<128xf32, #tpu.memory_space<vmem>>, vector<16xf32>,
      %get3A_49 = arith.constant 112 : index
      %get3A_50 = tpu.vector_load %arg19[%get3A_49] {strides = array<i32>} : memref<128xf32, #tpu.memory_space<vmem>>, vector<16xf32>,
      %scan3A_51 = arith.constant 0 : i32
      %scan3A_52 = arith.constant 40 : i32
      %scan3A_53 = arith.addi %scan3A_51, %scan3A_52 : i32
      %scan3A_54 = arith.constant 1 : i32
      scf.for %scan3A_85 = %scan3A_51 to %scan3A_53 step %scan3A_54  : i32 {
        %mul3A_86 = arith.constant 1 : i32
        %mul3A_87 = arith.muli %scan3A_85, %mul3A_86 : i32
        %add3A_88 = arith.constant 0 : i32
        %add3A_89 = arith.addi %add3A_88, %mul3A_87 : i32
        %mul3A_90 = arith.constant 320 : i32
        %mul3A_91 = arith.muli %arg1, %mul3A_90 : i32
        %mul3A_92 = arith.constant 8 : i32
        %mul3A_93 = arith.muli %add3A_89, %mul3A_92 : i32
        %add3A_94 = arith.addi %mul3A_91, %mul3A_93 : i32
        "tpu.region"() ({
          %run_scoped3A = tpu.sem_alloc : memref<!tpu.dma_semaphore, #tpu.memory_space<semaphore_mem>>
          %dma_start3A = arith.constant 0 : i32
          %dma_start3A_95 = arith.constant 0 : i32
          %dma_start3A_96 = tpu.memref_slice %arg20[%dma_start3A, %dma_start3A_95] : memref<16x128xf32, #tpu.memory_space<vmem>> -> memref<8x128xf32, #tpu.memory_space<vmem>>
          %dma_start3A_97 = arith.constant 0 : i32
          %dma_start3A_98 = tpu.memref_slice %arg23[%add3A_94, %dma_start3A_97] : memref<5136x128xf32, #tpu.memory_space<vmem_shared>> -> memref<8x128xf32, #tpu.memory_space<vmem_shared>>
          %dma_start3A_99 = arith.constant 0 : i32
          %dma_start3A_100 = tpu.memref_slice %arg23[%add3A_94, %dma_start3A_99] : memref<5136x128xf32, #tpu.memory_space<vmem_shared>> -> memref<8x128xf32, #tpu.memory_space<vmem_shared>>
          %dma_start3A_101 = arith.constant 0 : i32
          %dma_start3A_102 = arith.constant 0 : i32
          %dma_start3A_103 = tpu.memref_slice %arg20[%dma_start3A_101, %dma_start3A_102] : memref<16x128xf32, #tpu.memory_space<vmem>> -> memref<8x128xf32, #tpu.memory_space<vmem>>
          tpu.enqueue_dma source(%dma_start3A_103 : memref<8x128xf32, #tpu.memory_space<vmem>>) target(%dma_start3A_100 : memref<8x128xf32, #tpu.memory_space<vmem_shared>>) target_semaphore(%run_scoped3A : memref<!tpu.dma_semaphore, #tpu.memory_space<semaphore_mem>>)
          %dma_wait3A = arith.constant 0 : i32
          %dma_wait3A_104 = arith.constant 0 : i32
          %dma_wait3A_105 = tpu.memref_slice %arg20[%dma_wait3A, %dma_wait3A_104] : memref<16x128xf32, #tpu.memory_space<vmem>> -> memref<8x128xf32, #tpu.memory_space<vmem>>
          %dma_wait3A_106 = arith.constant 0 : i32
          %dma_wait3A_107 = tpu.memref_slice %arg23[%add3A_94, %dma_wait3A_106] : memref<5136x128xf32, #tpu.memory_space<vmem_shared>> -> memref<8x128xf32, #tpu.memory_space<vmem_shared>>
          %dma_wait3A_108 = arith.constant 0 : i32
          %dma_wait3A_109 = tpu.memref_slice %arg23[%add3A_94, %dma_wait3A_108] : memref<5136x128xf32, #tpu.memory_space<vmem_shared>> -> memref<8x128xf32, #tpu.memory_space<vmem_shared>>
          %dma_wait3A_110 = arith.constant 0 : i32
          %dma_wait3A_111 = arith.constant 0 : i32
          %dma_wait3A_112 = tpu.memref_slice %arg20[%dma_wait3A_110, %dma_wait3A_111] : memref<16x128xf32, #tpu.memory_space<vmem>> -> memref<8x128xf32, #tpu.memory_space<vmem>>
          tpu.wait_dma2 semaphore(%run_scoped3A : memref<!tpu.dma_semaphore, #tpu.memory_space<semaphore_mem>>) src(%dma_wait3A_112 : memref<8x128xf32, #tpu.memory_space<vmem>>) dst(%dma_wait3A_109 : memref<8x128xf32, #tpu.memory_space<vmem_shared>>)
          tpu.yield
        }) : () -> ()
      }
      %scan3A_55 = arith.constant 40 : i32
      %lt3A = arith.constant 2 : i32
      %lt3A_56 = arith.cmpi slt, %arg1, %lt3A : i32
      %convert_element_type3A = arith.extui %lt3A_56 : i1 to i32
      %cond3A = arith.constant 0 : i32
      %cond3A_57 = arith.cmpi ne, %convert_element_type3A, %cond3A : i32
      scf.if %cond3A_57 {
        %mul3A_85 = arith.constant 8 : i32
        %mul3A_86 = arith.muli %arg1, %mul3A_85 : i32
        %add3A_87 = arith.constant 5120 : i32
        %add3A_88 = arith.addi %add3A_87, %mul3A_86 : i32
        "tpu.region"() ({
          %run_scoped3A = tpu.sem_alloc : memref<!tpu.dma_semaphore, #tpu.memory_space<semaphore_mem>>
          %dma_start3A = arith.constant 0 : i32
          %dma_start3A_89 = arith.constant 0 : i32
          %dma_start3A_90 = tpu.memref_slice %arg20[%dma_start3A, %dma_start3A_89] : memref<16x128xf32, #tpu.memory_space<vmem>> -> memref<8x128xf32, #tpu.memory_space<vmem>>
          %dma_start3A_91 = arith.constant 0 : i32
          %dma_start3A_92 = tpu.memref_slice %arg23[%add3A_88, %dma_start3A_91] : memref<5136x128xf32, #tpu.memory_space<vmem_shared>> -> memref<8x128xf32, #tpu.memory_space<vmem_shared>>
          %dma_start3A_93 = arith.constant 0 : i32
          %dma_start3A_94 = tpu.memref_slice %arg23[%add3A_88, %dma_start3A_93] : memref<5136x128xf32, #tpu.memory_space<vmem_shared>> -> memref<8x128xf32, #tpu.memory_space<vmem_shared>>
          %dma_start3A_95 = arith.constant 0 : i32
          %dma_start3A_96 = arith.constant 0 : i32
          %dma_start3A_97 = tpu.memref_slice %arg20[%dma_start3A_95, %dma_start3A_96] : memref<16x128xf32, #tpu.memory_space<vmem>> -> memref<8x128xf32, #tpu.memory_space<vmem>>
          tpu.enqueue_dma source(%dma_start3A_97 : memref<8x128xf32, #tpu.memory_space<vmem>>) target(%dma_start3A_94 : memref<8x128xf32, #tpu.memory_space<vmem_shared>>) target_semaphore(%run_scoped3A : memref<!tpu.dma_semaphore, #tpu.memory_space<semaphore_mem>>)
          %dma_wait3A = arith.constant 0 : i32
          %dma_wait3A_98 = arith.constant 0 : i32
          %dma_wait3A_99 = tpu.memref_slice %arg20[%dma_wait3A, %dma_wait3A_98] : memref<16x128xf32, #tpu.memory_space<vmem>> -> memref<8x128xf32, #tpu.memory_space<vmem>>
          %dma_wait3A_100 = arith.constant 0 : i32
          %dma_wait3A_101 = tpu.memref_slice %arg23[%add3A_88, %dma_wait3A_100] : memref<5136x128xf32, #tpu.memory_space<vmem_shared>> -> memref<8x128xf32, #tpu.memory_space<vmem_shared>>
          %dma_wait3A_102 = arith.constant 0 : i32
          %dma_wait3A_103 = tpu.memref_slice %arg23[%add3A_88, %dma_wait3A_102] : memref<5136x128xf32, #tpu.memory_space<vmem_shared>> -> memref<8x128xf32, #tpu.memory_space<vmem_shared>>
          %dma_wait3A_104 = arith.constant 0 : i32
          %dma_wait3A_105 = arith.constant 0 : i32
          %dma_wait3A_106 = tpu.memref_slice %arg20[%dma_wait3A_104, %dma_wait3A_105] : memref<16x128xf32, #tpu.memory_space<vmem>> -> memref<8x128xf32, #tpu.memory_space<vmem>>
          tpu.wait_dma2 semaphore(%run_scoped3A : memref<!tpu.dma_semaphore, #tpu.memory_space<semaphore_mem>>) src(%dma_wait3A_106 : memref<8x128xf32, #tpu.memory_space<vmem>>) dst(%dma_wait3A_103 : memref<8x128xf32, #tpu.memory_space<vmem_shared>>)
          tpu.yield
        }) : () -> ()
      } else {
      }
      %lt3A_58 = arith.constant 6 : i32
      %lt3A_59 = arith.cmpi slt, %arg1, %lt3A_58 : i32
      %convert_element_type3A_60 = arith.extui %lt3A_59 : i1 to i32
      %cond3A_61 = arith.constant 0 : i32
      %cond3A_62 = arith.cmpi ne, %convert_element_type3A_60, %cond3A_61 : i32
      scf.if %cond3A_62 {
        %mul3A_85 = arith.constant 8 : i32
        %mul3A_86 = arith.muli %arg1, %mul3A_85 : i32
        "tpu.region"() ({
          %run_scoped3A = tpu.sem_alloc : memref<!tpu.dma_semaphore, #tpu.memory_space<semaphore_mem>>
          %dma_start3A = arith.constant 0 : i32
          %dma_start3A_87 = arith.constant 0 : i32
          %dma_start3A_88 = tpu.memref_slice %arg20[%dma_start3A, %dma_start3A_87] : memref<16x128xf32, #tpu.memory_space<vmem>> -> memref<8x128xf32, #tpu.memory_space<vmem>>
          %dma_start3A_89 = arith.constant 0 : i32
          %dma_start3A_90 = tpu.memref_slice %arg24[%mul3A_86, %dma_start3A_89] : memref<48x128xf32, #tpu.memory_space<vmem_shared>> -> memref<8x128xf32, #tpu.memory_space<vmem_shared>>
          %dma_start3A_91 = arith.constant 0 : i32
          %dma_start3A_92 = tpu.memref_slice %arg24[%mul3A_86, %dma_start3A_91] : memref<48x128xf32, #tpu.memory_space<vmem_shared>> -> memref<8x128xf32, #tpu.memory_space<vmem_shared>>
          %dma_start3A_93 = arith.constant 0 : i32
          %dma_start3A_94 = arith.constant 0 : i32
          %dma_start3A_95 = tpu.memref_slice %arg20[%dma_start3A_93, %dma_start3A_94] : memref<16x128xf32, #tpu.memory_space<vmem>> -> memref<8x128xf32, #tpu.memory_space<vmem>>
          tpu.enqueue_dma source(%dma_start3A_95 : memref<8x128xf32, #tpu.memory_space<vmem>>) target(%dma_start3A_92 : memref<8x128xf32, #tpu.memory_space<vmem_shared>>) target_semaphore(%run_scoped3A : memref<!tpu.dma_semaphore, #tpu.memory_space<semaphore_mem>>)
          %dma_wait3A = arith.constant 0 : i32
          %dma_wait3A_96 = arith.constant 0 : i32
          %dma_wait3A_97 = tpu.memref_slice %arg20[%dma_wait3A, %dma_wait3A_96] : memref<16x128xf32, #tpu.memory_space<vmem>> -> memref<8x128xf32, #tpu.memory_space<vmem>>
          %dma_wait3A_98 = arith.constant 0 : i32
          %dma_wait3A_99 = tpu.memref_slice %arg24[%mul3A_86, %dma_wait3A_98] : memref<48x128xf32, #tpu.memory_space<vmem_shared>> -> memref<8x128xf32, #tpu.memory_space<vmem_shared>>
          %dma_wait3A_100 = arith.constant 0 : i32
          %dma_wait3A_101 = tpu.memref_slice %arg24[%mul3A_86, %dma_wait3A_100] : memref<48x128xf32, #tpu.memory_space<vmem_shared>> -> memref<8x128xf32, #tpu.memory_space<vmem_shared>>
          %dma_wait3A_102 = arith.constant 0 : i32
          %dma_wait3A_103 = arith.constant 0 : i32
          %dma_wait3A_104 = tpu.memref_slice %arg20[%dma_wait3A_102, %dma_wait3A_103] : memref<16x128xf32, #tpu.memory_space<vmem>> -> memref<8x128xf32, #tpu.memory_space<vmem>>
          tpu.wait_dma2 semaphore(%run_scoped3A : memref<!tpu.dma_semaphore, #tpu.memory_space<semaphore_mem>>) src(%dma_wait3A_104 : memref<8x128xf32, #tpu.memory_space<vmem>>) dst(%dma_wait3A_101 : memref<8x128xf32, #tpu.memory_space<vmem_shared>>)
          tpu.yield
        }) : () -> ()
      } else {
      }
      %scan3A_63 = arith.constant 0 : i32
      %scan3A_64 = arith.constant 48 : i32
      %scan3A_65 = arith.addi %scan3A_63, %scan3A_64 : i32
      %scan3A_66 = arith.constant 1 : i32
      scf.for %scan3A_85 = %scan3A_63 to %scan3A_65 step %scan3A_66  : i32 {
        %mul3A_86 = arith.constant 1 : i32
        %mul3A_87 = arith.muli %scan3A_85, %mul3A_86 : i32
        %add3A_88 = arith.constant 0 : i32
        %add3A_89 = arith.addi %add3A_88, %mul3A_87 : i32
        %swap3A_90 = arith.index_cast %add3A_89 : i32 to index
        %swap3A_91 = arith.constant 0 : index
        %swap3A_92 = tpu.vector_load %arg21[%swap3A_90, %swap3A_91] {strides = array<i32>} : memref<48x128xf32, #tpu.memory_space<vmem>>, vector<16xf32>,
        tpu.vector_store %arg21[%swap3A_90, %swap3A_91], %broadcast_in_dim3A_0 {strides = array<i32>} : memref<48x128xf32, #tpu.memory_space<vmem>>, vector<16xf32>,
        %swap3A_93 = arith.index_cast %add3A_89 : i32 to index
        %swap3A_94 = arith.constant 16 : index
        %swap3A_95 = tpu.vector_load %arg21[%swap3A_93, %swap3A_94] {strides = array<i32>} : memref<48x128xf32, #tpu.memory_space<vmem>>, vector<16xf32>,
        tpu.vector_store %arg21[%swap3A_93, %swap3A_94], %broadcast_in_dim3A_0 {strides = array<i32>} : memref<48x128xf32, #tpu.memory_space<vmem>>, vector<16xf32>,
        %swap3A_96 = arith.index_cast %add3A_89 : i32 to index
        %swap3A_97 = arith.constant 32 : index
        %swap3A_98 = tpu.vector_load %arg21[%swap3A_96, %swap3A_97] {strides = array<i32>} : memref<48x128xf32, #tpu.memory_space<vmem>>, vector<16xf32>,
        tpu.vector_store %arg21[%swap3A_96, %swap3A_97], %broadcast_in_dim3A_0 {strides = array<i32>} : memref<48x128xf32, #tpu.memory_space<vmem>>, vector<16xf32>,
        %swap3A_99 = arith.index_cast %add3A_89 : i32 to index
        %swap3A_100 = arith.constant 48 : index
        %swap3A_101 = tpu.vector_load %arg21[%swap3A_99, %swap3A_100] {strides = array<i32>} : memref<48x128xf32, #tpu.memory_space<vmem>>, vector<16xf32>,
        tpu.vector_store %arg21[%swap3A_99, %swap3A_100], %broadcast_in_dim3A_0 {strides = array<i32>} : memref<48x128xf32, #tpu.memory_space<vmem>>, vector<16xf32>,
        %swap3A_102 = arith.index_cast %add3A_89 : i32 to index
        %swap3A_103 = arith.constant 64 : index
        %swap3A_104 = tpu.vector_load %arg21[%swap3A_102, %swap3A_103] {strides = array<i32>} : memref<48x128xf32, #tpu.memory_space<vmem>>, vector<16xf32>,
        tpu.vector_store %arg21[%swap3A_102, %swap3A_103], %broadcast_in_dim3A_0 {strides = array<i32>} : memref<48x128xf32, #tpu.memory_space<vmem>>, vector<16xf32>,
        %swap3A_105 = arith.index_cast %add3A_89 : i32 to index
        %swap3A_106 = arith.constant 80 : index
        %swap3A_107 = tpu.vector_load %arg21[%swap3A_105, %swap3A_106] {strides = array<i32>} : memref<48x128xf32, #tpu.memory_space<vmem>>, vector<16xf32>,
        tpu.vector_store %arg21[%swap3A_105, %swap3A_106], %broadcast_in_dim3A_0 {strides = array<i32>} : memref<48x128xf32, #tpu.memory_space<vmem>>, vector<16xf32>,
        %swap3A_108 = arith.index_cast %add3A_89 : i32 to index
        %swap3A_109 = arith.constant 96 : index
        %swap3A_110 = tpu.vector_load %arg21[%swap3A_108, %swap3A_109] {strides = array<i32>} : memref<48x128xf32, #tpu.memory_space<vmem>>, vector<16xf32>,
        tpu.vector_store %arg21[%swap3A_108, %swap3A_109], %broadcast_in_dim3A_0 {strides = array<i32>} : memref<48x128xf32, #tpu.memory_space<vmem>>, vector<16xf32>,
        %swap3A_111 = arith.index_cast %add3A_89 : i32 to index
        %swap3A_112 = arith.constant 112 : index
        %swap3A_113 = tpu.vector_load %arg21[%swap3A_111, %swap3A_112] {strides = array<i32>} : memref<48x128xf32, #tpu.memory_space<vmem>>, vector<16xf32>,
        tpu.vector_store %arg21[%swap3A_111, %swap3A_112], %broadcast_in_dim3A_0 {strides = array<i32>} : memref<48x128xf32, #tpu.memory_space<vmem>>, vector<16xf32>,
      }
      %scan3A_67 = arith.constant 48 : i32
      %barrier3A = arith.constant 0 : index
      tpu.barrier barrier_id(%barrier3A)
      %scan3A_68 = arith.constant 0 : i32
      %scan3A_69 = arith.constant 84 : i32
      %scan3A_70 = arith.addi %scan3A_68, %scan3A_69 : i32
      %scan3A_71 = arith.constant 1 : i32
      scf.for %scan3A_85 = %scan3A_68 to %scan3A_70 step %scan3A_71  : i32 {
        %mul3A_86 = arith.constant 1 : i32
        %mul3A_87 = arith.muli %scan3A_85, %mul3A_86 : i32
        %add3A_88 = arith.constant 0 : i32
        %add3A_89 = arith.addi %add3A_88, %mul3A_87 : i32
        %mul3A_90 = arith.constant 10752 : i32
        %mul3A_91 = arith.muli %arg1, %mul3A_90 : i32
        %mul3A_92 = arith.constant 128 : i32
        %mul3A_93 = arith.muli %add3A_89, %mul3A_92 : i32
        %add3A_94 = arith.addi %mul3A_91, %mul3A_93 : i32
        %dma_start3A = tpu.memref_slice %arg4[%add3A_94] : memref<172032xi32, #tpu.memory_space<hbm>> -> memref<128xi32, #tpu.memory_space<hbm>>
        %dma_start3A_95 = tpu.memref_slice %arg4[%add3A_94] : memref<172032xi32, #tpu.memory_space<hbm>> -> memref<128xi32, #tpu.memory_space<hbm>>
        tpu.enqueue_dma source(%dma_start3A_95 : memref<128xi32, #tpu.memory_space<hbm>>) target(%arg9 : memref<128xi32, #tpu.memory_space<vmem>>) target_semaphore(%arg25 : memref<!tpu.dma_semaphore, #tpu.memory_space<semaphore_mem>>)
        %dma_start3A_96 = tpu.memref_slice %arg5[%add3A_94] : memref<172032xi32, #tpu.memory_space<hbm>> -> memref<128xi32, #tpu.memory_space<hbm>>
        %dma_start3A_97 = tpu.memref_slice %arg5[%add3A_94] : memref<172032xi32, #tpu.memory_space<hbm>> -> memref<128xi32, #tpu.memory_space<hbm>>
        tpu.enqueue_dma source(%dma_start3A_97 : memref<128xi32, #tpu.memory_space<hbm>>) target(%arg10 : memref<128xi32, #tpu.memory_space<vmem>>) target_semaphore(%arg26 : memref<!tpu.dma_semaphore, #tpu.memory_space<semaphore_mem>>)
        %dma_wait3A = tpu.memref_slice %arg4[%add3A_94] : memref<172032xi32, #tpu.memory_space<hbm>> -> memref<128xi32, #tpu.memory_space<hbm>>
        %dma_wait3A_98 = tpu.memref_slice %arg4[%add3A_94] : memref<172032xi32, #tpu.memory_space<hbm>> -> memref<128xi32, #tpu.memory_space<hbm>>
        tpu.wait_dma2 semaphore(%arg25 : memref<!tpu.dma_semaphore, #tpu.memory_space<semaphore_mem>>) src(%dma_wait3A_98 : memref<128xi32, #tpu.memory_space<hbm>>) dst(%arg9 : memref<128xi32, #tpu.memory_space<vmem>>)
        %dma_wait3A_99 = tpu.memref_slice %arg5[%add3A_94] : memref<172032xi32, #tpu.memory_space<hbm>> -> memref<128xi32, #tpu.memory_space<hbm>>
        %dma_wait3A_100 = tpu.memref_slice %arg5[%add3A_94] : memref<172032xi32, #tpu.memory_space<hbm>> -> memref<128xi32, #tpu.memory_space<hbm>>
        tpu.wait_dma2 semaphore(%arg26 : memref<!tpu.dma_semaphore, #tpu.memory_space<semaphore_mem>>) src(%dma_wait3A_100 : memref<128xi32, #tpu.memory_space<hbm>>) dst(%arg10 : memref<128xi32, #tpu.memory_space<vmem>>)
        %get3A_101 = arith.constant 0 : index
        %get3A_102 = tpu.vector_load %arg9[%get3A_101] {strides = array<i32>} : memref<128xi32, #tpu.memory_space<vmem>>, vector<16xi32>,
        %get3A_103 = arith.constant 0 : index
        %get3A_104 = tpu.vector_load %arg10[%get3A_103] {strides = array<i32>} : memref<128xi32, #tpu.memory_space<vmem>>, vector<16xi32>,
        %sub3A = vector.broadcast %mul3A_35 : i32 to vector<16xi32>
        %sub3A_105 = arith.subi %get3A_104, %sub3A : vector<16xi32>
        %ge3A = arith.constant 0 : i32
        %ge3A_106 = vector.broadcast %ge3A : i32 to vector<16xi32>
        %ge3A_107 = arith.cmpi sge, %sub3A_105, %ge3A_106 : vector<16xi32>
        %lt3A_108 = arith.constant 5120 : i32
        %lt3A_109 = vector.broadcast %lt3A_108 : i32 to vector<16xi32>
        %lt3A_110 = arith.cmpi slt, %sub3A_105, %lt3A_109 : vector<16xi32>
        %and3A_111 = arith.andi %ge3A_107, %lt3A_110 : vector<16xi1>
        %and3A_112 = arith.constant 15 : i32
        %and3A_113 = vector.broadcast %and3A_112 : i32 to vector<16xi32>
        %and3A_114 = arith.andi %get3A_104, %and3A_113 : vector<16xi32>
        %add3A_115 = arith.constant 5120 : i32
        %add3A_116 = vector.broadcast %add3A_115 : i32 to vector<16xi32>
        %add3A_117 = arith.addi %add3A_116, %and3A_114 : vector<16xi32>
        %select_n3A = arith.select %and3A_111, %sub3A_105, %add3A_117 : vector<16xi1>, vector<16xi32>
        %add3A_118 = vector.broadcast %mul3A_33 : i32 to vector<16xi32>
        %add3A_119 = arith.addi %get3A_102, %add3A_118 : vector<16xi32>
        %swap3A_120 = arith.constant 0 : index
        %swap3A_121 = tpu.vector_load %arg11[%swap3A_120] {strides = array<i32>} : memref<128xi32, #tpu.memory_space<vmem>>, vector<16xi32>,
        tpu.vector_store %arg11[%swap3A_120], %add3A_119 {strides = array<i32>} : memref<128xi32, #tpu.memory_space<vmem>>, vector<16xi32>,
        %add3A_122 = vector.broadcast %mul3A_33 : i32 to vector<16xi32>
        %add3A_123 = arith.addi %get3A_104, %add3A_122 : vector<16xi32>
        %swap3A_124 = arith.constant 0 : index
        %swap3A_125 = tpu.vector_load %arg12[%swap3A_124] {strides = array<i32>} : memref<128xi32, #tpu.memory_space<vmem>>, vector<16xi32>,
        tpu.vector_store %arg12[%swap3A_124], %add3A_123 {strides = array<i32>} : memref<128xi32, #tpu.memory_space<vmem>>, vector<16xi32>,
        %swap3A_126 = arith.constant 0 : index
        %swap3A_127 = tpu.vector_load %arg13[%swap3A_126] {strides = array<i32>} : memref<128xi32, #tpu.memory_space<vmem>>, vector<16xi32>,
        tpu.vector_store %arg13[%swap3A_126], %select_n3A {strides = array<i32>} : memref<128xi32, #tpu.memory_space<vmem>>, vector<16xi32>,
        %get3A_128 = arith.constant 16 : index
        %get3A_129 = tpu.vector_load %arg9[%get3A_128] {strides = array<i32>} : memref<128xi32, #tpu.memory_space<vmem>>, vector<16xi32>,
        %get3A_130 = arith.constant 16 : index
        %get3A_131 = tpu.vector_load %arg10[%get3A_130] {strides = array<i32>} : memref<128xi32, #tpu.memory_space<vmem>>, vector<16xi32>,
        %sub3A_132 = vector.broadcast %mul3A_35 : i32 to vector<16xi32>
        %sub3A_133 = arith.subi %get3A_131, %sub3A_132 : vector<16xi32>
        %ge3A_134 = arith.constant 0 : i32
        %ge3A_135 = vector.broadcast %ge3A_134 : i32 to vector<16xi32>
        %ge3A_136 = arith.cmpi sge, %sub3A_133, %ge3A_135 : vector<16xi32>
        %lt3A_137 = arith.constant 5120 : i32
        %lt3A_138 = vector.broadcast %lt3A_137 : i32 to vector<16xi32>
        %lt3A_139 = arith.cmpi slt, %sub3A_133, %lt3A_138 : vector<16xi32>
        %and3A_140 = arith.andi %ge3A_136, %lt3A_139 : vector<16xi1>
        %and3A_141 = arith.constant 15 : i32
        %and3A_142 = vector.broadcast %and3A_141 : i32 to vector<16xi32>
        %and3A_143 = arith.andi %get3A_131, %and3A_142 : vector<16xi32>
        %add3A_144 = arith.constant 5120 : i32
        %add3A_145 = vector.broadcast %add3A_144 : i32 to vector<16xi32>
        %add3A_146 = arith.addi %add3A_145, %and3A_143 : vector<16xi32>
        %select_n3A_147 = arith.select %and3A_140, %sub3A_133, %add3A_146 : vector<16xi1>, vector<16xi32>
        %add3A_148 = vector.broadcast %mul3A_33 : i32 to vector<16xi32>
        %add3A_149 = arith.addi %get3A_129, %add3A_148 : vector<16xi32>
        %swap3A_150 = arith.constant 16 : index
        %swap3A_151 = tpu.vector_load %arg11[%swap3A_150] {strides = array<i32>} : memref<128xi32, #tpu.memory_space<vmem>>, vector<16xi32>,
        tpu.vector_store %arg11[%swap3A_150], %add3A_149 {strides = array<i32>} : memref<128xi32, #tpu.memory_space<vmem>>, vector<16xi32>,
        %add3A_152 = vector.broadcast %mul3A_33 : i32 to vector<16xi32>
        %add3A_153 = arith.addi %get3A_131, %add3A_152 : vector<16xi32>
        %swap3A_154 = arith.constant 16 : index
        %swap3A_155 = tpu.vector_load %arg12[%swap3A_154] {strides = array<i32>} : memref<128xi32, #tpu.memory_space<vmem>>, vector<16xi32>,
        tpu.vector_store %arg12[%swap3A_154], %add3A_153 {strides = array<i32>} : memref<128xi32, #tpu.memory_space<vmem>>, vector<16xi32>,
        %swap3A_156 = arith.constant 16 : index
        %swap3A_157 = tpu.vector_load %arg13[%swap3A_156] {strides = array<i32>} : memref<128xi32, #tpu.memory_space<vmem>>, vector<16xi32>,
        tpu.vector_store %arg13[%swap3A_156], %select_n3A_147 {strides = array<i32>} : memref<128xi32, #tpu.memory_space<vmem>>, vector<16xi32>,
        %get3A_158 = arith.constant 32 : index
        %get3A_159 = tpu.vector_load %arg9[%get3A_158] {strides = array<i32>} : memref<128xi32, #tpu.memory_space<vmem>>, vector<16xi32>,
        %get3A_160 = arith.constant 32 : index
        %get3A_161 = tpu.vector_load %arg10[%get3A_160] {strides = array<i32>} : memref<128xi32, #tpu.memory_space<vmem>>, vector<16xi32>,
        %sub3A_162 = vector.broadcast %mul3A_35 : i32 to vector<16xi32>
        %sub3A_163 = arith.subi %get3A_161, %sub3A_162 : vector<16xi32>
        %ge3A_164 = arith.constant 0 : i32
        %ge3A_165 = vector.broadcast %ge3A_164 : i32 to vector<16xi32>
        %ge3A_166 = arith.cmpi sge, %sub3A_163, %ge3A_165 : vector<16xi32>
        %lt3A_167 = arith.constant 5120 : i32
        %lt3A_168 = vector.broadcast %lt3A_167 : i32 to vector<16xi32>
        %lt3A_169 = arith.cmpi slt, %sub3A_163, %lt3A_168 : vector<16xi32>
        %and3A_170 = arith.andi %ge3A_166, %lt3A_169 : vector<16xi1>
        %and3A_171 = arith.constant 15 : i32
        %and3A_172 = vector.broadcast %and3A_171 : i32 to vector<16xi32>
        %and3A_173 = arith.andi %get3A_161, %and3A_172 : vector<16xi32>
        %add3A_174 = arith.constant 5120 : i32
        %add3A_175 = vector.broadcast %add3A_174 : i32 to vector<16xi32>
        %add3A_176 = arith.addi %add3A_175, %and3A_173 : vector<16xi32>
        %select_n3A_177 = arith.select %and3A_170, %sub3A_163, %add3A_176 : vector<16xi1>, vector<16xi32>
        %add3A_178 = vector.broadcast %mul3A_33 : i32 to vector<16xi32>
        %add3A_179 = arith.addi %get3A_159, %add3A_178 : vector<16xi32>
        %swap3A_180 = arith.constant 32 : index
        %swap3A_181 = tpu.vector_load %arg11[%swap3A_180] {strides = array<i32>} : memref<128xi32, #tpu.memory_space<vmem>>, vector<16xi32>,
        tpu.vector_store %arg11[%swap3A_180], %add3A_179 {strides = array<i32>} : memref<128xi32, #tpu.memory_space<vmem>>, vector<16xi32>,
        %add3A_182 = vector.broadcast %mul3A_33 : i32 to vector<16xi32>
        %add3A_183 = arith.addi %get3A_161, %add3A_182 : vector<16xi32>
        %swap3A_184 = arith.constant 32 : index
        %swap3A_185 = tpu.vector_load %arg12[%swap3A_184] {strides = array<i32>} : memref<128xi32, #tpu.memory_space<vmem>>, vector<16xi32>,
        tpu.vector_store %arg12[%swap3A_184], %add3A_183 {strides = array<i32>} : memref<128xi32, #tpu.memory_space<vmem>>, vector<16xi32>,
        %swap3A_186 = arith.constant 32 : index
        %swap3A_187 = tpu.vector_load %arg13[%swap3A_186] {strides = array<i32>} : memref<128xi32, #tpu.memory_space<vmem>>, vector<16xi32>,
        tpu.vector_store %arg13[%swap3A_186], %select_n3A_177 {strides = array<i32>} : memref<128xi32, #tpu.memory_space<vmem>>, vector<16xi32>,
        %get3A_188 = arith.constant 48 : index
        %get3A_189 = tpu.vector_load %arg9[%get3A_188] {strides = array<i32>} : memref<128xi32, #tpu.memory_space<vmem>>, vector<16xi32>,
        %get3A_190 = arith.constant 48 : index
        %get3A_191 = tpu.vector_load %arg10[%get3A_190] {strides = array<i32>} : memref<128xi32, #tpu.memory_space<vmem>>, vector<16xi32>,
        %sub3A_192 = vector.broadcast %mul3A_35 : i32 to vector<16xi32>
        %sub3A_193 = arith.subi %get3A_191, %sub3A_192 : vector<16xi32>
        %ge3A_194 = arith.constant 0 : i32
        %ge3A_195 = vector.broadcast %ge3A_194 : i32 to vector<16xi32>
        %ge3A_196 = arith.cmpi sge, %sub3A_193, %ge3A_195 : vector<16xi32>
        %lt3A_197 = arith.constant 5120 : i32
        %lt3A_198 = vector.broadcast %lt3A_197 : i32 to vector<16xi32>
        %lt3A_199 = arith.cmpi slt, %sub3A_193, %lt3A_198 : vector<16xi32>
        %and3A_200 = arith.andi %ge3A_196, %lt3A_199 : vector<16xi1>
        %and3A_201 = arith.constant 15 : i32
        %and3A_202 = vector.broadcast %and3A_201 : i32 to vector<16xi32>
        %and3A_203 = arith.andi %get3A_191, %and3A_202 : vector<16xi32>
        %add3A_204 = arith.constant 5120 : i32
        %add3A_205 = vector.broadcast %add3A_204 : i32 to vector<16xi32>
        %add3A_206 = arith.addi %add3A_205, %and3A_203 : vector<16xi32>
        %select_n3A_207 = arith.select %and3A_200, %sub3A_193, %add3A_206 : vector<16xi1>, vector<16xi32>
        %add3A_208 = vector.broadcast %mul3A_33 : i32 to vector<16xi32>
        %add3A_209 = arith.addi %get3A_189, %add3A_208 : vector<16xi32>
        %swap3A_210 = arith.constant 48 : index
        %swap3A_211 = tpu.vector_load %arg11[%swap3A_210] {strides = array<i32>} : memref<128xi32, #tpu.memory_space<vmem>>, vector<16xi32>,
        tpu.vector_store %arg11[%swap3A_210], %add3A_209 {strides = array<i32>} : memref<128xi32, #tpu.memory_space<vmem>>, vector<16xi32>,
        %add3A_212 = vector.broadcast %mul3A_33 : i32 to vector<16xi32>
        %add3A_213 = arith.addi %get3A_191, %add3A_212 : vector<16xi32>
        %swap3A_214 = arith.constant 48 : index
        %swap3A_215 = tpu.vector_load %arg12[%swap3A_214] {strides = array<i32>} : memref<128xi32, #tpu.memory_space<vmem>>, vector<16xi32>,
        tpu.vector_store %arg12[%swap3A_214], %add3A_213 {strides = array<i32>} : memref<128xi32, #tpu.memory_space<vmem>>, vector<16xi32>,
        %swap3A_216 = arith.constant 48 : index
        %swap3A_217 = tpu.vector_load %arg13[%swap3A_216] {strides = array<i32>} : memref<128xi32, #tpu.memory_space<vmem>>, vector<16xi32>,
        tpu.vector_store %arg13[%swap3A_216], %select_n3A_207 {strides = array<i32>} : memref<128xi32, #tpu.memory_space<vmem>>, vector<16xi32>,
        %get3A_218 = arith.constant 64 : index
        %get3A_219 = tpu.vector_load %arg9[%get3A_218] {strides = array<i32>} : memref<128xi32, #tpu.memory_space<vmem>>, vector<16xi32>,
        %get3A_220 = arith.constant 64 : index
        %get3A_221 = tpu.vector_load %arg10[%get3A_220] {strides = array<i32>} : memref<128xi32, #tpu.memory_space<vmem>>, vector<16xi32>,
        %sub3A_222 = vector.broadcast %mul3A_35 : i32 to vector<16xi32>
        %sub3A_223 = arith.subi %get3A_221, %sub3A_222 : vector<16xi32>
        %ge3A_224 = arith.constant 0 : i32
        %ge3A_225 = vector.broadcast %ge3A_224 : i32 to vector<16xi32>
        %ge3A_226 = arith.cmpi sge, %sub3A_223, %ge3A_225 : vector<16xi32>
        %lt3A_227 = arith.constant 5120 : i32
        %lt3A_228 = vector.broadcast %lt3A_227 : i32 to vector<16xi32>
        %lt3A_229 = arith.cmpi slt, %sub3A_223, %lt3A_228 : vector<16xi32>
        %and3A_230 = arith.andi %ge3A_226, %lt3A_229 : vector<16xi1>
        %and3A_231 = arith.constant 15 : i32
        %and3A_232 = vector.broadcast %and3A_231 : i32 to vector<16xi32>
        %and3A_233 = arith.andi %get3A_221, %and3A_232 : vector<16xi32>
        %add3A_234 = arith.constant 5120 : i32
        %add3A_235 = vector.broadcast %add3A_234 : i32 to vector<16xi32>
        %add3A_236 = arith.addi %add3A_235, %and3A_233 : vector<16xi32>
        %select_n3A_237 = arith.select %and3A_230, %sub3A_223, %add3A_236 : vector<16xi1>, vector<16xi32>
        %add3A_238 = vector.broadcast %mul3A_33 : i32 to vector<16xi32>
        %add3A_239 = arith.addi %get3A_219, %add3A_238 : vector<16xi32>
        %swap3A_240 = arith.constant 64 : index
        %swap3A_241 = tpu.vector_load %arg11[%swap3A_240] {strides = array<i32>} : memref<128xi32, #tpu.memory_space<vmem>>, vector<16xi32>,
        tpu.vector_store %arg11[%swap3A_240], %add3A_239 {strides = array<i32>} : memref<128xi32, #tpu.memory_space<vmem>>, vector<16xi32>,
        %add3A_242 = vector.broadcast %mul3A_33 : i32 to vector<16xi32>
        %add3A_243 = arith.addi %get3A_221, %add3A_242 : vector<16xi32>
        %swap3A_244 = arith.constant 64 : index
        %swap3A_245 = tpu.vector_load %arg12[%swap3A_244] {strides = array<i32>} : memref<128xi32, #tpu.memory_space<vmem>>, vector<16xi32>,
        tpu.vector_store %arg12[%swap3A_244], %add3A_243 {strides = array<i32>} : memref<128xi32, #tpu.memory_space<vmem>>, vector<16xi32>,
        %swap3A_246 = arith.constant 64 : index
        %swap3A_247 = tpu.vector_load %arg13[%swap3A_246] {strides = array<i32>} : memref<128xi32, #tpu.memory_space<vmem>>, vector<16xi32>,
        tpu.vector_store %arg13[%swap3A_246], %select_n3A_237 {strides = array<i32>} : memref<128xi32, #tpu.memory_space<vmem>>, vector<16xi32>,
        %get3A_248 = arith.constant 80 : index
        %get3A_249 = tpu.vector_load %arg9[%get3A_248] {strides = array<i32>} : memref<128xi32, #tpu.memory_space<vmem>>, vector<16xi32>,
        %get3A_250 = arith.constant 80 : index
        %get3A_251 = tpu.vector_load %arg10[%get3A_250] {strides = array<i32>} : memref<128xi32, #tpu.memory_space<vmem>>, vector<16xi32>,
        %sub3A_252 = vector.broadcast %mul3A_35 : i32 to vector<16xi32>
        %sub3A_253 = arith.subi %get3A_251, %sub3A_252 : vector<16xi32>
        %ge3A_254 = arith.constant 0 : i32
        %ge3A_255 = vector.broadcast %ge3A_254 : i32 to vector<16xi32>
        %ge3A_256 = arith.cmpi sge, %sub3A_253, %ge3A_255 : vector<16xi32>
        %lt3A_257 = arith.constant 5120 : i32
        %lt3A_258 = vector.broadcast %lt3A_257 : i32 to vector<16xi32>
        %lt3A_259 = arith.cmpi slt, %sub3A_253, %lt3A_258 : vector<16xi32>
        %and3A_260 = arith.andi %ge3A_256, %lt3A_259 : vector<16xi1>
        %and3A_261 = arith.constant 15 : i32
        %and3A_262 = vector.broadcast %and3A_261 : i32 to vector<16xi32>
        %and3A_263 = arith.andi %get3A_251, %and3A_262 : vector<16xi32>
        %add3A_264 = arith.constant 5120 : i32
        %add3A_265 = vector.broadcast %add3A_264 : i32 to vector<16xi32>
        %add3A_266 = arith.addi %add3A_265, %and3A_263 : vector<16xi32>
        %select_n3A_267 = arith.select %and3A_260, %sub3A_253, %add3A_266 : vector<16xi1>, vector<16xi32>
        %add3A_268 = vector.broadcast %mul3A_33 : i32 to vector<16xi32>
        %add3A_269 = arith.addi %get3A_249, %add3A_268 : vector<16xi32>
        %swap3A_270 = arith.constant 80 : index
        %swap3A_271 = tpu.vector_load %arg11[%swap3A_270] {strides = array<i32>} : memref<128xi32, #tpu.memory_space<vmem>>, vector<16xi32>,
        tpu.vector_store %arg11[%swap3A_270], %add3A_269 {strides = array<i32>} : memref<128xi32, #tpu.memory_space<vmem>>, vector<16xi32>,
        %add3A_272 = vector.broadcast %mul3A_33 : i32 to vector<16xi32>
        %add3A_273 = arith.addi %get3A_251, %add3A_272 : vector<16xi32>
        %swap3A_274 = arith.constant 80 : index
        %swap3A_275 = tpu.vector_load %arg12[%swap3A_274] {strides = array<i32>} : memref<128xi32, #tpu.memory_space<vmem>>, vector<16xi32>,
        tpu.vector_store %arg12[%swap3A_274], %add3A_273 {strides = array<i32>} : memref<128xi32, #tpu.memory_space<vmem>>, vector<16xi32>,
        %swap3A_276 = arith.constant 80 : index
        %swap3A_277 = tpu.vector_load %arg13[%swap3A_276] {strides = array<i32>} : memref<128xi32, #tpu.memory_space<vmem>>, vector<16xi32>,
        tpu.vector_store %arg13[%swap3A_276], %select_n3A_267 {strides = array<i32>} : memref<128xi32, #tpu.memory_space<vmem>>, vector<16xi32>,
        %get3A_278 = arith.constant 96 : index
        %get3A_279 = tpu.vector_load %arg9[%get3A_278] {strides = array<i32>} : memref<128xi32, #tpu.memory_space<vmem>>, vector<16xi32>,
        %get3A_280 = arith.constant 96 : index
        %get3A_281 = tpu.vector_load %arg10[%get3A_280] {strides = array<i32>} : memref<128xi32, #tpu.memory_space<vmem>>, vector<16xi32>,
        %sub3A_282 = vector.broadcast %mul3A_35 : i32 to vector<16xi32>
        %sub3A_283 = arith.subi %get3A_281, %sub3A_282 : vector<16xi32>
        %ge3A_284 = arith.constant 0 : i32
        %ge3A_285 = vector.broadcast %ge3A_284 : i32 to vector<16xi32>
        %ge3A_286 = arith.cmpi sge, %sub3A_283, %ge3A_285 : vector<16xi32>
        %lt3A_287 = arith.constant 5120 : i32
        %lt3A_288 = vector.broadcast %lt3A_287 : i32 to vector<16xi32>
        %lt3A_289 = arith.cmpi slt, %sub3A_283, %lt3A_288 : vector<16xi32>
        %and3A_290 = arith.andi %ge3A_286, %lt3A_289 : vector<16xi1>
        %and3A_291 = arith.constant 15 : i32
        %and3A_292 = vector.broadcast %and3A_291 : i32 to vector<16xi32>
        %and3A_293 = arith.andi %get3A_281, %and3A_292 : vector<16xi32>
        %add3A_294 = arith.constant 5120 : i32
        %add3A_295 = vector.broadcast %add3A_294 : i32 to vector<16xi32>
        %add3A_296 = arith.addi %add3A_295, %and3A_293 : vector<16xi32>
        %select_n3A_297 = arith.select %and3A_290, %sub3A_283, %add3A_296 : vector<16xi1>, vector<16xi32>
        %add3A_298 = vector.broadcast %mul3A_33 : i32 to vector<16xi32>
        %add3A_299 = arith.addi %get3A_279, %add3A_298 : vector<16xi32>
        %swap3A_300 = arith.constant 96 : index
        %swap3A_301 = tpu.vector_load %arg11[%swap3A_300] {strides = array<i32>} : memref<128xi32, #tpu.memory_space<vmem>>, vector<16xi32>,
        tpu.vector_store %arg11[%swap3A_300], %add3A_299 {strides = array<i32>} : memref<128xi32, #tpu.memory_space<vmem>>, vector<16xi32>,
        %add3A_302 = vector.broadcast %mul3A_33 : i32 to vector<16xi32>
        %add3A_303 = arith.addi %get3A_281, %add3A_302 : vector<16xi32>
        %swap3A_304 = arith.constant 96 : index
        %swap3A_305 = tpu.vector_load %arg12[%swap3A_304] {strides = array<i32>} : memref<128xi32, #tpu.memory_space<vmem>>, vector<16xi32>,
        tpu.vector_store %arg12[%swap3A_304], %add3A_303 {strides = array<i32>} : memref<128xi32, #tpu.memory_space<vmem>>, vector<16xi32>,
        %swap3A_306 = arith.constant 96 : index
        %swap3A_307 = tpu.vector_load %arg13[%swap3A_306] {strides = array<i32>} : memref<128xi32, #tpu.memory_space<vmem>>, vector<16xi32>,
        tpu.vector_store %arg13[%swap3A_306], %select_n3A_297 {strides = array<i32>} : memref<128xi32, #tpu.memory_space<vmem>>, vector<16xi32>,
        %get3A_308 = arith.constant 112 : index
        %get3A_309 = tpu.vector_load %arg9[%get3A_308] {strides = array<i32>} : memref<128xi32, #tpu.memory_space<vmem>>, vector<16xi32>,
        %get3A_310 = arith.constant 112 : index
        %get3A_311 = tpu.vector_load %arg10[%get3A_310] {strides = array<i32>} : memref<128xi32, #tpu.memory_space<vmem>>, vector<16xi32>,
        %sub3A_312 = vector.broadcast %mul3A_35 : i32 to vector<16xi32>
        %sub3A_313 = arith.subi %get3A_311, %sub3A_312 : vector<16xi32>
        %ge3A_314 = arith.constant 0 : i32
        %ge3A_315 = vector.broadcast %ge3A_314 : i32 to vector<16xi32>
        %ge3A_316 = arith.cmpi sge, %sub3A_313, %ge3A_315 : vector<16xi32>
        %lt3A_317 = arith.constant 5120 : i32
        %lt3A_318 = vector.broadcast %lt3A_317 : i32 to vector<16xi32>
        %lt3A_319 = arith.cmpi slt, %sub3A_313, %lt3A_318 : vector<16xi32>
        %and3A_320 = arith.andi %ge3A_316, %lt3A_319 : vector<16xi1>
        %and3A_321 = arith.constant 15 : i32
        %and3A_322 = vector.broadcast %and3A_321 : i32 to vector<16xi32>
        %and3A_323 = arith.andi %get3A_311, %and3A_322 : vector<16xi32>
        %add3A_324 = arith.constant 5120 : i32
        %add3A_325 = vector.broadcast %add3A_324 : i32 to vector<16xi32>
        %add3A_326 = arith.addi %add3A_325, %and3A_323 : vector<16xi32>
        %select_n3A_327 = arith.select %and3A_320, %sub3A_313, %add3A_326 : vector<16xi1>, vector<16xi32>
        %add3A_328 = vector.broadcast %mul3A_33 : i32 to vector<16xi32>
        %add3A_329 = arith.addi %get3A_309, %add3A_328 : vector<16xi32>
        %swap3A_330 = arith.constant 112 : index
        %swap3A_331 = tpu.vector_load %arg11[%swap3A_330] {strides = array<i32>} : memref<128xi32, #tpu.memory_space<vmem>>, vector<16xi32>,
        tpu.vector_store %arg11[%swap3A_330], %add3A_329 {strides = array<i32>} : memref<128xi32, #tpu.memory_space<vmem>>, vector<16xi32>,
        %add3A_332 = vector.broadcast %mul3A_33 : i32 to vector<16xi32>
        %add3A_333 = arith.addi %get3A_311, %add3A_332 : vector<16xi32>
        %swap3A_334 = arith.constant 112 : index
        %swap3A_335 = tpu.vector_load %arg12[%swap3A_334] {strides = array<i32>} : memref<128xi32, #tpu.memory_space<vmem>>, vector<16xi32>,
        tpu.vector_store %arg12[%swap3A_334], %add3A_333 {strides = array<i32>} : memref<128xi32, #tpu.memory_space<vmem>>, vector<16xi32>,
        %swap3A_336 = arith.constant 112 : index
        %swap3A_337 = tpu.vector_load %arg13[%swap3A_336] {strides = array<i32>} : memref<128xi32, #tpu.memory_space<vmem>>, vector<16xi32>,
        tpu.vector_store %arg13[%swap3A_336], %select_n3A_327 {strides = array<i32>} : memref<128xi32, #tpu.memory_space<vmem>>, vector<16xi32>,
        %dma_start3A_338 = arith.constant 0 : i32
        %dma_start3A_339 = arith.constant 0 : i32
        %dma_start3A_340 = tpu.memref_slice %arg2[%dma_start3A_338, %dma_start3A_339] : memref<81920x128xf32, #tpu.memory_space<hbm>> -> memref<81920x128xf32, #tpu.memory_space<hbm>>
        tpu.enqueue_indirect_dma source(%dma_start3A_340 : memref<81920x128xf32, #tpu.memory_space<hbm>>) target(%arg14 : memref<128x128xf32, #tpu.memory_space<vmem>>) offsets(%arg11 : memref<128xi32, #tpu.memory_space<vmem>>) semaphore(%arg25 : memref<!tpu.dma_semaphore, #tpu.memory_space<semaphore_mem>>)
        %eq3A = arith.constant 0 : i32
        %eq3A_341 = arith.cmpi eq, %and3A_28, %eq3A : i32
        %convert_element_type3A_342 = arith.extui %eq3A_341 : i1 to i32
        %cond3A_343 = arith.constant 0 : i32
        %cond3A_344 = arith.cmpi ne, %convert_element_type3A_342, %cond3A_343 : i32
        scf.if %cond3A_344 {
          %dma_start3A_443 = arith.constant 0 : i32
          %dma_start3A_444 = arith.constant 0 : i32
          %dma_start3A_445 = tpu.memref_slice %arg3[%dma_start3A_443, %dma_start3A_444] : memref<81920x128xf32, #tpu.memory_space<hbm>> -> memref<81920x128xf32, #tpu.memory_space<hbm>>
          tpu.enqueue_indirect_dma source(%dma_start3A_445 : memref<81920x128xf32, #tpu.memory_space<hbm>>) target(%arg15 : memref<128x128xf32, #tpu.memory_space<vmem>>) offsets(%arg12 : memref<128xi32, #tpu.memory_space<vmem>>) semaphore(%arg26 : memref<!tpu.dma_semaphore, #tpu.memory_space<semaphore_mem>>)
          %dma_wait3A_446 = arith.constant 0 : i32
          %dma_wait3A_447 = arith.constant 0 : i32
          %dma_wait3A_448 = tpu.memref_slice %arg3[%dma_wait3A_446, %dma_wait3A_447] : memref<81920x128xf32, #tpu.memory_space<hbm>> -> memref<81920x128xf32, #tpu.memory_space<hbm>>
          tpu.wait_indirect_dma semaphore(%arg26 : memref<!tpu.dma_semaphore, #tpu.memory_space<semaphore_mem>>) src(%dma_wait3A_448 : memref<81920x128xf32, #tpu.memory_space<hbm>>) dst(%arg15 : memref<128x128xf32, #tpu.memory_space<vmem>>)
        } else {
        }
        %dma_wait3A_345 = arith.constant 0 : i32
        %dma_wait3A_346 = arith.constant 0 : i32
        %dma_wait3A_347 = tpu.memref_slice %arg2[%dma_wait3A_345, %dma_wait3A_346] : memref<81920x128xf32, #tpu.memory_space<hbm>> -> memref<81920x128xf32, #tpu.memory_space<hbm>>
        tpu.wait_indirect_dma semaphore(%arg25 : memref<!tpu.dma_semaphore, #tpu.memory_space<semaphore_mem>>) src(%dma_wait3A_347 : memref<81920x128xf32, #tpu.memory_space<hbm>>) dst(%arg14 : memref<128x128xf32, #tpu.memory_space<vmem>>)
        %eq3A_348 = arith.constant 0 : i32
        %eq3A_349 = arith.cmpi eq, %and3A_28, %eq3A_348 : i32
        %convert_element_type3A_350 = arith.extui %eq3A_349 : i1 to i32
        %cond3A_351 = arith.constant 0 : i32
        %cond3A_352 = arith.cmpi ne, %convert_element_type3A_350, %cond3A_351 : i32
        scf.if %cond3A_352 {
          %scan3A_443 = arith.constant 0 : i32
          %scan3A_444 = arith.constant 128 : i32
          %scan3A_445 = arith.addi %scan3A_443, %scan3A_444 : i32
          %scan3A_446 = arith.constant 1 : i32
          scf.for %scan3A_1030 = %scan3A_443 to %scan3A_445 step %scan3A_446  : i32 {
            %mul3A_1031 = arith.constant 1 : i32
            %mul3A_1032 = arith.muli %scan3A_1030, %mul3A_1031 : i32
            %add3A_1033 = arith.constant 0 : i32
            %add3A_1034 = arith.addi %add3A_1033, %mul3A_1032 : i32
            %get3A_1035 = arith.index_cast %add3A_1034 : i32 to index
            %get3A_1036 = arith.constant 0 : index
            %get3A_1037 = tpu.vector_load %arg14[%get3A_1035, %get3A_1036] {strides = array<i32>} : memref<128x128xf32, #tpu.memory_space<vmem>>, vector<16xf32>,
            %get3A_1038 = arith.index_cast %add3A_1034 : i32 to index
            %get3A_1039 = arith.constant 0 : index
            %get3A_1040 = tpu.vector_load %arg15[%get3A_1038, %get3A_1039] {strides = array<i32>} : memref<128x128xf32, #tpu.memory_space<vmem>>, vector<16xf32>,
            %add3A_1041 = arith.addf %get3A_1037, %get3A_1040 : vector<16xf32>
            %mul3A_1042 = arith.constant 2.000000e-01 : f32
            %mul3A_1043 = vector.broadcast %mul3A_1042 : f32 to vector<16xf32>
            %mul3A_1044 = arith.mulf %mul3A_1043, %add3A_1041 : vector<16xf32>
            %max3A = arith.maximumf %add3A_1041, %mul3A_1044 : vector<16xf32>
            %mul3A_1045 = arith.mulf %get3A_36, %max3A : vector<16xf32>
            %add3A_1046 = arith.addf %broadcast_in_dim3A_0, %mul3A_1045 : vector<16xf32>
            %get3A_1047 = arith.index_cast %add3A_1034 : i32 to index
            %get3A_1048 = arith.constant 16 : index
            %get3A_1049 = tpu.vector_load %arg14[%get3A_1047, %get3A_1048] {strides = array<i32>} : memref<128x128xf32, #tpu.memory_space<vmem>>, vector<16xf32>,
            %get3A_1050 = arith.index_cast %add3A_1034 : i32 to index
            %get3A_1051 = arith.constant 16 : index
            %get3A_1052 = tpu.vector_load %arg15[%get3A_1050, %get3A_1051] {strides = array<i32>} : memref<128x128xf32, #tpu.memory_space<vmem>>, vector<16xf32>,
            %add3A_1053 = arith.addf %get3A_1049, %get3A_1052 : vector<16xf32>
            %mul3A_1054 = arith.constant 2.000000e-01 : f32
            %mul3A_1055 = vector.broadcast %mul3A_1054 : f32 to vector<16xf32>
            %mul3A_1056 = arith.mulf %mul3A_1055, %add3A_1053 : vector<16xf32>
            %max3A_1057 = arith.maximumf %add3A_1053, %mul3A_1056 : vector<16xf32>
            %mul3A_1058 = arith.mulf %get3A_38, %max3A_1057 : vector<16xf32>
            %add3A_1059 = arith.addf %add3A_1046, %mul3A_1058 : vector<16xf32>
            %get3A_1060 = arith.index_cast %add3A_1034 : i32 to index
            %get3A_1061 = arith.constant 32 : index
            %get3A_1062 = tpu.vector_load %arg14[%get3A_1060, %get3A_1061] {strides = array<i32>} : memref<128x128xf32, #tpu.memory_space<vmem>>, vector<16xf32>,
            %get3A_1063 = arith.index_cast %add3A_1034 : i32 to index
            %get3A_1064 = arith.constant 32 : index
            %get3A_1065 = tpu.vector_load %arg15[%get3A_1063, %get3A_1064] {strides = array<i32>} : memref<128x128xf32, #tpu.memory_space<vmem>>, vector<16xf32>,
            %add3A_1066 = arith.addf %get3A_1062, %get3A_1065 : vector<16xf32>
            %mul3A_1067 = arith.constant 2.000000e-01 : f32
            %mul3A_1068 = vector.broadcast %mul3A_1067 : f32 to vector<16xf32>
            %mul3A_1069 = arith.mulf %mul3A_1068, %add3A_1066 : vector<16xf32>
            %max3A_1070 = arith.maximumf %add3A_1066, %mul3A_1069 : vector<16xf32>
            %mul3A_1071 = arith.mulf %get3A_40, %max3A_1070 : vector<16xf32>
            %add3A_1072 = arith.addf %add3A_1059, %mul3A_1071 : vector<16xf32>
            %get3A_1073 = arith.index_cast %add3A_1034 : i32 to index
            %get3A_1074 = arith.constant 48 : index
            %get3A_1075 = tpu.vector_load %arg14[%get3A_1073, %get3A_1074] {strides = array<i32>} : memref<128x128xf32, #tpu.memory_space<vmem>>, vector<16xf32>,
            %get3A_1076 = arith.index_cast %add3A_1034 : i32 to index
            %get3A_1077 = arith.constant 48 : index
            %get3A_1078 = tpu.vector_load %arg15[%get3A_1076, %get3A_1077] {strides = array<i32>} : memref<128x128xf32, #tpu.memory_space<vmem>>, vector<16xf32>,
            %add3A_1079 = arith.addf %get3A_1075, %get3A_1078 : vector<16xf32>
            %mul3A_1080 = arith.constant 2.000000e-01 : f32
            %mul3A_1081 = vector.broadcast %mul3A_1080 : f32 to vector<16xf32>
            %mul3A_1082 = arith.mulf %mul3A_1081, %add3A_1079 : vector<16xf32>
            %max3A_1083 = arith.maximumf %add3A_1079, %mul3A_1082 : vector<16xf32>
            %mul3A_1084 = arith.mulf %get3A_42, %max3A_1083 : vector<16xf32>
            %add3A_1085 = arith.addf %add3A_1072, %mul3A_1084 : vector<16xf32>
            %get3A_1086 = arith.index_cast %add3A_1034 : i32 to index
            %get3A_1087 = arith.constant 64 : index
            %get3A_1088 = tpu.vector_load %arg14[%get3A_1086, %get3A_1087] {strides = array<i32>} : memref<128x128xf32, #tpu.memory_space<vmem>>, vector<16xf32>,
            %get3A_1089 = arith.index_cast %add3A_1034 : i32 to index
            %get3A_1090 = arith.constant 64 : index
            %get3A_1091 = tpu.vector_load %arg15[%get3A_1089, %get3A_1090] {strides = array<i32>} : memref<128x128xf32, #tpu.memory_space<vmem>>, vector<16xf32>,
            %add3A_1092 = arith.addf %get3A_1088, %get3A_1091 : vector<16xf32>
            %mul3A_1093 = arith.constant 2.000000e-01 : f32
            %mul3A_1094 = vector.broadcast %mul3A_1093 : f32 to vector<16xf32>
            %mul3A_1095 = arith.mulf %mul3A_1094, %add3A_1092 : vector<16xf32>
            %max3A_1096 = arith.maximumf %add3A_1092, %mul3A_1095 : vector<16xf32>
            %mul3A_1097 = arith.mulf %get3A_44, %max3A_1096 : vector<16xf32>
            %add3A_1098 = arith.addf %add3A_1085, %mul3A_1097 : vector<16xf32>
            %get3A_1099 = arith.index_cast %add3A_1034 : i32 to index
            %get3A_1100 = arith.constant 80 : index
            %get3A_1101 = tpu.vector_load %arg14[%get3A_1099, %get3A_1100] {strides = array<i32>} : memref<128x128xf32, #tpu.memory_space<vmem>>, vector<16xf32>,
            %get3A_1102 = arith.index_cast %add3A_1034 : i32 to index
            %get3A_1103 = arith.constant 80 : index
            %get3A_1104 = tpu.vector_load %arg15[%get3A_1102, %get3A_1103] {strides = array<i32>} : memref<128x128xf32, #tpu.memory_space<vmem>>, vector<16xf32>,
            %add3A_1105 = arith.addf %get3A_1101, %get3A_1104 : vector<16xf32>
            %mul3A_1106 = arith.constant 2.000000e-01 : f32
            %mul3A_1107 = vector.broadcast %mul3A_1106 : f32 to vector<16xf32>
            %mul3A_1108 = arith.mulf %mul3A_1107, %add3A_1105 : vector<16xf32>
            %max3A_1109 = arith.maximumf %add3A_1105, %mul3A_1108 : vector<16xf32>
            %mul3A_1110 = arith.mulf %get3A_46, %max3A_1109 : vector<16xf32>
            %add3A_1111 = arith.addf %add3A_1098, %mul3A_1110 : vector<16xf32>
            %get3A_1112 = arith.index_cast %add3A_1034 : i32 to index
            %get3A_1113 = arith.constant 96 : index
            %get3A_1114 = tpu.vector_load %arg14[%get3A_1112, %get3A_1113] {strides = array<i32>} : memref<128x128xf32, #tpu.memory_space<vmem>>, vector<16xf32>,
            %get3A_1115 = arith.index_cast %add3A_1034 : i32 to index
            %get3A_1116 = arith.constant 96 : index
            %get3A_1117 = tpu.vector_load %arg15[%get3A_1115, %get3A_1116] {strides = array<i32>} : memref<128x128xf32, #tpu.memory_space<vmem>>, vector<16xf32>,
            %add3A_1118 = arith.addf %get3A_1114, %get3A_1117 : vector<16xf32>
            %mul3A_1119 = arith.constant 2.000000e-01 : f32
            %mul3A_1120 = vector.broadcast %mul3A_1119 : f32 to vector<16xf32>
            %mul3A_1121 = arith.mulf %mul3A_1120, %add3A_1118 : vector<16xf32>
            %max3A_1122 = arith.maximumf %add3A_1118, %mul3A_1121 : vector<16xf32>
            %mul3A_1123 = arith.mulf %get3A_48, %max3A_1122 : vector<16xf32>
            %add3A_1124 = arith.addf %add3A_1111, %mul3A_1123 : vector<16xf32>
            %get3A_1125 = arith.index_cast %add3A_1034 : i32 to index
            %get3A_1126 = arith.constant 112 : index
            %get3A_1127 = tpu.vector_load %arg14[%get3A_1125, %get3A_1126] {strides = array<i32>} : memref<128x128xf32, #tpu.memory_space<vmem>>, vector<16xf32>,
            %get3A_1128 = arith.index_cast %add3A_1034 : i32 to index
            %get3A_1129 = arith.constant 112 : index
            %get3A_1130 = tpu.vector_load %arg15[%get3A_1128, %get3A_1129] {strides = array<i32>} : memref<128x128xf32, #tpu.memory_space<vmem>>, vector<16xf32>,
            %add3A_1131 = arith.addf %get3A_1127, %get3A_1130 : vector<16xf32>
            %mul3A_1132 = arith.constant 2.000000e-01 : f32
            %mul3A_1133 = vector.broadcast %mul3A_1132 : f32 to vector<16xf32>
            %mul3A_1134 = arith.mulf %mul3A_1133, %add3A_1131 : vector<16xf32>
            %max3A_1135 = arith.maximumf %add3A_1131, %mul3A_1134 : vector<16xf32>
            %mul3A_1136 = arith.mulf %get3A_50, %max3A_1135 : vector<16xf32>
            %add3A_1137 = arith.addf %add3A_1124, %mul3A_1136 : vector<16xf32>
            %swap3A_1138 = arith.index_cast %add3A_1034 : i32 to index
            %swap3A_1139 = arith.constant 0 : index
            %swap3A_1140 = tpu.vector_load %arg16[%swap3A_1138, %swap3A_1139] {strides = array<i32>} : memref<128x16xf32, #tpu.memory_space<vmem>>, vector<16xf32>,
            tpu.vector_store %arg16[%swap3A_1138, %swap3A_1139], %add3A_1137 {strides = array<i32>} : memref<128x16xf32, #tpu.memory_space<vmem>>, vector<16xf32>,
          }
          %scan3A_447 = arith.constant 128 : i32
          %add3A_448 = arith.constant 0 : i32
          %add3A_449 = vector.broadcast %add3A_448 : i32 to vector<16xi32>
          %add3A_450 = arith.addi %add3A_449, %iota3A : vector<16xi32>
          %broadcast_in_dim3A_451 = arith.constant 0 : i32
          %broadcast_in_dim3A_452 = vector.broadcast %broadcast_in_dim3A_451 : i32 to vector<16xi32>
          %gather3A = tpu.vector_load_idx %arg16[%add3A_450, %broadcast_in_dim3A_452] : memref<128x16xf32, #tpu.memory_space<vmem>>[vector<16xi32>, vector<16xi32>], vector<16xf32>,
          %add3A_453 = arith.addf %broadcast_in_dim3A_0, %gather3A : vector<16xf32>
          %broadcast_in_dim3A_454 = arith.constant 1 : i32
          %broadcast_in_dim3A_455 = vector.broadcast %broadcast_in_dim3A_454 : i32 to vector<16xi32>
          %gather3A_456 = tpu.vector_load_idx %arg16[%add3A_450, %broadcast_in_dim3A_455] : memref<128x16xf32, #tpu.memory_space<vmem>>[vector<16xi32>, vector<16xi32>], vector<16xf32>,
          %add3A_457 = arith.addf %add3A_453, %gather3A_456 : vector<16xf32>
          %broadcast_in_dim3A_458 = arith.constant 2 : i32
          %broadcast_in_dim3A_459 = vector.broadcast %broadcast_in_dim3A_458 : i32 to vector<16xi32>
          %gather3A_460 = tpu.vector_load_idx %arg16[%add3A_450, %broadcast_in_dim3A_459] : memref<128x16xf32, #tpu.memory_space<vmem>>[vector<16xi32>, vector<16xi32>], vector<16xf32>,
          %add3A_461 = arith.addf %add3A_457, %gather3A_460 : vector<16xf32>
          %broadcast_in_dim3A_462 = arith.constant 3 : i32
          %broadcast_in_dim3A_463 = vector.broadcast %broadcast_in_dim3A_462 : i32 to vector<16xi32>
          %gather3A_464 = tpu.vector_load_idx %arg16[%add3A_450, %broadcast_in_dim3A_463] : memref<128x16xf32, #tpu.memory_space<vmem>>[vector<16xi32>, vector<16xi32>], vector<16xf32>,
          %add3A_465 = arith.addf %add3A_461, %gather3A_464 : vector<16xf32>
          %broadcast_in_dim3A_466 = arith.constant 4 : i32
          %broadcast_in_dim3A_467 = vector.broadcast %broadcast_in_dim3A_466 : i32 to vector<16xi32>
          %gather3A_468 = tpu.vector_load_idx %arg16[%add3A_450, %broadcast_in_dim3A_467] : memref<128x16xf32, #tpu.memory_space<vmem>>[vector<16xi32>, vector<16xi32>], vector<16xf32>,
          %add3A_469 = arith.addf %add3A_465, %gather3A_468 : vector<16xf32>
          %broadcast_in_dim3A_470 = arith.constant 5 : i32
          %broadcast_in_dim3A_471 = vector.broadcast %broadcast_in_dim3A_470 : i32 to vector<16xi32>
          %gather3A_472 = tpu.vector_load_idx %arg16[%add3A_450, %broadcast_in_dim3A_471] : memref<128x16xf32, #tpu.memory_space<vmem>>[vector<16xi32>, vector<16xi32>], vector<16xf32>,
          %add3A_473 = arith.addf %add3A_469, %gather3A_472 : vector<16xf32>
          %broadcast_in_dim3A_474 = arith.constant 6 : i32
          %broadcast_in_dim3A_475 = vector.broadcast %broadcast_in_dim3A_474 : i32 to vector<16xi32>
          %gather3A_476 = tpu.vector_load_idx %arg16[%add3A_450, %broadcast_in_dim3A_475] : memref<128x16xf32, #tpu.memory_space<vmem>>[vector<16xi32>, vector<16xi32>], vector<16xf32>,
          %add3A_477 = arith.addf %add3A_473, %gather3A_476 : vector<16xf32>
          %broadcast_in_dim3A_478 = arith.constant 7 : i32
          %broadcast_in_dim3A_479 = vector.broadcast %broadcast_in_dim3A_478 : i32 to vector<16xi32>
          %gather3A_480 = tpu.vector_load_idx %arg16[%add3A_450, %broadcast_in_dim3A_479] : memref<128x16xf32, #tpu.memory_space<vmem>>[vector<16xi32>, vector<16xi32>], vector<16xf32>,
          %add3A_481 = arith.addf %add3A_477, %gather3A_480 : vector<16xf32>
          %broadcast_in_dim3A_482 = arith.constant 8 : i32
          %broadcast_in_dim3A_483 = vector.broadcast %broadcast_in_dim3A_482 : i32 to vector<16xi32>
          %gather3A_484 = tpu.vector_load_idx %arg16[%add3A_450, %broadcast_in_dim3A_483] : memref<128x16xf32, #tpu.memory_space<vmem>>[vector<16xi32>, vector<16xi32>], vector<16xf32>,
          %add3A_485 = arith.addf %add3A_481, %gather3A_484 : vector<16xf32>
          %broadcast_in_dim3A_486 = arith.constant 9 : i32
          %broadcast_in_dim3A_487 = vector.broadcast %broadcast_in_dim3A_486 : i32 to vector<16xi32>
          %gather3A_488 = tpu.vector_load_idx %arg16[%add3A_450, %broadcast_in_dim3A_487] : memref<128x16xf32, #tpu.memory_space<vmem>>[vector<16xi32>, vector<16xi32>], vector<16xf32>,
          %add3A_489 = arith.addf %add3A_485, %gather3A_488 : vector<16xf32>
          %broadcast_in_dim3A_490 = arith.constant 10 : i32
          %broadcast_in_dim3A_491 = vector.broadcast %broadcast_in_dim3A_490 : i32 to vector<16xi32>
          %gather3A_492 = tpu.vector_load_idx %arg16[%add3A_450, %broadcast_in_dim3A_491] : memref<128x16xf32, #tpu.memory_space<vmem>>[vector<16xi32>, vector<16xi32>], vector<16xf32>,
          %add3A_493 = arith.addf %add3A_489, %gather3A_492 : vector<16xf32>
          %broadcast_in_dim3A_494 = arith.constant 11 : i32
          %broadcast_in_dim3A_495 = vector.broadcast %broadcast_in_dim3A_494 : i32 to vector<16xi32>
          %gather3A_496 = tpu.vector_load_idx %arg16[%add3A_450, %broadcast_in_dim3A_495] : memref<128x16xf32, #tpu.memory_space<vmem>>[vector<16xi32>, vector<16xi32>], vector<16xf32>,
          %add3A_497 = arith.addf %add3A_493, %gather3A_496 : vector<16xf32>
          %broadcast_in_dim3A_498 = arith.constant 12 : i32
          %broadcast_in_dim3A_499 = vector.broadcast %broadcast_in_dim3A_498 : i32 to vector<16xi32>
          %gather3A_500 = tpu.vector_load_idx %arg16[%add3A_450, %broadcast_in_dim3A_499] : memref<128x16xf32, #tpu.memory_space<vmem>>[vector<16xi32>, vector<16xi32>], vector<16xf32>,
          %add3A_501 = arith.addf %add3A_497, %gather3A_500 : vector<16xf32>
          %broadcast_in_dim3A_502 = arith.constant 13 : i32
          %broadcast_in_dim3A_503 = vector.broadcast %broadcast_in_dim3A_502 : i32 to vector<16xi32>
          %gather3A_504 = tpu.vector_load_idx %arg16[%add3A_450, %broadcast_in_dim3A_503] : memref<128x16xf32, #tpu.memory_space<vmem>>[vector<16xi32>, vector<16xi32>], vector<16xf32>,
          %add3A_505 = arith.addf %add3A_501, %gather3A_504 : vector<16xf32>
          %broadcast_in_dim3A_506 = arith.constant 14 : i32
          %broadcast_in_dim3A_507 = vector.broadcast %broadcast_in_dim3A_506 : i32 to vector<16xi32>
          %gather3A_508 = tpu.vector_load_idx %arg16[%add3A_450, %broadcast_in_dim3A_507] : memref<128x16xf32, #tpu.memory_space<vmem>>[vector<16xi32>, vector<16xi32>], vector<16xf32>,
          %add3A_509 = arith.addf %add3A_505, %gather3A_508 : vector<16xf32>
          %broadcast_in_dim3A_510 = arith.constant 15 : i32
          %broadcast_in_dim3A_511 = vector.broadcast %broadcast_in_dim3A_510 : i32 to vector<16xi32>
          %gather3A_512 = tpu.vector_load_idx %arg16[%add3A_450, %broadcast_in_dim3A_511] : memref<128x16xf32, #tpu.memory_space<vmem>>[vector<16xi32>, vector<16xi32>], vector<16xf32>,
          %add3A_513 = arith.addf %add3A_509, %gather3A_512 : vector<16xf32>
          %exp3A = math.exp %add3A_513 : vector<16xf32>
          %swap3A_514 = arith.constant 0 : index
          %swap3A_515 = tpu.vector_load %arg17[%swap3A_514] {strides = array<i32>} : memref<128xf32, #tpu.memory_space<vmem>>, vector<16xf32>,
          tpu.vector_store %arg17[%swap3A_514], %exp3A {strides = array<i32>} : memref<128xf32, #tpu.memory_space<vmem>>, vector<16xf32>,
          %swap3A_516 = arith.index_cast %add3A_89 : i32 to index
          %swap3A_517 = arith.constant 0 : index
          %swap3A_518 = tpu.vector_load %arg18[%swap3A_516, %swap3A_517] {strides = array<i32>} : memref<84x128xf32, #tpu.memory_space<vmem>>, vector<16xf32>,
          tpu.vector_store %arg18[%swap3A_516, %swap3A_517], %exp3A {strides = array<i32>} : memref<84x128xf32, #tpu.memory_space<vmem>>, vector<16xf32>,
          %add3A_519 = arith.constant 16 : i32
          %add3A_520 = vector.broadcast %add3A_519 : i32 to vector<16xi32>
          %add3A_521 = arith.addi %add3A_520, %iota3A : vector<16xi32>
          %broadcast_in_dim3A_522 = arith.constant 0 : i32
          %broadcast_in_dim3A_523 = vector.broadcast %broadcast_in_dim3A_522 : i32 to vector<16xi32>
          %gather3A_524 = tpu.vector_load_idx %arg16[%add3A_521, %broadcast_in_dim3A_523] : memref<128x16xf32, #tpu.memory_space<vmem>>[vector<16xi32>, vector<16xi32>], vector<16xf32>,
          %add3A_525 = arith.addf %broadcast_in_dim3A_0, %gather3A_524 : vector<16xf32>
          %broadcast_in_dim3A_526 = arith.constant 1 : i32
          %broadcast_in_dim3A_527 = vector.broadcast %broadcast_in_dim3A_526 : i32 to vector<16xi32>
          %gather3A_528 = tpu.vector_load_idx %arg16[%add3A_521, %broadcast_in_dim3A_527] : memref<128x16xf32, #tpu.memory_space<vmem>>[vector<16xi32>, vector<16xi32>], vector<16xf32>,
          %add3A_529 = arith.addf %add3A_525, %gather3A_528 : vector<16xf32>
          %broadcast_in_dim3A_530 = arith.constant 2 : i32
          %broadcast_in_dim3A_531 = vector.broadcast %broadcast_in_dim3A_530 : i32 to vector<16xi32>
          %gather3A_532 = tpu.vector_load_idx %arg16[%add3A_521, %broadcast_in_dim3A_531] : memref<128x16xf32, #tpu.memory_space<vmem>>[vector<16xi32>, vector<16xi32>], vector<16xf32>,
          %add3A_533 = arith.addf %add3A_529, %gather3A_532 : vector<16xf32>
          %broadcast_in_dim3A_534 = arith.constant 3 : i32
          %broadcast_in_dim3A_535 = vector.broadcast %broadcast_in_dim3A_534 : i32 to vector<16xi32>
          %gather3A_536 = tpu.vector_load_idx %arg16[%add3A_521, %broadcast_in_dim3A_535] : memref<128x16xf32, #tpu.memory_space<vmem>>[vector<16xi32>, vector<16xi32>], vector<16xf32>,
          %add3A_537 = arith.addf %add3A_533, %gather3A_536 : vector<16xf32>
          %broadcast_in_dim3A_538 = arith.constant 4 : i32
          %broadcast_in_dim3A_539 = vector.broadcast %broadcast_in_dim3A_538 : i32 to vector<16xi32>
          %gather3A_540 = tpu.vector_load_idx %arg16[%add3A_521, %broadcast_in_dim3A_539] : memref<128x16xf32, #tpu.memory_space<vmem>>[vector<16xi32>, vector<16xi32>], vector<16xf32>,
          %add3A_541 = arith.addf %add3A_537, %gather3A_540 : vector<16xf32>
          %broadcast_in_dim3A_542 = arith.constant 5 : i32
          %broadcast_in_dim3A_543 = vector.broadcast %broadcast_in_dim3A_542 : i32 to vector<16xi32>
          %gather3A_544 = tpu.vector_load_idx %arg16[%add3A_521, %broadcast_in_dim3A_543] : memref<128x16xf32, #tpu.memory_space<vmem>>[vector<16xi32>, vector<16xi32>], vector<16xf32>,
          %add3A_545 = arith.addf %add3A_541, %gather3A_544 : vector<16xf32>
          %broadcast_in_dim3A_546 = arith.constant 6 : i32
          %broadcast_in_dim3A_547 = vector.broadcast %broadcast_in_dim3A_546 : i32 to vector<16xi32>
          %gather3A_548 = tpu.vector_load_idx %arg16[%add3A_521, %broadcast_in_dim3A_547] : memref<128x16xf32, #tpu.memory_space<vmem>>[vector<16xi32>, vector<16xi32>], vector<16xf32>,
          %add3A_549 = arith.addf %add3A_545, %gather3A_548 : vector<16xf32>
          %broadcast_in_dim3A_550 = arith.constant 7 : i32
          %broadcast_in_dim3A_551 = vector.broadcast %broadcast_in_dim3A_550 : i32 to vector<16xi32>
          %gather3A_552 = tpu.vector_load_idx %arg16[%add3A_521, %broadcast_in_dim3A_551] : memref<128x16xf32, #tpu.memory_space<vmem>>[vector<16xi32>, vector<16xi32>], vector<16xf32>,
          %add3A_553 = arith.addf %add3A_549, %gather3A_552 : vector<16xf32>
          %broadcast_in_dim3A_554 = arith.constant 8 : i32
          %broadcast_in_dim3A_555 = vector.broadcast %broadcast_in_dim3A_554 : i32 to vector<16xi32>
          %gather3A_556 = tpu.vector_load_idx %arg16[%add3A_521, %broadcast_in_dim3A_555] : memref<128x16xf32, #tpu.memory_space<vmem>>[vector<16xi32>, vector<16xi32>], vector<16xf32>,
          %add3A_557 = arith.addf %add3A_553, %gather3A_556 : vector<16xf32>
          %broadcast_in_dim3A_558 = arith.constant 9 : i32
          %broadcast_in_dim3A_559 = vector.broadcast %broadcast_in_dim3A_558 : i32 to vector<16xi32>
          %gather3A_560 = tpu.vector_load_idx %arg16[%add3A_521, %broadcast_in_dim3A_559] : memref<128x16xf32, #tpu.memory_space<vmem>>[vector<16xi32>, vector<16xi32>], vector<16xf32>,
          %add3A_561 = arith.addf %add3A_557, %gather3A_560 : vector<16xf32>
          %broadcast_in_dim3A_562 = arith.constant 10 : i32
          %broadcast_in_dim3A_563 = vector.broadcast %broadcast_in_dim3A_562 : i32 to vector<16xi32>
          %gather3A_564 = tpu.vector_load_idx %arg16[%add3A_521, %broadcast_in_dim3A_563] : memref<128x16xf32, #tpu.memory_space<vmem>>[vector<16xi32>, vector<16xi32>], vector<16xf32>,
          %add3A_565 = arith.addf %add3A_561, %gather3A_564 : vector<16xf32>
          %broadcast_in_dim3A_566 = arith.constant 11 : i32
          %broadcast_in_dim3A_567 = vector.broadcast %broadcast_in_dim3A_566 : i32 to vector<16xi32>
          %gather3A_568 = tpu.vector_load_idx %arg16[%add3A_521, %broadcast_in_dim3A_567] : memref<128x16xf32, #tpu.memory_space<vmem>>[vector<16xi32>, vector<16xi32>], vector<16xf32>,
          %add3A_569 = arith.addf %add3A_565, %gather3A_568 : vector<16xf32>
          %broadcast_in_dim3A_570 = arith.constant 12 : i32
          %broadcast_in_dim3A_571 = vector.broadcast %broadcast_in_dim3A_570 : i32 to vector<16xi32>
          %gather3A_572 = tpu.vector_load_idx %arg16[%add3A_521, %broadcast_in_dim3A_571] : memref<128x16xf32, #tpu.memory_space<vmem>>[vector<16xi32>, vector<16xi32>], vector<16xf32>,
          %add3A_573 = arith.addf %add3A_569, %gather3A_572 : vector<16xf32>
          %broadcast_in_dim3A_574 = arith.constant 13 : i32
          %broadcast_in_dim3A_575 = vector.broadcast %broadcast_in_dim3A_574 : i32 to vector<16xi32>
          %gather3A_576 = tpu.vector_load_idx %arg16[%add3A_521, %broadcast_in_dim3A_575] : memref<128x16xf32, #tpu.memory_space<vmem>>[vector<16xi32>, vector<16xi32>], vector<16xf32>,
          %add3A_577 = arith.addf %add3A_573, %gather3A_576 : vector<16xf32>
          %broadcast_in_dim3A_578 = arith.constant 14 : i32
          %broadcast_in_dim3A_579 = vector.broadcast %broadcast_in_dim3A_578 : i32 to vector<16xi32>
          %gather3A_580 = tpu.vector_load_idx %arg16[%add3A_521, %broadcast_in_dim3A_579] : memref<128x16xf32, #tpu.memory_space<vmem>>[vector<16xi32>, vector<16xi32>], vector<16xf32>,
          %add3A_581 = arith.addf %add3A_577, %gather3A_580 : vector<16xf32>
          %broadcast_in_dim3A_582 = arith.constant 15 : i32
          %broadcast_in_dim3A_583 = vector.broadcast %broadcast_in_dim3A_582 : i32 to vector<16xi32>
          %gather3A_584 = tpu.vector_load_idx %arg16[%add3A_521, %broadcast_in_dim3A_583] : memref<128x16xf32, #tpu.memory_space<vmem>>[vector<16xi32>, vector<16xi32>], vector<16xf32>,
          %add3A_585 = arith.addf %add3A_581, %gather3A_584 : vector<16xf32>
          %exp3A_586 = math.exp %add3A_585 : vector<16xf32>
          %swap3A_587 = arith.constant 16 : index
          %swap3A_588 = tpu.vector_load %arg17[%swap3A_587] {strides = array<i32>} : memref<128xf32, #tpu.memory_space<vmem>>, vector<16xf32>,
          tpu.vector_store %arg17[%swap3A_587], %exp3A_586 {strides = array<i32>} : memref<128xf32, #tpu.memory_space<vmem>>, vector<16xf32>,
          %swap3A_589 = arith.index_cast %add3A_89 : i32 to index
          %swap3A_590 = arith.constant 16 : index
          %swap3A_591 = tpu.vector_load %arg18[%swap3A_589, %swap3A_590] {strides = array<i32>} : memref<84x128xf32, #tpu.memory_space<vmem>>, vector<16xf32>,
          tpu.vector_store %arg18[%swap3A_589, %swap3A_590], %exp3A_586 {strides = array<i32>} : memref<84x128xf32, #tpu.memory_space<vmem>>, vector<16xf32>,
          %add3A_592 = arith.constant 32 : i32
          %add3A_593 = vector.broadcast %add3A_592 : i32 to vector<16xi32>
          %add3A_594 = arith.addi %add3A_593, %iota3A : vector<16xi32>
          %broadcast_in_dim3A_595 = arith.constant 0 : i32
          %broadcast_in_dim3A_596 = vector.broadcast %broadcast_in_dim3A_595 : i32 to vector<16xi32>
          %gather3A_597 = tpu.vector_load_idx %arg16[%add3A_594, %broadcast_in_dim3A_596] : memref<128x16xf32, #tpu.memory_space<vmem>>[vector<16xi32>, vector<16xi32>], vector<16xf32>,
          %add3A_598 = arith.addf %broadcast_in_dim3A_0, %gather3A_597 : vector<16xf32>
          %broadcast_in_dim3A_599 = arith.constant 1 : i32
          %broadcast_in_dim3A_600 = vector.broadcast %broadcast_in_dim3A_599 : i32 to vector<16xi32>
          %gather3A_601 = tpu.vector_load_idx %arg16[%add3A_594, %broadcast_in_dim3A_600] : memref<128x16xf32, #tpu.memory_space<vmem>>[vector<16xi32>, vector<16xi32>], vector<16xf32>,
          %add3A_602 = arith.addf %add3A_598, %gather3A_601 : vector<16xf32>
          %broadcast_in_dim3A_603 = arith.constant 2 : i32
          %broadcast_in_dim3A_604 = vector.broadcast %broadcast_in_dim3A_603 : i32 to vector<16xi32>
          %gather3A_605 = tpu.vector_load_idx %arg16[%add3A_594, %broadcast_in_dim3A_604] : memref<128x16xf32, #tpu.memory_space<vmem>>[vector<16xi32>, vector<16xi32>], vector<16xf32>,
          %add3A_606 = arith.addf %add3A_602, %gather3A_605 : vector<16xf32>
          %broadcast_in_dim3A_607 = arith.constant 3 : i32
          %broadcast_in_dim3A_608 = vector.broadcast %broadcast_in_dim3A_607 : i32 to vector<16xi32>
          %gather3A_609 = tpu.vector_load_idx %arg16[%add3A_594, %broadcast_in_dim3A_608] : memref<128x16xf32, #tpu.memory_space<vmem>>[vector<16xi32>, vector<16xi32>], vector<16xf32>,
          %add3A_610 = arith.addf %add3A_606, %gather3A_609 : vector<16xf32>
          %broadcast_in_dim3A_611 = arith.constant 4 : i32
          %broadcast_in_dim3A_612 = vector.broadcast %broadcast_in_dim3A_611 : i32 to vector<16xi32>
          %gather3A_613 = tpu.vector_load_idx %arg16[%add3A_594, %broadcast_in_dim3A_612] : memref<128x16xf32, #tpu.memory_space<vmem>>[vector<16xi32>, vector<16xi32>], vector<16xf32>,
          %add3A_614 = arith.addf %add3A_610, %gather3A_613 : vector<16xf32>
          %broadcast_in_dim3A_615 = arith.constant 5 : i32
          %broadcast_in_dim3A_616 = vector.broadcast %broadcast_in_dim3A_615 : i32 to vector<16xi32>
          %gather3A_617 = tpu.vector_load_idx %arg16[%add3A_594, %broadcast_in_dim3A_616] : memref<128x16xf32, #tpu.memory_space<vmem>>[vector<16xi32>, vector<16xi32>], vector<16xf32>,
          %add3A_618 = arith.addf %add3A_614, %gather3A_617 : vector<16xf32>
          %broadcast_in_dim3A_619 = arith.constant 6 : i32
          %broadcast_in_dim3A_620 = vector.broadcast %broadcast_in_dim3A_619 : i32 to vector<16xi32>
          %gather3A_621 = tpu.vector_load_idx %arg16[%add3A_594, %broadcast_in_dim3A_620] : memref<128x16xf32, #tpu.memory_space<vmem>>[vector<16xi32>, vector<16xi32>], vector<16xf32>,
          %add3A_622 = arith.addf %add3A_618, %gather3A_621 : vector<16xf32>
          %broadcast_in_dim3A_623 = arith.constant 7 : i32
          %broadcast_in_dim3A_624 = vector.broadcast %broadcast_in_dim3A_623 : i32 to vector<16xi32>
          %gather3A_625 = tpu.vector_load_idx %arg16[%add3A_594, %broadcast_in_dim3A_624] : memref<128x16xf32, #tpu.memory_space<vmem>>[vector<16xi32>, vector<16xi32>], vector<16xf32>,
          %add3A_626 = arith.addf %add3A_622, %gather3A_625 : vector<16xf32>
          %broadcast_in_dim3A_627 = arith.constant 8 : i32
          %broadcast_in_dim3A_628 = vector.broadcast %broadcast_in_dim3A_627 : i32 to vector<16xi32>
          %gather3A_629 = tpu.vector_load_idx %arg16[%add3A_594, %broadcast_in_dim3A_628] : memref<128x16xf32, #tpu.memory_space<vmem>>[vector<16xi32>, vector<16xi32>], vector<16xf32>,
          %add3A_630 = arith.addf %add3A_626, %gather3A_629 : vector<16xf32>
          %broadcast_in_dim3A_631 = arith.constant 9 : i32
          %broadcast_in_dim3A_632 = vector.broadcast %broadcast_in_dim3A_631 : i32 to vector<16xi32>
          %gather3A_633 = tpu.vector_load_idx %arg16[%add3A_594, %broadcast_in_dim3A_632] : memref<128x16xf32, #tpu.memory_space<vmem>>[vector<16xi32>, vector<16xi32>], vector<16xf32>,
          %add3A_634 = arith.addf %add3A_630, %gather3A_633 : vector<16xf32>
          %broadcast_in_dim3A_635 = arith.constant 10 : i32
          %broadcast_in_dim3A_636 = vector.broadcast %broadcast_in_dim3A_635 : i32 to vector<16xi32>
          %gather3A_637 = tpu.vector_load_idx %arg16[%add3A_594, %broadcast_in_dim3A_636] : memref<128x16xf32, #tpu.memory_space<vmem>>[vector<16xi32>, vector<16xi32>], vector<16xf32>,
          %add3A_638 = arith.addf %add3A_634, %gather3A_637 : vector<16xf32>
          %broadcast_in_dim3A_639 = arith.constant 11 : i32
          %broadcast_in_dim3A_640 = vector.broadcast %broadcast_in_dim3A_639 : i32 to vector<16xi32>
          %gather3A_641 = tpu.vector_load_idx %arg16[%add3A_594, %broadcast_in_dim3A_640] : memref<128x16xf32, #tpu.memory_space<vmem>>[vector<16xi32>, vector<16xi32>], vector<16xf32>,
          %add3A_642 = arith.addf %add3A_638, %gather3A_641 : vector<16xf32>
          %broadcast_in_dim3A_643 = arith.constant 12 : i32
          %broadcast_in_dim3A_644 = vector.broadcast %broadcast_in_dim3A_643 : i32 to vector<16xi32>
          %gather3A_645 = tpu.vector_load_idx %arg16[%add3A_594, %broadcast_in_dim3A_644] : memref<128x16xf32, #tpu.memory_space<vmem>>[vector<16xi32>, vector<16xi32>], vector<16xf32>,
          %add3A_646 = arith.addf %add3A_642, %gather3A_645 : vector<16xf32>
          %broadcast_in_dim3A_647 = arith.constant 13 : i32
          %broadcast_in_dim3A_648 = vector.broadcast %broadcast_in_dim3A_647 : i32 to vector<16xi32>
          %gather3A_649 = tpu.vector_load_idx %arg16[%add3A_594, %broadcast_in_dim3A_648] : memref<128x16xf32, #tpu.memory_space<vmem>>[vector<16xi32>, vector<16xi32>], vector<16xf32>,
          %add3A_650 = arith.addf %add3A_646, %gather3A_649 : vector<16xf32>
          %broadcast_in_dim3A_651 = arith.constant 14 : i32
          %broadcast_in_dim3A_652 = vector.broadcast %broadcast_in_dim3A_651 : i32 to vector<16xi32>
          %gather3A_653 = tpu.vector_load_idx %arg16[%add3A_594, %broadcast_in_dim3A_652] : memref<128x16xf32, #tpu.memory_space<vmem>>[vector<16xi32>, vector<16xi32>], vector<16xf32>,
          %add3A_654 = arith.addf %add3A_650, %gather3A_653 : vector<16xf32>
          %broadcast_in_dim3A_655 = arith.constant 15 : i32
          %broadcast_in_dim3A_656 = vector.broadcast %broadcast_in_dim3A_655 : i32 to vector<16xi32>
          %gather3A_657 = tpu.vector_load_idx %arg16[%add3A_594, %broadcast_in_dim3A_656] : memref<128x16xf32, #tpu.memory_space<vmem>>[vector<16xi32>, vector<16xi32>], vector<16xf32>,
          %add3A_658 = arith.addf %add3A_654, %gather3A_657 : vector<16xf32>
          %exp3A_659 = math.exp %add3A_658 : vector<16xf32>
          %swap3A_660 = arith.constant 32 : index
          %swap3A_661 = tpu.vector_load %arg17[%swap3A_660] {strides = array<i32>} : memref<128xf32, #tpu.memory_space<vmem>>, vector<16xf32>,
          tpu.vector_store %arg17[%swap3A_660], %exp3A_659 {strides = array<i32>} : memref<128xf32, #tpu.memory_space<vmem>>, vector<16xf32>,
          %swap3A_662 = arith.index_cast %add3A_89 : i32 to index
          %swap3A_663 = arith.constant 32 : index
          %swap3A_664 = tpu.vector_load %arg18[%swap3A_662, %swap3A_663] {strides = array<i32>} : memref<84x128xf32, #tpu.memory_space<vmem>>, vector<16xf32>,
          tpu.vector_store %arg18[%swap3A_662, %swap3A_663], %exp3A_659 {strides = array<i32>} : memref<84x128xf32, #tpu.memory_space<vmem>>, vector<16xf32>,
          %add3A_665 = arith.constant 48 : i32
          %add3A_666 = vector.broadcast %add3A_665 : i32 to vector<16xi32>
          %add3A_667 = arith.addi %add3A_666, %iota3A : vector<16xi32>
          %broadcast_in_dim3A_668 = arith.constant 0 : i32
          %broadcast_in_dim3A_669 = vector.broadcast %broadcast_in_dim3A_668 : i32 to vector<16xi32>
          %gather3A_670 = tpu.vector_load_idx %arg16[%add3A_667, %broadcast_in_dim3A_669] : memref<128x16xf32, #tpu.memory_space<vmem>>[vector<16xi32>, vector<16xi32>], vector<16xf32>,
          %add3A_671 = arith.addf %broadcast_in_dim3A_0, %gather3A_670 : vector<16xf32>
          %broadcast_in_dim3A_672 = arith.constant 1 : i32
          %broadcast_in_dim3A_673 = vector.broadcast %broadcast_in_dim3A_672 : i32 to vector<16xi32>
          %gather3A_674 = tpu.vector_load_idx %arg16[%add3A_667, %broadcast_in_dim3A_673] : memref<128x16xf32, #tpu.memory_space<vmem>>[vector<16xi32>, vector<16xi32>], vector<16xf32>,
          %add3A_675 = arith.addf %add3A_671, %gather3A_674 : vector<16xf32>
          %broadcast_in_dim3A_676 = arith.constant 2 : i32
          %broadcast_in_dim3A_677 = vector.broadcast %broadcast_in_dim3A_676 : i32 to vector<16xi32>
          %gather3A_678 = tpu.vector_load_idx %arg16[%add3A_667, %broadcast_in_dim3A_677] : memref<128x16xf32, #tpu.memory_space<vmem>>[vector<16xi32>, vector<16xi32>], vector<16xf32>,
          %add3A_679 = arith.addf %add3A_675, %gather3A_678 : vector<16xf32>
          %broadcast_in_dim3A_680 = arith.constant 3 : i32
          %broadcast_in_dim3A_681 = vector.broadcast %broadcast_in_dim3A_680 : i32 to vector<16xi32>
          %gather3A_682 = tpu.vector_load_idx %arg16[%add3A_667, %broadcast_in_dim3A_681] : memref<128x16xf32, #tpu.memory_space<vmem>>[vector<16xi32>, vector<16xi32>], vector<16xf32>,
          %add3A_683 = arith.addf %add3A_679, %gather3A_682 : vector<16xf32>
          %broadcast_in_dim3A_684 = arith.constant 4 : i32
          %broadcast_in_dim3A_685 = vector.broadcast %broadcast_in_dim3A_684 : i32 to vector<16xi32>
          %gather3A_686 = tpu.vector_load_idx %arg16[%add3A_667, %broadcast_in_dim3A_685] : memref<128x16xf32, #tpu.memory_space<vmem>>[vector<16xi32>, vector<16xi32>], vector<16xf32>,
          %add3A_687 = arith.addf %add3A_683, %gather3A_686 : vector<16xf32>
          %broadcast_in_dim3A_688 = arith.constant 5 : i32
          %broadcast_in_dim3A_689 = vector.broadcast %broadcast_in_dim3A_688 : i32 to vector<16xi32>
          %gather3A_690 = tpu.vector_load_idx %arg16[%add3A_667, %broadcast_in_dim3A_689] : memref<128x16xf32, #tpu.memory_space<vmem>>[vector<16xi32>, vector<16xi32>], vector<16xf32>,
          %add3A_691 = arith.addf %add3A_687, %gather3A_690 : vector<16xf32>
          %broadcast_in_dim3A_692 = arith.constant 6 : i32
          %broadcast_in_dim3A_693 = vector.broadcast %broadcast_in_dim3A_692 : i32 to vector<16xi32>
          %gather3A_694 = tpu.vector_load_idx %arg16[%add3A_667, %broadcast_in_dim3A_693] : memref<128x16xf32, #tpu.memory_space<vmem>>[vector<16xi32>, vector<16xi32>], vector<16xf32>,
          %add3A_695 = arith.addf %add3A_691, %gather3A_694 : vector<16xf32>
          %broadcast_in_dim3A_696 = arith.constant 7 : i32
          %broadcast_in_dim3A_697 = vector.broadcast %broadcast_in_dim3A_696 : i32 to vector<16xi32>
          %gather3A_698 = tpu.vector_load_idx %arg16[%add3A_667, %broadcast_in_dim3A_697] : memref<128x16xf32, #tpu.memory_space<vmem>>[vector<16xi32>, vector<16xi32>], vector<16xf32>,
          %add3A_699 = arith.addf %add3A_695, %gather3A_698 : vector<16xf32>
          %broadcast_in_dim3A_700 = arith.constant 8 : i32
          %broadcast_in_dim3A_701 = vector.broadcast %broadcast_in_dim3A_700 : i32 to vector<16xi32>
          %gather3A_702 = tpu.vector_load_idx %arg16[%add3A_667, %broadcast_in_dim3A_701] : memref<128x16xf32, #tpu.memory_space<vmem>>[vector<16xi32>, vector<16xi32>], vector<16xf32>,
          %add3A_703 = arith.addf %add3A_699, %gather3A_702 : vector<16xf32>
          %broadcast_in_dim3A_704 = arith.constant 9 : i32
          %broadcast_in_dim3A_705 = vector.broadcast %broadcast_in_dim3A_704 : i32 to vector<16xi32>
          %gather3A_706 = tpu.vector_load_idx %arg16[%add3A_667, %broadcast_in_dim3A_705] : memref<128x16xf32, #tpu.memory_space<vmem>>[vector<16xi32>, vector<16xi32>], vector<16xf32>,
          %add3A_707 = arith.addf %add3A_703, %gather3A_706 : vector<16xf32>
          %broadcast_in_dim3A_708 = arith.constant 10 : i32
          %broadcast_in_dim3A_709 = vector.broadcast %broadcast_in_dim3A_708 : i32 to vector<16xi32>
          %gather3A_710 = tpu.vector_load_idx %arg16[%add3A_667, %broadcast_in_dim3A_709] : memref<128x16xf32, #tpu.memory_space<vmem>>[vector<16xi32>, vector<16xi32>], vector<16xf32>,
          %add3A_711 = arith.addf %add3A_707, %gather3A_710 : vector<16xf32>
          %broadcast_in_dim3A_712 = arith.constant 11 : i32
          %broadcast_in_dim3A_713 = vector.broadcast %broadcast_in_dim3A_712 : i32 to vector<16xi32>
          %gather3A_714 = tpu.vector_load_idx %arg16[%add3A_667, %broadcast_in_dim3A_713] : memref<128x16xf32, #tpu.memory_space<vmem>>[vector<16xi32>, vector<16xi32>], vector<16xf32>,
          %add3A_715 = arith.addf %add3A_711, %gather3A_714 : vector<16xf32>
          %broadcast_in_dim3A_716 = arith.constant 12 : i32
          %broadcast_in_dim3A_717 = vector.broadcast %broadcast_in_dim3A_716 : i32 to vector<16xi32>
          %gather3A_718 = tpu.vector_load_idx %arg16[%add3A_667, %broadcast_in_dim3A_717] : memref<128x16xf32, #tpu.memory_space<vmem>>[vector<16xi32>, vector<16xi32>], vector<16xf32>,
          %add3A_719 = arith.addf %add3A_715, %gather3A_718 : vector<16xf32>
          %broadcast_in_dim3A_720 = arith.constant 13 : i32
          %broadcast_in_dim3A_721 = vector.broadcast %broadcast_in_dim3A_720 : i32 to vector<16xi32>
          %gather3A_722 = tpu.vector_load_idx %arg16[%add3A_667, %broadcast_in_dim3A_721] : memref<128x16xf32, #tpu.memory_space<vmem>>[vector<16xi32>, vector<16xi32>], vector<16xf32>,
          %add3A_723 = arith.addf %add3A_719, %gather3A_722 : vector<16xf32>
          %broadcast_in_dim3A_724 = arith.constant 14 : i32
          %broadcast_in_dim3A_725 = vector.broadcast %broadcast_in_dim3A_724 : i32 to vector<16xi32>
          %gather3A_726 = tpu.vector_load_idx %arg16[%add3A_667, %broadcast_in_dim3A_725] : memref<128x16xf32, #tpu.memory_space<vmem>>[vector<16xi32>, vector<16xi32>], vector<16xf32>,
          %add3A_727 = arith.addf %add3A_723, %gather3A_726 : vector<16xf32>
          %broadcast_in_dim3A_728 = arith.constant 15 : i32
          %broadcast_in_dim3A_729 = vector.broadcast %broadcast_in_dim3A_728 : i32 to vector<16xi32>
          %gather3A_730 = tpu.vector_load_idx %arg16[%add3A_667, %broadcast_in_dim3A_729] : memref<128x16xf32, #tpu.memory_space<vmem>>[vector<16xi32>, vector<16xi32>], vector<16xf32>,
          %add3A_731 = arith.addf %add3A_727, %gather3A_730 : vector<16xf32>
          %exp3A_732 = math.exp %add3A_731 : vector<16xf32>
          %swap3A_733 = arith.constant 48 : index
          %swap3A_734 = tpu.vector_load %arg17[%swap3A_733] {strides = array<i32>} : memref<128xf32, #tpu.memory_space<vmem>>, vector<16xf32>,
          tpu.vector_store %arg17[%swap3A_733], %exp3A_732 {strides = array<i32>} : memref<128xf32, #tpu.memory_space<vmem>>, vector<16xf32>,
          %swap3A_735 = arith.index_cast %add3A_89 : i32 to index
          %swap3A_736 = arith.constant 48 : index
          %swap3A_737 = tpu.vector_load %arg18[%swap3A_735, %swap3A_736] {strides = array<i32>} : memref<84x128xf32, #tpu.memory_space<vmem>>, vector<16xf32>,
          tpu.vector_store %arg18[%swap3A_735, %swap3A_736], %exp3A_732 {strides = array<i32>} : memref<84x128xf32, #tpu.memory_space<vmem>>, vector<16xf32>,
          %add3A_738 = arith.constant 64 : i32
          %add3A_739 = vector.broadcast %add3A_738 : i32 to vector<16xi32>
          %add3A_740 = arith.addi %add3A_739, %iota3A : vector<16xi32>
          %broadcast_in_dim3A_741 = arith.constant 0 : i32
          %broadcast_in_dim3A_742 = vector.broadcast %broadcast_in_dim3A_741 : i32 to vector<16xi32>
          %gather3A_743 = tpu.vector_load_idx %arg16[%add3A_740, %broadcast_in_dim3A_742] : memref<128x16xf32, #tpu.memory_space<vmem>>[vector<16xi32>, vector<16xi32>], vector<16xf32>,
          %add3A_744 = arith.addf %broadcast_in_dim3A_0, %gather3A_743 : vector<16xf32>
          %broadcast_in_dim3A_745 = arith.constant 1 : i32
          %broadcast_in_dim3A_746 = vector.broadcast %broadcast_in_dim3A_745 : i32 to vector<16xi32>
          %gather3A_747 = tpu.vector_load_idx %arg16[%add3A_740, %broadcast_in_dim3A_746] : memref<128x16xf32, #tpu.memory_space<vmem>>[vector<16xi32>, vector<16xi32>], vector<16xf32>,
          %add3A_748 = arith.addf %add3A_744, %gather3A_747 : vector<16xf32>
          %broadcast_in_dim3A_749 = arith.constant 2 : i32
          %broadcast_in_dim3A_750 = vector.broadcast %broadcast_in_dim3A_749 : i32 to vector<16xi32>
          %gather3A_751 = tpu.vector_load_idx %arg16[%add3A_740, %broadcast_in_dim3A_750] : memref<128x16xf32, #tpu.memory_space<vmem>>[vector<16xi32>, vector<16xi32>], vector<16xf32>,
          %add3A_752 = arith.addf %add3A_748, %gather3A_751 : vector<16xf32>
          %broadcast_in_dim3A_753 = arith.constant 3 : i32
          %broadcast_in_dim3A_754 = vector.broadcast %broadcast_in_dim3A_753 : i32 to vector<16xi32>
          %gather3A_755 = tpu.vector_load_idx %arg16[%add3A_740, %broadcast_in_dim3A_754] : memref<128x16xf32, #tpu.memory_space<vmem>>[vector<16xi32>, vector<16xi32>], vector<16xf32>,
          %add3A_756 = arith.addf %add3A_752, %gather3A_755 : vector<16xf32>
          %broadcast_in_dim3A_757 = arith.constant 4 : i32
          %broadcast_in_dim3A_758 = vector.broadcast %broadcast_in_dim3A_757 : i32 to vector<16xi32>
          %gather3A_759 = tpu.vector_load_idx %arg16[%add3A_740, %broadcast_in_dim3A_758] : memref<128x16xf32, #tpu.memory_space<vmem>>[vector<16xi32>, vector<16xi32>], vector<16xf32>,
          %add3A_760 = arith.addf %add3A_756, %gather3A_759 : vector<16xf32>
          %broadcast_in_dim3A_761 = arith.constant 5 : i32
          %broadcast_in_dim3A_762 = vector.broadcast %broadcast_in_dim3A_761 : i32 to vector<16xi32>
          %gather3A_763 = tpu.vector_load_idx %arg16[%add3A_740, %broadcast_in_dim3A_762] : memref<128x16xf32, #tpu.memory_space<vmem>>[vector<16xi32>, vector<16xi32>], vector<16xf32>,
          %add3A_764 = arith.addf %add3A_760, %gather3A_763 : vector<16xf32>
          %broadcast_in_dim3A_765 = arith.constant 6 : i32
          %broadcast_in_dim3A_766 = vector.broadcast %broadcast_in_dim3A_765 : i32 to vector<16xi32>
          %gather3A_767 = tpu.vector_load_idx %arg16[%add3A_740, %broadcast_in_dim3A_766] : memref<128x16xf32, #tpu.memory_space<vmem>>[vector<16xi32>, vector<16xi32>], vector<16xf32>,
          %add3A_768 = arith.addf %add3A_764, %gather3A_767 : vector<16xf32>
          %broadcast_in_dim3A_769 = arith.constant 7 : i32
          %broadcast_in_dim3A_770 = vector.broadcast %broadcast_in_dim3A_769 : i32 to vector<16xi32>
          %gather3A_771 = tpu.vector_load_idx %arg16[%add3A_740, %broadcast_in_dim3A_770] : memref<128x16xf32, #tpu.memory_space<vmem>>[vector<16xi32>, vector<16xi32>], vector<16xf32>,
          %add3A_772 = arith.addf %add3A_768, %gather3A_771 : vector<16xf32>
          %broadcast_in_dim3A_773 = arith.constant 8 : i32
          %broadcast_in_dim3A_774 = vector.broadcast %broadcast_in_dim3A_773 : i32 to vector<16xi32>
          %gather3A_775 = tpu.vector_load_idx %arg16[%add3A_740, %broadcast_in_dim3A_774] : memref<128x16xf32, #tpu.memory_space<vmem>>[vector<16xi32>, vector<16xi32>], vector<16xf32>,
          %add3A_776 = arith.addf %add3A_772, %gather3A_775 : vector<16xf32>
          %broadcast_in_dim3A_777 = arith.constant 9 : i32
          %broadcast_in_dim3A_778 = vector.broadcast %broadcast_in_dim3A_777 : i32 to vector<16xi32>
          %gather3A_779 = tpu.vector_load_idx %arg16[%add3A_740, %broadcast_in_dim3A_778] : memref<128x16xf32, #tpu.memory_space<vmem>>[vector<16xi32>, vector<16xi32>], vector<16xf32>,
          %add3A_780 = arith.addf %add3A_776, %gather3A_779 : vector<16xf32>
          %broadcast_in_dim3A_781 = arith.constant 10 : i32
          %broadcast_in_dim3A_782 = vector.broadcast %broadcast_in_dim3A_781 : i32 to vector<16xi32>
          %gather3A_783 = tpu.vector_load_idx %arg16[%add3A_740, %broadcast_in_dim3A_782] : memref<128x16xf32, #tpu.memory_space<vmem>>[vector<16xi32>, vector<16xi32>], vector<16xf32>,
          %add3A_784 = arith.addf %add3A_780, %gather3A_783 : vector<16xf32>
          %broadcast_in_dim3A_785 = arith.constant 11 : i32
          %broadcast_in_dim3A_786 = vector.broadcast %broadcast_in_dim3A_785 : i32 to vector<16xi32>
          %gather3A_787 = tpu.vector_load_idx %arg16[%add3A_740, %broadcast_in_dim3A_786] : memref<128x16xf32, #tpu.memory_space<vmem>>[vector<16xi32>, vector<16xi32>], vector<16xf32>,
          %add3A_788 = arith.addf %add3A_784, %gather3A_787 : vector<16xf32>
          %broadcast_in_dim3A_789 = arith.constant 12 : i32
          %broadcast_in_dim3A_790 = vector.broadcast %broadcast_in_dim3A_789 : i32 to vector<16xi32>
          %gather3A_791 = tpu.vector_load_idx %arg16[%add3A_740, %broadcast_in_dim3A_790] : memref<128x16xf32, #tpu.memory_space<vmem>>[vector<16xi32>, vector<16xi32>], vector<16xf32>,
          %add3A_792 = arith.addf %add3A_788, %gather3A_791 : vector<16xf32>
          %broadcast_in_dim3A_793 = arith.constant 13 : i32
          %broadcast_in_dim3A_794 = vector.broadcast %broadcast_in_dim3A_793 : i32 to vector<16xi32>
          %gather3A_795 = tpu.vector_load_idx %arg16[%add3A_740, %broadcast_in_dim3A_794] : memref<128x16xf32, #tpu.memory_space<vmem>>[vector<16xi32>, vector<16xi32>], vector<16xf32>,
          %add3A_796 = arith.addf %add3A_792, %gather3A_795 : vector<16xf32>
          %broadcast_in_dim3A_797 = arith.constant 14 : i32
          %broadcast_in_dim3A_798 = vector.broadcast %broadcast_in_dim3A_797 : i32 to vector<16xi32>
          %gather3A_799 = tpu.vector_load_idx %arg16[%add3A_740, %broadcast_in_dim3A_798] : memref<128x16xf32, #tpu.memory_space<vmem>>[vector<16xi32>, vector<16xi32>], vector<16xf32>,
          %add3A_800 = arith.addf %add3A_796, %gather3A_799 : vector<16xf32>
          %broadcast_in_dim3A_801 = arith.constant 15 : i32
          %broadcast_in_dim3A_802 = vector.broadcast %broadcast_in_dim3A_801 : i32 to vector<16xi32>
          %gather3A_803 = tpu.vector_load_idx %arg16[%add3A_740, %broadcast_in_dim3A_802] : memref<128x16xf32, #tpu.memory_space<vmem>>[vector<16xi32>, vector<16xi32>], vector<16xf32>,
          %add3A_804 = arith.addf %add3A_800, %gather3A_803 : vector<16xf32>
          %exp3A_805 = math.exp %add3A_804 : vector<16xf32>
          %swap3A_806 = arith.constant 64 : index
          %swap3A_807 = tpu.vector_load %arg17[%swap3A_806] {strides = array<i32>} : memref<128xf32, #tpu.memory_space<vmem>>, vector<16xf32>,
          tpu.vector_store %arg17[%swap3A_806], %exp3A_805 {strides = array<i32>} : memref<128xf32, #tpu.memory_space<vmem>>, vector<16xf32>,
          %swap3A_808 = arith.index_cast %add3A_89 : i32 to index
          %swap3A_809 = arith.constant 64 : index
          %swap3A_810 = tpu.vector_load %arg18[%swap3A_808, %swap3A_809] {strides = array<i32>} : memref<84x128xf32, #tpu.memory_space<vmem>>, vector<16xf32>,
          tpu.vector_store %arg18[%swap3A_808, %swap3A_809], %exp3A_805 {strides = array<i32>} : memref<84x128xf32, #tpu.memory_space<vmem>>, vector<16xf32>,
          %add3A_811 = arith.constant 80 : i32
          %add3A_812 = vector.broadcast %add3A_811 : i32 to vector<16xi32>
          %add3A_813 = arith.addi %add3A_812, %iota3A : vector<16xi32>
          %broadcast_in_dim3A_814 = arith.constant 0 : i32
          %broadcast_in_dim3A_815 = vector.broadcast %broadcast_in_dim3A_814 : i32 to vector<16xi32>
          %gather3A_816 = tpu.vector_load_idx %arg16[%add3A_813, %broadcast_in_dim3A_815] : memref<128x16xf32, #tpu.memory_space<vmem>>[vector<16xi32>, vector<16xi32>], vector<16xf32>,
          %add3A_817 = arith.addf %broadcast_in_dim3A_0, %gather3A_816 : vector<16xf32>
          %broadcast_in_dim3A_818 = arith.constant 1 : i32
          %broadcast_in_dim3A_819 = vector.broadcast %broadcast_in_dim3A_818 : i32 to vector<16xi32>
          %gather3A_820 = tpu.vector_load_idx %arg16[%add3A_813, %broadcast_in_dim3A_819] : memref<128x16xf32, #tpu.memory_space<vmem>>[vector<16xi32>, vector<16xi32>], vector<16xf32>,
          %add3A_821 = arith.addf %add3A_817, %gather3A_820 : vector<16xf32>
          %broadcast_in_dim3A_822 = arith.constant 2 : i32
          %broadcast_in_dim3A_823 = vector.broadcast %broadcast_in_dim3A_822 : i32 to vector<16xi32>
          %gather3A_824 = tpu.vector_load_idx %arg16[%add3A_813, %broadcast_in_dim3A_823] : memref<128x16xf32, #tpu.memory_space<vmem>>[vector<16xi32>, vector<16xi32>], vector<16xf32>,
          %add3A_825 = arith.addf %add3A_821, %gather3A_824 : vector<16xf32>
          %broadcast_in_dim3A_826 = arith.constant 3 : i32
          %broadcast_in_dim3A_827 = vector.broadcast %broadcast_in_dim3A_826 : i32 to vector<16xi32>
          %gather3A_828 = tpu.vector_load_idx %arg16[%add3A_813, %broadcast_in_dim3A_827] : memref<128x16xf32, #tpu.memory_space<vmem>>[vector<16xi32>, vector<16xi32>], vector<16xf32>,
          %add3A_829 = arith.addf %add3A_825, %gather3A_828 : vector<16xf32>
          %broadcast_in_dim3A_830 = arith.constant 4 : i32
          %broadcast_in_dim3A_831 = vector.broadcast %broadcast_in_dim3A_830 : i32 to vector<16xi32>
          %gather3A_832 = tpu.vector_load_idx %arg16[%add3A_813, %broadcast_in_dim3A_831] : memref<128x16xf32, #tpu.memory_space<vmem>>[vector<16xi32>, vector<16xi32>], vector<16xf32>,
          %add3A_833 = arith.addf %add3A_829, %gather3A_832 : vector<16xf32>
          %broadcast_in_dim3A_834 = arith.constant 5 : i32
          %broadcast_in_dim3A_835 = vector.broadcast %broadcast_in_dim3A_834 : i32 to vector<16xi32>
          %gather3A_836 = tpu.vector_load_idx %arg16[%add3A_813, %broadcast_in_dim3A_835] : memref<128x16xf32, #tpu.memory_space<vmem>>[vector<16xi32>, vector<16xi32>], vector<16xf32>,
          %add3A_837 = arith.addf %add3A_833, %gather3A_836 : vector<16xf32>
          %broadcast_in_dim3A_838 = arith.constant 6 : i32
          %broadcast_in_dim3A_839 = vector.broadcast %broadcast_in_dim3A_838 : i32 to vector<16xi32>
          %gather3A_840 = tpu.vector_load_idx %arg16[%add3A_813, %broadcast_in_dim3A_839] : memref<128x16xf32, #tpu.memory_space<vmem>>[vector<16xi32>, vector<16xi32>], vector<16xf32>,
          %add3A_841 = arith.addf %add3A_837, %gather3A_840 : vector<16xf32>
          %broadcast_in_dim3A_842 = arith.constant 7 : i32
          %broadcast_in_dim3A_843 = vector.broadcast %broadcast_in_dim3A_842 : i32 to vector<16xi32>
          %gather3A_844 = tpu.vector_load_idx %arg16[%add3A_813, %broadcast_in_dim3A_843] : memref<128x16xf32, #tpu.memory_space<vmem>>[vector<16xi32>, vector<16xi32>], vector<16xf32>,
          %add3A_845 = arith.addf %add3A_841, %gather3A_844 : vector<16xf32>
          %broadcast_in_dim3A_846 = arith.constant 8 : i32
          %broadcast_in_dim3A_847 = vector.broadcast %broadcast_in_dim3A_846 : i32 to vector<16xi32>
          %gather3A_848 = tpu.vector_load_idx %arg16[%add3A_813, %broadcast_in_dim3A_847] : memref<128x16xf32, #tpu.memory_space<vmem>>[vector<16xi32>, vector<16xi32>], vector<16xf32>,
          %add3A_849 = arith.addf %add3A_845, %gather3A_848 : vector<16xf32>
          %broadcast_in_dim3A_850 = arith.constant 9 : i32
          %broadcast_in_dim3A_851 = vector.broadcast %broadcast_in_dim3A_850 : i32 to vector<16xi32>
          %gather3A_852 = tpu.vector_load_idx %arg16[%add3A_813, %broadcast_in_dim3A_851] : memref<128x16xf32, #tpu.memory_space<vmem>>[vector<16xi32>, vector<16xi32>], vector<16xf32>,
          %add3A_853 = arith.addf %add3A_849, %gather3A_852 : vector<16xf32>
          %broadcast_in_dim3A_854 = arith.constant 10 : i32
          %broadcast_in_dim3A_855 = vector.broadcast %broadcast_in_dim3A_854 : i32 to vector<16xi32>
          %gather3A_856 = tpu.vector_load_idx %arg16[%add3A_813, %broadcast_in_dim3A_855] : memref<128x16xf32, #tpu.memory_space<vmem>>[vector<16xi32>, vector<16xi32>], vector<16xf32>,
          %add3A_857 = arith.addf %add3A_853, %gather3A_856 : vector<16xf32>
          %broadcast_in_dim3A_858 = arith.constant 11 : i32
          %broadcast_in_dim3A_859 = vector.broadcast %broadcast_in_dim3A_858 : i32 to vector<16xi32>
          %gather3A_860 = tpu.vector_load_idx %arg16[%add3A_813, %broadcast_in_dim3A_859] : memref<128x16xf32, #tpu.memory_space<vmem>>[vector<16xi32>, vector<16xi32>], vector<16xf32>,
          %add3A_861 = arith.addf %add3A_857, %gather3A_860 : vector<16xf32>
          %broadcast_in_dim3A_862 = arith.constant 12 : i32
          %broadcast_in_dim3A_863 = vector.broadcast %broadcast_in_dim3A_862 : i32 to vector<16xi32>
          %gather3A_864 = tpu.vector_load_idx %arg16[%add3A_813, %broadcast_in_dim3A_863] : memref<128x16xf32, #tpu.memory_space<vmem>>[vector<16xi32>, vector<16xi32>], vector<16xf32>,
          %add3A_865 = arith.addf %add3A_861, %gather3A_864 : vector<16xf32>
          %broadcast_in_dim3A_866 = arith.constant 13 : i32
          %broadcast_in_dim3A_867 = vector.broadcast %broadcast_in_dim3A_866 : i32 to vector<16xi32>
          %gather3A_868 = tpu.vector_load_idx %arg16[%add3A_813, %broadcast_in_dim3A_867] : memref<128x16xf32, #tpu.memory_space<vmem>>[vector<16xi32>, vector<16xi32>], vector<16xf32>,
          %add3A_869 = arith.addf %add3A_865, %gather3A_868 : vector<16xf32>
          %broadcast_in_dim3A_870 = arith.constant 14 : i32
          %broadcast_in_dim3A_871 = vector.broadcast %broadcast_in_dim3A_870 : i32 to vector<16xi32>
          %gather3A_872 = tpu.vector_load_idx %arg16[%add3A_813, %broadcast_in_dim3A_871] : memref<128x16xf32, #tpu.memory_space<vmem>>[vector<16xi32>, vector<16xi32>], vector<16xf32>,
          %add3A_873 = arith.addf %add3A_869, %gather3A_872 : vector<16xf32>
          %broadcast_in_dim3A_874 = arith.constant 15 : i32
          %broadcast_in_dim3A_875 = vector.broadcast %broadcast_in_dim3A_874 : i32 to vector<16xi32>
          %gather3A_876 = tpu.vector_load_idx %arg16[%add3A_813, %broadcast_in_dim3A_875] : memref<128x16xf32, #tpu.memory_space<vmem>>[vector<16xi32>, vector<16xi32>], vector<16xf32>,
          %add3A_877 = arith.addf %add3A_873, %gather3A_876 : vector<16xf32>
          %exp3A_878 = math.exp %add3A_877 : vector<16xf32>
          %swap3A_879 = arith.constant 80 : index
          %swap3A_880 = tpu.vector_load %arg17[%swap3A_879] {strides = array<i32>} : memref<128xf32, #tpu.memory_space<vmem>>, vector<16xf32>,
          tpu.vector_store %arg17[%swap3A_879], %exp3A_878 {strides = array<i32>} : memref<128xf32, #tpu.memory_space<vmem>>, vector<16xf32>,
          %swap3A_881 = arith.index_cast %add3A_89 : i32 to index
          %swap3A_882 = arith.constant 80 : index
          %swap3A_883 = tpu.vector_load %arg18[%swap3A_881, %swap3A_882] {strides = array<i32>} : memref<84x128xf32, #tpu.memory_space<vmem>>, vector<16xf32>,
          tpu.vector_store %arg18[%swap3A_881, %swap3A_882], %exp3A_878 {strides = array<i32>} : memref<84x128xf32, #tpu.memory_space<vmem>>, vector<16xf32>,
          %add3A_884 = arith.constant 96 : i32
          %add3A_885 = vector.broadcast %add3A_884 : i32 to vector<16xi32>
          %add3A_886 = arith.addi %add3A_885, %iota3A : vector<16xi32>
          %broadcast_in_dim3A_887 = arith.constant 0 : i32
          %broadcast_in_dim3A_888 = vector.broadcast %broadcast_in_dim3A_887 : i32 to vector<16xi32>
          %gather3A_889 = tpu.vector_load_idx %arg16[%add3A_886, %broadcast_in_dim3A_888] : memref<128x16xf32, #tpu.memory_space<vmem>>[vector<16xi32>, vector<16xi32>], vector<16xf32>,
          %add3A_890 = arith.addf %broadcast_in_dim3A_0, %gather3A_889 : vector<16xf32>
          %broadcast_in_dim3A_891 = arith.constant 1 : i32
          %broadcast_in_dim3A_892 = vector.broadcast %broadcast_in_dim3A_891 : i32 to vector<16xi32>
          %gather3A_893 = tpu.vector_load_idx %arg16[%add3A_886, %broadcast_in_dim3A_892] : memref<128x16xf32, #tpu.memory_space<vmem>>[vector<16xi32>, vector<16xi32>], vector<16xf32>,
          %add3A_894 = arith.addf %add3A_890, %gather3A_893 : vector<16xf32>
          %broadcast_in_dim3A_895 = arith.constant 2 : i32
          %broadcast_in_dim3A_896 = vector.broadcast %broadcast_in_dim3A_895 : i32 to vector<16xi32>
          %gather3A_897 = tpu.vector_load_idx %arg16[%add3A_886, %broadcast_in_dim3A_896] : memref<128x16xf32, #tpu.memory_space<vmem>>[vector<16xi32>, vector<16xi32>], vector<16xf32>,
          %add3A_898 = arith.addf %add3A_894, %gather3A_897 : vector<16xf32>
          %broadcast_in_dim3A_899 = arith.constant 3 : i32
          %broadcast_in_dim3A_900 = vector.broadcast %broadcast_in_dim3A_899 : i32 to vector<16xi32>
          %gather3A_901 = tpu.vector_load_idx %arg16[%add3A_886, %broadcast_in_dim3A_900] : memref<128x16xf32, #tpu.memory_space<vmem>>[vector<16xi32>, vector<16xi32>], vector<16xf32>,
          %add3A_902 = arith.addf %add3A_898, %gather3A_901 : vector<16xf32>
          %broadcast_in_dim3A_903 = arith.constant 4 : i32
          %broadcast_in_dim3A_904 = vector.broadcast %broadcast_in_dim3A_903 : i32 to vector<16xi32>
          %gather3A_905 = tpu.vector_load_idx %arg16[%add3A_886, %broadcast_in_dim3A_904] : memref<128x16xf32, #tpu.memory_space<vmem>>[vector<16xi32>, vector<16xi32>], vector<16xf32>,
          %add3A_906 = arith.addf %add3A_902, %gather3A_905 : vector<16xf32>
          %broadcast_in_dim3A_907 = arith.constant 5 : i32
          %broadcast_in_dim3A_908 = vector.broadcast %broadcast_in_dim3A_907 : i32 to vector<16xi32>
          %gather3A_909 = tpu.vector_load_idx %arg16[%add3A_886, %broadcast_in_dim3A_908] : memref<128x16xf32, #tpu.memory_space<vmem>>[vector<16xi32>, vector<16xi32>], vector<16xf32>,
          %add3A_910 = arith.addf %add3A_906, %gather3A_909 : vector<16xf32>
          %broadcast_in_dim3A_911 = arith.constant 6 : i32
          %broadcast_in_dim3A_912 = vector.broadcast %broadcast_in_dim3A_911 : i32 to vector<16xi32>
          %gather3A_913 = tpu.vector_load_idx %arg16[%add3A_886, %broadcast_in_dim3A_912] : memref<128x16xf32, #tpu.memory_space<vmem>>[vector<16xi32>, vector<16xi32>], vector<16xf32>,
          %add3A_914 = arith.addf %add3A_910, %gather3A_913 : vector<16xf32>
          %broadcast_in_dim3A_915 = arith.constant 7 : i32
          %broadcast_in_dim3A_916 = vector.broadcast %broadcast_in_dim3A_915 : i32 to vector<16xi32>
          %gather3A_917 = tpu.vector_load_idx %arg16[%add3A_886, %broadcast_in_dim3A_916] : memref<128x16xf32, #tpu.memory_space<vmem>>[vector<16xi32>, vector<16xi32>], vector<16xf32>,
          %add3A_918 = arith.addf %add3A_914, %gather3A_917 : vector<16xf32>
          %broadcast_in_dim3A_919 = arith.constant 8 : i32
          %broadcast_in_dim3A_920 = vector.broadcast %broadcast_in_dim3A_919 : i32 to vector<16xi32>
          %gather3A_921 = tpu.vector_load_idx %arg16[%add3A_886, %broadcast_in_dim3A_920] : memref<128x16xf32, #tpu.memory_space<vmem>>[vector<16xi32>, vector<16xi32>], vector<16xf32>,
          %add3A_922 = arith.addf %add3A_918, %gather3A_921 : vector<16xf32>
          %broadcast_in_dim3A_923 = arith.constant 9 : i32
          %broadcast_in_dim3A_924 = vector.broadcast %broadcast_in_dim3A_923 : i32 to vector<16xi32>
          %gather3A_925 = tpu.vector_load_idx %arg16[%add3A_886, %broadcast_in_dim3A_924] : memref<128x16xf32, #tpu.memory_space<vmem>>[vector<16xi32>, vector<16xi32>], vector<16xf32>,
          %add3A_926 = arith.addf %add3A_922, %gather3A_925 : vector<16xf32>
          %broadcast_in_dim3A_927 = arith.constant 10 : i32
          %broadcast_in_dim3A_928 = vector.broadcast %broadcast_in_dim3A_927 : i32 to vector<16xi32>
          %gather3A_929 = tpu.vector_load_idx %arg16[%add3A_886, %broadcast_in_dim3A_928] : memref<128x16xf32, #tpu.memory_space<vmem>>[vector<16xi32>, vector<16xi32>], vector<16xf32>,
          %add3A_930 = arith.addf %add3A_926, %gather3A_929 : vector<16xf32>
          %broadcast_in_dim3A_931 = arith.constant 11 : i32
          %broadcast_in_dim3A_932 = vector.broadcast %broadcast_in_dim3A_931 : i32 to vector<16xi32>
          %gather3A_933 = tpu.vector_load_idx %arg16[%add3A_886, %broadcast_in_dim3A_932] : memref<128x16xf32, #tpu.memory_space<vmem>>[vector<16xi32>, vector<16xi32>], vector<16xf32>,
          %add3A_934 = arith.addf %add3A_930, %gather3A_933 : vector<16xf32>
          %broadcast_in_dim3A_935 = arith.constant 12 : i32
          %broadcast_in_dim3A_936 = vector.broadcast %broadcast_in_dim3A_935 : i32 to vector<16xi32>
          %gather3A_937 = tpu.vector_load_idx %arg16[%add3A_886, %broadcast_in_dim3A_936] : memref<128x16xf32, #tpu.memory_space<vmem>>[vector<16xi32>, vector<16xi32>], vector<16xf32>,
          %add3A_938 = arith.addf %add3A_934, %gather3A_937 : vector<16xf32>
          %broadcast_in_dim3A_939 = arith.constant 13 : i32
          %broadcast_in_dim3A_940 = vector.broadcast %broadcast_in_dim3A_939 : i32 to vector<16xi32>
          %gather3A_941 = tpu.vector_load_idx %arg16[%add3A_886, %broadcast_in_dim3A_940] : memref<128x16xf32, #tpu.memory_space<vmem>>[vector<16xi32>, vector<16xi32>], vector<16xf32>,
          %add3A_942 = arith.addf %add3A_938, %gather3A_941 : vector<16xf32>
          %broadcast_in_dim3A_943 = arith.constant 14 : i32
          %broadcast_in_dim3A_944 = vector.broadcast %broadcast_in_dim3A_943 : i32 to vector<16xi32>
          %gather3A_945 = tpu.vector_load_idx %arg16[%add3A_886, %broadcast_in_dim3A_944] : memref<128x16xf32, #tpu.memory_space<vmem>>[vector<16xi32>, vector<16xi32>], vector<16xf32>,
          %add3A_946 = arith.addf %add3A_942, %gather3A_945 : vector<16xf32>
          %broadcast_in_dim3A_947 = arith.constant 15 : i32
          %broadcast_in_dim3A_948 = vector.broadcast %broadcast_in_dim3A_947 : i32 to vector<16xi32>
          %gather3A_949 = tpu.vector_load_idx %arg16[%add3A_886, %broadcast_in_dim3A_948] : memref<128x16xf32, #tpu.memory_space<vmem>>[vector<16xi32>, vector<16xi32>], vector<16xf32>,
          %add3A_950 = arith.addf %add3A_946, %gather3A_949 : vector<16xf32>
          %exp3A_951 = math.exp %add3A_950 : vector<16xf32>
          %swap3A_952 = arith.constant 96 : index
          %swap3A_953 = tpu.vector_load %arg17[%swap3A_952] {strides = array<i32>} : memref<128xf32, #tpu.memory_space<vmem>>, vector<16xf32>,
          tpu.vector_store %arg17[%swap3A_952], %exp3A_951 {strides = array<i32>} : memref<128xf32, #tpu.memory_space<vmem>>, vector<16xf32>,
          %swap3A_954 = arith.index_cast %add3A_89 : i32 to index
          %swap3A_955 = arith.constant 96 : index
          %swap3A_956 = tpu.vector_load %arg18[%swap3A_954, %swap3A_955] {strides = array<i32>} : memref<84x128xf32, #tpu.memory_space<vmem>>, vector<16xf32>,
          tpu.vector_store %arg18[%swap3A_954, %swap3A_955], %exp3A_951 {strides = array<i32>} : memref<84x128xf32, #tpu.memory_space<vmem>>, vector<16xf32>,
          %add3A_957 = arith.constant 112 : i32
          %add3A_958 = vector.broadcast %add3A_957 : i32 to vector<16xi32>
          %add3A_959 = arith.addi %add3A_958, %iota3A : vector<16xi32>
          %broadcast_in_dim3A_960 = arith.constant 0 : i32
          %broadcast_in_dim3A_961 = vector.broadcast %broadcast_in_dim3A_960 : i32 to vector<16xi32>
          %gather3A_962 = tpu.vector_load_idx %arg16[%add3A_959, %broadcast_in_dim3A_961] : memref<128x16xf32, #tpu.memory_space<vmem>>[vector<16xi32>, vector<16xi32>], vector<16xf32>,
          %add3A_963 = arith.addf %broadcast_in_dim3A_0, %gather3A_962 : vector<16xf32>
          %broadcast_in_dim3A_964 = arith.constant 1 : i32
          %broadcast_in_dim3A_965 = vector.broadcast %broadcast_in_dim3A_964 : i32 to vector<16xi32>
          %gather3A_966 = tpu.vector_load_idx %arg16[%add3A_959, %broadcast_in_dim3A_965] : memref<128x16xf32, #tpu.memory_space<vmem>>[vector<16xi32>, vector<16xi32>], vector<16xf32>,
          %add3A_967 = arith.addf %add3A_963, %gather3A_966 : vector<16xf32>
          %broadcast_in_dim3A_968 = arith.constant 2 : i32
          %broadcast_in_dim3A_969 = vector.broadcast %broadcast_in_dim3A_968 : i32 to vector<16xi32>
          %gather3A_970 = tpu.vector_load_idx %arg16[%add3A_959, %broadcast_in_dim3A_969] : memref<128x16xf32, #tpu.memory_space<vmem>>[vector<16xi32>, vector<16xi32>], vector<16xf32>,
          %add3A_971 = arith.addf %add3A_967, %gather3A_970 : vector<16xf32>
          %broadcast_in_dim3A_972 = arith.constant 3 : i32
          %broadcast_in_dim3A_973 = vector.broadcast %broadcast_in_dim3A_972 : i32 to vector<16xi32>
          %gather3A_974 = tpu.vector_load_idx %arg16[%add3A_959, %broadcast_in_dim3A_973] : memref<128x16xf32, #tpu.memory_space<vmem>>[vector<16xi32>, vector<16xi32>], vector<16xf32>,
          %add3A_975 = arith.addf %add3A_971, %gather3A_974 : vector<16xf32>
          %broadcast_in_dim3A_976 = arith.constant 4 : i32
          %broadcast_in_dim3A_977 = vector.broadcast %broadcast_in_dim3A_976 : i32 to vector<16xi32>
          %gather3A_978 = tpu.vector_load_idx %arg16[%add3A_959, %broadcast_in_dim3A_977] : memref<128x16xf32, #tpu.memory_space<vmem>>[vector<16xi32>, vector<16xi32>], vector<16xf32>,
          %add3A_979 = arith.addf %add3A_975, %gather3A_978 : vector<16xf32>
          %broadcast_in_dim3A_980 = arith.constant 5 : i32
          %broadcast_in_dim3A_981 = vector.broadcast %broadcast_in_dim3A_980 : i32 to vector<16xi32>
          %gather3A_982 = tpu.vector_load_idx %arg16[%add3A_959, %broadcast_in_dim3A_981] : memref<128x16xf32, #tpu.memory_space<vmem>>[vector<16xi32>, vector<16xi32>], vector<16xf32>,
          %add3A_983 = arith.addf %add3A_979, %gather3A_982 : vector<16xf32>
          %broadcast_in_dim3A_984 = arith.constant 6 : i32
          %broadcast_in_dim3A_985 = vector.broadcast %broadcast_in_dim3A_984 : i32 to vector<16xi32>
          %gather3A_986 = tpu.vector_load_idx %arg16[%add3A_959, %broadcast_in_dim3A_985] : memref<128x16xf32, #tpu.memory_space<vmem>>[vector<16xi32>, vector<16xi32>], vector<16xf32>,
          %add3A_987 = arith.addf %add3A_983, %gather3A_986 : vector<16xf32>
          %broadcast_in_dim3A_988 = arith.constant 7 : i32
          %broadcast_in_dim3A_989 = vector.broadcast %broadcast_in_dim3A_988 : i32 to vector<16xi32>
          %gather3A_990 = tpu.vector_load_idx %arg16[%add3A_959, %broadcast_in_dim3A_989] : memref<128x16xf32, #tpu.memory_space<vmem>>[vector<16xi32>, vector<16xi32>], vector<16xf32>,
          %add3A_991 = arith.addf %add3A_987, %gather3A_990 : vector<16xf32>
          %broadcast_in_dim3A_992 = arith.constant 8 : i32
          %broadcast_in_dim3A_993 = vector.broadcast %broadcast_in_dim3A_992 : i32 to vector<16xi32>
          %gather3A_994 = tpu.vector_load_idx %arg16[%add3A_959, %broadcast_in_dim3A_993] : memref<128x16xf32, #tpu.memory_space<vmem>>[vector<16xi32>, vector<16xi32>], vector<16xf32>,
          %add3A_995 = arith.addf %add3A_991, %gather3A_994 : vector<16xf32>
          %broadcast_in_dim3A_996 = arith.constant 9 : i32
          %broadcast_in_dim3A_997 = vector.broadcast %broadcast_in_dim3A_996 : i32 to vector<16xi32>
          %gather3A_998 = tpu.vector_load_idx %arg16[%add3A_959, %broadcast_in_dim3A_997] : memref<128x16xf32, #tpu.memory_space<vmem>>[vector<16xi32>, vector<16xi32>], vector<16xf32>,
          %add3A_999 = arith.addf %add3A_995, %gather3A_998 : vector<16xf32>
          %broadcast_in_dim3A_1000 = arith.constant 10 : i32
          %broadcast_in_dim3A_1001 = vector.broadcast %broadcast_in_dim3A_1000 : i32 to vector<16xi32>
          %gather3A_1002 = tpu.vector_load_idx %arg16[%add3A_959, %broadcast_in_dim3A_1001] : memref<128x16xf32, #tpu.memory_space<vmem>>[vector<16xi32>, vector<16xi32>], vector<16xf32>,
          %add3A_1003 = arith.addf %add3A_999, %gather3A_1002 : vector<16xf32>
          %broadcast_in_dim3A_1004 = arith.constant 11 : i32
          %broadcast_in_dim3A_1005 = vector.broadcast %broadcast_in_dim3A_1004 : i32 to vector<16xi32>
          %gather3A_1006 = tpu.vector_load_idx %arg16[%add3A_959, %broadcast_in_dim3A_1005] : memref<128x16xf32, #tpu.memory_space<vmem>>[vector<16xi32>, vector<16xi32>], vector<16xf32>,
          %add3A_1007 = arith.addf %add3A_1003, %gather3A_1006 : vector<16xf32>
          %broadcast_in_dim3A_1008 = arith.constant 12 : i32
          %broadcast_in_dim3A_1009 = vector.broadcast %broadcast_in_dim3A_1008 : i32 to vector<16xi32>
          %gather3A_1010 = tpu.vector_load_idx %arg16[%add3A_959, %broadcast_in_dim3A_1009] : memref<128x16xf32, #tpu.memory_space<vmem>>[vector<16xi32>, vector<16xi32>], vector<16xf32>,
          %add3A_1011 = arith.addf %add3A_1007, %gather3A_1010 : vector<16xf32>
          %broadcast_in_dim3A_1012 = arith.constant 13 : i32
          %broadcast_in_dim3A_1013 = vector.broadcast %broadcast_in_dim3A_1012 : i32 to vector<16xi32>
          %gather3A_1014 = tpu.vector_load_idx %arg16[%add3A_959, %broadcast_in_dim3A_1013] : memref<128x16xf32, #tpu.memory_space<vmem>>[vector<16xi32>, vector<16xi32>], vector<16xf32>,
          %add3A_1015 = arith.addf %add3A_1011, %gather3A_1014 : vector<16xf32>
          %broadcast_in_dim3A_1016 = arith.constant 14 : i32
          %broadcast_in_dim3A_1017 = vector.broadcast %broadcast_in_dim3A_1016 : i32 to vector<16xi32>
          %gather3A_1018 = tpu.vector_load_idx %arg16[%add3A_959, %broadcast_in_dim3A_1017] : memref<128x16xf32, #tpu.memory_space<vmem>>[vector<16xi32>, vector<16xi32>], vector<16xf32>,
          %add3A_1019 = arith.addf %add3A_1015, %gather3A_1018 : vector<16xf32>
          %broadcast_in_dim3A_1020 = arith.constant 15 : i32
          %broadcast_in_dim3A_1021 = vector.broadcast %broadcast_in_dim3A_1020 : i32 to vector<16xi32>
          %gather3A_1022 = tpu.vector_load_idx %arg16[%add3A_959, %broadcast_in_dim3A_1021] : memref<128x16xf32, #tpu.memory_space<vmem>>[vector<16xi32>, vector<16xi32>], vector<16xf32>,
          %add3A_1023 = arith.addf %add3A_1019, %gather3A_1022 : vector<16xf32>
          %exp3A_1024 = math.exp %add3A_1023 : vector<16xf32>
          %swap3A_1025 = arith.constant 112 : index
          %swap3A_1026 = tpu.vector_load %arg17[%swap3A_1025] {strides = array<i32>} : memref<128xf32, #tpu.memory_space<vmem>>, vector<16xf32>,
          tpu.vector_store %arg17[%swap3A_1025], %exp3A_1024 {strides = array<i32>} : memref<128xf32, #tpu.memory_space<vmem>>, vector<16xf32>,
          %swap3A_1027 = arith.index_cast %add3A_89 : i32 to index
          %swap3A_1028 = arith.constant 112 : index
          %swap3A_1029 = tpu.vector_load %arg18[%swap3A_1027, %swap3A_1028] {strides = array<i32>} : memref<84x128xf32, #tpu.memory_space<vmem>>, vector<16xf32>,
          tpu.vector_store %arg18[%swap3A_1027, %swap3A_1028], %exp3A_1024 {strides = array<i32>} : memref<84x128xf32, #tpu.memory_space<vmem>>, vector<16xf32>,
        } else {
        }
        %eq3A_353 = arith.constant 1 : i32
        %eq3A_354 = arith.cmpi eq, %and3A_28, %eq3A_353 : i32
        %convert_element_type3A_355 = arith.extui %eq3A_354 : i1 to i32
        %cond3A_356 = arith.constant 0 : i32
        %cond3A_357 = arith.cmpi ne, %convert_element_type3A_355, %cond3A_356 : i32
        scf.if %cond3A_357 {
          %get3A_443 = arith.index_cast %add3A_89 : i32 to index
          %get3A_444 = arith.constant 0 : index
          %get3A_445 = tpu.vector_load %arg18[%get3A_443, %get3A_444] {strides = array<i32>} : memref<84x128xf32, #tpu.memory_space<vmem>>, vector<16xf32>,
          %swap3A_446 = arith.constant 0 : index
          %swap3A_447 = tpu.vector_load %arg17[%swap3A_446] {strides = array<i32>} : memref<128xf32, #tpu.memory_space<vmem>>, vector<16xf32>,
          tpu.vector_store %arg17[%swap3A_446], %get3A_445 {strides = array<i32>} : memref<128xf32, #tpu.memory_space<vmem>>, vector<16xf32>,
          %get3A_448 = arith.index_cast %add3A_89 : i32 to index
          %get3A_449 = arith.constant 16 : index
          %get3A_450 = tpu.vector_load %arg18[%get3A_448, %get3A_449] {strides = array<i32>} : memref<84x128xf32, #tpu.memory_space<vmem>>, vector<16xf32>,
          %swap3A_451 = arith.constant 16 : index
          %swap3A_452 = tpu.vector_load %arg17[%swap3A_451] {strides = array<i32>} : memref<128xf32, #tpu.memory_space<vmem>>, vector<16xf32>,
          tpu.vector_store %arg17[%swap3A_451], %get3A_450 {strides = array<i32>} : memref<128xf32, #tpu.memory_space<vmem>>, vector<16xf32>,
          %get3A_453 = arith.index_cast %add3A_89 : i32 to index
          %get3A_454 = arith.constant 32 : index
          %get3A_455 = tpu.vector_load %arg18[%get3A_453, %get3A_454] {strides = array<i32>} : memref<84x128xf32, #tpu.memory_space<vmem>>, vector<16xf32>,
          %swap3A_456 = arith.constant 32 : index
          %swap3A_457 = tpu.vector_load %arg17[%swap3A_456] {strides = array<i32>} : memref<128xf32, #tpu.memory_space<vmem>>, vector<16xf32>,
          tpu.vector_store %arg17[%swap3A_456], %get3A_455 {strides = array<i32>} : memref<128xf32, #tpu.memory_space<vmem>>, vector<16xf32>,
          %get3A_458 = arith.index_cast %add3A_89 : i32 to index
          %get3A_459 = arith.constant 48 : index
          %get3A_460 = tpu.vector_load %arg18[%get3A_458, %get3A_459] {strides = array<i32>} : memref<84x128xf32, #tpu.memory_space<vmem>>, vector<16xf32>,
          %swap3A_461 = arith.constant 48 : index
          %swap3A_462 = tpu.vector_load %arg17[%swap3A_461] {strides = array<i32>} : memref<128xf32, #tpu.memory_space<vmem>>, vector<16xf32>,
          tpu.vector_store %arg17[%swap3A_461], %get3A_460 {strides = array<i32>} : memref<128xf32, #tpu.memory_space<vmem>>, vector<16xf32>,
          %get3A_463 = arith.index_cast %add3A_89 : i32 to index
          %get3A_464 = arith.constant 64 : index
          %get3A_465 = tpu.vector_load %arg18[%get3A_463, %get3A_464] {strides = array<i32>} : memref<84x128xf32, #tpu.memory_space<vmem>>, vector<16xf32>,
          %swap3A_466 = arith.constant 64 : index
          %swap3A_467 = tpu.vector_load %arg17[%swap3A_466] {strides = array<i32>} : memref<128xf32, #tpu.memory_space<vmem>>, vector<16xf32>,
          tpu.vector_store %arg17[%swap3A_466], %get3A_465 {strides = array<i32>} : memref<128xf32, #tpu.memory_space<vmem>>, vector<16xf32>,
          %get3A_468 = arith.index_cast %add3A_89 : i32 to index
          %get3A_469 = arith.constant 80 : index
          %get3A_470 = tpu.vector_load %arg18[%get3A_468, %get3A_469] {strides = array<i32>} : memref<84x128xf32, #tpu.memory_space<vmem>>, vector<16xf32>,
          %swap3A_471 = arith.constant 80 : index
          %swap3A_472 = tpu.vector_load %arg17[%swap3A_471] {strides = array<i32>} : memref<128xf32, #tpu.memory_space<vmem>>, vector<16xf32>,
          tpu.vector_store %arg17[%swap3A_471], %get3A_470 {strides = array<i32>} : memref<128xf32, #tpu.memory_space<vmem>>, vector<16xf32>,
          %get3A_473 = arith.index_cast %add3A_89 : i32 to index
          %get3A_474 = arith.constant 96 : index
          %get3A_475 = tpu.vector_load %arg18[%get3A_473, %get3A_474] {strides = array<i32>} : memref<84x128xf32, #tpu.memory_space<vmem>>, vector<16xf32>,
          %swap3A_476 = arith.constant 96 : index
          %swap3A_477 = tpu.vector_load %arg17[%swap3A_476] {strides = array<i32>} : memref<128xf32, #tpu.memory_space<vmem>>, vector<16xf32>,
          tpu.vector_store %arg17[%swap3A_476], %get3A_475 {strides = array<i32>} : memref<128xf32, #tpu.memory_space<vmem>>, vector<16xf32>,
          %get3A_478 = arith.index_cast %add3A_89 : i32 to index
          %get3A_479 = arith.constant 112 : index
          %get3A_480 = tpu.vector_load %arg18[%get3A_478, %get3A_479] {strides = array<i32>} : memref<84x128xf32, #tpu.memory_space<vmem>>, vector<16xf32>,
          %swap3A_481 = arith.constant 112 : index
          %swap3A_482 = tpu.vector_load %arg17[%swap3A_481] {strides = array<i32>} : memref<128xf32, #tpu.memory_space<vmem>>, vector<16xf32>,
          tpu.vector_store %arg17[%swap3A_481], %get3A_480 {strides = array<i32>} : memref<128xf32, #tpu.memory_space<vmem>>, vector<16xf32>,
        } else {
        }
        %get3A_358 = arith.constant 0 : index
        %get3A_359 = tpu.vector_load %arg13[%get3A_358] {strides = array<i32>} : memref<128xi32, #tpu.memory_space<vmem>>, vector<16xi32>,
        %shift_right_arithmetic3A_360 = arith.constant 7 : i32
        %shift_right_arithmetic3A_361 = vector.broadcast %shift_right_arithmetic3A_360 : i32 to vector<16xi32>
        %shift_right_arithmetic3A_362 = arith.shrsi %get3A_359, %shift_right_arithmetic3A_361 : vector<16xi32>
        %and3A_363 = arith.constant 127 : i32
        %and3A_364 = vector.broadcast %and3A_363 : i32 to vector<16xi32>
        %and3A_365 = arith.andi %get3A_359, %and3A_364 : vector<16xi32>
        %get3A_366 = arith.constant 0 : index
        %get3A_367 = tpu.vector_load %arg17[%get3A_366] {strides = array<i32>} : memref<128xf32, #tpu.memory_space<vmem>>, vector<16xf32>,
        tpu.vector_store_idx %arg21[%shift_right_arithmetic3A_362, %and3A_365], %get3A_367 {add = true} : memref<48x128xf32, #tpu.memory_space<vmem>>[vector<16xi32>, vector<16xi32>], vector<16xf32>,
        %get3A_368 = arith.constant 16 : index
        %get3A_369 = tpu.vector_load %arg13[%get3A_368] {strides = array<i32>} : memref<128xi32, #tpu.memory_space<vmem>>, vector<16xi32>,
        %shift_right_arithmetic3A_370 = arith.constant 7 : i32
        %shift_right_arithmetic3A_371 = vector.broadcast %shift_right_arithmetic3A_370 : i32 to vector<16xi32>
        %shift_right_arithmetic3A_372 = arith.shrsi %get3A_369, %shift_right_arithmetic3A_371 : vector<16xi32>
        %and3A_373 = arith.constant 127 : i32
        %and3A_374 = vector.broadcast %and3A_373 : i32 to vector<16xi32>
        %and3A_375 = arith.andi %get3A_369, %and3A_374 : vector<16xi32>
        %get3A_376 = arith.constant 16 : index
        %get3A_377 = tpu.vector_load %arg17[%get3A_376] {strides = array<i32>} : memref<128xf32, #tpu.memory_space<vmem>>, vector<16xf32>,
        tpu.vector_store_idx %arg21[%shift_right_arithmetic3A_372, %and3A_375], %get3A_377 {add = true} : memref<48x128xf32, #tpu.memory_space<vmem>>[vector<16xi32>, vector<16xi32>], vector<16xf32>,
        %get3A_378 = arith.constant 32 : index
        %get3A_379 = tpu.vector_load %arg13[%get3A_378] {strides = array<i32>} : memref<128xi32, #tpu.memory_space<vmem>>, vector<16xi32>,
        %shift_right_arithmetic3A_380 = arith.constant 7 : i32
        %shift_right_arithmetic3A_381 = vector.broadcast %shift_right_arithmetic3A_380 : i32 to vector<16xi32>
        %shift_right_arithmetic3A_382 = arith.shrsi %get3A_379, %shift_right_arithmetic3A_381 : vector<16xi32>
        %and3A_383 = arith.constant 127 : i32
        %and3A_384 = vector.broadcast %and3A_383 : i32 to vector<16xi32>
        %and3A_385 = arith.andi %get3A_379, %and3A_384 : vector<16xi32>
        %get3A_386 = arith.constant 32 : index
        %get3A_387 = tpu.vector_load %arg17[%get3A_386] {strides = array<i32>} : memref<128xf32, #tpu.memory_space<vmem>>, vector<16xf32>,
        tpu.vector_store_idx %arg21[%shift_right_arithmetic3A_382, %and3A_385], %get3A_387 {add = true} : memref<48x128xf32, #tpu.memory_space<vmem>>[vector<16xi32>, vector<16xi32>], vector<16xf32>,
        %get3A_388 = arith.constant 48 : index
        %get3A_389 = tpu.vector_load %arg13[%get3A_388] {strides = array<i32>} : memref<128xi32, #tpu.memory_space<vmem>>, vector<16xi32>,
        %shift_right_arithmetic3A_390 = arith.constant 7 : i32
        %shift_right_arithmetic3A_391 = vector.broadcast %shift_right_arithmetic3A_390 : i32 to vector<16xi32>
        %shift_right_arithmetic3A_392 = arith.shrsi %get3A_389, %shift_right_arithmetic3A_391 : vector<16xi32>
        %and3A_393 = arith.constant 127 : i32
        %and3A_394 = vector.broadcast %and3A_393 : i32 to vector<16xi32>
        %and3A_395 = arith.andi %get3A_389, %and3A_394 : vector<16xi32>
        %get3A_396 = arith.constant 48 : index
        %get3A_397 = tpu.vector_load %arg17[%get3A_396] {strides = array<i32>} : memref<128xf32, #tpu.memory_space<vmem>>, vector<16xf32>,
        tpu.vector_store_idx %arg21[%shift_right_arithmetic3A_392, %and3A_395], %get3A_397 {add = true} : memref<48x128xf32, #tpu.memory_space<vmem>>[vector<16xi32>, vector<16xi32>], vector<16xf32>,
        %get3A_398 = arith.constant 64 : index
        %get3A_399 = tpu.vector_load %arg13[%get3A_398] {strides = array<i32>} : memref<128xi32, #tpu.memory_space<vmem>>, vector<16xi32>,
        %shift_right_arithmetic3A_400 = arith.constant 7 : i32
        %shift_right_arithmetic3A_401 = vector.broadcast %shift_right_arithmetic3A_400 : i32 to vector<16xi32>
        %shift_right_arithmetic3A_402 = arith.shrsi %get3A_399, %shift_right_arithmetic3A_401 : vector<16xi32>
        %and3A_403 = arith.constant 127 : i32
        %and3A_404 = vector.broadcast %and3A_403 : i32 to vector<16xi32>
        %and3A_405 = arith.andi %get3A_399, %and3A_404 : vector<16xi32>
        %get3A_406 = arith.constant 64 : index
        %get3A_407 = tpu.vector_load %arg17[%get3A_406] {strides = array<i32>} : memref<128xf32, #tpu.memory_space<vmem>>, vector<16xf32>,
        tpu.vector_store_idx %arg21[%shift_right_arithmetic3A_402, %and3A_405], %get3A_407 {add = true} : memref<48x128xf32, #tpu.memory_space<vmem>>[vector<16xi32>, vector<16xi32>], vector<16xf32>,
        %get3A_408 = arith.constant 80 : index
        %get3A_409 = tpu.vector_load %arg13[%get3A_408] {strides = array<i32>} : memref<128xi32, #tpu.memory_space<vmem>>, vector<16xi32>,
        %shift_right_arithmetic3A_410 = arith.constant 7 : i32
        %shift_right_arithmetic3A_411 = vector.broadcast %shift_right_arithmetic3A_410 : i32 to vector<16xi32>
        %shift_right_arithmetic3A_412 = arith.shrsi %get3A_409, %shift_right_arithmetic3A_411 : vector<16xi32>
        %and3A_413 = arith.constant 127 : i32
        %and3A_414 = vector.broadcast %and3A_413 : i32 to vector<16xi32>
        %and3A_415 = arith.andi %get3A_409, %and3A_414 : vector<16xi32>
        %get3A_416 = arith.constant 80 : index
        %get3A_417 = tpu.vector_load %arg17[%get3A_416] {strides = array<i32>} : memref<128xf32, #tpu.memory_space<vmem>>, vector<16xf32>,
        tpu.vector_store_idx %arg21[%shift_right_arithmetic3A_412, %and3A_415], %get3A_417 {add = true} : memref<48x128xf32, #tpu.memory_space<vmem>>[vector<16xi32>, vector<16xi32>], vector<16xf32>,
        %get3A_418 = arith.constant 96 : index
        %get3A_419 = tpu.vector_load %arg13[%get3A_418] {strides = array<i32>} : memref<128xi32, #tpu.memory_space<vmem>>, vector<16xi32>,
        %shift_right_arithmetic3A_420 = arith.constant 7 : i32
        %shift_right_arithmetic3A_421 = vector.broadcast %shift_right_arithmetic3A_420 : i32 to vector<16xi32>
        %shift_right_arithmetic3A_422 = arith.shrsi %get3A_419, %shift_right_arithmetic3A_421 : vector<16xi32>
        %and3A_423 = arith.constant 127 : i32
        %and3A_424 = vector.broadcast %and3A_423 : i32 to vector<16xi32>
        %and3A_425 = arith.andi %get3A_419, %and3A_424 : vector<16xi32>
        %get3A_426 = arith.constant 96 : index
        %get3A_427 = tpu.vector_load %arg17[%get3A_426] {strides = array<i32>} : memref<128xf32, #tpu.memory_space<vmem>>, vector<16xf32>,
        tpu.vector_store_idx %arg21[%shift_right_arithmetic3A_422, %and3A_425], %get3A_427 {add = true} : memref<48x128xf32, #tpu.memory_space<vmem>>[vector<16xi32>, vector<16xi32>], vector<16xf32>,
        %get3A_428 = arith.constant 112 : index
        %get3A_429 = tpu.vector_load %arg13[%get3A_428] {strides = array<i32>} : memref<128xi32, #tpu.memory_space<vmem>>, vector<16xi32>,
        %shift_right_arithmetic3A_430 = arith.constant 7 : i32
        %shift_right_arithmetic3A_431 = vector.broadcast %shift_right_arithmetic3A_430 : i32 to vector<16xi32>
        %shift_right_arithmetic3A_432 = arith.shrsi %get3A_429, %shift_right_arithmetic3A_431 : vector<16xi32>
        %and3A_433 = arith.constant 127 : i32
        %and3A_434 = vector.broadcast %and3A_433 : i32 to vector<16xi32>
        %and3A_435 = arith.andi %get3A_429, %and3A_434 : vector<16xi32>
        %get3A_436 = arith.constant 112 : index
        %get3A_437 = tpu.vector_load %arg17[%get3A_436] {strides = array<i32>} : memref<128xf32, #tpu.memory_space<vmem>>, vector<16xf32>,
        tpu.vector_store_idx %arg21[%shift_right_arithmetic3A_432, %and3A_435], %get3A_437 {add = true} : memref<48x128xf32, #tpu.memory_space<vmem>>[vector<16xi32>, vector<16xi32>], vector<16xf32>,
        %scan3A_438 = arith.constant 0 : i32
        %scan3A_439 = arith.constant 128 : i32
        %scan3A_440 = arith.addi %scan3A_438, %scan3A_439 : i32
        %scan3A_441 = arith.constant 1 : i32
        scf.for %scan3A_443 = %scan3A_438 to %scan3A_440 step %scan3A_441  : i32 {
          %mul3A_444 = arith.constant 1 : i32
          %mul3A_445 = arith.muli %scan3A_443, %mul3A_444 : i32
          %add3A_446 = arith.constant 0 : i32
          %add3A_447 = arith.addi %add3A_446, %mul3A_445 : i32
          %broadcast_in_dim3A_448 = vector.broadcast %add3A_447 : i32 to vector<16xi32>
          %gather3A = tpu.vector_load_idx %arg17[%broadcast_in_dim3A_448] : memref<128xf32, #tpu.memory_space<vmem>>[vector<16xi32>], vector<16xf32>,
          %get3A_449 = arith.index_cast %add3A_447 : i32 to index
          %get3A_450 = arith.constant 0 : index
          %get3A_451 = tpu.vector_load %arg14[%get3A_449, %get3A_450] {strides = array<i32>} : memref<128x128xf32, #tpu.memory_space<vmem>>, vector<16xf32>,
          %mul3A_452 = arith.mulf %get3A_451, %gather3A : vector<16xf32>
          %swap3A_453 = arith.index_cast %add3A_447 : i32 to index
          %swap3A_454 = arith.constant 0 : index
          %swap3A_455 = tpu.vector_load %arg14[%swap3A_453, %swap3A_454] {strides = array<i32>} : memref<128x128xf32, #tpu.memory_space<vmem>>, vector<16xf32>,
          tpu.vector_store %arg14[%swap3A_453, %swap3A_454], %mul3A_452 {strides = array<i32>} : memref<128x128xf32, #tpu.memory_space<vmem>>, vector<16xf32>,
          %get3A_456 = arith.index_cast %add3A_447 : i32 to index
          %get3A_457 = arith.constant 16 : index
          %get3A_458 = tpu.vector_load %arg14[%get3A_456, %get3A_457] {strides = array<i32>} : memref<128x128xf32, #tpu.memory_space<vmem>>, vector<16xf32>,
          %mul3A_459 = arith.mulf %get3A_458, %gather3A : vector<16xf32>
          %swap3A_460 = arith.index_cast %add3A_447 : i32 to index
          %swap3A_461 = arith.constant 16 : index
          %swap3A_462 = tpu.vector_load %arg14[%swap3A_460, %swap3A_461] {strides = array<i32>} : memref<128x128xf32, #tpu.memory_space<vmem>>, vector<16xf32>,
          tpu.vector_store %arg14[%swap3A_460, %swap3A_461], %mul3A_459 {strides = array<i32>} : memref<128x128xf32, #tpu.memory_space<vmem>>, vector<16xf32>,
          %get3A_463 = arith.index_cast %add3A_447 : i32 to index
          %get3A_464 = arith.constant 32 : index
          %get3A_465 = tpu.vector_load %arg14[%get3A_463, %get3A_464] {strides = array<i32>} : memref<128x128xf32, #tpu.memory_space<vmem>>, vector<16xf32>,
          %mul3A_466 = arith.mulf %get3A_465, %gather3A : vector<16xf32>
          %swap3A_467 = arith.index_cast %add3A_447 : i32 to index
          %swap3A_468 = arith.constant 32 : index
          %swap3A_469 = tpu.vector_load %arg14[%swap3A_467, %swap3A_468] {strides = array<i32>} : memref<128x128xf32, #tpu.memory_space<vmem>>, vector<16xf32>,
          tpu.vector_store %arg14[%swap3A_467, %swap3A_468], %mul3A_466 {strides = array<i32>} : memref<128x128xf32, #tpu.memory_space<vmem>>, vector<16xf32>,
          %get3A_470 = arith.index_cast %add3A_447 : i32 to index
          %get3A_471 = arith.constant 48 : index
          %get3A_472 = tpu.vector_load %arg14[%get3A_470, %get3A_471] {strides = array<i32>} : memref<128x128xf32, #tpu.memory_space<vmem>>, vector<16xf32>,
          %mul3A_473 = arith.mulf %get3A_472, %gather3A : vector<16xf32>
          %swap3A_474 = arith.index_cast %add3A_447 : i32 to index
          %swap3A_475 = arith.constant 48 : index
          %swap3A_476 = tpu.vector_load %arg14[%swap3A_474, %swap3A_475] {strides = array<i32>} : memref<128x128xf32, #tpu.memory_space<vmem>>, vector<16xf32>,
          tpu.vector_store %arg14[%swap3A_474, %swap3A_475], %mul3A_473 {strides = array<i32>} : memref<128x128xf32, #tpu.memory_space<vmem>>, vector<16xf32>,
          %get3A_477 = arith.index_cast %add3A_447 : i32 to index
          %get3A_478 = arith.constant 64 : index
          %get3A_479 = tpu.vector_load %arg14[%get3A_477, %get3A_478] {strides = array<i32>} : memref<128x128xf32, #tpu.memory_space<vmem>>, vector<16xf32>,
          %mul3A_480 = arith.mulf %get3A_479, %gather3A : vector<16xf32>
          %swap3A_481 = arith.index_cast %add3A_447 : i32 to index
          %swap3A_482 = arith.constant 64 : index
          %swap3A_483 = tpu.vector_load %arg14[%swap3A_481, %swap3A_482] {strides = array<i32>} : memref<128x128xf32, #tpu.memory_space<vmem>>, vector<16xf32>,
          tpu.vector_store %arg14[%swap3A_481, %swap3A_482], %mul3A_480 {strides = array<i32>} : memref<128x128xf32, #tpu.memory_space<vmem>>, vector<16xf32>,
          %get3A_484 = arith.index_cast %add3A_447 : i32 to index
          %get3A_485 = arith.constant 80 : index
          %get3A_486 = tpu.vector_load %arg14[%get3A_484, %get3A_485] {strides = array<i32>} : memref<128x128xf32, #tpu.memory_space<vmem>>, vector<16xf32>,
          %mul3A_487 = arith.mulf %get3A_486, %gather3A : vector<16xf32>
          %swap3A_488 = arith.index_cast %add3A_447 : i32 to index
          %swap3A_489 = arith.constant 80 : index
          %swap3A_490 = tpu.vector_load %arg14[%swap3A_488, %swap3A_489] {strides = array<i32>} : memref<128x128xf32, #tpu.memory_space<vmem>>, vector<16xf32>,
          tpu.vector_store %arg14[%swap3A_488, %swap3A_489], %mul3A_487 {strides = array<i32>} : memref<128x128xf32, #tpu.memory_space<vmem>>, vector<16xf32>,
          %get3A_491 = arith.index_cast %add3A_447 : i32 to index
          %get3A_492 = arith.constant 96 : index
          %get3A_493 = tpu.vector_load %arg14[%get3A_491, %get3A_492] {strides = array<i32>} : memref<128x128xf32, #tpu.memory_space<vmem>>, vector<16xf32>,
          %mul3A_494 = arith.mulf %get3A_493, %gather3A : vector<16xf32>
          %swap3A_495 = arith.index_cast %add3A_447 : i32 to index
          %swap3A_496 = arith.constant 96 : index
          %swap3A_497 = tpu.vector_load %arg14[%swap3A_495, %swap3A_496] {strides = array<i32>} : memref<128x128xf32, #tpu.memory_space<vmem>>, vector<16xf32>,
          tpu.vector_store %arg14[%swap3A_495, %swap3A_496], %mul3A_494 {strides = array<i32>} : memref<128x128xf32, #tpu.memory_space<vmem>>, vector<16xf32>,
          %get3A_498 = arith.index_cast %add3A_447 : i32 to index
          %get3A_499 = arith.constant 112 : index
          %get3A_500 = tpu.vector_load %arg14[%get3A_498, %get3A_499] {strides = array<i32>} : memref<128x128xf32, #tpu.memory_space<vmem>>, vector<16xf32>,
          %mul3A_501 = arith.mulf %get3A_500, %gather3A : vector<16xf32>
          %swap3A_502 = arith.index_cast %add3A_447 : i32 to index
          %swap3A_503 = arith.constant 112 : index
          %swap3A_504 = tpu.vector_load %arg14[%swap3A_502, %swap3A_503] {strides = array<i32>} : memref<128x128xf32, #tpu.memory_space<vmem>>, vector<16xf32>,
          tpu.vector_store %arg14[%swap3A_502, %swap3A_503], %mul3A_501 {strides = array<i32>} : memref<128x128xf32, #tpu.memory_space<vmem>>, vector<16xf32>,
        }
        %scan3A_442 = arith.constant 128 : i32
        "tpu.region"() ({
          %run_scoped3A = tpu.sem_alloc : memref<!tpu.dma_semaphore, #tpu.memory_space<semaphore_mem>>
          %dma_start3A_443 = arith.constant 0 : i32
          %dma_start3A_444 = arith.constant 0 : i32
          %dma_start3A_445 = tpu.memref_slice %arg23[%dma_start3A_443, %dma_start3A_444] : memref<5136x128xf32, #tpu.memory_space<vmem_shared>> -> memref<5136x128xf32, #tpu.memory_space<vmem_shared>>
          tpu.enqueue_indirect_dma source(%arg14 : memref<128x128xf32, #tpu.memory_space<vmem>>) target(%dma_start3A_445 : memref<5136x128xf32, #tpu.memory_space<vmem_shared>>) offsets(%arg13 : memref<128xi32, #tpu.memory_space<vmem>>) semaphore(%run_scoped3A : memref<!tpu.dma_semaphore, #tpu.memory_space<semaphore_mem>>) {add = true}
          %dma_wait3A_446 = arith.constant 0 : i32
          %dma_wait3A_447 = arith.constant 0 : i32
          %dma_wait3A_448 = tpu.memref_slice %arg23[%dma_wait3A_446, %dma_wait3A_447] : memref<5136x128xf32, #tpu.memory_space<vmem_shared>> -> memref<5136x128xf32, #tpu.memory_space<vmem_shared>>
          tpu.wait_indirect_dma semaphore(%run_scoped3A : memref<!tpu.dma_semaphore, #tpu.memory_space<semaphore_mem>>) src(%arg14 : memref<128x128xf32, #tpu.memory_space<vmem>>) dst(%dma_wait3A_448 : memref<5136x128xf32, #tpu.memory_space<vmem_shared>>)
          tpu.yield
        }) : () -> ()
      }
      %scan3A_72 = arith.constant 84 : i32
      "tpu.region"() ({
        %run_scoped3A = tpu.sem_alloc : memref<!tpu.dma_semaphore, #tpu.memory_space<semaphore_mem>>
        %dma_start3A = arith.constant 0 : i32
        %dma_start3A_85 = arith.constant 0 : i32
        %dma_start3A_86 = tpu.memref_slice %arg24[%dma_start3A, %dma_start3A_85] : memref<48x128xf32, #tpu.memory_space<vmem_shared>> -> memref<48x128xf32, #tpu.memory_space<vmem_shared>>
        tpu.enqueue_indirect_dma source(%arg21 : memref<48x128xf32, #tpu.memory_space<vmem>>) target(%dma_start3A_86 : memref<48x128xf32, #tpu.memory_space<vmem_shared>>) offsets(%arg22 : memref<48xi32, #tpu.memory_space<vmem>>) semaphore(%run_scoped3A : memref<!tpu.dma_semaphore, #tpu.memory_space<semaphore_mem>>) {add = true}
        %dma_wait3A = arith.constant 0 : i32
        %dma_wait3A_87 = arith.constant 0 : i32
        %dma_wait3A_88 = tpu.memref_slice %arg24[%dma_wait3A, %dma_wait3A_87] : memref<48x128xf32, #tpu.memory_space<vmem_shared>> -> memref<48x128xf32, #tpu.memory_space<vmem_shared>>
        tpu.wait_indirect_dma semaphore(%run_scoped3A : memref<!tpu.dma_semaphore, #tpu.memory_space<semaphore_mem>>) src(%arg21 : memref<48x128xf32, #tpu.memory_space<vmem>>) dst(%dma_wait3A_88 : memref<48x128xf32, #tpu.memory_space<vmem_shared>>)
        tpu.yield
      }) : () -> ()
      %barrier3A_73 = arith.constant 0 : index
      tpu.barrier barrier_id(%barrier3A_73)
      %mul3A_74 = arith.constant 320 : i32
      %mul3A_75 = arith.muli %arg1, %mul3A_74 : i32
      %add3A_76 = arith.addi %mul3A_33, %mul3A_35 : i32
      %mul3A_77 = arith.constant 320 : i32
      %mul3A_78 = arith.muli %arg1, %mul3A_77 : i32
      %add3A_79 = arith.addi %add3A_76, %mul3A_78 : i32
      "tpu.region"() ({
        %run_scoped3A = tpu.sem_alloc : memref<!tpu.dma_semaphore, #tpu.memory_space<semaphore_mem>>
        %dma_start3A = arith.constant 0 : i32
        %dma_start3A_85 = tpu.memref_slice %arg7[%add3A_79, %dma_start3A] : memref<81920x128xf32, #tpu.memory_space<hbm>> -> memref<320x128xf32, #tpu.memory_space<hbm>>
        %dma_start3A_86 = arith.constant 0 : i32
        %dma_start3A_87 = tpu.memref_slice %arg23[%mul3A_75, %dma_start3A_86] : memref<5136x128xf32, #tpu.memory_space<vmem_shared>> -> memref<320x128xf32, #tpu.memory_space<vmem_shared>>
        tpu.enqueue_dma source(%dma_start3A_87 : memref<320x128xf32, #tpu.memory_space<vmem_shared>>) target(%dma_start3A_85 : memref<320x128xf32, #tpu.memory_space<hbm>>) target_semaphore(%run_scoped3A : memref<!tpu.dma_semaphore, #tpu.memory_space<semaphore_mem>>)
        %dma_wait3A = arith.constant 0 : i32
        %dma_wait3A_88 = tpu.memref_slice %arg7[%add3A_79, %dma_wait3A] : memref<81920x128xf32, #tpu.memory_space<hbm>> -> memref<320x128xf32, #tpu.memory_space<hbm>>
        %dma_wait3A_89 = arith.constant 0 : i32
        %dma_wait3A_90 = tpu.memref_slice %arg23[%mul3A_75, %dma_wait3A_89] : memref<5136x128xf32, #tpu.memory_space<vmem_shared>> -> memref<320x128xf32, #tpu.memory_space<vmem_shared>>
        tpu.wait_dma2 semaphore(%run_scoped3A : memref<!tpu.dma_semaphore, #tpu.memory_space<semaphore_mem>>) src(%dma_wait3A_90 : memref<320x128xf32, #tpu.memory_space<vmem_shared>>) dst(%dma_wait3A_88 : memref<320x128xf32, #tpu.memory_space<hbm>>)
        tpu.yield
      }) : () -> ()
      %lt3A_80 = arith.constant 5 : i32
      %lt3A_81 = arith.cmpi slt, %arg1, %lt3A_80 : i32
      %convert_element_type3A_82 = arith.extui %lt3A_81 : i1 to i32
      %cond3A_83 = arith.constant 0 : i32
      %cond3A_84 = arith.cmpi ne, %convert_element_type3A_82, %cond3A_83 : i32
      scf.if %cond3A_84 {
        %mul3A_85 = arith.constant 8 : i32
        %mul3A_86 = arith.muli %arg1, %mul3A_85 : i32
        %mul3A_87 = arith.constant 80 : i32
        %mul3A_88 = arith.muli %add3A_31, %mul3A_87 : i32
        %mul3A_89 = arith.constant 40 : i32
        %mul3A_90 = arith.muli %and3A_28, %mul3A_89 : i32
        %add3A_91 = arith.addi %mul3A_88, %mul3A_90 : i32
        %mul3A_92 = arith.constant 8 : i32
        %mul3A_93 = arith.muli %arg1, %mul3A_92 : i32
        %add3A_94 = arith.addi %add3A_91, %mul3A_93 : i32
        "tpu.region"() ({
          %run_scoped3A = tpu.sem_alloc : memref<!tpu.dma_semaphore, #tpu.memory_space<semaphore_mem>>
          %dma_start3A = arith.constant 0 : i32
          %dma_start3A_95 = tpu.memref_slice %arg8[%add3A_94, %dma_start3A] : memref<640x128xf32, #tpu.memory_space<hbm>> -> memref<8x128xf32, #tpu.memory_space<hbm>>
          %dma_start3A_96 = arith.constant 0 : i32
          %dma_start3A_97 = tpu.memref_slice %arg24[%mul3A_86, %dma_start3A_96] : memref<48x128xf32, #tpu.memory_space<vmem_shared>> -> memref<8x128xf32, #tpu.memory_space<vmem_shared>>
          tpu.enqueue_dma source(%dma_start3A_97 : memref<8x128xf32, #tpu.memory_space<vmem_shared>>) target(%dma_start3A_95 : memref<8x128xf32, #tpu.memory_space<hbm>>) target_semaphore(%run_scoped3A : memref<!tpu.dma_semaphore, #tpu.memory_space<semaphore_mem>>)
          %dma_wait3A = arith.constant 0 : i32
          %dma_wait3A_98 = tpu.memref_slice %arg8[%add3A_94, %dma_wait3A] : memref<640x128xf32, #tpu.memory_space<hbm>> -> memref<8x128xf32, #tpu.memory_space<hbm>>
          %dma_wait3A_99 = arith.constant 0 : i32
          %dma_wait3A_100 = tpu.memref_slice %arg24[%mul3A_86, %dma_wait3A_99] : memref<48x128xf32, #tpu.memory_space<vmem_shared>> -> memref<8x128xf32, #tpu.memory_space<vmem_shared>>
          tpu.wait_dma2 semaphore(%run_scoped3A : memref<!tpu.dma_semaphore, #tpu.memory_space<semaphore_mem>>) src(%dma_wait3A_100 : memref<8x128xf32, #tpu.memory_space<vmem_shared>>) dst(%dma_wait3A_98 : memref<8x128xf32, #tpu.memory_space<hbm>>)
          tpu.yield
        }) : () -> ()
      } else {
      }
    }
    %scan3A_22 = arith.constant 8 : i32
    return
  }
}

module attributes {stable_mosaic.version = 14 : i64} {
  func.func @_proj1_body(%arg0: i32, %arg1: i32, %arg2: memref<512x256xf32, #tpu.memory_space<vmem>>, %arg3: memref<256x128xf32, #tpu.memory_space<vmem>>, %arg4: memref<256x128xf32, #tpu.memory_space<vmem>>, %arg5: memref<128xf32, #tpu.memory_space<vmem>>, %arg6: memref<128xf32, #tpu.memory_space<vmem>>, %arg7: memref<512x128xf32, #tpu.memory_space<vmem>>, %arg8: memref<512x128xf32, #tpu.memory_space<vmem>>) attributes {dimension_semantics = [#tpu.dimension_semantics<arbitrary>, #tpu.dimension_semantics<arbitrary>], iteration_bounds = array<i64: 8, 20>, scalar_prefetch = 0 : i64, scratch_operands = 0 : i64, tpu.core_type = #tpu.core_type<tc>, window_params = [{transform_indices = @transform_0, window_bounds = array<i64: 512, 256>}, {transform_indices = @transform_1, window_bounds = array<i64: 256, 128>}, {transform_indices = @transform_2, window_bounds = array<i64: 256, 128>}, {transform_indices = @transform_3, window_bounds = array<i64: 128>}, {transform_indices = @transform_4, window_bounds = array<i64: 128>}, {transform_indices = @transform_5, window_bounds = array<i64: 512, 128>}, {transform_indices = @transform_6, window_bounds = array<i64: 512, 128>}]} {
    %get3A = arith.constant 0 : index
    %get3A_0 = arith.constant 0 : index
    %get3A_1 = vector.load %arg2[%get3A, %get3A_0] : memref<512x256xf32, #tpu.memory_space<vmem>>, vector<512x256xf32>
    %get3A_2 = arith.constant 0 : index
    %get3A_3 = arith.constant 0 : index
    %get3A_4 = vector.load %arg3[%get3A_2, %get3A_3] : memref<256x128xf32, #tpu.memory_space<vmem>>, vector<256x128xf32>
    %dot_general3A = arith.constant dense<0.000000e+00> : vector<512x128xf32>
    %dot_general3A_5 = tpu.matmul %get3A_1, %get3A_4, %dot_general3A {dimension_numbers = #tpu.dot_dimension_numbers<[1], [0], [0], [1], [0, 0, 1, 1], [], []>, transpose_lhs_hint = false} : vector<512x256xf32>, vector<256x128xf32>, vector<512x128xf32> -> vector<512x128xf32>
    %get3A_6 = arith.constant 0 : index
    %get3A_7 = vector.load %arg5[%get3A_6] : memref<128xf32, #tpu.memory_space<vmem>>, vector<128xf32>
    %broadcast_in_dim3A = vector.shape_cast %get3A_7 : vector<128xf32> to vector<1x128xf32>
    %add3A = vector.broadcast %broadcast_in_dim3A : vector<1x128xf32> to vector<512x128xf32>
    %add3A_8 = arith.addf %dot_general3A_5, %add3A : vector<512x128xf32>
    %swap3A = arith.constant 0 : index
    %swap3A_9 = arith.constant 0 : index
    %swap3A_10 = vector.load %arg7[%swap3A, %swap3A_9] : memref<512x128xf32, #tpu.memory_space<vmem>>, vector<512x128xf32>
    tpu.vector_store %arg7[%swap3A, %swap3A_9], %add3A_8 {strides = array<i32>} : memref<512x128xf32, #tpu.memory_space<vmem>>, vector<512x128xf32>,
    %get3A_11 = arith.constant 0 : index
    %get3A_12 = arith.constant 0 : index
    %get3A_13 = vector.load %arg4[%get3A_11, %get3A_12] : memref<256x128xf32, #tpu.memory_space<vmem>>, vector<256x128xf32>
    %dot_general3A_14 = arith.constant dense<0.000000e+00> : vector<512x128xf32>
    %dot_general3A_15 = tpu.matmul %get3A_1, %get3A_13, %dot_general3A_14 {dimension_numbers = #tpu.dot_dimension_numbers<[1], [0], [0], [1], [0, 0, 1, 1], [], []>, transpose_lhs_hint = false} : vector<512x256xf32>, vector<256x128xf32>, vector<512x128xf32> -> vector<512x128xf32>
    %get3A_16 = arith.constant 0 : index
    %get3A_17 = vector.load %arg6[%get3A_16] : memref<128xf32, #tpu.memory_space<vmem>>, vector<128xf32>
    %broadcast_in_dim3A_18 = vector.shape_cast %get3A_17 : vector<128xf32> to vector<1x128xf32>
    %add3A_19 = vector.broadcast %broadcast_in_dim3A_18 : vector<1x128xf32> to vector<512x128xf32>
    %add3A_20 = arith.addf %dot_general3A_15, %add3A_19 : vector<512x128xf32>
    %swap3A_21 = arith.constant 0 : index
    %swap3A_22 = arith.constant 0 : index
    %swap3A_23 = vector.load %arg8[%swap3A_21, %swap3A_22] : memref<512x128xf32, #tpu.memory_space<vmem>>, vector<512x128xf32>
    tpu.vector_store %arg8[%swap3A_21, %swap3A_22], %add3A_20 {strides = array<i32>} : memref<512x128xf32, #tpu.memory_space<vmem>>, vector<512x128xf32>,
    return
  }
  func.func @transform_0(%arg0: i32, %arg1: i32) -> (i32, i32) {
    %c0_i32 = arith.constant 0 : i32
    %c0_i32_0 = arith.constant 0 : i32
    return %arg1, %c0_i32 : i32, i32
  }
  func.func @transform_1(%arg0: i32, %arg1: i32) -> (i32, i32) {
    %c0_i32 = arith.constant 0 : i32
    %c0_i32_0 = arith.constant 0 : i32
    return %c0_i32, %arg0 : i32, i32
  }
  func.func @transform_2(%arg0: i32, %arg1: i32) -> (i32, i32) {
    %c0_i32 = arith.constant 0 : i32
    %c0_i32_0 = arith.constant 0 : i32
    return %c0_i32, %arg0 : i32, i32
  }
  func.func @transform_3(%arg0: i32, %arg1: i32) -> i32 {
    %c0_i32 = arith.constant 0 : i32
    return %arg0 : i32
  }
  func.func @transform_4(%arg0: i32, %arg1: i32) -> i32 {
    %c0_i32 = arith.constant 0 : i32
    return %arg0 : i32
  }
  func.func @transform_5(%arg0: i32, %arg1: i32) -> (i32, i32) {
    %mul3A = arith.constant 20 : i32
    %mul3A_0 = arith.muli %arg0, %mul3A : i32
    %add3A = arith.addi %mul3A_0, %arg1 : i32
    %c0_i32 = arith.constant 0 : i32
    %c0_i32_1 = arith.constant 0 : i32
    return %add3A, %c0_i32 : i32, i32
  }
  func.func @transform_6(%arg0: i32, %arg1: i32) -> (i32, i32) {
    %mul3A = arith.constant 20 : i32
    %mul3A_0 = arith.muli %arg0, %mul3A : i32
    %add3A = arith.addi %mul3A_0, %arg1 : i32
    %c0_i32 = arith.constant 0 : i32
    %c0_i32_1 = arith.constant 0 : i32
    return %add3A, %c0_i32 : i32, i32
  }
}

module attributes {stable_mosaic.version = 14 : i64} {
  func.func @_mid_body(%arg0: i32, %arg1: memref<8x512x128xf32, #tpu.memory_space<vmem>>, %arg2: memref<8x1x1x512xf32, #tpu.memory_space<vmem>>, %arg3: memref<1024x128xf32, #tpu.memory_space<vmem>>, %arg4: memref<1024x128xf32, #tpu.memory_space<vmem>>, %arg5: memref<128xf32, #tpu.memory_space<vmem>>, %arg6: memref<128xf32, #tpu.memory_space<vmem>>, %arg7: memref<1024xf32, #tpu.memory_space<vmem>>, %arg8: memref<512x128xf32, #tpu.memory_space<vmem>>, %arg9: memref<512x128xf32, #tpu.memory_space<vmem>>) attributes {dimension_semantics = [#tpu.dimension_semantics<arbitrary>], iteration_bounds = array<i64: 20>, scalar_prefetch = 0 : i64, scratch_operands = 0 : i64, tpu.core_type = #tpu.core_type<tc>, window_params = [{transform_indices = @transform_0, window_bounds = array<i64: 8, 512, 128>}, {transform_indices = @transform_1, window_bounds = array<i64: 8, 1, 1, 512>}, {pipeline_mode = #tpu.pipeline_mode<synchronous>, transform_indices = @transform_2, window_bounds = array<i64: 1024, 128>}, {pipeline_mode = #tpu.pipeline_mode<synchronous>, transform_indices = @transform_3, window_bounds = array<i64: 1024, 128>}, {pipeline_mode = #tpu.pipeline_mode<synchronous>, transform_indices = @transform_4, window_bounds = array<i64: 128>}, {pipeline_mode = #tpu.pipeline_mode<synchronous>, transform_indices = @transform_5, window_bounds = array<i64: 128>}, {pipeline_mode = #tpu.pipeline_mode<synchronous>, transform_indices = @transform_6, window_bounds = array<i64: 1024>}, {transform_indices = @transform_7, window_bounds = array<i64: 512, 128>}, {transform_indices = @transform_8, window_bounds = array<i64: 512, 128>}]} {
    %broadcast_in_dim3A = arith.constant 0.000000e+00 : f32
    %broadcast_in_dim3A_0 = vector.broadcast %broadcast_in_dim3A : f32 to vector<512x128xf32>
    %broadcast_in_dim3A_1 = arith.constant 0.000000e+00 : f32
    %broadcast_in_dim3A_2 = vector.broadcast %broadcast_in_dim3A_1 : f32 to vector<512x128xf32>
    %get3A = arith.constant 0 : index
    %get3A_3 = arith.constant 0 : index
    %get3A_4 = arith.constant 0 : index
    %get3A_5 = arith.constant 0 : index
    %get3A_6 = vector.load %arg2[%get3A, %get3A_3, %get3A_4, %get3A_5] : memref<8x1x1x512xf32, #tpu.memory_space<vmem>>, vector<1x1x1x512xf32>
    %get3A_7 = vector.shape_cast %get3A_6 : vector<1x1x1x512xf32> to vector<512xf32>
    %broadcast_in_dim3A_8 = vector.shape_cast %get3A_7 : vector<512xf32> to vector<512x1xf32>
    %add3A = arith.constant 1.000000e-16 : f32
    %add3A_9 = vector.broadcast %add3A : f32 to vector<512x1xf32>
    %add3A_10 = arith.addf %broadcast_in_dim3A_8, %add3A_9 : vector<512x1xf32>
    %get3A_11 = arith.constant 0 : index
    %get3A_12 = arith.constant 0 : index
    %get3A_13 = arith.constant 0 : index
    %get3A_14 = vector.load %arg1[%get3A_11, %get3A_12, %get3A_13] : memref<8x512x128xf32, #tpu.memory_space<vmem>>, vector<1x512x128xf32>
    %get3A_15 = vector.shape_cast %get3A_14 : vector<1x512x128xf32> to vector<512x128xf32>
    %div3A = vector.broadcast %add3A_10 : vector<512x1xf32> to vector<512x128xf32>
    %div3A_16 = arith.divf %get3A_15, %div3A : vector<512x128xf32>
    %get3A_17 = arith.constant 0 : index
    %get3A_18 = vector.load %arg7[%get3A_17] : memref<1024xf32, #tpu.memory_space<vmem>>, vector<128xf32>
    %broadcast_in_dim3A_19 = vector.shape_cast %get3A_18 : vector<128xf32> to vector<1x128xf32>
    %add3A_20 = vector.broadcast %broadcast_in_dim3A_19 : vector<1x128xf32> to vector<512x128xf32>
    %add3A_21 = arith.addf %div3A_16, %add3A_20 : vector<512x128xf32>
    %max3A = arith.constant 0.000000e+00 : f32
    %max3A_22 = vector.broadcast %max3A : f32 to vector<512x128xf32>
    %max3A_23 = arith.maximumf %add3A_21, %max3A_22 : vector<512x128xf32>
    %get3A_24 = arith.constant 0 : index
    %get3A_25 = arith.constant 0 : index
    %get3A_26 = vector.load %arg3[%get3A_24, %get3A_25] : memref<1024x128xf32, #tpu.memory_space<vmem>>, vector<128x128xf32>
    %dot_general3A = arith.constant dense<0.000000e+00> : vector<512x128xf32>
    %dot_general3A_27 = tpu.matmul %max3A_23, %get3A_26, %dot_general3A {dimension_numbers = #tpu.dot_dimension_numbers<[1], [0], [0], [1], [0, 0, 1, 1], [], []>, transpose_lhs_hint = false} : vector<512x128xf32>, vector<128x128xf32>, vector<512x128xf32> -> vector<512x128xf32>
    %add3A_28 = arith.addf %broadcast_in_dim3A_0, %dot_general3A_27 : vector<512x128xf32>
    %get3A_29 = arith.constant 0 : index
    %get3A_30 = arith.constant 0 : index
    %get3A_31 = vector.load %arg4[%get3A_29, %get3A_30] : memref<1024x128xf32, #tpu.memory_space<vmem>>, vector<128x128xf32>
    %dot_general3A_32 = arith.constant dense<0.000000e+00> : vector<512x128xf32>
    %dot_general3A_33 = tpu.matmul %max3A_23, %get3A_31, %dot_general3A_32 {dimension_numbers = #tpu.dot_dimension_numbers<[1], [0], [0], [1], [0, 0, 1, 1], [], []>, transpose_lhs_hint = false} : vector<512x128xf32>, vector<128x128xf32>, vector<512x128xf32> -> vector<512x128xf32>
    %add3A_34 = arith.addf %broadcast_in_dim3A_2, %dot_general3A_33 : vector<512x128xf32>
    %get3A_35 = arith.constant 1 : index
    %get3A_36 = arith.constant 0 : index
    %get3A_37 = arith.constant 0 : index
    %get3A_38 = arith.constant 0 : index
    %get3A_39 = vector.load %arg2[%get3A_35, %get3A_36, %get3A_37, %get3A_38] : memref<8x1x1x512xf32, #tpu.memory_space<vmem>>, vector<1x1x1x512xf32>
    %get3A_40 = vector.shape_cast %get3A_39 : vector<1x1x1x512xf32> to vector<512xf32>
    %broadcast_in_dim3A_41 = vector.shape_cast %get3A_40 : vector<512xf32> to vector<512x1xf32>
    %add3A_42 = arith.constant 1.000000e-16 : f32
    %add3A_43 = vector.broadcast %add3A_42 : f32 to vector<512x1xf32>
    %add3A_44 = arith.addf %broadcast_in_dim3A_41, %add3A_43 : vector<512x1xf32>
    %get3A_45 = arith.constant 1 : index
    %get3A_46 = arith.constant 0 : index
    %get3A_47 = arith.constant 0 : index
    %get3A_48 = vector.load %arg1[%get3A_45, %get3A_46, %get3A_47] : memref<8x512x128xf32, #tpu.memory_space<vmem>>, vector<1x512x128xf32>
    %get3A_49 = vector.shape_cast %get3A_48 : vector<1x512x128xf32> to vector<512x128xf32>
    %div3A_50 = vector.broadcast %add3A_44 : vector<512x1xf32> to vector<512x128xf32>
    %div3A_51 = arith.divf %get3A_49, %div3A_50 : vector<512x128xf32>
    %get3A_52 = arith.constant 128 : index
    %get3A_53 = vector.load %arg7[%get3A_52] : memref<1024xf32, #tpu.memory_space<vmem>>, vector<128xf32>
    %broadcast_in_dim3A_54 = vector.shape_cast %get3A_53 : vector<128xf32> to vector<1x128xf32>
    %add3A_55 = vector.broadcast %broadcast_in_dim3A_54 : vector<1x128xf32> to vector<512x128xf32>
    %add3A_56 = arith.addf %div3A_51, %add3A_55 : vector<512x128xf32>
    %max3A_57 = arith.constant 0.000000e+00 : f32
    %max3A_58 = vector.broadcast %max3A_57 : f32 to vector<512x128xf32>
    %max3A_59 = arith.maximumf %add3A_56, %max3A_58 : vector<512x128xf32>
    %get3A_60 = arith.constant 128 : index
    %get3A_61 = arith.constant 0 : index
    %get3A_62 = vector.load %arg3[%get3A_60, %get3A_61] : memref<1024x128xf32, #tpu.memory_space<vmem>>, vector<128x128xf32>
    %dot_general3A_63 = arith.constant dense<0.000000e+00> : vector<512x128xf32>
    %dot_general3A_64 = tpu.matmul %max3A_59, %get3A_62, %dot_general3A_63 {dimension_numbers = #tpu.dot_dimension_numbers<[1], [0], [0], [1], [0, 0, 1, 1], [], []>, transpose_lhs_hint = false} : vector<512x128xf32>, vector<128x128xf32>, vector<512x128xf32> -> vector<512x128xf32>
    %add3A_65 = arith.addf %add3A_28, %dot_general3A_64 : vector<512x128xf32>
    %get3A_66 = arith.constant 128 : index
    %get3A_67 = arith.constant 0 : index
    %get3A_68 = vector.load %arg4[%get3A_66, %get3A_67] : memref<1024x128xf32, #tpu.memory_space<vmem>>, vector<128x128xf32>
    %dot_general3A_69 = arith.constant dense<0.000000e+00> : vector<512x128xf32>
    %dot_general3A_70 = tpu.matmul %max3A_59, %get3A_68, %dot_general3A_69 {dimension_numbers = #tpu.dot_dimension_numbers<[1], [0], [0], [1], [0, 0, 1, 1], [], []>, transpose_lhs_hint = false} : vector<512x128xf32>, vector<128x128xf32>, vector<512x128xf32> -> vector<512x128xf32>
    %add3A_71 = arith.addf %add3A_34, %dot_general3A_70 : vector<512x128xf32>
    %get3A_72 = arith.constant 2 : index
    %get3A_73 = arith.constant 0 : index
    %get3A_74 = arith.constant 0 : index
    %get3A_75 = arith.constant 0 : index
    %get3A_76 = vector.load %arg2[%get3A_72, %get3A_73, %get3A_74, %get3A_75] : memref<8x1x1x512xf32, #tpu.memory_space<vmem>>, vector<1x1x1x512xf32>
    %get3A_77 = vector.shape_cast %get3A_76 : vector<1x1x1x512xf32> to vector<512xf32>
    %broadcast_in_dim3A_78 = vector.shape_cast %get3A_77 : vector<512xf32> to vector<512x1xf32>
    %add3A_79 = arith.constant 1.000000e-16 : f32
    %add3A_80 = vector.broadcast %add3A_79 : f32 to vector<512x1xf32>
    %add3A_81 = arith.addf %broadcast_in_dim3A_78, %add3A_80 : vector<512x1xf32>
    %get3A_82 = arith.constant 2 : index
    %get3A_83 = arith.constant 0 : index
    %get3A_84 = arith.constant 0 : index
    %get3A_85 = vector.load %arg1[%get3A_82, %get3A_83, %get3A_84] : memref<8x512x128xf32, #tpu.memory_space<vmem>>, vector<1x512x128xf32>
    %get3A_86 = vector.shape_cast %get3A_85 : vector<1x512x128xf32> to vector<512x128xf32>
    %div3A_87 = vector.broadcast %add3A_81 : vector<512x1xf32> to vector<512x128xf32>
    %div3A_88 = arith.divf %get3A_86, %div3A_87 : vector<512x128xf32>
    %get3A_89 = arith.constant 256 : index
    %get3A_90 = vector.load %arg7[%get3A_89] : memref<1024xf32, #tpu.memory_space<vmem>>, vector<128xf32>
    %broadcast_in_dim3A_91 = vector.shape_cast %get3A_90 : vector<128xf32> to vector<1x128xf32>
    %add3A_92 = vector.broadcast %broadcast_in_dim3A_91 : vector<1x128xf32> to vector<512x128xf32>
    %add3A_93 = arith.addf %div3A_88, %add3A_92 : vector<512x128xf32>
    %max3A_94 = arith.constant 0.000000e+00 : f32
    %max3A_95 = vector.broadcast %max3A_94 : f32 to vector<512x128xf32>
    %max3A_96 = arith.maximumf %add3A_93, %max3A_95 : vector<512x128xf32>
    %get3A_97 = arith.constant 256 : index
    %get3A_98 = arith.constant 0 : index
    %get3A_99 = vector.load %arg3[%get3A_97, %get3A_98] : memref<1024x128xf32, #tpu.memory_space<vmem>>, vector<128x128xf32>
    %dot_general3A_100 = arith.constant dense<0.000000e+00> : vector<512x128xf32>
    %dot_general3A_101 = tpu.matmul %max3A_96, %get3A_99, %dot_general3A_100 {dimension_numbers = #tpu.dot_dimension_numbers<[1], [0], [0], [1], [0, 0, 1, 1], [], []>, transpose_lhs_hint = false} : vector<512x128xf32>, vector<128x128xf32>, vector<512x128xf32> -> vector<512x128xf32>
    %add3A_102 = arith.addf %add3A_65, %dot_general3A_101 : vector<512x128xf32>
    %get3A_103 = arith.constant 256 : index
    %get3A_104 = arith.constant 0 : index
    %get3A_105 = vector.load %arg4[%get3A_103, %get3A_104] : memref<1024x128xf32, #tpu.memory_space<vmem>>, vector<128x128xf32>
    %dot_general3A_106 = arith.constant dense<0.000000e+00> : vector<512x128xf32>
    %dot_general3A_107 = tpu.matmul %max3A_96, %get3A_105, %dot_general3A_106 {dimension_numbers = #tpu.dot_dimension_numbers<[1], [0], [0], [1], [0, 0, 1, 1], [], []>, transpose_lhs_hint = false} : vector<512x128xf32>, vector<128x128xf32>, vector<512x128xf32> -> vector<512x128xf32>
    %add3A_108 = arith.addf %add3A_71, %dot_general3A_107 : vector<512x128xf32>
    %get3A_109 = arith.constant 3 : index
    %get3A_110 = arith.constant 0 : index
    %get3A_111 = arith.constant 0 : index
    %get3A_112 = arith.constant 0 : index
    %get3A_113 = vector.load %arg2[%get3A_109, %get3A_110, %get3A_111, %get3A_112] : memref<8x1x1x512xf32, #tpu.memory_space<vmem>>, vector<1x1x1x512xf32>
    %get3A_114 = vector.shape_cast %get3A_113 : vector<1x1x1x512xf32> to vector<512xf32>
    %broadcast_in_dim3A_115 = vector.shape_cast %get3A_114 : vector<512xf32> to vector<512x1xf32>
    %add3A_116 = arith.constant 1.000000e-16 : f32
    %add3A_117 = vector.broadcast %add3A_116 : f32 to vector<512x1xf32>
    %add3A_118 = arith.addf %broadcast_in_dim3A_115, %add3A_117 : vector<512x1xf32>
    %get3A_119 = arith.constant 3 : index
    %get3A_120 = arith.constant 0 : index
    %get3A_121 = arith.constant 0 : index
    %get3A_122 = vector.load %arg1[%get3A_119, %get3A_120, %get3A_121] : memref<8x512x128xf32, #tpu.memory_space<vmem>>, vector<1x512x128xf32>
    %get3A_123 = vector.shape_cast %get3A_122 : vector<1x512x128xf32> to vector<512x128xf32>
    %div3A_124 = vector.broadcast %add3A_118 : vector<512x1xf32> to vector<512x128xf32>
    %div3A_125 = arith.divf %get3A_123, %div3A_124 : vector<512x128xf32>
    %get3A_126 = arith.constant 384 : index
    %get3A_127 = vector.load %arg7[%get3A_126] : memref<1024xf32, #tpu.memory_space<vmem>>, vector<128xf32>
    %broadcast_in_dim3A_128 = vector.shape_cast %get3A_127 : vector<128xf32> to vector<1x128xf32>
    %add3A_129 = vector.broadcast %broadcast_in_dim3A_128 : vector<1x128xf32> to vector<512x128xf32>
    %add3A_130 = arith.addf %div3A_125, %add3A_129 : vector<512x128xf32>
    %max3A_131 = arith.constant 0.000000e+00 : f32
    %max3A_132 = vector.broadcast %max3A_131 : f32 to vector<512x128xf32>
    %max3A_133 = arith.maximumf %add3A_130, %max3A_132 : vector<512x128xf32>
    %get3A_134 = arith.constant 384 : index
    %get3A_135 = arith.constant 0 : index
    %get3A_136 = vector.load %arg3[%get3A_134, %get3A_135] : memref<1024x128xf32, #tpu.memory_space<vmem>>, vector<128x128xf32>
    %dot_general3A_137 = arith.constant dense<0.000000e+00> : vector<512x128xf32>
    %dot_general3A_138 = tpu.matmul %max3A_133, %get3A_136, %dot_general3A_137 {dimension_numbers = #tpu.dot_dimension_numbers<[1], [0], [0], [1], [0, 0, 1, 1], [], []>, transpose_lhs_hint = false} : vector<512x128xf32>, vector<128x128xf32>, vector<512x128xf32> -> vector<512x128xf32>
    %add3A_139 = arith.addf %add3A_102, %dot_general3A_138 : vector<512x128xf32>
    %get3A_140 = arith.constant 384 : index
    %get3A_141 = arith.constant 0 : index
    %get3A_142 = vector.load %arg4[%get3A_140, %get3A_141] : memref<1024x128xf32, #tpu.memory_space<vmem>>, vector<128x128xf32>
    %dot_general3A_143 = arith.constant dense<0.000000e+00> : vector<512x128xf32>
    %dot_general3A_144 = tpu.matmul %max3A_133, %get3A_142, %dot_general3A_143 {dimension_numbers = #tpu.dot_dimension_numbers<[1], [0], [0], [1], [0, 0, 1, 1], [], []>, transpose_lhs_hint = false} : vector<512x128xf32>, vector<128x128xf32>, vector<512x128xf32> -> vector<512x128xf32>
    %add3A_145 = arith.addf %add3A_108, %dot_general3A_144 : vector<512x128xf32>
    %get3A_146 = arith.constant 4 : index
    %get3A_147 = arith.constant 0 : index
    %get3A_148 = arith.constant 0 : index
    %get3A_149 = arith.constant 0 : index
    %get3A_150 = vector.load %arg2[%get3A_146, %get3A_147, %get3A_148, %get3A_149] : memref<8x1x1x512xf32, #tpu.memory_space<vmem>>, vector<1x1x1x512xf32>
    %get3A_151 = vector.shape_cast %get3A_150 : vector<1x1x1x512xf32> to vector<512xf32>
    %broadcast_in_dim3A_152 = vector.shape_cast %get3A_151 : vector<512xf32> to vector<512x1xf32>
    %add3A_153 = arith.constant 1.000000e-16 : f32
    %add3A_154 = vector.broadcast %add3A_153 : f32 to vector<512x1xf32>
    %add3A_155 = arith.addf %broadcast_in_dim3A_152, %add3A_154 : vector<512x1xf32>
    %get3A_156 = arith.constant 4 : index
    %get3A_157 = arith.constant 0 : index
    %get3A_158 = arith.constant 0 : index
    %get3A_159 = vector.load %arg1[%get3A_156, %get3A_157, %get3A_158] : memref<8x512x128xf32, #tpu.memory_space<vmem>>, vector<1x512x128xf32>
    %get3A_160 = vector.shape_cast %get3A_159 : vector<1x512x128xf32> to vector<512x128xf32>
    %div3A_161 = vector.broadcast %add3A_155 : vector<512x1xf32> to vector<512x128xf32>
    %div3A_162 = arith.divf %get3A_160, %div3A_161 : vector<512x128xf32>
    %get3A_163 = arith.constant 512 : index
    %get3A_164 = vector.load %arg7[%get3A_163] : memref<1024xf32, #tpu.memory_space<vmem>>, vector<128xf32>
    %broadcast_in_dim3A_165 = vector.shape_cast %get3A_164 : vector<128xf32> to vector<1x128xf32>
    %add3A_166 = vector.broadcast %broadcast_in_dim3A_165 : vector<1x128xf32> to vector<512x128xf32>
    %add3A_167 = arith.addf %div3A_162, %add3A_166 : vector<512x128xf32>
    %max3A_168 = arith.constant 0.000000e+00 : f32
    %max3A_169 = vector.broadcast %max3A_168 : f32 to vector<512x128xf32>
    %max3A_170 = arith.maximumf %add3A_167, %max3A_169 : vector<512x128xf32>
    %get3A_171 = arith.constant 512 : index
    %get3A_172 = arith.constant 0 : index
    %get3A_173 = vector.load %arg3[%get3A_171, %get3A_172] : memref<1024x128xf32, #tpu.memory_space<vmem>>, vector<128x128xf32>
    %dot_general3A_174 = arith.constant dense<0.000000e+00> : vector<512x128xf32>
    %dot_general3A_175 = tpu.matmul %max3A_170, %get3A_173, %dot_general3A_174 {dimension_numbers = #tpu.dot_dimension_numbers<[1], [0], [0], [1], [0, 0, 1, 1], [], []>, transpose_lhs_hint = false} : vector<512x128xf32>, vector<128x128xf32>, vector<512x128xf32> -> vector<512x128xf32>
    %add3A_176 = arith.addf %add3A_139, %dot_general3A_175 : vector<512x128xf32>
    %get3A_177 = arith.constant 512 : index
    %get3A_178 = arith.constant 0 : index
    %get3A_179 = vector.load %arg4[%get3A_177, %get3A_178] : memref<1024x128xf32, #tpu.memory_space<vmem>>, vector<128x128xf32>
    %dot_general3A_180 = arith.constant dense<0.000000e+00> : vector<512x128xf32>
    %dot_general3A_181 = tpu.matmul %max3A_170, %get3A_179, %dot_general3A_180 {dimension_numbers = #tpu.dot_dimension_numbers<[1], [0], [0], [1], [0, 0, 1, 1], [], []>, transpose_lhs_hint = false} : vector<512x128xf32>, vector<128x128xf32>, vector<512x128xf32> -> vector<512x128xf32>
    %add3A_182 = arith.addf %add3A_145, %dot_general3A_181 : vector<512x128xf32>
    %get3A_183 = arith.constant 5 : index
    %get3A_184 = arith.constant 0 : index
    %get3A_185 = arith.constant 0 : index
    %get3A_186 = arith.constant 0 : index
    %get3A_187 = vector.load %arg2[%get3A_183, %get3A_184, %get3A_185, %get3A_186] : memref<8x1x1x512xf32, #tpu.memory_space<vmem>>, vector<1x1x1x512xf32>
    %get3A_188 = vector.shape_cast %get3A_187 : vector<1x1x1x512xf32> to vector<512xf32>
    %broadcast_in_dim3A_189 = vector.shape_cast %get3A_188 : vector<512xf32> to vector<512x1xf32>
    %add3A_190 = arith.constant 1.000000e-16 : f32
    %add3A_191 = vector.broadcast %add3A_190 : f32 to vector<512x1xf32>
    %add3A_192 = arith.addf %broadcast_in_dim3A_189, %add3A_191 : vector<512x1xf32>
    %get3A_193 = arith.constant 5 : index
    %get3A_194 = arith.constant 0 : index
    %get3A_195 = arith.constant 0 : index
    %get3A_196 = vector.load %arg1[%get3A_193, %get3A_194, %get3A_195] : memref<8x512x128xf32, #tpu.memory_space<vmem>>, vector<1x512x128xf32>
    %get3A_197 = vector.shape_cast %get3A_196 : vector<1x512x128xf32> to vector<512x128xf32>
    %div3A_198 = vector.broadcast %add3A_192 : vector<512x1xf32> to vector<512x128xf32>
    %div3A_199 = arith.divf %get3A_197, %div3A_198 : vector<512x128xf32>
    %get3A_200 = arith.constant 640 : index
    %get3A_201 = vector.load %arg7[%get3A_200] : memref<1024xf32, #tpu.memory_space<vmem>>, vector<128xf32>
    %broadcast_in_dim3A_202 = vector.shape_cast %get3A_201 : vector<128xf32> to vector<1x128xf32>
    %add3A_203 = vector.broadcast %broadcast_in_dim3A_202 : vector<1x128xf32> to vector<512x128xf32>
    %add3A_204 = arith.addf %div3A_199, %add3A_203 : vector<512x128xf32>
    %max3A_205 = arith.constant 0.000000e+00 : f32
    %max3A_206 = vector.broadcast %max3A_205 : f32 to vector<512x128xf32>
    %max3A_207 = arith.maximumf %add3A_204, %max3A_206 : vector<512x128xf32>
    %get3A_208 = arith.constant 640 : index
    %get3A_209 = arith.constant 0 : index
    %get3A_210 = vector.load %arg3[%get3A_208, %get3A_209] : memref<1024x128xf32, #tpu.memory_space<vmem>>, vector<128x128xf32>
    %dot_general3A_211 = arith.constant dense<0.000000e+00> : vector<512x128xf32>
    %dot_general3A_212 = tpu.matmul %max3A_207, %get3A_210, %dot_general3A_211 {dimension_numbers = #tpu.dot_dimension_numbers<[1], [0], [0], [1], [0, 0, 1, 1], [], []>, transpose_lhs_hint = false} : vector<512x128xf32>, vector<128x128xf32>, vector<512x128xf32> -> vector<512x128xf32>
    %add3A_213 = arith.addf %add3A_176, %dot_general3A_212 : vector<512x128xf32>
    %get3A_214 = arith.constant 640 : index
    %get3A_215 = arith.constant 0 : index
    %get3A_216 = vector.load %arg4[%get3A_214, %get3A_215] : memref<1024x128xf32, #tpu.memory_space<vmem>>, vector<128x128xf32>
    %dot_general3A_217 = arith.constant dense<0.000000e+00> : vector<512x128xf32>
    %dot_general3A_218 = tpu.matmul %max3A_207, %get3A_216, %dot_general3A_217 {dimension_numbers = #tpu.dot_dimension_numbers<[1], [0], [0], [1], [0, 0, 1, 1], [], []>, transpose_lhs_hint = false} : vector<512x128xf32>, vector<128x128xf32>, vector<512x128xf32> -> vector<512x128xf32>
    %add3A_219 = arith.addf %add3A_182, %dot_general3A_218 : vector<512x128xf32>
    %get3A_220 = arith.constant 6 : index
    %get3A_221 = arith.constant 0 : index
    %get3A_222 = arith.constant 0 : index
    %get3A_223 = arith.constant 0 : index
    %get3A_224 = vector.load %arg2[%get3A_220, %get3A_221, %get3A_222, %get3A_223] : memref<8x1x1x512xf32, #tpu.memory_space<vmem>>, vector<1x1x1x512xf32>
    %get3A_225 = vector.shape_cast %get3A_224 : vector<1x1x1x512xf32> to vector<512xf32>
    %broadcast_in_dim3A_226 = vector.shape_cast %get3A_225 : vector<512xf32> to vector<512x1xf32>
    %add3A_227 = arith.constant 1.000000e-16 : f32
    %add3A_228 = vector.broadcast %add3A_227 : f32 to vector<512x1xf32>
    %add3A_229 = arith.addf %broadcast_in_dim3A_226, %add3A_228 : vector<512x1xf32>
    %get3A_230 = arith.constant 6 : index
    %get3A_231 = arith.constant 0 : index
    %get3A_232 = arith.constant 0 : index
    %get3A_233 = vector.load %arg1[%get3A_230, %get3A_231, %get3A_232] : memref<8x512x128xf32, #tpu.memory_space<vmem>>, vector<1x512x128xf32>
    %get3A_234 = vector.shape_cast %get3A_233 : vector<1x512x128xf32> to vector<512x128xf32>
    %div3A_235 = vector.broadcast %add3A_229 : vector<512x1xf32> to vector<512x128xf32>
    %div3A_236 = arith.divf %get3A_234, %div3A_235 : vector<512x128xf32>
    %get3A_237 = arith.constant 768 : index
    %get3A_238 = vector.load %arg7[%get3A_237] : memref<1024xf32, #tpu.memory_space<vmem>>, vector<128xf32>
    %broadcast_in_dim3A_239 = vector.shape_cast %get3A_238 : vector<128xf32> to vector<1x128xf32>
    %add3A_240 = vector.broadcast %broadcast_in_dim3A_239 : vector<1x128xf32> to vector<512x128xf32>
    %add3A_241 = arith.addf %div3A_236, %add3A_240 : vector<512x128xf32>
    %max3A_242 = arith.constant 0.000000e+00 : f32
    %max3A_243 = vector.broadcast %max3A_242 : f32 to vector<512x128xf32>
    %max3A_244 = arith.maximumf %add3A_241, %max3A_243 : vector<512x128xf32>
    %get3A_245 = arith.constant 768 : index
    %get3A_246 = arith.constant 0 : index
    %get3A_247 = vector.load %arg3[%get3A_245, %get3A_246] : memref<1024x128xf32, #tpu.memory_space<vmem>>, vector<128x128xf32>
    %dot_general3A_248 = arith.constant dense<0.000000e+00> : vector<512x128xf32>
    %dot_general3A_249 = tpu.matmul %max3A_244, %get3A_247, %dot_general3A_248 {dimension_numbers = #tpu.dot_dimension_numbers<[1], [0], [0], [1], [0, 0, 1, 1], [], []>, transpose_lhs_hint = false} : vector<512x128xf32>, vector<128x128xf32>, vector<512x128xf32> -> vector<512x128xf32>
    %add3A_250 = arith.addf %add3A_213, %dot_general3A_249 : vector<512x128xf32>
    %get3A_251 = arith.constant 768 : index
    %get3A_252 = arith.constant 0 : index
    %get3A_253 = vector.load %arg4[%get3A_251, %get3A_252] : memref<1024x128xf32, #tpu.memory_space<vmem>>, vector<128x128xf32>
    %dot_general3A_254 = arith.constant dense<0.000000e+00> : vector<512x128xf32>
    %dot_general3A_255 = tpu.matmul %max3A_244, %get3A_253, %dot_general3A_254 {dimension_numbers = #tpu.dot_dimension_numbers<[1], [0], [0], [1], [0, 0, 1, 1], [], []>, transpose_lhs_hint = false} : vector<512x128xf32>, vector<128x128xf32>, vector<512x128xf32> -> vector<512x128xf32>
    %add3A_256 = arith.addf %add3A_219, %dot_general3A_255 : vector<512x128xf32>
    %get3A_257 = arith.constant 7 : index
    %get3A_258 = arith.constant 0 : index
    %get3A_259 = arith.constant 0 : index
    %get3A_260 = arith.constant 0 : index
    %get3A_261 = vector.load %arg2[%get3A_257, %get3A_258, %get3A_259, %get3A_260] : memref<8x1x1x512xf32, #tpu.memory_space<vmem>>, vector<1x1x1x512xf32>
    %get3A_262 = vector.shape_cast %get3A_261 : vector<1x1x1x512xf32> to vector<512xf32>
    %broadcast_in_dim3A_263 = vector.shape_cast %get3A_262 : vector<512xf32> to vector<512x1xf32>
    %add3A_264 = arith.constant 1.000000e-16 : f32
    %add3A_265 = vector.broadcast %add3A_264 : f32 to vector<512x1xf32>
    %add3A_266 = arith.addf %broadcast_in_dim3A_263, %add3A_265 : vector<512x1xf32>
    %get3A_267 = arith.constant 7 : index
    %get3A_268 = arith.constant 0 : index
    %get3A_269 = arith.constant 0 : index
    %get3A_270 = vector.load %arg1[%get3A_267, %get3A_268, %get3A_269] : memref<8x512x128xf32, #tpu.memory_space<vmem>>, vector<1x512x128xf32>
    %get3A_271 = vector.shape_cast %get3A_270 : vector<1x512x128xf32> to vector<512x128xf32>
    %div3A_272 = vector.broadcast %add3A_266 : vector<512x1xf32> to vector<512x128xf32>
    %div3A_273 = arith.divf %get3A_271, %div3A_272 : vector<512x128xf32>
    %get3A_274 = arith.constant 896 : index
    %get3A_275 = vector.load %arg7[%get3A_274] : memref<1024xf32, #tpu.memory_space<vmem>>, vector<128xf32>
    %broadcast_in_dim3A_276 = vector.shape_cast %get3A_275 : vector<128xf32> to vector<1x128xf32>
    %add3A_277 = vector.broadcast %broadcast_in_dim3A_276 : vector<1x128xf32> to vector<512x128xf32>
    %add3A_278 = arith.addf %div3A_273, %add3A_277 : vector<512x128xf32>
    %max3A_279 = arith.constant 0.000000e+00 : f32
    %max3A_280 = vector.broadcast %max3A_279 : f32 to vector<512x128xf32>
    %max3A_281 = arith.maximumf %add3A_278, %max3A_280 : vector<512x128xf32>
    %get3A_282 = arith.constant 896 : index
    %get3A_283 = arith.constant 0 : index
    %get3A_284 = vector.load %arg3[%get3A_282, %get3A_283] : memref<1024x128xf32, #tpu.memory_space<vmem>>, vector<128x128xf32>
    %dot_general3A_285 = arith.constant dense<0.000000e+00> : vector<512x128xf32>
    %dot_general3A_286 = tpu.matmul %max3A_281, %get3A_284, %dot_general3A_285 {dimension_numbers = #tpu.dot_dimension_numbers<[1], [0], [0], [1], [0, 0, 1, 1], [], []>, transpose_lhs_hint = false} : vector<512x128xf32>, vector<128x128xf32>, vector<512x128xf32> -> vector<512x128xf32>
    %add3A_287 = arith.addf %add3A_250, %dot_general3A_286 : vector<512x128xf32>
    %get3A_288 = arith.constant 896 : index
    %get3A_289 = arith.constant 0 : index
    %get3A_290 = vector.load %arg4[%get3A_288, %get3A_289] : memref<1024x128xf32, #tpu.memory_space<vmem>>, vector<128x128xf32>
    %dot_general3A_291 = arith.constant dense<0.000000e+00> : vector<512x128xf32>
    %dot_general3A_292 = tpu.matmul %max3A_281, %get3A_290, %dot_general3A_291 {dimension_numbers = #tpu.dot_dimension_numbers<[1], [0], [0], [1], [0, 0, 1, 1], [], []>, transpose_lhs_hint = false} : vector<512x128xf32>, vector<128x128xf32>, vector<512x128xf32> -> vector<512x128xf32>
    %add3A_293 = arith.addf %add3A_256, %dot_general3A_292 : vector<512x128xf32>
    %get3A_294 = arith.constant 0 : index
    %get3A_295 = vector.load %arg5[%get3A_294] : memref<128xf32, #tpu.memory_space<vmem>>, vector<128xf32>
    %broadcast_in_dim3A_296 = vector.shape_cast %get3A_295 : vector<128xf32> to vector<1x128xf32>
    %add3A_297 = vector.broadcast %broadcast_in_dim3A_296 : vector<1x128xf32> to vector<512x128xf32>
    %add3A_298 = arith.addf %add3A_287, %add3A_297 : vector<512x128xf32>
    %swap3A = arith.constant 0 : index
    %swap3A_299 = arith.constant 0 : index
    %swap3A_300 = vector.load %arg8[%swap3A, %swap3A_299] : memref<512x128xf32, #tpu.memory_space<vmem>>, vector<512x128xf32>
    tpu.vector_store %arg8[%swap3A, %swap3A_299], %add3A_298 {strides = array<i32>} : memref<512x128xf32, #tpu.memory_space<vmem>>, vector<512x128xf32>,
    %get3A_301 = arith.constant 0 : index
    %get3A_302 = vector.load %arg6[%get3A_301] : memref<128xf32, #tpu.memory_space<vmem>>, vector<128xf32>
    %broadcast_in_dim3A_303 = vector.shape_cast %get3A_302 : vector<128xf32> to vector<1x128xf32>
    %add3A_304 = vector.broadcast %broadcast_in_dim3A_303 : vector<1x128xf32> to vector<512x128xf32>
    %add3A_305 = arith.addf %add3A_293, %add3A_304 : vector<512x128xf32>
    %swap3A_306 = arith.constant 0 : index
    %swap3A_307 = arith.constant 0 : index
    %swap3A_308 = vector.load %arg9[%swap3A_306, %swap3A_307] : memref<512x128xf32, #tpu.memory_space<vmem>>, vector<512x128xf32>
    tpu.vector_store %arg9[%swap3A_306, %swap3A_307], %add3A_305 {strides = array<i32>} : memref<512x128xf32, #tpu.memory_space<vmem>>, vector<512x128xf32>,
    return
  }
  func.func @transform_0(%arg0: i32) -> (i32, i32, i32) {
    %c0_i32 = arith.constant 0 : i32
    %c0_i32_0 = arith.constant 0 : i32
    %c0_i32_1 = arith.constant 0 : i32
    return %c0_i32, %arg0, %c0_i32_0 : i32, i32, i32
  }
  func.func @transform_1(%arg0: i32) -> (i32, i32, i32, i32) {
    %c0_i32 = arith.constant 0 : i32
    %c0_i32_0 = arith.constant 0 : i32
    %c0_i32_1 = arith.constant 0 : i32
    %c0_i32_2 = arith.constant 0 : i32
    return %c0_i32, %arg0, %c0_i32_0, %c0_i32_1 : i32, i32, i32, i32
  }
  func.func @transform_2(%arg0: i32) -> (i32, i32) {
    %c0_i32 = arith.constant 0 : i32
    %c0_i32_0 = arith.constant 0 : i32
    %c0_i32_1 = arith.constant 0 : i32
    return %c0_i32, %c0_i32_0 : i32, i32
  }
  func.func @transform_3(%arg0: i32) -> (i32, i32) {
    %c0_i32 = arith.constant 0 : i32
    %c0_i32_0 = arith.constant 0 : i32
    %c0_i32_1 = arith.constant 0 : i32
    return %c0_i32, %c0_i32_0 : i32, i32
  }
  func.func @transform_4(%arg0: i32) -> i32 {
    %c0_i32 = arith.constant 0 : i32
    %c0_i32_0 = arith.constant 0 : i32
    return %c0_i32 : i32
  }
  func.func @transform_5(%arg0: i32) -> i32 {
    %c0_i32 = arith.constant 0 : i32
    %c0_i32_0 = arith.constant 0 : i32
    return %c0_i32 : i32
  }
  func.func @transform_6(%arg0: i32) -> i32 {
    %c0_i32 = arith.constant 0 : i32
    %c0_i32_0 = arith.constant 0 : i32
    return %c0_i32 : i32
  }
  func.func @transform_7(%arg0: i32) -> (i32, i32) {
    %c0_i32 = arith.constant 0 : i32
    %c0_i32_0 = arith.constant 0 : i32
    return %arg0, %c0_i32 : i32, i32
  }
  func.func @transform_8(%arg0: i32) -> (i32, i32) {
    %c0_i32 = arith.constant 0 : i32
    %c0_i32_0 = arith.constant 0 : i32
    return %arg0, %c0_i32 : i32, i32
  }
}

module attributes {stable_mosaic.version = 14 : i64} {
  func.func @_fin_body(%arg0: i32, %arg1: memref<512x128xf32, #tpu.memory_space<vmem>>, %arg2: memref<40xf32, #tpu.memory_space<vmem>>, %arg3: memref<512x40xf32, #tpu.memory_space<vmem>>) attributes {dimension_semantics = [#tpu.dimension_semantics<arbitrary>], iteration_bounds = array<i64: 20>, scalar_prefetch = 0 : i64, scratch_operands = 0 : i64, tpu.core_type = #tpu.core_type<tc>, window_params = [{transform_indices = @transform_0, window_bounds = array<i64: 512, 128>}, {pipeline_mode = #tpu.pipeline_mode<synchronous>, transform_indices = @transform_1, window_bounds = array<i64: 40>}, {transform_indices = @transform_2, window_bounds = array<i64: 512, 40>}]} {
    %get3A = arith.constant 0 : index
    %get3A_0 = arith.constant 64 : index
    %get3A_1 = vector.load %arg1[%get3A, %get3A_0] : memref<512x128xf32, #tpu.memory_space<vmem>>, vector<512x1xf32>
    %add3A = arith.constant 1.000000e-16 : f32
    %add3A_2 = vector.broadcast %add3A : f32 to vector<512x1xf32>
    %add3A_3 = arith.addf %get3A_1, %add3A_2 : vector<512x1xf32>
    %get3A_4 = arith.constant 0 : index
    %get3A_5 = arith.constant 0 : index
    %get3A_6 = vector.load %arg1[%get3A_4, %get3A_5] : memref<512x128xf32, #tpu.memory_space<vmem>>, vector<512x40xf32>
    %div3A = vector.broadcast %add3A_3 : vector<512x1xf32> to vector<512x40xf32>
    %div3A_7 = arith.divf %get3A_6, %div3A : vector<512x40xf32>
    %get3A_8 = arith.constant 0 : index
    %get3A_9 = vector.load %arg2[%get3A_8] : memref<40xf32, #tpu.memory_space<vmem>>, vector<40xf32>
    %broadcast_in_dim3A = vector.shape_cast %get3A_9 : vector<40xf32> to vector<1x40xf32>
    %add3A_10 = vector.broadcast %broadcast_in_dim3A : vector<1x40xf32> to vector<512x40xf32>
    %add3A_11 = arith.addf %div3A_7, %add3A_10 : vector<512x40xf32>
    %swap3A = arith.constant 0 : index
    %swap3A_12 = arith.constant 0 : index
    %swap3A_13 = vector.load %arg3[%swap3A, %swap3A_12] : memref<512x40xf32, #tpu.memory_space<vmem>>, vector<512x40xf32>
    tpu.vector_store %arg3[%swap3A, %swap3A_12], %add3A_11 {strides = array<i32>} : memref<512x40xf32, #tpu.memory_space<vmem>>, vector<512x40xf32>,
    return
  }
  func.func @transform_0(%arg0: i32) -> (i32, i32) {
    %c0_i32 = arith.constant 0 : i32
    %c0_i32_0 = arith.constant 0 : i32
    return %arg0, %c0_i32 : i32, i32
  }
  func.func @transform_1(%arg0: i32) -> i32 {
    %c0_i32 = arith.constant 0 : i32
    %c0_i32_0 = arith.constant 0 : i32
    return %c0_i32 : i32
  }
  func.func @transform_2(%arg0: i32) -> (i32, i32) {
    %c0_i32 = arith.constant 0 : i32
    %c0_i32_0 = arith.constant 0 : i32
    return %arg0, %c0_i32 : i32, i32
  }
}

</mosaic_0001>

<sc_bundles>
// kernel: kernel.10.cloned.1.call-start
scs
__scs_entry_jumppad:
0x0: {  	(pc) =	sbr.rel $0x88, $3  }
0x1: {  	(tag) =	ssettag $0x0;
	lr =	simm.s32 $0x1  }
0x2: {  	[smem:$0x3F93] =	sst lr;
	_ =	strace $0xD0000000  }
0x3: {  	_ = 	snop  }
0x4: {  	_ = 	snop  }
0x5: {  	_ = 	snop  }
0x6: {  	_ = 	snop  }
0x7: {  	_ = 	snop  }
__scs_overlays_trampoline_lowered:
0x8: {  	[smem:$0x3FA2] =	sst s0  }
0x9: {  	[smem:$0x3FA3] =	sst s1  }
0xa: {  	[smem:$0x3FA4] =	sst s2  }
0xb: {  	[smem:$0x3FA5] =	sst s3  }
0xc: {  	[smem:$0x3FA6] =	sst s4  }
0xd: {  	[smem:$0x3FA7] =	sst s5  }
0xe: {  	[smem:$0x3FA8] =	sst s6  }
0xf: {  	[smem:$0x3FA9] =	sst s7  }
0x10: {  	[smem:$0x3FAA] =	sst s8  }
0x11: {  	[smem:$0x3FAB] =	sst s9;
	s0 =	simm.s32 @!p0 $0x0  }
0x12: {  	s1 =	sld [smem:$0x3F91];
	s0 =	simm.s32 @p0 $0x1  }
0x13: {  	[smem:$0x3FAC] =	sst s0;
	s0 =	simm.s32 @!p1 $0x0  }
0x14: {  	s2 =	sld [smem:$0x3F90];
	s0 =	simm.s32 @p1 $0x1  }
0x15: {  	[smem:$0x3FAD] =	sst s0;
	s0 =	simm.s32 @!p2 $0x0  }
0x16: {  	s3 =	sld [smem:$0x3FDB];
	s0 =	simm.s32 @p2 $0x1  }
0x17: {  	s4 =	simm.s32 $0x1BF5;
	[smem:$0x3FAF] =	sst s0  }
0x18: {  	s0 =	sld [smem:$0x3F92];
	_ =	swait.ge [sflag:s4], $0x0  }
0x19: {  	s7 =	sld [smem:$0x3F93]  }
0x1a: {  	s8 =	sadd.s32 $0xFFFFE003, lr  }
0x1b: {  	s9 =	sadd.s32 $0xFFFFFEF7, lr;
	s5 =	simm.s32 $0xFFFFFFFF;
	p2 =	slt.u32 s8, $0xFFFFF086  }
0x1c: {  	p1 =	slt.u32 s9, $0xF7A;
	s5 =	simm.s32 @!p2 $0x0  }
0x1d: {  	s5 =	simm.s32 @p1 $0x1;
	p0 =	seq.s32 s7, s2  }
0x1e: {  	s7 =	smul.u32 @!p0 $0xF7A, s2;
	p2 =	seq.s32 @!p0 s5, $0x0  }
0x1f: {  	s9 =	smul.u32 $0xF7A, s1;
	s8 =	simm.s32 @!p0 $0x1BF5;
	p2 =	por !p2, p0  }
0x20: {  	[sflag:s8] =	ssyncset.s32 @!p0 $0xFFFFF086;
	s6 =	sadd.s32 @!p0 s3, s7;
	s7 =	simm.s32 @!p0 $0x108  }
0x21: {  	s3 =	sadd.s32 s3, s9;
	s6 =	sadd.s32 @!p0 $0x88, s6;
	s7 =	simm.s32 @p2 $0x1082  }
0x22: {  	[simem:s7], [sflag:s8] =	dma.local @!p0 [hbm:s6], $0xF7A  }
0x23: {  	s9 =	sor.u32 $0xD0000000, s2;
	s6 =	simm.s32 $0x108;
	_ =	swait.ge @!p0 [sflag:s8], $0x0  }
0x24: {  	s3 =	sadd.s32 $0x88, s3;
	s6 =	simm.s32 @!p1 $0x1082;
	[sflag:s4] =	ssyncset.s32 $0xFFFFF086  }
0x25: {  	[simem:s6], [sflag:s4] =	dma.local [hbm:s3], $0xF7A  }
0x26: {  	[smem:$0x3F93] =	sst s1;
	(tag) =	ssettag s2;
	_ =	strace s9  }
0x27: {  	s1 =	sld [smem:$0x3FA3]  }
0x28: {  	s2 =	sld [smem:$0x3FA4]  }
0x29: {  	s4 =	sld [smem:$0x3FA6]  }
0x2a: {  	p0 =	seq.s32 s5, $0x0;
	s5 =	sld [smem:$0x3FA7]  }
0x2b: {  	s6 =	sld [smem:$0x3FA8]  }
0x2c: {  	s7 =	sld [smem:$0x3FA9]  }
0x2d: {  	s3 =	simm.s32 $0x108;
	s8 =	sld [smem:$0x3FAA]  }
0x2e: {  	s3 =	simm.s32 @!p0 $0x1082;
	s9 =	sld [smem:$0x3FAB]  }
0x2f: {  	lr =	sadd.s32 s0, s3;
	s0 =	sld [smem:$0x3FA2]  }
0x30: {  	s3 =	sld [smem:$0x3FA5]  }
0x31: {  	[smem:$0x3FAE] =	sst s10  }
0x32: {  	s10 =	sld [smem:$0x3FAC];
	_ =	sdelay $0x3  }
0x33: {  	p0 =	seq.s32 s10, $0x1;
	s10 =	sld [smem:$0x3FAE];
	_ =	sdelay $0x3  }
0x34: {  	[smem:$0x3FAE] =	sst s10  }
0x35: {  	s10 =	sld [smem:$0x3FAD];
	_ =	sdelay $0x3  }
0x36: {  	p1 =	seq.s32 s10, $0x1;
	s10 =	sld [smem:$0x3FAE];
	_ =	sdelay $0x3  }
0x37: {  	[smem:$0x3FAE] =	sst s10  }
0x38: {  	s10 =	sld [smem:$0x3FAF]  }
0x39: {  	_ = 	snop;
	(pc) =	sbr.ind lr, $3  }
0x3a: {  	_ = 	snop  }
0x3b: {  	_ = 	snop  }
0x3c: {  	p2 =	seq.s32 s10, $0x1;
	s10 =	sld [smem:$0x3FAE]  }
0x3d: {  	_ =	shalt  }
0x3e: {  	_ =	shalt  }
0x3f: {  	_ =	shalt  }
0x40: {  	_ =	shalt  }
0x41: {  	_ =	shalt  }
0x42: {  	_ =	shalt  }
0x43: {  	_ =	shalt  }
0x44: {  	_ =	shalt  }
0x45: {  	_ =	shalt  }
0x46: {  	_ =	shalt  }
0x47: {  	_ =	shalt  }
0x48: {  	_ =	shalt  }
0x49: {  	_ =	shalt  }
0x4a: {  	_ =	shalt  }
0x4b: {  	_ =	shalt  }
0x4c: {  	_ =	shalt  }
0x4d: {  	_ =	shalt  }
0x4e: {  	_ =	shalt  }
0x4f: {  	_ =	shalt  }
0x50: {  	_ =	shalt  }
0x51: {  	_ =	shalt  }
0x52: {  	_ =	shalt  }
0x53: {  	_ =	shalt  }
0x54: {  	_ =	shalt  }
0x55: {  	_ =	shalt  }
0x56: {  	_ =	shalt  }
0x57: {  	_ =	shalt  }
0x58: {  	_ =	shalt  }
0x59: {  	_ =	shalt  }
0x5a: {  	_ =	shalt  }
0x5b: {  	_ =	shalt  }
0x5c: {  	_ =	shalt  }
0x5d: {  	_ =	shalt  }
0x5e: {  	_ =	shalt  }
0x5f: {  	_ =	shalt  }
0x60: {  	_ =	shalt  }
0x61: {  	_ =	shalt  }
0x62: {  	_ =	shalt  }
0x63: {  	_ =	shalt  }
0x64: {  	_ =	shalt  }
0x65: {  	_ =	shalt  }
0x66: {  	_ =	shalt  }
0x67: {  	_ =	shalt  }
0x68: {  	_ =	shalt  }
0x69: {  	_ =	shalt  }
0x6a: {  	_ =	shalt  }
0x6b: {  	_ =	shalt  }
0x6c: {  	_ =	shalt  }
0x6d: {  	_ =	shalt  }
0x6e: {  	_ =	shalt  }
0x6f: {  	_ =	shalt  }
0x70: {  	_ =	shalt  }
0x71: {  	_ =	shalt  }
0x72: {  	_ =	shalt  }
0x73: {  	_ =	shalt  }
0x74: {  	_ =	shalt  }
0x75: {  	_ =	shalt  }
0x76: {  	_ =	shalt  }
0x77: {  	_ =	shalt  }
0x78: {  	_ =	shalt  }
0x79: {  	_ =	shalt  }
0x7a: {  	_ =	shalt  }
0x7b: {  	_ =	shalt  }
0x7c: {  	_ =	shalt  }
0x7d: {  	_ =	shalt  }
0x7e: {  	_ =	shalt  }
0x7f: {  	_ =	shalt  }
0x80: {  	_ =	shalt  }
0x81: {  	_ =	shalt  }
0x82: {  	_ =	shalt  }
0x83: {  	_ =	shalt  }
0x84: {  	_ =	shalt  }
0x85: {  	_ =	shalt  }
0x86: {  	_ =	shalt  }
0x87: {  	_ =	shalt  }
.Lfunc_end0:
.L_simem_size_0:
called_computation.1_lowered:
.L_overlay_start_0:
0x88: {  	s2 =	sld [smem:$0x3FD9]  }
0x89: {  	s3 =	sld [smem:$0x3FFE];
	_ =	sdelay $0x1  }
0x8a: {  	s1 =	srdreg.scid  }
0x8b: {  	s0 =	sand.u32 $0x1, s1  }
0x8c: {  	s17 =	sshll.u32 s0, $0xA;
	s2 =	sadd.s32 s3, s2  }
0x8d: {  	s2 =	sadd.s32 s2, s17  }
0x8e: {  	[smem:$0x3FBA] =	sst s2  }
0x8f: {  	_ = 	snop  }
0x90: {  	s2 =	sld [smem:$0x3FD0];
	(tm) =	ssettm $0x1  }
0x91: {  	s18 =	sld [smem:$0x3FFB];
	_ =	sdelay $0x3  }
0x92: {  	_ =	strace s18  }
0x93: {  	s3 =	sld [smem:$0x3FFC];
	_ =	sdelay $0x3  }
0x94: {  	_ =	strace s3  }
0x95: {  	s3 =	sld [smem:$0x3FFD];
	_ =	sdelay $0x3  }
0x96: {  	_ =	strace s3  }
0x97: {  	_ =	strace $0x8FFFFFFF  }
0x98: {  	s19 =	sld [smem:$0x3FDB];
	_ =	sdelay $0x1  }
0x99: {  	s4 =	simm.s32 $_scs_section_size  }
0x9a: {  	s5 =	simm.s32 $_size__tile_overlayer_lowered;
	s6 =	simm.s32 $_tile_overlayer_lowered  }
0x9b: {  	s22 =	simm.s32 $0x1BFF;
	s21 =	sshll.u32 s6, $0x1;
	s3 =	sadd.s32 s4, s19  }
0x9c: {  	s7 =	simm.s32 $0x0;
	s20 =	sshll.u32 s5, $0x1;
	s5 =	sadd.s32 s21, s3  }
0x9d: {  	[timem:s7], [sflag:s22] =	dma.local [hbm:s5], s20  }
0x9e: {  	_ =	swait.ge [sflag:s22], s20  }
0x9f: {  	s4 =	ssub.s32 $0x0, s20;
	[sflag:s22] =	ssyncset.done $0x0  }
0xa0: {  	[sflag:s22] =	ssyncadd.s32 s4;
	_ =	sdelay $0x1  }
0xa1: {  	s23 =	simm.s32 $0x1B8B  }
0xa2: {  	_ =	swait.ge [sflag:s23], $0x1  }
0xa3: {  	[sflag:s23] =	ssyncset.done $0x0  }
0xa4: {  	s25 =	simm.s32 $0x1B8E;
	s24 =	sld [smem:$0x3FFE];
	[sflag:s23] =	ssyncadd.s32 $0xFFFFFFFF  }
0xa5: {  	s26 =	simm.s32 $execute0_lowered;
	[smem:$0x3FD2] =	sst s25  }
0xa6: {  	s5 =	sshll.u32 s26, $0x1;
	_ =	strace $0x80000049;
	[dreg:$0x1] =	wrdreg $0xFFFFFFFF  }
0xa7: {  	s28 =	simm.s32 $_size_execute0_lowered;
	s3 =	sadd.s32 s3, s5;
	[dreg:$0x0] =	wrdreg $0x0  }
0xa8: {  	s5 =	sshll.u32 s28, $0x1;
	[dreg:$0x2] =	wrdreg s3  }
0xa9: {  	[dreg:$0x3] =	wrdreg s5  }
0xaa: {  	[dreg:$0x4] =	wrdreg $0xC0  }
0xab: {  	_ =	task [dreg:s7], $0x5FFFF  }
0xac: {  	[dreg:$0x1] =	wrdreg $0xFFFFFFFF  }
0xad: {  	[dreg:$0x0] =	wrdreg $0x60  }
0xae: {  	[dreg:$0x2] =	wrdreg s24  }
0xaf: {  	[dreg:$0x3] =	wrdreg s2  }
0xb0: {  	[dreg:$0x4] =	wrdreg $0xCB800  }
0xb1: {  	[dreg:$0x5] =	wrdreg $0x9  }
0xb2: {  	_ =	task.clear_ibuf [dreg:s7], $0x6FFFF;
	_ =	strace $0x90000049  }
0xb3: {  	s29 =	simm.s32 $0x9;
	_ =	strace $0x8000004B  }
0xb4: {  	_ =	swait.ge [sflag:s29], $0x1  }
0xb5: {  	[sflag:s29] =	ssyncadd.s32 $0xFFFFFFFF  }
0xb6: {  	_ =	strace $0x9000004B  }
0xb7: {  	_ =	sfence  }
0xb8: {  	s30 =	sld [smem:$0x0];
	_ =	sdelay $0x2  }
0xb9: {  	s31 =	sshll.u32 s1, $0xD;
	s1 =	sshrl.u32 s1, $0x2  }
0xba: {  	s3 =	sand.u32 $0x4000, s31;
	s1 =	sadd.s32 s1, s30  }
0xbb: {  	s0 =	sor.u32 s3, s0;
	s1 =	sshll.u32 s1, $0x11  }
0xbc: {  	s0 =	sor.u32 s1, s0  }
0xbd: {  	s0 =	sadd.s32 $0x8F2B, s0  }
0xbe: {  	[sflag:s0] =	ssyncadd.remote.s32 $0x1  }
0xbf: {  	_ =	sfence.sel $0xFFFF  }
0xc0: {  	[dreg:$0x0] =	wrdreg $0xFFFFFFFF;
	(pc) =	sbr.abs _section_cstart, $3  }
0xc1: {  	[dreg:$0x1] =	wrdreg $0xFFFFFFFF  }
0xc2: {  	_ =	task.clear_ibuf [dreg:s7], $0x2FFFF;
	_ =	strace $0x9FFFFFFF  }
0xc3: {  	(tm) =	ssettm $0x7FFFFFFF  }
tec
execute0_lowered:
.L_overlay_start_1:
0x0: {  	(tag) =	ssettag $0x1  }
0x1: {  	s4 =	rddreg [dreg:$0x0];
	v0 =	vlaneseq.u32  }
0x2: {  	s0 =	srdreg.scid;
	s1 =	rddreg [dreg:$0x1];
	v0 =	vmul.u32 $0x80, v0  }
0x3: {  	s3 =	rddreg [dreg:$0x2];
	s5 =	simm.s32 $0x0;
	s2 =	stileid.u32;
	v2 =	vimm.f32 $0.0e+00  }
0x4: {  	s15 =	simm.s32 $0x3;
	s16 =	simm.s32 $0xC380;
	s17 =	simm.s32 $0x80;
	vm0 =	vmmov $0x1;
	v3 =	vor.u32 $0x1, v0;
	v4 =	vor.u32 $0x2, v0  }
0x5: {  	s18 =	simm.s32 $0x1;
	s19 =	simm.s32 $0x2;
	s20 =	simm.s32 $0x100;
	v5 =	vor.u32 $0x3, v0;
	v6 =	vor.u32 $0x4, v0;
	v7 =	vor.u32 $0x5, v0  }
0x6: {  	s21 =	simm.s32 $0x280;
	s22 =	simm.s32 $0x180;
	s23 =	simm.s32 $0x4280;
	v8 =	vor.u32 $0x6, v0;
	v9 =	vor.u32 $0x7, v0;
	v10 =	vor.u32 $0x8, v0  }
0x7: {  	s24 =	simm.s32 $0x8280;
	s25 =	simm.s32 $0xC280;
	s26 =	simm.s32 $0x200;
	v11 =	vor.u32 $0x9, v0;
	v12 =	vor.u32 $0xA, v0;
	v13 =	vor.u32 $0xB, v0  }
0x8: {  	s28 =	simm.s32 $0x0;
	s29 =	simm.s32 $0x0;
	s0 =	sand.u32 $0x1, s0;
	v14 =	vor.u32 $0xC, v0;
	v15 =	vor.u32 $0xD, v0;
	v16 =	vor.u32 $0xE, v0  }
0x9: {  	[smem:$0x7FF] =	sst s5;
	s9 =	smul.u32 $0x140, s2;
	s5 =	sadd.s32 $0x7A00, s4;
	v17 =	vor.u32 $0xF, v0;
	v18 =	vor.u32 $0x800, v0;
	v19 =	vor.u32 $0x801, v0  }
0xa: {  	s6 =	sadd.s32 $0x2FA00, s4;
	s7 =	sadd.s32 $0x2600, s4;
	s10 =	smul.u32 $0x28000, s2;
	v20 =	vor.u32 $0x802, v0;
	v21 =	vor.u32 $0x803, v0;
	v22 =	vor.u32 $0x804, v0  }
0xb: {  	s31 =	sshll.u32 s2, $0xA;
	p0 =	sgt.u32 s2, $0x1;
	s8 =	smul.u32 $0x1400, s0;
	v23 =	vor.u32 $0x805, v0;
	v24 =	vor.u32 $0x806, v0;
	v25 =	vor.u32 $0x807, v0  }
0xc: {  	_ =	strace $0x8000004A;
	s0 =	ssub.s32 $0x2, s0;
	s12 =	sadd.s32 s31, s3;
	v26 =	vor.u32 $0x808, v0;
	v27 =	vor.u32 $0x809, v0;
	v28 =	vor.u32 $0x80A, v0  }
0xd: {  	s11 =	sshrl.u32 s0, $0x1;
	s10 =	sshrl.u32 s10, $0x2;
	v29 =	vor.u32 $0x80B, v0;
	v30 =	vor.u32 $0x80C, v0;
	v31 =	vor.u32 $0x80D, v0;
	s9 =	sadd.s32 s9, s8  }
0xe: {  	v32 =	vor.u32 $0x80E, v0;
	v33 =	vor.u32 $0x80F, v0;
	v1 =	vmov s8;
	s8 =	sadd.s32 $0x3CA200, s4;
	s0 =	ssub.s32 s0, s11;
	s9 =	sshll.u32 s9, $0x4  }
0xf: {  	v34 =	vor.u32 $0x1000, v0;
	v35 =	vor.u32 $0x1001, v0;
	v36 =	vor.u32 $0x1002, v0;
	s11 =	smul.u32 $0x54, s2;
	s13 =	smax.u32 s0, $0x1;
	s4 =	sadd.s32 s9, s4  }
0x10: {  	v37 =	vor.u32 $0x1003, v0;
	v38 =	vor.u32 $0x1004, v0;
	v39 =	vor.u32 $0x1005, v0;
	s9 =	sadd.s32 s10, s3;
	s10 =	sadd.s32 $0xA0000, s12;
	s12 =	sadd.s32 $0x57A00, s4  }
.LBB2_1:
0x11: {  	s0 =	simm.s32 $0x0;
	s4 =	simm.s32 $0xC300  }
0x12: {  	[tilespmem:s4], [sflag:$0x3] =	stream.linear.gather [hbm4b:s8+s0], $0x80, $0x38;
	[tilespmem:$0x16C00] =	vst v63  }
0x13: {  	_ =	swait.ge [sflag:s15], $0x80  }
0x14: {  	[sflag:s15] =	ssyncset.done $0x0  }
0x15: {  	[sflag:s15] =	ssyncadd.s32 $0xFFFFFF80  }
0x16: {  	v40 =	vld [tilespmem:$0xC300]  }
0x17: {  	v41 =	vld [tilespmem:$0xC310]  }
0x18: {  	v42 =	vld [tilespmem:$0xC320]  }
0x19: {  	v43 =	vld [tilespmem:$0xC330]  }
0x1a: {  	v44 =	vld [tilespmem:$0xC340]  }
0x1b: {  	v45 =	vld [tilespmem:$0xC350]  }
0x1c: {  	v46 =	vld [tilespmem:$0xC360]  }
0x1d: {  	s0 =	simm.s32 $0x0;
	s4 =	simm.s32 $0x200;
	v47 =	vld [tilespmem:$0xC370]  }
.LBB2_2:
0x1e: {  	p1 =	sne.s32 s4, $0x1E00;
	[tilespmem:s0+$0xC3F0] =	vst v2  }
0x1f: {  	[tilespmem:s0+$0xC380] =	vst v2  }
0x20: {  	[tilespmem:s0+$0xC390] =	vst v2  }
.Ltmp0:
0x21: {  	[tilespmem:s0+$0xC3A0] =	vst v2;
	(pc) =	sbr.rel @p1 .LBB2_2-.Ltmp0, $4  }
0x22: {  	[tilespmem:s0+$0xC3B0] =	vst v2  }
0x23: {  	[tilespmem:s0+$0xC3C0] =	vst v2  }
0x24: {  	[tilespmem:s0+$0xC3D0] =	vst v2  }
0x25: {  	[tilespmem:s0+$0xC3E0] =	vst v2;
	s0 =	sshra.s32 s4, $0x2;
	s4 =	sadd.s32 $0x200, s4  }
0x26: {  	[tilespmem:s0+$0xC3F0] =	vst v2  }
0x27: {  	[tilespmem:s0+$0xC380] =	vst v2  }
0x28: {  	[tilespmem:s0+$0xC390] =	vst v2  }
0x29: {  	[tilespmem:s0+$0xC3A0] =	vst v2  }
0x2a: {  	[tilespmem:s0+$0xC3B0] =	vst v2  }
0x2b: {  	[tilespmem:s0+$0xC3C0] =	vst v2  }
0x2c: {  	[tilespmem:s0+$0xC3D0] =	vst v2  }
0x2d: {  	[tilespmem:s0+$0xC3E0] =	vst v2;
	s31 =	sadd.s32 $0x0, s9  }
0x2e: {  	[spmem:s31] =	stream.linear.scatter [tilespmem:s16], [sflag:$0x3], $0x400, $0x38;
	[tilespmem:$0x16C00] =	vst v63  }
0x2f: {  	s0 =	simm.s32 $0x1000;
	_ =	swait.ge [sflag:s15], $0x400  }
.LBB2_4:
0x30: {  	s4 =	sshra.s32 s0, $0x2;
	[sflag:s15] =	ssyncset.done $0x0;
	p1 =	sne.s32 s0, $0x27000  }
.Ltmp1:
0x31: {  	s4 =	sadd.s32 s4, s9;
	[sflag:s15] =	ssyncadd.s32 $0xFFFFFC00;
	(pc) =	sbr.rel @p1 .LBB2_4-.Ltmp1, $3  }
0x32: {  	[spmem:s4] =	stream.linear.scatter [tilespmem:s16], [sflag:$0x3], $0x400, $0x38;
	[tilespmem:$0x16C00] =	vst v63  }
0x33: {  	s0 =	sadd.s32 $0x1000, s0;
	_ =	sdelay $0x1  }
0x34: {  	_ =	swait.ge [sflag:s15], $0x400  }
0x35: {  	[sflag:s15] =	ssyncset.done $0x0  }
0x36: {  	s0 =	simm.s32 @!p0 $0xC380;
	[sflag:s15] =	ssyncadd.s32 $0xFFFFFC00  }
0x37: {  	[spmem:s10] =	stream.linear.scatter @!p0 [tilespmem:s0], [sflag:$0x3], $0x400, $0x38;
	[tilespmem:$0x16C00] =	vst v63  }
0x38: {  	s0 =	simm.s32 @!p0 $0x3  }
0x39: {  	_ =	swait.ge @!p0 [sflag:s0], $0x400  }
0x3a: {  	[sflag:s0] =	ssyncset.done @!p0 $0x0  }
0x3b: {  	[sflag:s0] =	ssyncadd.s32 @!p0 $0xFFFFFC00  }
0x3c: {  	s30 =	simm.s32 $0x0;
	[bflag:$0x0] =	sbarrier.arrive $0xFFFF  }
.LBB2_6:
0x3d: {  	s0 =	sadd.s32 s11, s30  }
0x3e: {  	s0 =	sshll.u32 s0, $0x4  }
0x3f: {  	s4 =	sadd.s32 s1, s0  }
0x40: {  	[tilespmem:s29], [sflag:$0x1] =	stream.linear.gather [hbm4b:s4+s29], $0x80, $0x38;
	[tilespmem:$0x16C00] =	vst v63  }
0x41: {  	s0 =	sadd.s32 s7, s0  }
0x42: {  	[tilespmem:s17], [sflag:$0x2] =	stream.linear.gather [hbm4b:s0+s29], $0x80, $0x38;
	[tilespmem:$0x16C00] =	vst v63  }
0x43: {  	_ =	swait.ge [sflag:s18], $0x80  }
0x44: {  	[sflag:s18] =	ssyncset.done $0x0  }
0x45: {  	[sflag:s18] =	ssyncadd.s32 $0xFFFFFF80  }
0x46: {  	_ =	swait.ge [sflag:s19], $0x80  }
0x47: {  	[sflag:s19] =	ssyncset.done $0x0  }
0x48: {  	[sflag:s19] =	ssyncadd.s32 $0xFFFFFF80  }
0x49: {  	v49 =	vld [tilespmem:$0x0]  }
0x4a: {  	v48 =	vld [tilespmem:$0x80]  }
0x4b: {  	v51 =	vld [tilespmem:$0x10]  }
0x4c: {  	v50 =	vld [tilespmem:$0x90]  }
0x4d: {  	v58 =	vld [tilespmem:$0x20]  }
0x4e: {  	v62 =	vld [tilespmem:$0x30];
	[tilespmem:$0x100] =	vst v49  }
0x4f: {  	v61 =	vld [tilespmem:$0xB0];
	[tilespmem:$0x180] =	vst v48  }
0x50: {  	v57 =	vld [tilespmem:$0xC0];
	[tilespmem:$0x110] =	vst v51  }
0x51: {  	[tilespmem:$0x190] =	vst v50  }
0x52: {  	[tilespmem:$0x120] =	vst v58  }
0x53: {  	v52 =	vsub.s32 v48, v1;
	v53 =	vand.u32 $0xF, v48;
	v49 =	vld [tilespmem:$0xA0];
	v59 =	vsub.s32 v50, v1;
	[tilespmem:$0x130] =	vst v62  }
0x54: {  	v60 =	vand.u32 $0xF, v50;
	v58 =	vld [tilespmem:$0x40];
	[tilespmem:$0x1B0] =	vst v61;
	vm1 =	vlt.u32 v52, $0x1400;
	v53 =	vor.u32 $0x1400, v53  }
0x55: {  	v50 =	vld [tilespmem:$0xD0];
	[tilespmem:$0x1C0] =	vst v57;
	v52 =	vsel vm1, v52, v53;
	vm1 =	vlt.u32 v59, $0x1400;
	v53 =	vor.u32 $0x1400, v60  }
0x56: {  	[tilespmem:$0x200] =	vst v52;
	v52 =	vsel vm1, v59, v53  }
0x57: {  	v60 =	vand.u32 $0xF, v61;
	v59 =	vsub.s32 v61, v1;
	v61 =	vld [tilespmem:$0x50];
	[tilespmem:$0x210] =	vst v52  }
0x58: {  	v63 =	vsub.s32 v49, v1;
	v56 =	vand.u32 $0xF, v49;
	[tilespmem:$0x1A0] =	vst v49  }
0x59: {  	v62 =	vsub.s32 v57, v1;
	[tilespmem:$0x140] =	vst v58;
	vm1 =	vlt.u32 v63, $0x1400;
	v53 =	vor.u32 $0x1400, v56  }
0x5a: {  	[tilespmem:$0x1D0] =	vst v50;
	v52 =	vsel vm1, v63, v53;
	vm1 =	vlt.u32 v59, $0x1400;
	v53 =	vor.u32 $0x1400, v60  }
0x5b: {  	v58 =	vsub.s32 v50, v1;
	v56 =	vld [tilespmem:$0xE0];
	v63 =	vand.u32 $0xF, v57;
	[tilespmem:$0x220] =	vst v52;
	v52 =	vsel vm1, v59, v53  }
0x5c: {  	v57 =	vld [tilespmem:$0x60];
	vm1 =	vlt.u32 v62, $0x1400;
	v53 =	vor.u32 $0x1400, v63;
	v59 =	vand.u32 $0xF, v50;
	[tilespmem:$0x150] =	vst v61  }
0x5d: {  	v60 =	vld [tilespmem:$0xF0];
	[tilespmem:$0x230] =	vst v52;
	v52 =	vsel vm1, v62, v53;
	vm1 =	vlt.u32 v58, $0x1400;
	v53 =	vor.u32 $0x1400, v59  }
0x5e: {  	v61 =	vld [tilespmem:$0x70];
	[tilespmem:$0x240] =	vst v52;
	v52 =	vsel vm1, v58, v53  }
0x5f: {  	[tilespmem:$0x250] =	vst v52  }
0x60: {  	v62 =	vsub.s32 v56, v1;
	[tilespmem:$0x1E0] =	vst v56  }
0x61: {  	v63 =	vand.u32 $0xF, v56;
	vm1 =	vlt.u32 v62, $0x1400;
	[tilespmem:$0x160] =	vst v57  }
0x62: {  	v53 =	vor.u32 $0x1400, v63;
	v56 =	vsub.s32 v60, v1;
	v57 =	vand.u32 $0xF, v60;
	[tilespmem:$0x1F0] =	vst v60  }
0x63: {  	v55 =	vsel vm1, v62, v53;
	vm1 =	vlt.u32 v56, $0x1400;
	v49 =	vor.u32 $0x1400, v57;
	[tilespmem:$0x170] =	vst v61  }
0x64: {  	[tilespmem:$0x260] =	vst v55;
	v48 =	vsel vm1, v56, v49  }
0x65: {  	[tilespmem:$0x270] =	vst v48  }
0x66: {  	[tilespmem:s21], [sflag:$0x1] =	stream.indirect.gather [hbm4b:s5+s17], $0x80, s20, s17, $0xb8;
	[tilespmem:$0x16C00] =	vst v63  }
0x67: {  	_ = 	snop  }
0x68: {  	[tilespmem:s23], [sflag:$0x2] =	stream.indirect.gather [hbm4b:s6+s17], $0x80, s22, s17, $0xb8;
	[tilespmem:$0x16C00] =	vst v63  }
0x69: {  	_ =	swait.ge [sflag:s18], $0x4000  }
0x6a: {  	[sflag:s18] =	ssyncset.done $0x0  }
0x6b: {  	[sflag:s18] =	ssyncadd.s32 $0xFFFFC000  }
0x6c: {  	_ =	swait.ge [sflag:s19], $0x4000  }
0x6d: {  	[sflag:s19] =	ssyncset.done $0x0  }
0x6e: {  	s31 =	simm.s32 $0x0;
	[sflag:s19] =	ssyncadd.s32 $0xFFFFC000  }
0x6f: {  	v58 =	vld [tilespmem:s31+$0x280]  }
0x70: {  	v59 =	vld [tilespmem:s31+$0x4280]  }
0x71: {  	v60 =	vld [tilespmem:s31+$0x290]  }
0x72: {  	v61 =	vld [tilespmem:s31+$0x4290]  }
0x73: {  	v62 =	vld [tilespmem:s31+$0x2A0]  }
0x74: {  	v63 =	vld [tilespmem:s31+$0x42A0]  }
0x75: {  	v49 =	vld [tilespmem:s31+$0x2B0];
	v48 =	vadd.f32 v59, v58  }
0x76: {  	v54 =	vld [tilespmem:s31+$0x42B0]  }
0x77: {  	v56 =	vld [tilespmem:s31+$0x2C0];
	v50 =	vadd.f32 v61, v60;
	v55 =	vmul.f32 $2.000000030e-01, v48  }
0x78: {  	v57 =	vld [tilespmem:s31+$0x42C0]  }
0x79: {  	v52 =	vadd.f32 v63, v62;
	v59 =	vld [tilespmem:s31+$0x2D0];
	v51 =	vmul.f32 $2.000000030e-01, v50;
	v48 =	vmax.f32 v48, v55  }
0x7a: {  	v60 =	vld [tilespmem:s31+$0x42D0];
	v58 =	vmul.f32 v48, v40  }
0x7b: {  	v54 =	vadd.f32 v54, v49;
	v63 =	vmul.f32 $2.000000030e-01, v52;
	v50 =	vmax.f32 v50, v51;
	v51 =	vld [tilespmem:s31+$0x42E0]  }
0x7c: {  	v48 =	vld [tilespmem:s31+$0x2E0];
	v50 =	vmul.f32 v50, v41;
	v58 =	vadd.f32 $0.0e+00, v58  }
0x7d: {  	v53 =	vadd.f32 v57, v56;
	v49 =	vld [tilespmem:s31+$0x2F0];
	v61 =	vmul.f32 $2.000000030e-01, v54;
	v52 =	vmax.f32 v52, v63  }
0x7e: {  	s0 =	simm.s32 $0x80;
	v56 =	vmul.f32 v52, v42;
	v52 =	vld [tilespmem:s31+$0x42F0];
	v55 =	vadd.f32 v50, v58  }
0x7f: {  	s4 =	simm.s32 $0x400;
	v57 =	vmul.f32 $2.000000030e-01, v53;
	v50 =	vld [tilespmem:s0+$0x280];
	v58 =	vmax.f32 v54, v61;
	v54 =	vadd.f32 v60, v59  }
.LBB2_7:
0x80: {  	p1 =	sne.s32 s4, $0xFE00;
	v59 =	vld [tilespmem:s0+$0x4280];
	v55 =	vadd.f32 v56, v55;
	v56 =	vmul.f32 v58, v43  }
0x81: {  	v58 =	vld [tilespmem:s0+$0x290];
	v53 =	vmax.f32 v53, v57;
	v57 =	vmul.f32 $2.000000030e-01, v54;
	v48 =	vadd.f32 v51, v48  }
0x82: {  	v51 =	vld [tilespmem:s0+$0x4290];
	v55 =	vadd.f32 v56, v55;
	v53 =	vmul.f32 v53, v44  }
0x83: {  	v56 =	vld [tilespmem:s0+$0x2A0];
	v54 =	vmax.f32 v54, v57;
	v57 =	vmul.f32 $2.000000030e-01, v48;
	v49 =	vadd.f32 v52, v49  }
0x84: {  	v52 =	vld [tilespmem:s0+$0x42A0];
	v53 =	vadd.f32 v53, v55;
	v54 =	vmul.f32 v54, v45  }
0x85: {  	v50 =	vadd.f32 v59, v50;
	v55 =	vld [tilespmem:s0+$0x2B0];
	v48 =	vmax.f32 v48, v57;
	v57 =	vmul.f32 $2.000000030e-01, v49  }
0x86: {  	v59 =	vld [tilespmem:s0+$0x42B0];
	v53 =	vadd.f32 v54, v53;
	v48 =	vmul.f32 v48, v46  }
0x87: {  	v54 =	vmul.f32 $2.000000030e-01, v50;
	v51 =	vadd.f32 v51, v58;
	v58 =	vld [tilespmem:s0+$0x2C0];
	v49 =	vmax.f32 v49, v57  }
0x88: {  	v57 =	vld [tilespmem:s0+$0x42C0];
	v48 =	vadd.f32 v48, v53;
	v49 =	vmul.f32 v49, v47  }
0x89: {  	v50 =	vmax.f32 v50, v54;
	v53 =	vmul.f32 $2.000000030e-01, v51;
	v52 =	vadd.f32 v52, v56;
	v54 =	vld [tilespmem:s0+$0x2D0]  }
0x8a: {  	v50 =	vmul.f32 v50, v40;
	v60 =	vld [tilespmem:s0+$0x42D0];
	v49 =	vadd.f32 v49, v48  }
.Ltmp2:
0x8b: {  	v51 =	vmax.f32 v51, v53;
	v53 =	vmul.f32 $2.000000030e-01, v52;
	v59 =	vadd.f32 v59, v55;
	v48 =	vld [tilespmem:s0+$0x2E0];
	(pc) =	sbr.rel @p1 .LBB2_7-.Ltmp2, $4  }
0x8c: {  	v50 =	vadd.f32 $0.0e+00, v50;
	v55 =	vmul.f32 v51, v41;
	v51 =	vld [tilespmem:s0+$0x42E0];
	[tilespmem:s31+$0x8280] =	vst v49;
	s31 =	smov.u32 s0  }
0x8d: {  	v52 =	vmax.f32 v52, v53;
	v61 =	vmul.f32 $2.000000030e-01, v59;
	v53 =	vadd.f32 v57, v58;
	v49 =	vld [tilespmem:s31+$0x2F0]  }
0x8e: {  	s0 =	sshra.s32 s4, $0x2;
	v55 =	vadd.f32 v55, v50;
	v56 =	vmul.f32 v52, v42;
	v52 =	vld [tilespmem:s31+$0x42F0]  }
0x8f: {  	s4 =	sadd.s32 $0x200, s4;
	v50 =	vld [tilespmem:s0+$0x280];
	v58 =	vmax.f32 v59, v61;
	v57 =	vmul.f32 $2.000000030e-01, v53;
	v54 =	vadd.f32 v60, v54  }
0x90: {  	v59 =	vld [tilespmem:s0+$0x4280];
	v55 =	vadd.f32 v56, v55;
	v62 =	vmul.f32 v58, v43  }
0x91: {  	v58 =	vld [tilespmem:s0+$0x290];
	v53 =	vmax.f32 v53, v57;
	v63 =	vmul.f32 $2.000000030e-01, v54;
	v48 =	vadd.f32 v51, v48  }
0x92: {  	v60 =	vld [tilespmem:s0+$0x4290];
	v55 =	vadd.f32 v62, v55;
	v53 =	vmul.f32 v53, v44  }
0x93: {  	v56 =	vld [tilespmem:s0+$0x2A0];
	v54 =	vmax.f32 v54, v63;
	v61 =	vmul.f32 $2.000000030e-01, v48;
	v49 =	vadd.f32 v52, v49  }
0x94: {  	v52 =	vld [tilespmem:s0+$0x42A0];
	v53 =	vadd.f32 v53, v55;
	v54 =	vmul.f32 v54, v45  }
0x95: {  	v63 =	vld [tilespmem:s0+$0x42B0];
	v50 =	vadd.f32 v59, v50;
	v48 =	vmax.f32 v48, v61;
	v62 =	vmul.f32 $2.000000030e-01, v49  }
0x96: {  	v55 =	vld [tilespmem:s0+$0x2B0];
	v53 =	vadd.f32 v54, v53;
	v48 =	vmul.f32 v48, v46  }
0x97: {  	v57 =	vld [tilespmem:s0+$0x42C0];
	v51 =	vadd.f32 v60, v58;
	v60 =	vmul.f32 $2.000000030e-01, v50;
	v49 =	vmax.f32 v49, v62  }
0x98: {  	v54 =	vld [tilespmem:s0+$0x2C0];
	v48 =	vadd.f32 v48, v53;
	v49 =	vmul.f32 v49, v47  }
0x99: {  	v61 =	vmul.f32 $2.000000030e-01, v51;
	v53 =	vld [tilespmem:s0+$0x2D0];
	v52 =	vadd.f32 v52, v56;
	v50 =	vmax.f32 v50, v60  }
0x9a: {  	v56 =	vld [tilespmem:s0+$0x42D0];
	v50 =	vmul.f32 v50, v40;
	v48 =	vadd.f32 v49, v48  }
0x9b: {  	v59 =	vld [tilespmem:s0+$0x42E0];
	v51 =	vmax.f32 v51, v61;
	v55 =	vadd.f32 v63, v55;
	v62 =	vmul.f32 $2.000000030e-01, v52  }
0x9c: {  	v49 =	vld [tilespmem:s0+$0x2E0];
	v51 =	vmul.f32 v51, v41;
	v50 =	vadd.f32 $0.0e+00, v50;
	[tilespmem:s31+$0x8280] =	vst v48  }
0x9d: {  	v60 =	vmul.f32 $2.000000030e-01, v55;
	v54 =	vadd.f32 v57, v54;
	v63 =	vmax.f32 v52, v62;
	v57 =	vld [tilespmem:s0+$0x2F0]  }
0x9e: {  	v48 =	vmul.f32 v63, v42;
	v50 =	vadd.f32 v51, v50;
	v51 =	vld [tilespmem:s0+$0x42F0]  }
0x9f: {  	v52 =	vmax.f32 v55, v60;
	v61 =	vmul.f32 $2.000000030e-01, v54;
	v53 =	vadd.f32 v56, v53  }
0xa0: {  	v62 =	vmul.f32 v52, v43;
	v48 =	vadd.f32 v48, v50  }
0xa1: {  	v63 =	vmax.f32 v54, v61;
	v58 =	vmul.f32 $2.000000030e-01, v53;
	v49 =	vadd.f32 v59, v49  }
0xa2: {  	v59 =	vmul.f32 v63, v44;
	v48 =	vadd.f32 v62, v48  }
0xa3: {  	v60 =	vmax.f32 v53, v58;
	v61 =	vmul.f32 $2.000000030e-01, v49;
	v51 =	vadd.f32 v51, v57  }
0xa4: {  	v62 =	vmul.f32 v60, v45;
	v48 =	vadd.f32 v59, v48  }
0xa5: {  	v49 =	vmax.f32 v49, v61;
	v63 =	vmul.f32 $2.000000030e-01, v51  }
0xa6: {  	v49 =	vmul.f32 v49, v46;
	v48 =	vadd.f32 v62, v48  }
0xa7: {  	v55 =	vmax.f32 v51, v63  }
0xa8: {  	v48 =	vadd.f32 v49, v48;
	v56 =	vmul.f32 v55, v47;
	_ =	sdelay $0x1  }
0xa9: {  	v48 =	vadd.f32 v56, v48;
	_ =	sdelay $0x1  }
0xaa: {  	[tilespmem:s0+$0x8280] =	vst v48  }
0xab: {  	v48 =	vld.idx.msk [tilespmem:v0+s24+$0x0], $0xffff;
	_ =	sdelay $0x1  }
0xac: {  	v57 =	vld.idx.msk [tilespmem:v3+s24+$0x0], $0xffff;
	_ =	sdelay $0x1  }
0xad: {  	v58 =	vld.idx.msk [tilespmem:v4+s24+$0x0], $0xffff  }
0xae: {  	v48 =	vadd.f32 $0.0e+00, v48  }
0xaf: {  	v59 =	vld.idx.msk [tilespmem:v5+s24+$0x0], $0xffff  }
0xb0: {  	v48 =	vadd.f32 v57, v48  }
0xb1: {  	v60 =	vld.idx.msk [tilespmem:v6+s24+$0x0], $0xffff  }
0xb2: {  	v48 =	vadd.f32 v58, v48  }
0xb3: {  	v61 =	vld.idx.msk [tilespmem:v7+s24+$0x0], $0xffff  }
0xb4: {  	v48 =	vadd.f32 v59, v48  }
0xb5: {  	v62 =	vld.idx.msk [tilespmem:v8+s24+$0x0], $0xffff  }
0xb6: {  	v48 =	vadd.f32 v60, v48  }
0xb7: {  	v63 =	vld.idx.msk [tilespmem:v9+s24+$0x0], $0xffff  }
0xb8: {  	v48 =	vadd.f32 v61, v48  }
0xb9: {  	v54 =	vld.idx.msk [tilespmem:v10+s24+$0x0], $0xffff  }
0xba: {  	v48 =	vadd.f32 v62, v48  }
0xbb: {  	v55 =	vld.idx.msk [tilespmem:v11+s24+$0x0], $0xffff  }
0xbc: {  	v48 =	vadd.f32 v63, v48  }
0xbd: {  	v56 =	vld.idx.msk [tilespmem:v12+s24+$0x0], $0xffff  }
0xbe: {  	v48 =	vadd.f32 v54, v48  }
0xbf: {  	v57 =	vld.idx.msk [tilespmem:v13+s24+$0x0], $0xffff  }
0xc0: {  	v48 =	vadd.f32 v55, v48  }
0xc1: {  	v58 =	vld.idx.msk [tilespmem:v14+s24+$0x0], $0xffff  }
0xc2: {  	v48 =	vadd.f32 v56, v48  }
0xc3: {  	v59 =	vld.idx.msk [tilespmem:v15+s24+$0x0], $0xffff  }
0xc4: {  	v48 =	vadd.f32 v57, v48  }
0xc5: {  	v60 =	vld.idx.msk [tilespmem:v16+s24+$0x0], $0xffff  }
0xc6: {  	v48 =	vadd.f32 v58, v48  }
0xc7: {  	v61 =	vld.idx.msk [tilespmem:v17+s24+$0x0], $0xffff  }
0xc8: {  	v48 =	vadd.f32 v59, v48;
	_ =	sdelay $0x1  }
0xc9: {  	v48 =	vadd.f32 v60, v48;
	_ =	sdelay $0x1  }
0xca: {  	v48 =	vadd.f32 v61, v48;
	_ =	sdelay $0x1  }
0xcb: {  	v48 =	vmul.f32 $1.442695020e+00, v48;
	_ =	sdelay $0x1  }
0xcc: {  	(erf) = vpow2.f32 v48;
	_ =	sdelay $0x8  }
0xcd: {  	v48 =	vpop (erf)  }
0xce: {  	[tilespmem:$0xC280] =	vst v48  }
0xcf: {  	v48 =	vld.idx.msk [tilespmem:v18+s24+$0x0], $0xffff;
	_ =	sdelay $0x1  }
0xd0: {  	v62 =	vld.idx.msk [tilespmem:v19+s24+$0x0], $0xffff;
	_ =	sdelay $0x1  }
0xd1: {  	v63 =	vld.idx.msk [tilespmem:v20+s24+$0x0], $0xffff  }
0xd2: {  	v48 =	vadd.f32 $0.0e+00, v48  }
0xd3: {  	v54 =	vld.idx.msk [tilespmem:v21+s24+$0x0], $0xffff  }
0xd4: {  	v48 =	vadd.f32 v62, v48  }
0xd5: {  	v55 =	vld.idx.msk [tilespmem:v22+s24+$0x0], $0xffff  }
0xd6: {  	v48 =	vadd.f32 v63, v48  }
0xd7: {  	v56 =	vld.idx.msk [tilespmem:v23+s24+$0x0], $0xffff  }
0xd8: {  	v48 =	vadd.f32 v54, v48  }
0xd9: {  	v57 =	vld.idx.msk [tilespmem:v24+s24+$0x0], $0xffff  }
0xda: {  	v48 =	vadd.f32 v55, v48  }
0xdb: {  	v58 =	vld.idx.msk [tilespmem:v25+s24+$0x0], $0xffff  }
0xdc: {  	v48 =	vadd.f32 v56, v48  }
0xdd: {  	v59 =	vld.idx.msk [tilespmem:v26+s24+$0x0], $0xffff  }
0xde: {  	v48 =	vadd.f32 v57, v48  }
0xdf: {  	v60 =	vld.idx.msk [tilespmem:v27+s24+$0x0], $0xffff  }
0xe0: {  	v48 =	vadd.f32 v58, v48  }
0xe1: {  	v61 =	vld.idx.msk [tilespmem:v28+s24+$0x0], $0xffff  }
0xe2: {  	v48 =	vadd.f32 v59, v48  }
0xe3: {  	v62 =	vld.idx.msk [tilespmem:v29+s24+$0x0], $0xffff  }
0xe4: {  	v48 =	vadd.f32 v60, v48  }
0xe5: {  	v63 =	vld.idx.msk [tilespmem:v30+s24+$0x0], $0xffff  }
0xe6: {  	v48 =	vadd.f32 v61, v48  }
0xe7: {  	v54 =	vld.idx.msk [tilespmem:v31+s24+$0x0], $0xffff  }
0xe8: {  	v48 =	vadd.f32 v62, v48  }
0xe9: {  	v55 =	vld.idx.msk [tilespmem:v32+s24+$0x0], $0xffff  }
0xea: {  	v48 =	vadd.f32 v63, v48  }
0xeb: {  	v56 =	vld.idx.msk [tilespmem:v33+s24+$0x0], $0xffff  }
0xec: {  	v48 =	vadd.f32 v54, v48;
	_ =	sdelay $0x1  }
0xed: {  	v48 =	vadd.f32 v55, v48;
	_ =	sdelay $0x1  }
0xee: {  	v48 =	vadd.f32 v56, v48;
	_ =	sdelay $0x1  }
0xef: {  	v48 =	vmul.f32 $1.442695020e+00, v48;
	_ =	sdelay $0x1  }
0xf0: {  	(erf) = vpow2.f32 v48;
	_ =	sdelay $0x8  }
0xf1: {  	v48 =	vpop (erf)  }
0xf2: {  	[tilespmem:$0xC290] =	vst v48  }
0xf3: {  	v48 =	vld.idx.msk [tilespmem:v34+s24+$0x0], $0xffff;
	_ =	sdelay $0x1  }
0xf4: {  	v57 =	vld.idx.msk [tilespmem:v35+s24+$0x0], $0xffff;
	_ =	sdelay $0x1  }
0xf5: {  	v58 =	vld.idx.msk [tilespmem:v36+s24+$0x0], $0xffff  }
0xf6: {  	v48 =	vadd.f32 $0.0e+00, v48  }
0xf7: {  	v59 =	vld.idx.msk [tilespmem:v37+s24+$0x0], $0xffff  }
0xf8: {  	v60 =	vor.u32 $0x1006, v0;
	v48 =	vadd.f32 v57, v48  }
0xf9: {  	v61 =	vld.idx.msk [tilespmem:v38+s24+$0x0], $0xffff  }
0xfa: {  	v62 =	vor.u32 $0x1007, v0;
	v48 =	vadd.f32 v58, v48  }
0xfb: {  	v63 =	vld.idx.msk [tilespmem:v39+s24+$0x0], $0xffff  }
0xfc: {  	v56 =	vor.u32 $0x1008, v0;
	v48 =	vadd.f32 v59, v48  }
0xfd: {  	v49 =	vld.idx.msk [tilespmem:v60+s24+$0x0], $0xffff  }
0xfe: {  	v57 =	vor.u32 $0x1009, v0;
	v48 =	vadd.f32 v61, v48  }
0xff: {  	v50 =	vld.idx.msk [tilespmem:v62+s24+$0x0], $0xffff  }
0x100: {  	v58 =	vor.u32 $0x100A, v0;
	v48 =	vadd.f32 v63, v48  }
0x101: {  	v51 =	vld.idx.msk [tilespmem:v56+s24+$0x0], $0xffff  }
0x102: {  	v59 =	vor.u32 $0x100B, v0;
	v48 =	vadd.f32 v49, v48  }
0x103: {  	v52 =	vld.idx.msk [tilespmem:v57+s24+$0x0], $0xffff  }
0x104: {  	v60 =	vor.u32 $0x100C, v0;
	v48 =	vadd.f32 v50, v48  }
0x105: {  	v53 =	vld.idx.msk [tilespmem:v58+s24+$0x0], $0xffff  }
0x106: {  	v61 =	vor.u32 $0x100D, v0;
	v48 =	vadd.f32 v51, v48  }
0x107: {  	v49 =	vld.idx.msk [tilespmem:v59+s24+$0x0], $0xffff  }
0x108: {  	v62 =	vor.u32 $0x100E, v0;
	v48 =	vadd.f32 v52, v48  }
0x109: {  	v50 =	vld.idx.msk [tilespmem:v60+s24+$0x0], $0xffff  }
0x10a: {  	v63 =	vor.u32 $0x100F, v0;
	v48 =	vadd.f32 v53, v48  }
0x10b: {  	v51 =	vld.idx.msk [tilespmem:v61+s24+$0x0], $0xffff  }
0x10c: {  	v48 =	vadd.f32 v49, v48  }
0x10d: {  	v52 =	vld.idx.msk [tilespmem:v62+s24+$0x0], $0xffff  }
0x10e: {  	v48 =	vadd.f32 v50, v48  }
0x10f: {  	v54 =	vld.idx.msk [tilespmem:v63+s24+$0x0], $0xffff  }
0x110: {  	v48 =	vadd.f32 v51, v48;
	_ =	sdelay $0x1  }
0x111: {  	v48 =	vadd.f32 v52, v48;
	_ =	sdelay $0x1  }
0x112: {  	v48 =	vadd.f32 v54, v48;
	_ =	sdelay $0x1  }
0x113: {  	v48 =	vmul.f32 $1.442695020e+00, v48;
	_ =	sdelay $0x1  }
0x114: {  	(erf) = vpow2.f32 v48;
	_ =	sdelay $0x5  }
0x115: {  	v55 =	vor.u32 $0x1800, v0;
	_ =	sdelay $0x1  }
0x116: {  	v56 =	vor.u32 $0x1801, v0  }
0x117: {  	v57 =	vpop (erf)  }
0x118: {  	v58 =	vor.u32 $0x1802, v0;
	[tilespmem:$0xC2A0] =	vst v57  }
0x119: {  	v48 =	vld.idx.msk [tilespmem:v55+s24+$0x0], $0xffff  }
0x11a: {  	v59 =	vor.u32 $0x1803, v0  }
0x11b: {  	v49 =	vld.idx.msk [tilespmem:v56+s24+$0x0], $0xffff  }
0x11c: {  	v60 =	vor.u32 $0x1804, v0  }
0x11d: {  	v50 =	vld.idx.msk [tilespmem:v58+s24+$0x0], $0xffff  }
0x11e: {  	v61 =	vor.u32 $0x1805, v0;
	v48 =	vadd.f32 $0.0e+00, v48  }
0x11f: {  	v51 =	vld.idx.msk [tilespmem:v59+s24+$0x0], $0xffff  }
0x120: {  	v62 =	vor.u32 $0x1806, v0;
	v48 =	vadd.f32 v49, v48  }
0x121: {  	v52 =	vld.idx.msk [tilespmem:v60+s24+$0x0], $0xffff  }
0x122: {  	v63 =	vor.u32 $0x1807, v0;
	v48 =	vadd.f32 v50, v48  }
0x123: {  	v53 =	vld.idx.msk [tilespmem:v61+s24+$0x0], $0xffff  }
0x124: {  	v56 =	vor.u32 $0x1808, v0;
	v48 =	vadd.f32 v51, v48  }
0x125: {  	v49 =	vld.idx.msk [tilespmem:v62+s24+$0x0], $0xffff  }
0x126: {  	v57 =	vor.u32 $0x1809, v0;
	v48 =	vadd.f32 v52, v48  }
0x127: {  	v50 =	vld.idx.msk [tilespmem:v63+s24+$0x0], $0xffff  }
0x128: {  	v58 =	vor.u32 $0x180A, v0;
	v48 =	vadd.f32 v53, v48  }
0x129: {  	v51 =	vld.idx.msk [tilespmem:v56+s24+$0x0], $0xffff  }
0x12a: {  	v59 =	vor.u32 $0x180B, v0;
	v48 =	vadd.f32 v49, v48  }
0x12b: {  	v52 =	vld.idx.msk [tilespmem:v57+s24+$0x0], $0xffff  }
0x12c: {  	v60 =	vor.u32 $0x180C, v0;
	v48 =	vadd.f32 v50, v48  }
0x12d: {  	v53 =	vld.idx.msk [tilespmem:v58+s24+$0x0], $0xffff  }
0x12e: {  	v61 =	vor.u32 $0x180D, v0;
	v48 =	vadd.f32 v51, v48  }
0x12f: {  	v49 =	vld.idx.msk [tilespmem:v59+s24+$0x0], $0xffff  }
0x130: {  	v62 =	vor.u32 $0x180E, v0;
	v48 =	vadd.f32 v52, v48  }
0x131: {  	v50 =	vld.idx.msk [tilespmem:v60+s24+$0x0], $0xffff  }
0x132: {  	v63 =	vor.u32 $0x180F, v0;
	v48 =	vadd.f32 v53, v48  }
0x133: {  	v51 =	vld.idx.msk [tilespmem:v61+s24+$0x0], $0xffff  }
0x134: {  	v48 =	vadd.f32 v49, v48  }
0x135: {  	v52 =	vld.idx.msk [tilespmem:v62+s24+$0x0], $0xffff  }
0x136: {  	v48 =	vadd.f32 v50, v48  }
0x137: {  	v54 =	vld.idx.msk [tilespmem:v63+s24+$0x0], $0xffff  }
0x138: {  	v48 =	vadd.f32 v51, v48;
	_ =	sdelay $0x1  }
0x139: {  	v48 =	vadd.f32 v52, v48;
	_ =	sdelay $0x1  }
0x13a: {  	v48 =	vadd.f32 v54, v48;
	_ =	sdelay $0x1  }
0x13b: {  	v48 =	vmul.f32 $1.442695020e+00, v48;
	_ =	sdelay $0x1  }
0x13c: {  	(erf) = vpow2.f32 v48;
	_ =	sdelay $0x5  }
0x13d: {  	v55 =	vor.u32 $0x2000, v0;
	_ =	sdelay $0x1  }
0x13e: {  	v56 =	vor.u32 $0x2001, v0  }
0x13f: {  	v57 =	vpop (erf)  }
0x140: {  	v58 =	vor.u32 $0x2002, v0;
	[tilespmem:$0xC2B0] =	vst v57  }
0x141: {  	v48 =	vld.idx.msk [tilespmem:v55+s24+$0x0], $0xffff  }
0x142: {  	v59 =	vor.u32 $0x2003, v0  }
0x143: {  	v49 =	vld.idx.msk [tilespmem:v56+s24+$0x0], $0xffff  }
0x144: {  	v60 =	vor.u32 $0x2004, v0  }
0x145: {  	v50 =	vld.idx.msk [tilespmem:v58+s24+$0x0], $0xffff  }
0x146: {  	v61 =	vor.u32 $0x2005, v0;
	v48 =	vadd.f32 $0.0e+00, v48  }
0x147: {  	v51 =	vld.idx.msk [tilespmem:v59+s24+$0x0], $0xffff  }
0x148: {  	v62 =	vor.u32 $0x2006, v0;
	v48 =	vadd.f32 v49, v48  }
0x149: {  	v52 =	vld.idx.msk [tilespmem:v60+s24+$0x0], $0xffff  }
0x14a: {  	v63 =	vor.u32 $0x2007, v0;
	v48 =	vadd.f32 v50, v48  }
0x14b: {  	v53 =	vld.idx.msk [tilespmem:v61+s24+$0x0], $0xffff  }
0x14c: {  	v56 =	vor.u32 $0x2008, v0;
	v48 =	vadd.f32 v51, v48  }
0x14d: {  	v49 =	vld.idx.msk [tilespmem:v62+s24+$0x0], $0xffff  }
0x14e: {  	v57 =	vor.u32 $0x2009, v0;
	v48 =	vadd.f32 v52, v48  }
0x14f: {  	v50 =	vld.idx.msk [tilespmem:v63+s24+$0x0], $0xffff  }
0x150: {  	v58 =	vor.u32 $0x200A, v0;
	v48 =	vadd.f32 v53, v48  }
0x151: {  	v51 =	vld.idx.msk [tilespmem:v56+s24+$0x0], $0xffff  }
0x152: {  	v59 =	vor.u32 $0x200B, v0;
	v48 =	vadd.f32 v49, v48  }
0x153: {  	v52 =	vld.idx.msk [tilespmem:v57+s24+$0x0], $0xffff  }
0x154: {  	v60 =	vor.u32 $0x200C, v0;
	v48 =	vadd.f32 v50, v48  }
0x155: {  	v53 =	vld.idx.msk [tilespmem:v58+s24+$0x0], $0xffff  }
0x156: {  	v61 =	vor.u32 $0x200D, v0;
	v48 =	vadd.f32 v51, v48  }
0x157: {  	v49 =	vld.idx.msk [tilespmem:v59+s24+$0x0], $0xffff  }
0x158: {  	v62 =	vor.u32 $0x200E, v0;
	v48 =	vadd.f32 v52, v48  }
0x159: {  	v50 =	vld.idx.msk [tilespmem:v60+s24+$0x0], $0xffff  }
0x15a: {  	v63 =	vor.u32 $0x200F, v0;
	v48 =	vadd.f32 v53, v48  }
0x15b: {  	v51 =	vld.idx.msk [tilespmem:v61+s24+$0x0], $0xffff  }
0x15c: {  	v48 =	vadd.f32 v49, v48  }
0x15d: {  	v52 =	vld.idx.msk [tilespmem:v62+s24+$0x0], $0xffff  }
0x15e: {  	v48 =	vadd.f32 v50, v48  }
0x15f: {  	v54 =	vld.idx.msk [tilespmem:v63+s24+$0x0], $0xffff  }
0x160: {  	v48 =	vadd.f32 v51, v48;
	_ =	sdelay $0x1  }
0x161: {  	v48 =	vadd.f32 v52, v48;
	_ =	sdelay $0x1  }
0x162: {  	v48 =	vadd.f32 v54, v48;
	_ =	sdelay $0x1  }
0x163: {  	v48 =	vmul.f32 $1.442695020e+00, v48;
	_ =	sdelay $0x1  }
0x164: {  	(erf) = vpow2.f32 v48;
	_ =	sdelay $0x5  }
0x165: {  	v55 =	vor.u32 $0x2800, v0;
	_ =	sdelay $0x1  }
0x166: {  	v56 =	vor.u32 $0x2801, v0  }
0x167: {  	v57 =	vpop (erf)  }
0x168: {  	v58 =	vor.u32 $0x2802, v0;
	[tilespmem:$0xC2C0] =	vst v57  }
0x169: {  	v48 =	vld.idx.msk [tilespmem:v55+s24+$0x0], $0xffff  }
0x16a: {  	v59 =	vor.u32 $0x2803, v0  }
0x16b: {  	v49 =	vld.idx.msk [tilespmem:v56+s24+$0x0], $0xffff  }
0x16c: {  	v60 =	vor.u32 $0x2804, v0  }
0x16d: {  	v50 =	vld.idx.msk [tilespmem:v58+s24+$0x0], $0xffff  }
0x16e: {  	v61 =	vor.u32 $0x2805, v0;
	v48 =	vadd.f32 $0.0e+00, v48  }
0x16f: {  	v51 =	vld.idx.msk [tilespmem:v59+s24+$0x0], $0xffff  }
0x170: {  	v62 =	vor.u32 $0x2806, v0;
	v48 =	vadd.f32 v49, v48  }
0x171: {  	v52 =	vld.idx.msk [tilespmem:v60+s24+$0x0], $0xffff  }
0x172: {  	v63 =	vor.u32 $0x2807, v0;
	v48 =	vadd.f32 v50, v48  }
0x173: {  	v53 =	vld.idx.msk [tilespmem:v61+s24+$0x0], $0xffff  }
0x174: {  	v56 =	vor.u32 $0x2808, v0;
	v48 =	vadd.f32 v51, v48  }
0x175: {  	v49 =	vld.idx.msk [tilespmem:v62+s24+$0x0], $0xffff  }
0x176: {  	v57 =	vor.u32 $0x2809, v0;
	v48 =	vadd.f32 v52, v48  }
0x177: {  	v50 =	vld.idx.msk [tilespmem:v63+s24+$0x0], $0xffff  }
0x178: {  	v58 =	vor.u32 $0x280A, v0;
	v48 =	vadd.f32 v53, v48  }
0x179: {  	v51 =	vld.idx.msk [tilespmem:v56+s24+$0x0], $0xffff  }
0x17a: {  	v59 =	vor.u32 $0x280B, v0;
	v48 =	vadd.f32 v49, v48  }
0x17b: {  	v52 =	vld.idx.msk [tilespmem:v57+s24+$0x0], $0xffff  }
0x17c: {  	v60 =	vor.u32 $0x280C, v0;
	v48 =	vadd.f32 v50, v48  }
0x17d: {  	v53 =	vld.idx.msk [tilespmem:v58+s24+$0x0], $0xffff  }
0x17e: {  	v61 =	vor.u32 $0x280D, v0;
	v48 =	vadd.f32 v51, v48  }
0x17f: {  	v49 =	vld.idx.msk [tilespmem:v59+s24+$0x0], $0xffff  }
0x180: {  	v62 =	vor.u32 $0x280E, v0;
	v48 =	vadd.f32 v52, v48  }
0x181: {  	v50 =	vld.idx.msk [tilespmem:v60+s24+$0x0], $0xffff  }
0x182: {  	v63 =	vor.u32 $0x280F, v0;
	v48 =	vadd.f32 v53, v48  }
0x183: {  	v51 =	vld.idx.msk [tilespmem:v61+s24+$0x0], $0xffff  }
0x184: {  	v48 =	vadd.f32 v49, v48  }
0x185: {  	v52 =	vld.idx.msk [tilespmem:v62+s24+$0x0], $0xffff  }
0x186: {  	v48 =	vadd.f32 v50, v48  }
0x187: {  	v54 =	vld.idx.msk [tilespmem:v63+s24+$0x0], $0xffff  }
0x188: {  	v48 =	vadd.f32 v51, v48;
	_ =	sdelay $0x1  }
0x189: {  	v48 =	vadd.f32 v52, v48;
	_ =	sdelay $0x1  }
0x18a: {  	v48 =	vadd.f32 v54, v48;
	_ =	sdelay $0x1  }
0x18b: {  	v48 =	vmul.f32 $1.442695020e+00, v48;
	_ =	sdelay $0x1  }
0x18c: {  	(erf) = vpow2.f32 v48;
	_ =	sdelay $0x5  }
0x18d: {  	v55 =	vor.u32 $0x3000, v0;
	_ =	sdelay $0x1  }
0x18e: {  	v56 =	vor.u32 $0x3001, v0  }
0x18f: {  	v57 =	vpop (erf)  }
0x190: {  	v58 =	vor.u32 $0x3002, v0;
	[tilespmem:$0xC2D0] =	vst v57  }
0x191: {  	v48 =	vld.idx.msk [tilespmem:v55+s24+$0x0], $0xffff  }
0x192: {  	v59 =	vor.u32 $0x3003, v0  }
0x193: {  	v49 =	vld.idx.msk [tilespmem:v56+s24+$0x0], $0xffff  }
0x194: {  	v60 =	vor.u32 $0x3004, v0  }
0x195: {  	v50 =	vld.idx.msk [tilespmem:v58+s24+$0x0], $0xffff  }
0x196: {  	v61 =	vor.u32 $0x3005, v0;
	v48 =	vadd.f32 $0.0e+00, v48  }
0x197: {  	v51 =	vld.idx.msk [tilespmem:v59+s24+$0x0], $0xffff  }
0x198: {  	v62 =	vor.u32 $0x3006, v0;
	v48 =	vadd.f32 v49, v48  }
0x199: {  	v52 =	vld.idx.msk [tilespmem:v60+s24+$0x0], $0xffff  }
0x19a: {  	v63 =	vor.u32 $0x3007, v0;
	v48 =	vadd.f32 v50, v48  }
0x19b: {  	v53 =	vld.idx.msk [tilespmem:v61+s24+$0x0], $0xffff  }
0x19c: {  	v56 =	vor.u32 $0x3008, v0;
	v48 =	vadd.f32 v51, v48  }
0x19d: {  	v49 =	vld.idx.msk [tilespmem:v62+s24+$0x0], $0xffff  }
0x19e: {  	v57 =	vor.u32 $0x3009, v0;
	v48 =	vadd.f32 v52, v48  }
0x19f: {  	v50 =	vld.idx.msk [tilespmem:v63+s24+$0x0], $0xffff  }
0x1a0: {  	v58 =	vor.u32 $0x300A, v0;
	v48 =	vadd.f32 v53, v48  }
0x1a1: {  	v51 =	vld.idx.msk [tilespmem:v56+s24+$0x0], $0xffff  }
0x1a2: {  	v59 =	vor.u32 $0x300B, v0;
	v48 =	vadd.f32 v49, v48  }
0x1a3: {  	v52 =	vld.idx.msk [tilespmem:v57+s24+$0x0], $0xffff  }
0x1a4: {  	v60 =	vor.u32 $0x300C, v0;
	v48 =	vadd.f32 v50, v48  }
0x1a5: {  	v53 =	vld.idx.msk [tilespmem:v58+s24+$0x0], $0xffff  }
0x1a6: {  	v61 =	vor.u32 $0x300D, v0;
	v48 =	vadd.f32 v51, v48  }
0x1a7: {  	v49 =	vld.idx.msk [tilespmem:v59+s24+$0x0], $0xffff  }
0x1a8: {  	v62 =	vor.u32 $0x300E, v0;
	v48 =	vadd.f32 v52, v48  }
0x1a9: {  	v50 =	vld.idx.msk [tilespmem:v60+s24+$0x0], $0xffff  }
0x1aa: {  	v63 =	vor.u32 $0x300F, v0;
	v48 =	vadd.f32 v53, v48  }
0x1ab: {  	v51 =	vld.idx.msk [tilespmem:v61+s24+$0x0], $0xffff  }
0x1ac: {  	v48 =	vadd.f32 v49, v48  }
0x1ad: {  	v52 =	vld.idx.msk [tilespmem:v62+s24+$0x0], $0xffff  }
0x1ae: {  	v48 =	vadd.f32 v50, v48  }
0x1af: {  	v54 =	vld.idx.msk [tilespmem:v63+s24+$0x0], $0xffff  }
0x1b0: {  	v48 =	vadd.f32 v51, v48;
	_ =	sdelay $0x1  }
0x1b1: {  	v48 =	vadd.f32 v52, v48;
	_ =	sdelay $0x1  }
0x1b2: {  	v48 =	vadd.f32 v54, v48;
	_ =	sdelay $0x1  }
0x1b3: {  	v48 =	vmul.f32 $1.442695020e+00, v48;
	_ =	sdelay $0x1  }
0x1b4: {  	(erf) = vpow2.f32 v48;
	_ =	sdelay $0x5  }
0x1b5: {  	v55 =	vor.u32 $0x3800, v0;
	_ =	sdelay $0x1  }
0x1b6: {  	v56 =	vor.u32 $0x3801, v0  }
0x1b7: {  	v57 =	vpop (erf)  }
0x1b8: {  	v58 =	vor.u32 $0x3802, v0;
	[tilespmem:$0xC2E0] =	vst v57  }
0x1b9: {  	v48 =	vld.idx.msk [tilespmem:v55+s24+$0x0], $0xffff  }
0x1ba: {  	v59 =	vor.u32 $0x3803, v0  }
0x1bb: {  	v49 =	vld.idx.msk [tilespmem:v56+s24+$0x0], $0xffff  }
0x1bc: {  	v60 =	vor.u32 $0x3804, v0  }
0x1bd: {  	v50 =	vld.idx.msk [tilespmem:v58+s24+$0x0], $0xffff  }
0x1be: {  	v61 =	vor.u32 $0x3805, v0;
	v48 =	vadd.f32 $0.0e+00, v48  }
0x1bf: {  	v51 =	vld.idx.msk [tilespmem:v59+s24+$0x0], $0xffff  }
0x1c0: {  	v62 =	vor.u32 $0x3806, v0;
	v48 =	vadd.f32 v49, v48  }
0x1c1: {  	v52 =	vld.idx.msk [tilespmem:v60+s24+$0x0], $0xffff  }
0x1c2: {  	v63 =	vor.u32 $0x3807, v0;
	v48 =	vadd.f32 v50, v48  }
0x1c3: {  	v53 =	vld.idx.msk [tilespmem:v61+s24+$0x0], $0xffff  }
0x1c4: {  	v56 =	vor.u32 $0x3808, v0;
	v48 =	vadd.f32 v51, v48  }
0x1c5: {  	v49 =	vld.idx.msk [tilespmem:v62+s24+$0x0], $0xffff  }
0x1c6: {  	v57 =	vor.u32 $0x3809, v0;
	v48 =	vadd.f32 v52, v48  }
0x1c7: {  	v50 =	vld.idx.msk [tilespmem:v63+s24+$0x0], $0xffff  }
0x1c8: {  	v58 =	vor.u32 $0x380A, v0;
	v48 =	vadd.f32 v53, v48  }
0x1c9: {  	v51 =	vld.idx.msk [tilespmem:v56+s24+$0x0], $0xffff  }
0x1ca: {  	v59 =	vor.u32 $0x380B, v0;
	v48 =	vadd.f32 v49, v48  }
0x1cb: {  	v52 =	vld.idx.msk [tilespmem:v57+s24+$0x0], $0xffff  }
0x1cc: {  	v60 =	vor.u32 $0x380C, v0;
	v48 =	vadd.f32 v50, v48  }
0x1cd: {  	v53 =	vld.idx.msk [tilespmem:v58+s24+$0x0], $0xffff  }
0x1ce: {  	v61 =	vor.u32 $0x380D, v0;
	v48 =	vadd.f32 v51, v48  }
0x1cf: {  	v49 =	vld.idx.msk [tilespmem:v59+s24+$0x0], $0xffff  }
0x1d0: {  	v62 =	vor.u32 $0x380E, v0;
	v48 =	vadd.f32 v52, v48  }
0x1d1: {  	v50 =	vld.idx.msk [tilespmem:v60+s24+$0x0], $0xffff  }
0x1d2: {  	v63 =	vor.u32 $0x380F, v0;
	v48 =	vadd.f32 v53, v48  }
0x1d3: {  	v51 =	vld.idx.msk [tilespmem:v61+s24+$0x0], $0xffff  }
0x1d4: {  	v48 =	vadd.f32 v49, v48  }
0x1d5: {  	v54 =	vld.idx.msk [tilespmem:v62+s24+$0x0], $0xffff  }
0x1d6: {  	v48 =	vadd.f32 v50, v48  }
0x1d7: {  	v55 =	vld.idx.msk [tilespmem:v63+s24+$0x0], $0xffff  }
0x1d8: {  	v48 =	vadd.f32 v51, v48;
	_ =	sdelay $0x1  }
0x1d9: {  	v48 =	vadd.f32 v54, v48;
	_ =	sdelay $0x1  }
0x1da: {  	v48 =	vadd.f32 v55, v48;
	_ =	sdelay $0x1  }
0x1db: {  	v48 =	vmul.f32 $1.442695020e+00, v48;
	_ =	sdelay $0x1  }
0x1dc: {  	(erf) = vpow2.f32 v48;
	_ =	sdelay $0x6  }
0x1dd: {  	s14 =	simm.s32 $0x0  }
0x1de: {  	v56 =	vmov s14  }
0x1df: {  	v57 =	vpop (erf)  }
0x1e0: {  	s0 =	simm.s32 $0x2A0;
	[tilespmem:$0xC2F0] =	vst v57  }
0x1e1: {  	v58 =	vld [tilespmem:s0+$0xFFFFFFF0]  }
0x1e2: {  	v59 =	vld [tilespmem:s0+$0x10]  }
0x1e3: {  	v60 =	vld.idx.msk [tilespmem:v56+s25+$0x0], $0xffff  }
0x1e4: {  	v61 =	vld [tilespmem:s0+$0xFFFFFFE0]  }
0x1e5: {  	v62 =	vld [tilespmem:s0+$0x0];
	_ =	sdelay $0x3  }
0x1e6: {  	s31 =	simm.s32 $0x1;
	v49 =	vmul.f32 v61, v60;
	v52 =	vmul.f32 v59, v60;
	v63 =	vnsel vm0, $0x0, v60  }
0x1e7: {  	s4 =	simm.s32 $0x2;
	v48 =	vmov s31;
	s31 =	simm.s32 $0x2A0;
	v51 =	vmul.f32 v58, v60;
	v50 =	vmul.f32 v62, v60;
	[tilespmem:s0+$0x20] =	vst v63  }
.LBB2_9:
0x1e8: {  	p1 =	sne.s32 s4, $0x7F  }
0x1e9: {  	[tilespmem:s0+$0x10] =	vst v52;
	s31 =	sadd.s32 $0x80, s31;
	s14 =	smov.u32 s4;
	s4 =	sadd.s32 $0x1, s4  }
0x1ea: {  	[tilespmem:s0+$0xFFFFFFE0] =	vst v49  }
0x1eb: {  	v53 =	vld [tilespmem:s31+$0xFFFFFFF0];
	[tilespmem:s0+$0xFFFFFFF0] =	vst v51  }
0x1ec: {  	v51 =	vld [tilespmem:s31+$0x10];
	[tilespmem:s0+$0x0] =	vst v50;
	s0 =	smov.u32 s31  }
0x1ed: {  	v50 =	vld.idx.msk [tilespmem:v48+s25+$0x0], $0xffff  }
0x1ee: {  	v48 =	vld [tilespmem:s31+$0xFFFFFFE0]  }
0x1ef: {  	v54 =	vld [tilespmem:s31+$0x0]  }
.Ltmp3:
0x1f0: {  	(pc) =	sbr.rel @p1 .LBB2_9-.Ltmp3, $3  }
0x1f1: {  	_ =	sdelay $0x1  }
0x1f2: {  	v52 =	vmul.f32 v51, v50;
	v55 =	vnsel vm0, $0x0, v50;
	v49 =	vmul.f32 v48, v50  }
0x1f3: {  	v51 =	vmul.f32 v53, v50;
	v48 =	vmov s14;
	v50 =	vmul.f32 v54, v50;
	[tilespmem:s31+$0x20] =	vst v55  }
0x1f4: {  	[tilespmem:s0+$0x10] =	vst v52  }
0x1f5: {  	s4 =	sadd.s32 $0x80, s31;
	[tilespmem:s0+$0xFFFFFFE0] =	vst v49  }
0x1f6: {  	v49 =	vld [tilespmem:s4+$0xFFFFFFF0];
	[tilespmem:s0+$0xFFFFFFF0] =	vst v51  }
0x1f7: {  	v51 =	vld [tilespmem:s4+$0x10];
	[tilespmem:s0+$0x0] =	vst v50  }
0x1f8: {  	v48 =	vld.idx.msk [tilespmem:v48+s25+$0x0], $0xffff  }
0x1f9: {  	v50 =	vld [tilespmem:s4+$0xFFFFFFE0];
	_ =	sdelay $0x1  }
0x1fa: {  	v52 =	vld [tilespmem:s4+$0x0];
	_ =	sdelay $0x1  }
0x1fb: {  	v51 =	vmul.f32 v51, v48;
	v53 =	vnsel vm0, $0x0, v48  }
0x1fc: {  	v50 =	vmul.f32 v50, v48;
	[tilespmem:s4+$0x20] =	vst v53  }
0x1fd: {  	v49 =	vmul.f32 v49, v48;
	[tilespmem:s4+$0x10] =	vst v51  }
0x1fe: {  	s30 =	sadd.s32 $0x1, s30;
	v48 =	vmul.f32 v52, v48;
	[tilespmem:s4+$0xFFFFFFE0] =	vst v50  }
0x1ff: {  	p1 =	sne.s32 s30, $0x54;
	[tilespmem:s4+$0xFFFFFFF0] =	vst v49  }
.Ltmp4:
0x200: {  	[tilespmem:s4+$0x0] =	vst v48;
	(pc) =	sbr.rel @p1 .LBB2_6-.Ltmp4, $4  }
0x201: {  	[spmem:s3] =	stream.indirect.scatter.add.f32 [tilespmem:s21], [sflag:$0x3], $0x80, s26, s17, $0xb8;
	[tilespmem:$0x16C00] =	vst v63  }
0x202: {  	_ =	swait.ge [sflag:s15], $0x4000  }
0x203: {  	[sflag:s15] =	ssyncset.done $0x0  }
0x204: {  	[sflag:s15] =	ssyncadd.s32 $0xFFFFC000  }
0x205: {  	s28 =	sadd.s32 $0x1, s28  }
0x206: {  	s0 =	sshll.u32 s2, $0x6;
	[bflag:$0x0] =	sbarrier.arrive $0xFFFF;
	p1 =	sne.s32 s28, s13  }
.Ltmp5:
0x207: {  	s4 =	sshrl.u32 s9, $0x3;
	s0 =	sor.u32 $0x1C03, s0;
	(pc) =	sbr.rel @p1 .LBB2_1-.Ltmp5, $4  }
0x208: {  	[hbm:s12], [sflag:s0] =	dma.local [spmem:s4], $0x1400  }
0x209: {  	_ =	swait.ge [sflag:s15], $0x1400  }
0x20a: {  	[sflag:s15] =	ssyncset.done $0x0  }
0x20b: {  	[sflag:s15] =	ssyncadd.s32 $0xFFFFEC00  }
0x20c: {  	_ =	sfence.sel $0x180000  }
0x20d: {  	[bflag:$0x0] =	sbarrier.arrive $0xFFFF  }
0x20e: {  	_ =	strace $0x9000004A  }
0x20f: {  	[bflag:$0x2] =	sbarrier.arrive $0xFFFF  }
0x210: {  	p0 =	sne.s32 s2, $0x0;
	s0 =	rddreg [dreg:$0x3]  }
0x211: {  	s0 =	sadd.s32 @!p0 $0x100000, s0  }
0x212: {  	[sflag:s0] =	ssyncadd.tile.s32 @!p0 $0x1;
	_ =	shalt  }
.Lfunc_end2:
_tile_overlayer_lowered:
.L_overlay_start_2:
0x213: {  	(tag) =	ssettag $0x2  }
0x214: {  	s0 =	rddreg [dreg:$0x0];
	s2 =	stileid.u32  }
0x215: {  	s1 =	rddreg [dreg:$0x1];
	p0 =	sne.s32 s2, $0x0  }
0x216: {  	s3 =	rddreg [dreg:$0x2];
	[bflag:$0x3] =	sbarrier.arrive $0xFFFF;
	s2 =	simm.s32 @!p0 $0x1C03  }
0x217: {  	[timem:s3], [sflag:s2] =	dma.local @!p0 [hbm:s0], s1  }
0x218: {  	s0 =	simm.s32 @!p0 $0x3  }
0x219: {  	_ =	swait.ge @!p0 [sflag:s0], s1  }
0x21a: {  	s1 =	ssub.s32 @!p0 $0x0, s1;
	[sflag:s0] =	ssyncset.done @!p0 $0x0  }
0x21b: {  	[sflag:s0] =	ssyncadd.s32 @!p0 s1  }
0x21c: {  	[bflag:$0x3] =	sbarrier.arrive $0xFFFF  }
0x21d: {  	_ =	shalt  }

// kernel: kernel.7.cloned.1.call-start
scs
__scs_entry_jumppad:
0x0: {  	(pc) =	sbr.rel $0x88, $3  }
0x1: {  	(tag) =	ssettag $0x0;
	lr =	simm.s32 $0x1  }
0x2: {  	[smem:$0x3F93] =	sst lr;
	_ =	strace $0xD0000000  }
0x3: {  	_ = 	snop  }
0x4: {  	_ = 	snop  }
0x5: {  	_ = 	snop  }
0x6: {  	_ = 	snop  }
0x7: {  	_ = 	snop  }
__scs_overlays_trampoline_lowered:
0x8: {  	[smem:$0x3FA2] =	sst s0  }
0x9: {  	[smem:$0x3FA3] =	sst s1  }
0xa: {  	[smem:$0x3FA4] =	sst s2  }
0xb: {  	[smem:$0x3FA5] =	sst s3  }
0xc: {  	[smem:$0x3FA6] =	sst s4  }
0xd: {  	[smem:$0x3FA7] =	sst s5  }
0xe: {  	[smem:$0x3FA8] =	sst s6  }
0xf: {  	[smem:$0x3FA9] =	sst s7  }
0x10: {  	[smem:$0x3FAA] =	sst s8  }
0x11: {  	[smem:$0x3FAB] =	sst s9;
	s0 =	simm.s32 @!p0 $0x0  }
0x12: {  	s1 =	sld [smem:$0x3F91];
	s0 =	simm.s32 @p0 $0x1  }
0x13: {  	[smem:$0x3FAC] =	sst s0;
	s0 =	simm.s32 @!p1 $0x0  }
0x14: {  	s2 =	sld [smem:$0x3F90];
	s0 =	simm.s32 @p1 $0x1  }
0x15: {  	[smem:$0x3FAD] =	sst s0;
	s0 =	simm.s32 @!p2 $0x0  }
0x16: {  	s3 =	sld [smem:$0x3FDB];
	s0 =	simm.s32 @p2 $0x1  }
0x17: {  	s4 =	simm.s32 $0x1BF5;
	[smem:$0x3FAF] =	sst s0  }
0x18: {  	s0 =	sld [smem:$0x3F92];
	_ =	swait.ge [sflag:s4], $0x0  }
0x19: {  	s7 =	sld [smem:$0x3F93]  }
0x1a: {  	s8 =	sadd.s32 $0xFFFFE003, lr  }
0x1b: {  	s9 =	sadd.s32 $0xFFFFFEF7, lr;
	s5 =	simm.s32 $0xFFFFFFFF;
	p2 =	slt.u32 s8, $0xFFFFF086  }
0x1c: {  	p1 =	slt.u32 s9, $0xF7A;
	s5 =	simm.s32 @!p2 $0x0  }
0x1d: {  	s5 =	simm.s32 @p1 $0x1;
	p0 =	seq.s32 s7, s2  }
0x1e: {  	s7 =	smul.u32 @!p0 $0xF7A, s2;
	p2 =	seq.s32 @!p0 s5, $0x0  }
0x1f: {  	s9 =	smul.u32 $0xF7A, s1;
	s8 =	simm.s32 @!p0 $0x1BF5;
	p2 =	por !p2, p0  }
0x20: {  	[sflag:s8] =	ssyncset.s32 @!p0 $0xFFFFF086;
	s6 =	sadd.s32 @!p0 s3, s7;
	s7 =	simm.s32 @!p0 $0x108  }
0x21: {  	s3 =	sadd.s32 s3, s9;
	s6 =	sadd.s32 @!p0 $0x88, s6;
	s7 =	simm.s32 @p2 $0x1082  }
0x22: {  	[simem:s7], [sflag:s8] =	dma.local @!p0 [hbm:s6], $0xF7A  }
0x23: {  	s9 =	sor.u32 $0xD0000000, s2;
	s6 =	simm.s32 $0x108;
	_ =	swait.ge @!p0 [sflag:s8], $0x0  }
0x24: {  	s3 =	sadd.s32 $0x88, s3;
	s6 =	simm.s32 @!p1 $0x1082;
	[sflag:s4] =	ssyncset.s32 $0xFFFFF086  }
0x25: {  	[simem:s6], [sflag:s4] =	dma.local [hbm:s3], $0xF7A  }
0x26: {  	[smem:$0x3F93] =	sst s1;
	(tag) =	ssettag s2;
	_ =	strace s9  }
0x27: {  	s1 =	sld [smem:$0x3FA3]  }
0x28: {  	s2 =	sld [smem:$0x3FA4]  }
0x29: {  	s4 =	sld [smem:$0x3FA6]  }
0x2a: {  	p0 =	seq.s32 s5, $0x0;
	s5 =	sld [smem:$0x3FA7]  }
0x2b: {  	s6 =	sld [smem:$0x3FA8]  }
0x2c: {  	s7 =	sld [smem:$0x3FA9]  }
0x2d: {  	s3 =	simm.s32 $0x108;
	s8 =	sld [smem:$0x3FAA]  }
0x2e: {  	s3 =	simm.s32 @!p0 $0x1082;
	s9 =	sld [smem:$0x3FAB]  }
0x2f: {  	lr =	sadd.s32 s0, s3;
	s0 =	sld [smem:$0x3FA2]  }
0x30: {  	s3 =	sld [smem:$0x3FA5]  }
0x31: {  	[smem:$0x3FAE] =	sst s10  }
0x32: {  	s10 =	sld [smem:$0x3FAC];
	_ =	sdelay $0x3  }
0x33: {  	p0 =	seq.s32 s10, $0x1;
	s10 =	sld [smem:$0x3FAE];
	_ =	sdelay $0x3  }
0x34: {  	[smem:$0x3FAE] =	sst s10  }
0x35: {  	s10 =	sld [smem:$0x3FAD];
	_ =	sdelay $0x3  }
0x36: {  	p1 =	seq.s32 s10, $0x1;
	s10 =	sld [smem:$0x3FAE];
	_ =	sdelay $0x3  }
0x37: {  	[smem:$0x3FAE] =	sst s10  }
0x38: {  	s10 =	sld [smem:$0x3FAF]  }
0x39: {  	_ = 	snop;
	(pc) =	sbr.ind lr, $3  }
0x3a: {  	_ = 	snop  }
0x3b: {  	_ = 	snop  }
0x3c: {  	p2 =	seq.s32 s10, $0x1;
	s10 =	sld [smem:$0x3FAE]  }
0x3d: {  	_ =	shalt  }
0x3e: {  	_ =	shalt  }
0x3f: {  	_ =	shalt  }
0x40: {  	_ =	shalt  }
0x41: {  	_ =	shalt  }
0x42: {  	_ =	shalt  }
0x43: {  	_ =	shalt  }
0x44: {  	_ =	shalt  }
0x45: {  	_ =	shalt  }
0x46: {  	_ =	shalt  }
0x47: {  	_ =	shalt  }
0x48: {  	_ =	shalt  }
0x49: {  	_ =	shalt  }
0x4a: {  	_ =	shalt  }
0x4b: {  	_ =	shalt  }
0x4c: {  	_ =	shalt  }
0x4d: {  	_ =	shalt  }
0x4e: {  	_ =	shalt  }
0x4f: {  	_ =	shalt  }
0x50: {  	_ =	shalt  }
0x51: {  	_ =	shalt  }
0x52: {  	_ =	shalt  }
0x53: {  	_ =	shalt  }
0x54: {  	_ =	shalt  }
0x55: {  	_ =	shalt  }
0x56: {  	_ =	shalt  }
0x57: {  	_ =	shalt  }
0x58: {  	_ =	shalt  }
0x59: {  	_ =	shalt  }
0x5a: {  	_ =	shalt  }
0x5b: {  	_ =	shalt  }
0x5c: {  	_ =	shalt  }
0x5d: {  	_ =	shalt  }
0x5e: {  	_ =	shalt  }
0x5f: {  	_ =	shalt  }
0x60: {  	_ =	shalt  }
0x61: {  	_ =	shalt  }
0x62: {  	_ =	shalt  }
0x63: {  	_ =	shalt  }
0x64: {  	_ =	shalt  }
0x65: {  	_ =	shalt  }
0x66: {  	_ =	shalt  }
0x67: {  	_ =	shalt  }
0x68: {  	_ =	shalt  }
0x69: {  	_ =	shalt  }
0x6a: {  	_ =	shalt  }
0x6b: {  	_ =	shalt  }
0x6c: {  	_ =	shalt  }
0x6d: {  	_ =	shalt  }
0x6e: {  	_ =	shalt  }
0x6f: {  	_ =	shalt  }
0x70: {  	_ =	shalt  }
0x71: {  	_ =	shalt  }
0x72: {  	_ =	shalt  }
0x73: {  	_ =	shalt  }
0x74: {  	_ =	shalt  }
0x75: {  	_ =	shalt  }
0x76: {  	_ =	shalt  }
0x77: {  	_ =	shalt  }
0x78: {  	_ =	shalt  }
0x79: {  	_ =	shalt  }
0x7a: {  	_ =	shalt  }
0x7b: {  	_ =	shalt  }
0x7c: {  	_ =	shalt  }
0x7d: {  	_ =	shalt  }
0x7e: {  	_ =	shalt  }
0x7f: {  	_ =	shalt  }
0x80: {  	_ =	shalt  }
0x81: {  	_ =	shalt  }
0x82: {  	_ =	shalt  }
0x83: {  	_ =	shalt  }
0x84: {  	_ =	shalt  }
0x85: {  	_ =	shalt  }
0x86: {  	_ =	shalt  }
0x87: {  	_ =	shalt  }
.Lfunc_end0:
.L_simem_size_0:
called_computation_lowered:
.L_overlay_start_0:
0x88: {  	s2 =	sld [smem:$0x3FD9]  }
0x89: {  	s3 =	sld [smem:$0x3FFE];
	_ =	sdelay $0x1  }
0x8a: {  	s1 =	srdreg.scid  }
0x8b: {  	s0 =	sand.u32 $0x1, s1  }
0x8c: {  	s17 =	sshll.u32 s0, $0xA;
	s2 =	sadd.s32 s3, s2  }
0x8d: {  	s2 =	sadd.s32 s2, s17  }
0x8e: {  	[smem:$0x3FBA] =	sst s2  }
0x8f: {  	_ = 	snop  }
0x90: {  	s2 =	sld [smem:$0x3FC3]  }
0x91: {  	s18 =	sld [smem:$0x3FD0];
	(tm) =	ssettm $0x1  }
0x92: {  	s4 =	sld [smem:$0x3FFB];
	_ =	sdelay $0x3  }
0x93: {  	_ =	strace s4  }
0x94: {  	s4 =	sld [smem:$0x3FFC];
	_ =	sdelay $0x3  }
0x95: {  	_ =	strace s4  }
0x96: {  	s4 =	sld [smem:$0x3FFD];
	_ =	sdelay $0x3  }
0x97: {  	_ =	strace s4  }
0x98: {  	_ =	strace $0x8FFFFFFF  }
0x99: {  	s19 =	sld [smem:$0x3FDB];
	_ =	sdelay $0x1  }
0x9a: {  	s5 =	simm.s32 $_scs_section_size  }
0x9b: {  	s6 =	simm.s32 $_size__tile_overlayer_lowered;
	s7 =	simm.s32 $_tile_overlayer_lowered  }
0x9c: {  	s22 =	simm.s32 $0x1BFF;
	s21 =	sshll.u32 s7, $0x1;
	s4 =	sadd.s32 s5, s19  }
0x9d: {  	s8 =	simm.s32 $0x0;
	s20 =	sshll.u32 s6, $0x1;
	s6 =	sadd.s32 s21, s4  }
0x9e: {  	[timem:s8], [sflag:s22] =	dma.local [hbm:s6], s20  }
0x9f: {  	_ =	swait.ge [sflag:s22], s20  }
0xa0: {  	s5 =	ssub.s32 $0x0, s20;
	[sflag:s22] =	ssyncset.done $0x0  }
0xa1: {  	[sflag:s22] =	ssyncadd.s32 s5;
	_ =	sdelay $0x1  }
0xa2: {  	s23 =	simm.s32 $0x1B8B  }
0xa3: {  	_ =	swait.ge [sflag:s23], $0x1  }
0xa4: {  	[sflag:s23] =	ssyncset.done $0x0  }
0xa5: {  	s25 =	simm.s32 $0x1B8E;
	s24 =	sld [smem:$0x3FFE];
	[sflag:s23] =	ssyncadd.s32 $0xFFFFFFFF  }
0xa6: {  	s26 =	simm.s32 $execute0_lowered;
	[smem:$0x3FD2] =	sst s25  }
0xa7: {  	s6 =	sshll.u32 s26, $0x1;
	_ =	strace $0x80000046;
	[dreg:$0x1] =	wrdreg $0xFFFFFFFF  }
0xa8: {  	s28 =	simm.s32 $_size_execute0_lowered;
	s4 =	sadd.s32 s4, s6;
	[dreg:$0x0] =	wrdreg $0x0  }
0xa9: {  	s6 =	sshll.u32 s28, $0x1;
	[dreg:$0x2] =	wrdreg s4  }
0xaa: {  	[dreg:$0x3] =	wrdreg s6  }
0xab: {  	[dreg:$0x4] =	wrdreg $0xC0  }
0xac: {  	_ =	task [dreg:s8], $0x5FFFF  }
0xad: {  	[dreg:$0x1] =	wrdreg $0xFFFFFFFF  }
0xae: {  	[dreg:$0x0] =	wrdreg $0x60  }
0xaf: {  	[dreg:$0x2] =	wrdreg s24  }
0xb0: {  	[dreg:$0x3] =	wrdreg s18  }
0xb1: {  	[dreg:$0x4] =	wrdreg s2  }
0xb2: {  	[dreg:$0x5] =	wrdreg $0x110000  }
0xb3: {  	[dreg:$0x6] =	wrdreg $0x1B0800  }
0xb4: {  	[dreg:$0x7] =	wrdreg $0x9  }
0xb5: {  	_ =	task.clear_ibuf [dreg:s8], $0x8FFFF;
	_ =	strace $0x90000046  }
0xb6: {  	s29 =	simm.s32 $0x9;
	_ =	strace $0x80000048  }
0xb7: {  	_ =	swait.ge [sflag:s29], $0x1  }
0xb8: {  	[sflag:s29] =	ssyncadd.s32 $0xFFFFFFFF  }
0xb9: {  	_ =	strace $0x90000048  }
0xba: {  	_ =	sfence  }
0xbb: {  	s30 =	sld [smem:$0x0];
	_ =	sdelay $0x2  }
0xbc: {  	s31 =	sshll.u32 s1, $0xD;
	s1 =	sshrl.u32 s1, $0x2  }
0xbd: {  	s3 =	sand.u32 $0x4000, s31;
	s1 =	sadd.s32 s1, s30  }
0xbe: {  	s0 =	sor.u32 s3, s0;
	s1 =	sshll.u32 s1, $0x11  }
0xbf: {  	s0 =	sor.u32 s1, s0  }
0xc0: {  	s0 =	sadd.s32 $0x8F2B, s0  }
0xc1: {  	[sflag:s0] =	ssyncadd.remote.s32 $0x1  }
0xc2: {  	_ =	sfence.sel $0xFFFF  }
0xc3: {  	[dreg:$0x0] =	wrdreg $0xFFFFFFFF;
	(pc) =	sbr.abs _section_cstart, $3  }
0xc4: {  	[dreg:$0x1] =	wrdreg $0xFFFFFFFF  }
0xc5: {  	_ =	task.clear_ibuf [dreg:s8], $0x2FFFF;
	_ =	strace $0x9FFFFFFF  }
0xc6: {  	(tm) =	ssettm $0x7FFFFFFF  }
0xc7: {  	_ =	shalt  }
tec
execute0_lowered:
.L_overlay_start_1:
0x0: {  	(tag) =	ssettag $0x1  }
0x1: {  	s0 =	rddreg [dreg:$0x0]  }
0x2: {  	s1 =	rddreg [dreg:$0x1]  }
0x3: {  	s3 =	rddreg [dreg:$0x3]  }
0x4: {  	s13 =	rddreg [dreg:$0x4]  }
0x5: {  	s5 =	simm.s32 $0x0;
	s2 =	srdreg.scid;
	s15 =	stileid.u32  }
0x6: {  	s28 =	simm.s32 $0x180;
	s29 =	simm.s32 $0x4280;
	s30 =	simm.s32 $0x8280  }
0x7: {  	v0 =	vlaneseq.u32;
	s31 =	simm.s32 $0xF780;
	s18 =	simm.s32 $0x200;
	[smem:$0x7FF] =	sst s5  }
0x8: {  	s6 =	sadd.s32 $0x7A00, s0;
	s7 =	sadd.s32 $0x147A00, s0;
	s9 =	sadd.s32 $0x2600, s0;
	v1 =	vmul.u32 $0x80, v0  }
0x9: {  	v2 =	vimm.f32 $0.0e+00;
	s2 =	sand.u32 $0x1, s2;
	s4 =	sadd.s32 $0x28A200, s0;
	v3 =	vor.u32 $0x10, v0;
	s11 =	smul.u32 $0x28000, s15  }
0xa: {  	s8 =	sshll.u32 s15, $0x7;
	v4 =	vor.u32 $0x20, v0;
	s20 =	sshll.u32 s15, $0xA;
	s14 =	smul.u32 $0x2A00, s15;
	v5 =	vor.u32 $0x1, v1;
	v6 =	vor.u32 $0x2, v1  }
0xb: {  	s25 =	smul.u32 $0x140, s15;
	p0 =	sgt.u32 s15, $0x1;
	p1 =	sgt.u32 s15, $0x4;
	v7 =	vor.u32 $0x3, v1;
	v8 =	vor.u32 $0x4, v1;
	v9 =	vor.u32 $0x5, v1  }
0xc: {  	p2 =	sgt.u32 s15, $0x5;
	_ =	strace $0x80000047;
	[dreg:$0x6] =	wrdreg s4;
	v10 =	vor.u32 $0x6, v1;
	v11 =	vor.u32 $0x7, v1;
	v12 =	vor.u32 $0x8, v1  }
0xd: {  	s19 =	ssub.s32 $0x2, s2;
	s0 =	sadd.s32 s8, s0;
	s2 =	sshll.u32 s2, $0x2;
	v13 =	vor.u32 $0x9, v1;
	v14 =	vor.u32 $0xA, v1;
	v15 =	vor.u32 $0xB, v1  }
0xe: {  	s22 =	sadd.s32 s20, s3;
	s24 =	sadd.s32 s20, s13;
	[dreg:$0x7] =	wrdreg s2;
	v16 =	vor.u32 $0xC, v1;
	v17 =	vor.u32 $0xD, v1;
	v18 =	vor.u32 $0xE, v1  }
0xf: {  	s20 =	simm.s32 $0x4;
	s10 =	sshrl.u32 s19, $0x1;
	[dreg:$0x9] =	wrdreg s24;
	v19 =	vor.u32 $0xF, v1;
	v20 =	vor.u32 $0x800, v1;
	v21 =	vor.u32 $0x801, v1  }
0x10: {  	s21 =	sshrl.u32 s11, $0x2;
	s23 =	sadd.s32 $0xA0000, s22;
	[dreg:$0xa] =	wrdreg s25;
	v22 =	vor.u32 $0x802, v1;
	v23 =	vor.u32 $0x803, v1;
	v24 =	vor.u32 $0x804, v1  }
0x11: {  	s0 =	sadd.s32 $0x287A00, s0;
	s22 =	simm.s32 $0x80;
	s24 =	simm.s32 $0x2;
	v25 =	vor.u32 $0x805, v1;
	v26 =	vor.u32 $0x806, v1;
	v27 =	vor.u32 $0x807, v1  }
0x12: {  	s25 =	simm.s32 $0x100;
	v28 =	vor.u32 $0x808, v1;
	v29 =	vor.u32 $0x809, v1;
	v30 =	vor.u32 $0x80A, v1;
	s4 =	ssub.s32 s19, s10;
	[dreg:$0x8] =	wrdreg s23  }
0x13: {  	v31 =	vor.u32 $0x80B, v1;
	v32 =	vor.u32 $0x80C, v1;
	v33 =	vor.u32 $0x80D, v1;
	s12 =	sadd.s32 s21, s3;
	[dreg:$0xb] =	wrdreg s0;
	s21 =	simm.s32 $0xEF80  }
0x14: {  	v34 =	vor.u32 $0x80E, v1;
	v35 =	vor.u32 $0x80F, v1;
	v36 =	vor.u32 $0x1000, v1;
	s23 =	simm.s32 $0x1;
	s0 =	simm.s32 $0xC280;
	s26 =	smax.u32 s4, $0x1  }
0x15: {  	v37 =	vor.u32 $0x1001, v1;
	v38 =	vor.u32 $0x1002, v1;
	v39 =	vor.u32 $0x1003, v1;
	s4 =	simm.s32 $0x0;
	[dreg:$0xc] =	wrdreg s26;
	s26 =	simm.s32 $0x280  }
.LBB2_1:
0x16: {  	[dreg:$0xd] =	wrdreg s4;
	s2 =	simm.s32 $0x0;
	s4 =	simm.s32 $0x200  }
.LBB2_2:
0x17: {  	p3 =	sne.s32 s4, $0x1E00;
	[tilespmem:s2+$0xEFF0] =	vst v2  }
0x18: {  	[tilespmem:s2+$0xEF80] =	vst v2  }
0x19: {  	[tilespmem:s2+$0xEF90] =	vst v2  }
.Ltmp0:
0x1a: {  	[tilespmem:s2+$0xEFA0] =	vst v2;
	(pc) =	sbr.rel @p3 .LBB2_2-.Ltmp0, $4  }
0x1b: {  	[tilespmem:s2+$0xEFB0] =	vst v2  }
0x1c: {  	[tilespmem:s2+$0xEFC0] =	vst v2  }
0x1d: {  	[tilespmem:s2+$0xEFD0] =	vst v2  }
0x1e: {  	[tilespmem:s2+$0xEFE0] =	vst v2;
	s2 =	sshra.s32 s4, $0x2;
	s4 =	sadd.s32 $0x200, s4  }
0x1f: {  	[tilespmem:s2+$0xEFF0] =	vst v2  }
0x20: {  	[tilespmem:s2+$0xEF80] =	vst v2  }
0x21: {  	[tilespmem:s2+$0xEF90] =	vst v2  }
0x22: {  	[tilespmem:s2+$0xEFA0] =	vst v2  }
0x23: {  	[tilespmem:s2+$0xEFB0] =	vst v2  }
0x24: {  	[tilespmem:s2+$0xEFC0] =	vst v2  }
0x25: {  	[tilespmem:s2+$0xEFD0] =	vst v2  }
0x26: {  	[tilespmem:s2+$0xEFE0] =	vst v2  }
0x27: {  	[tilespmem:$0x10F80] =	vst v0  }
0x28: {  	[tilespmem:$0x10F90] =	vst v3  }
0x29: {  	s19 =	simm.s32 $0x0;
	[tilespmem:$0x10FA0] =	vst v4  }
.LBB2_4:
0x2a: {  	s2 =	sshrl.u32 s19, $0x1;
	s4 =	rddreg [dreg:$0x7]  }
0x2b: {  	s2 =	sadd.s32 s4, s2  }
0x2c: {  	s8 =	rddreg [dreg:$0x2];
	s4 =	sshll.u32 s2, $0x4  }
0x2d: {  	s16 =	simm.s32 $0xEF00;
	s10 =	simm.s32 $0x0;
	s4 =	sadd.s32 s8, s4  }
0x2e: {  	[tilespmem:s16], [sflag:$0x4] =	stream.linear.gather [hbm4b:s4+s10], $0x80, $0x38;
	[tilespmem:$0x1B200] =	vst v63  }
0x2f: {  	_ =	swait.ge [sflag:s20], $0x80  }
0x30: {  	[sflag:s20] =	ssyncset.done $0x0  }
0x31: {  	[sflag:s20] =	ssyncadd.s32 $0xFFFFFF80  }
0x32: {  	v40 =	vld [tilespmem:$0xEF00]  }
0x33: {  	v41 =	vld [tilespmem:$0xEF10]  }
0x34: {  	v42 =	vld [tilespmem:$0xEF20]  }
0x35: {  	v43 =	vld [tilespmem:$0xEF30]  }
0x36: {  	v44 =	vld [tilespmem:$0xEF40]  }
0x37: {  	v45 =	vld [tilespmem:$0xEF50]  }
0x38: {  	s17 =	sadd.s32 $0x0, s12;
	v46 =	vld [tilespmem:$0xEF60]  }
0x39: {  	v47 =	vld [tilespmem:$0xEF70];
	[spmem:s17] =	stream.linear.scatter [tilespmem:s21], [sflag:$0x4], $0x400, $0x38  }
0x3a: {  	s4 =	simm.s32 $0x1000;
	_ =	swait.ge [sflag:s20], $0x400  }
.LBB2_5:
0x3b: {  	s8 =	sshra.s32 s4, $0x2;
	[sflag:s20] =	ssyncset.done $0x0;
	p3 =	sne.s32 s4, $0x27000  }
.Ltmp1:
0x3c: {  	s8 =	sadd.s32 s8, s12;
	[sflag:s20] =	ssyncadd.s32 $0xFFFFFC00;
	(pc) =	sbr.rel @p3 .LBB2_5-.Ltmp1, $3  }
0x3d: {  	[spmem:s8] =	stream.linear.scatter [tilespmem:s21], [sflag:$0x4], $0x400, $0x38;
	[tilespmem:$0x1B200] =	vst v63  }
0x3e: {  	s4 =	sadd.s32 $0x1000, s4;
	_ =	sdelay $0x1  }
0x3f: {  	_ =	swait.ge [sflag:s20], $0x400  }
.Ltmp2:
0x40: {  	(pc) =	sbr.rel @p0 .LBB2_8-.Ltmp2, $3  }
0x41: {  	_ =	sdelay $0x1  }
0x42: {  	[sflag:s20] =	ssyncset.done $0x0  }
0x43: {  	[sflag:s20] =	ssyncadd.s32 $0xFFFFFC00  }
.Ltmp3:
0x44: {  	s4 =	rddreg [dreg:$0x8];
	(pc) =	sbr.rel .LBB2_9-.Ltmp3, $4  }
0x45: {  	[spmem:s4] =	stream.linear.scatter [tilespmem:s21], [sflag:$0x4], $0x400, $0x38;
	[tilespmem:$0x1B200] =	vst v63  }
0x46: {  	_ =	swait.ge [sflag:s20], $0x400  }
0x47: {  	[sflag:s20] =	ssyncset.done $0x0  }
0x48: {  	[sflag:s20] =	ssyncadd.s32 $0xFFFFFC00  }
.LBB2_8:
.Ltmp4:
0x49: {  	(pc) =	sbr.rel @p2 .LBB2_10-.Ltmp4, $1  }
0x4a: {  	_ =	sdelay $0x3  }
.LBB2_9:
0x4b: {  	s4 =	rddreg [dreg:$0x9]  }
0x4c: {  	[spmem:s4] =	stream.linear.scatter [tilespmem:s21], [sflag:$0x4], $0x400, $0x38;
	[tilespmem:$0x1B200] =	vst v63  }
0x4d: {  	_ =	swait.ge [sflag:s20], $0x400  }
0x4e: {  	[sflag:s20] =	ssyncset.done $0x0  }
0x4f: {  	[sflag:s20] =	ssyncadd.s32 $0xFFFFFC00  }
.LBB2_10:
0x50: {  	s4 =	sand.u32 $0x1, s19;
	s13 =	smul.u32 $0x2800, s2  }
0x51: {  	s8 =	simm.s32 $0x0;
	s11 =	simm.s32 $0x200;
	s10 =	smul.u32 $0x1400, s4  }
.LBB2_11:
0x52: {  	p3 =	sne.s32 s11, $0x5E00;
	[tilespmem:s8+$0xF7F0] =	vst v2  }
0x53: {  	[tilespmem:s8+$0xF780] =	vst v2  }
0x54: {  	[tilespmem:s8+$0xF790] =	vst v2  }
.Ltmp5:
0x55: {  	[tilespmem:s8+$0xF7A0] =	vst v2;
	(pc) =	sbr.rel @p3 .LBB2_11-.Ltmp5, $4  }
0x56: {  	[tilespmem:s8+$0xF7B0] =	vst v2  }
0x57: {  	[tilespmem:s8+$0xF7C0] =	vst v2  }
0x58: {  	[tilespmem:s8+$0xF7D0] =	vst v2  }
0x59: {  	[tilespmem:s8+$0xF7E0] =	vst v2;
	s8 =	sshra.s32 s11, $0x2;
	s11 =	sadd.s32 $0x200, s11  }
0x5a: {  	[tilespmem:s8+$0xF7F0] =	vst v2  }
0x5b: {  	[tilespmem:s8+$0xF780] =	vst v2  }
0x5c: {  	[tilespmem:s8+$0xF790] =	vst v2  }
0x5d: {  	[tilespmem:s8+$0xF7A0] =	vst v2  }
0x5e: {  	[tilespmem:s8+$0xF7B0] =	vst v2  }
0x5f: {  	[tilespmem:s8+$0xF7C0] =	vst v2  }
0x60: {  	[tilespmem:s8+$0xF7D0] =	vst v2  }
0x61: {  	[tilespmem:s8+$0xF7E0] =	vst v2  }
0x62: {  	v48 =	vmov s10;
	v49 =	vmov s13;
	s8 =	simm.s32 $0x0;
	p3 =	sne.s32 s4, $0x0;
	[bflag:$0x0] =	sbarrier.arrive $0xFFFF  }
.LBB2_13:
0x63: {  	s11 =	sshll.u32 s8, $0x7  }
0x64: {  	s15 =	sadd.s32 s14, s11  }
0x65: {  	s15 =	sshrl.u32 s15, $0x3  }
0x66: {  	s16 =	sadd.s32 s1, s15  }
0x67: {  	[tilespmem:s5], [sflag:$0x1] =	stream.linear.gather [hbm4b:s16+s5], $0x80, $0x38;
	[tilespmem:$0x1B200] =	vst v63  }
0x68: {  	s15 =	sadd.s32 s9, s15  }
0x69: {  	[tilespmem:s22], [sflag:$0x2] =	stream.linear.gather [hbm4b:s15+s5], $0x80, $0x38;
	[tilespmem:$0x1B200] =	vst v63  }
0x6a: {  	_ =	swait.ge [sflag:s23], $0x80  }
0x6b: {  	[sflag:s23] =	ssyncset.done $0x0  }
0x6c: {  	[sflag:s23] =	ssyncadd.s32 $0xFFFFFF80  }
0x6d: {  	_ =	swait.ge [sflag:s24], $0x80  }
0x6e: {  	[sflag:s24] =	ssyncset.done $0x0  }
0x6f: {  	[sflag:s24] =	ssyncadd.s32 $0xFFFFFF80  }
0x70: {  	v50 =	vld [tilespmem:$0x0]  }
0x71: {  	v51 =	vld [tilespmem:$0x80]  }
0x72: {  	v52 =	vld [tilespmem:$0x10]  }
0x73: {  	v53 =	vld [tilespmem:$0x90];
	_ =	sdelay $0x1  }
0x74: {  	v56 =	vld [tilespmem:$0x20];
	v50 =	vadd.s32 v49, v50  }
0x75: {  	v63 =	vadd.s32 v49, v51;
	[tilespmem:$0x100] =	vst v50  }
0x76: {  	v54 =	vsub.s32 v51, v48;
	v55 =	vand.u32 $0xF, v51;
	v51 =	vld [tilespmem:$0xA0];
	v52 =	vadd.s32 v49, v52;
	[tilespmem:$0x180] =	vst v63  }
0x77: {  	v59 =	vadd.s32 v49, v53;
	vm0 =	vlt.u32 v54, $0x1400;
	v55 =	vor.u32 $0x1400, v55;
	[tilespmem:$0x110] =	vst v52;
	v63 =	vld [tilespmem:$0x40]  }
0x78: {  	v57 =	vsub.s32 v53, v48;
	v58 =	vand.u32 $0xF, v53;
	v53 =	vld [tilespmem:$0xB0];
	[tilespmem:$0x190] =	vst v59;
	v54 =	vsel vm0, v54, v55  }
0x79: {  	v62 =	vadd.s32 v49, v56;
	vm9 =	vlt.u32 v57, $0x1400;
	v55 =	vld [tilespmem:$0x30];
	[tilespmem:$0x200] =	vst v54;
	v54 =	vor.u32 $0x1400, v58  }
0x7a: {  	[tilespmem:$0x120] =	vst v62;
	v50 =	vsel vm9, v57, v54  }
0x7b: {  	[tilespmem:$0x210] =	vst v50;
	v60 =	vsub.s32 v51, v48;
	v61 =	vand.u32 $0xF, v51;
	v51 =	vadd.s32 v49, v51  }
0x7c: {  	v54 =	vld [tilespmem:$0xC0];
	vm10 =	vlt.u32 v60, $0x1400;
	v52 =	vor.u32 $0x1400, v61;
	[tilespmem:$0x1A0] =	vst v51;
	v63 =	vadd.s32 v49, v63  }
0x7d: {  	v56 =	vld [tilespmem:$0x60];
	v50 =	vsel vm10, v60, v52;
	[tilespmem:$0x140] =	vst v63  }
0x7e: {  	v57 =	vsub.s32 v53, v48;
	v58 =	vand.u32 $0xF, v53;
	v59 =	vadd.s32 v49, v55;
	v55 =	vld [tilespmem:$0x50];
	[tilespmem:$0x220] =	vst v50  }
0x7f: {  	vm11 =	vlt.u32 v57, $0x1400;
	v51 =	vor.u32 $0x1400, v58;
	v60 =	vadd.s32 v49, v53;
	v53 =	vld [tilespmem:$0xD0];
	[tilespmem:$0x130] =	vst v59  }
0x80: {  	v50 =	vsel vm11, v57, v51;
	[tilespmem:$0x1B0] =	vst v60  }
0x81: {  	[tilespmem:$0x230] =	vst v50;
	v61 =	vsub.s32 v54, v48;
	v62 =	vand.u32 $0xF, v54;
	v58 =	vadd.s32 v49, v54;
	v54 =	vld [tilespmem:$0xE0]  }
0x82: {  	vm12 =	vlt.u32 v61, $0x1400;
	v51 =	vor.u32 $0x1400, v62;
	[tilespmem:$0x1C0] =	vst v58;
	v58 =	vadd.s32 v49, v56  }
0x83: {  	v50 =	vsel vm12, v61, v51;
	[tilespmem:$0x160] =	vst v58;
	v61 =	vadd.s32 v49, v55;
	v55 =	vld [tilespmem:$0x70]  }
0x84: {  	[tilespmem:$0x240] =	vst v50;
	v59 =	vsub.s32 v53, v48;
	v60 =	vand.u32 $0xF, v53;
	v62 =	vadd.s32 v49, v53;
	v53 =	vld [tilespmem:$0xF0]  }
0x85: {  	vm13 =	vlt.u32 v59, $0x1400;
	v51 =	vor.u32 $0x1400, v60;
	[tilespmem:$0x150] =	vst v61  }
0x86: {  	[tilespmem:$0x1D0] =	vst v62;
	v50 =	vsel vm13, v59, v51;
	v63 =	vsub.s32 v54, v48;
	v57 =	vand.u32 $0xF, v54  }
0x87: {  	v59 =	vadd.s32 v49, v54;
	[tilespmem:$0x250] =	vst v50;
	vm14 =	vlt.u32 v63, $0x1400;
	v51 =	vor.u32 $0x1400, v57  }
0x88: {  	[tilespmem:$0x1E0] =	vst v59;
	v50 =	vsel vm14, v63, v51  }
.Ltmp6:
0x89: {  	[tilespmem:$0x260] =	vst v50;
	v60 =	vsub.s32 v53, v48;
	v61 =	vand.u32 $0xF, v53;
	v62 =	vadd.s32 v49, v55;
	(pc) =	sbr.rel @p3 .LBB2_23-.Ltmp6, $4  }
0x8a: {  	v63 =	vadd.s32 v49, v53;
	vm15 =	vlt.u32 v60, $0x1400;
	v51 =	vor.u32 $0x1400, v61;
	[tilespmem:$0x170] =	vst v62  }
0x8b: {  	[tilespmem:$0x1F0] =	vst v63;
	v50 =	vsel vm15, v60, v51  }
0x8c: {  	[tilespmem:$0x270] =	vst v50  }
0x8d: {  	[tilespmem:s26], [sflag:$0x1] =	stream.indirect.gather [hbm4b:s6+s22], $0x80, s25, s22, $0xb8;
	[tilespmem:$0x1B200] =	vst v63  }
0x8e: {  	[tilespmem:s29], [sflag:$0x2] =	stream.indirect.gather [hbm4b:s7+s22], $0x80, s28, s22, $0xb8;
	[tilespmem:$0x1B200] =	vst v63  }
0x8f: {  	_ =	swait.ge [sflag:s24], $0x4000  }
0x90: {  	[sflag:s24] =	ssyncset.done $0x0  }
0x91: {  	[sflag:s24] =	ssyncadd.s32 $0xFFFFC000  }
0x92: {  	_ =	swait.ge [sflag:s23], $0x4000  }
0x93: {  	[sflag:s23] =	ssyncset.done $0x0  }
0x94: {  	s16 =	simm.s32 $0x0;
	[sflag:s23] =	ssyncadd.s32 $0xFFFFC000  }
0x95: {  	v50 =	vld [tilespmem:s16+$0x280]  }
0x96: {  	v51 =	vld [tilespmem:s16+$0x4280]  }
0x97: {  	v52 =	vld [tilespmem:s16+$0x290]  }
0x98: {  	v53 =	vld [tilespmem:s16+$0x4290]  }
0x99: {  	v54 =	vld [tilespmem:s16+$0x2A0]  }
0x9a: {  	v55 =	vld [tilespmem:s16+$0x42A0]  }
0x9b: {  	v56 =	vld [tilespmem:s16+$0x42B0];
	v50 =	vadd.f32 v51, v50  }
0x9c: {  	v51 =	vld [tilespmem:s16+$0x2B0]  }
0x9d: {  	v58 =	vld [tilespmem:s16+$0x2C0];
	v52 =	vadd.f32 v53, v52;
	v57 =	vmul.f32 $2.000000030e-01, v50  }
0x9e: {  	v59 =	vld [tilespmem:s16+$0x42C0]  }
0x9f: {  	v61 =	vld [tilespmem:s16+$0x2D0];
	v54 =	vadd.f32 v55, v54;
	v53 =	vmul.f32 $2.000000030e-01, v52;
	v50 =	vmax.f32 v50, v57  }
0xa0: {  	v62 =	vld [tilespmem:s16+$0x42D0];
	v55 =	vmul.f32 v50, v40  }
0xa1: {  	v52 =	vmax.f32 v52, v53;
	v57 =	vmul.f32 $2.000000030e-01, v54;
	v53 =	vld [tilespmem:s16+$0x42E0];
	v56 =	vadd.f32 v56, v51  }
0xa2: {  	v50 =	vld [tilespmem:s16+$0x2E0];
	v52 =	vmul.f32 v52, v41;
	v60 =	vadd.f32 $0.0e+00, v55  }
0xa3: {  	v51 =	vld [tilespmem:s16+$0x2F0];
	v54 =	vmax.f32 v54, v57;
	v63 =	vmul.f32 $2.000000030e-01, v56;
	v55 =	vadd.f32 v59, v58  }
0xa4: {  	s17 =	simm.s32 $0x80;
	v58 =	vmul.f32 v54, v42;
	v54 =	vld [tilespmem:s16+$0x42F0];
	v57 =	vadd.f32 v52, v60  }
0xa5: {  	s15 =	simm.s32 $0x400;
	v52 =	vld [tilespmem:s17+$0x280];
	v60 =	vmax.f32 v56, v63;
	v59 =	vmul.f32 $2.000000030e-01, v55;
	v56 =	vadd.f32 v62, v61  }
.LBB2_15:
0xa6: {  	p4 =	seq.s32 s15, $0xFE00;
	v61 =	vld [tilespmem:s17+$0x4280];
	v57 =	vadd.f32 v58, v57;
	v58 =	vmul.f32 v60, v43  }
0xa7: {  	v60 =	vld [tilespmem:s17+$0x290];
	v55 =	vmax.f32 v55, v59;
	v59 =	vmul.f32 $2.000000030e-01, v56;
	v50 =	vadd.f32 v53, v50  }
0xa8: {  	v53 =	vld [tilespmem:s17+$0x4290];
	v57 =	vadd.f32 v58, v57;
	v55 =	vmul.f32 v55, v44  }
0xa9: {  	v58 =	vld [tilespmem:s17+$0x2A0];
	v56 =	vmax.f32 v56, v59;
	v59 =	vmul.f32 $2.000000030e-01, v50;
	v51 =	vadd.f32 v54, v51  }
0xaa: {  	v54 =	vld [tilespmem:s17+$0x42A0];
	v55 =	vadd.f32 v55, v57;
	v56 =	vmul.f32 v56, v45  }
0xab: {  	v52 =	vadd.f32 v61, v52;
	v57 =	vld [tilespmem:s17+$0x2B0];
	v50 =	vmax.f32 v50, v59;
	v59 =	vmul.f32 $2.000000030e-01, v51  }
0xac: {  	v61 =	vld [tilespmem:s17+$0x42B0];
	v55 =	vadd.f32 v56, v55;
	v50 =	vmul.f32 v50, v46  }
0xad: {  	v56 =	vmul.f32 $2.000000030e-01, v52;
	v53 =	vadd.f32 v53, v60;
	v60 =	vld [tilespmem:s17+$0x2C0];
	v51 =	vmax.f32 v51, v59  }
0xae: {  	v59 =	vld [tilespmem:s17+$0x42C0];
	v50 =	vadd.f32 v50, v55;
	v51 =	vmul.f32 v51, v47  }
0xaf: {  	v52 =	vmax.f32 v52, v56;
	v55 =	vmul.f32 $2.000000030e-01, v53;
	v54 =	vadd.f32 v54, v58;
	v56 =	vld [tilespmem:s17+$0x2D0]  }
0xb0: {  	v52 =	vmul.f32 v52, v40;
	v62 =	vld [tilespmem:s17+$0x42D0];
	v51 =	vadd.f32 v51, v50  }
.Ltmp7:
0xb1: {  	v53 =	vmax.f32 v53, v55;
	v55 =	vmul.f32 $2.000000030e-01, v54;
	v61 =	vadd.f32 v61, v57;
	v50 =	vld [tilespmem:s17+$0x2E0];
	(pc) =	sbr.rel @!p4 .LBB2_15-.Ltmp7, $4  }
0xb2: {  	v52 =	vadd.f32 $0.0e+00, v52;
	v57 =	vmul.f32 v53, v41;
	v53 =	vld [tilespmem:s17+$0x42E0];
	[tilespmem:s16+$0x8280] =	vst v51;
	s16 =	smov.u32 s17  }
0xb3: {  	v54 =	vmax.f32 v54, v55;
	v63 =	vmul.f32 $2.000000030e-01, v61;
	v55 =	vadd.f32 v59, v60;
	v51 =	vld [tilespmem:s16+$0x2F0]  }
0xb4: {  	s17 =	sshra.s32 s15, $0x2;
	v57 =	vadd.f32 v57, v52;
	v58 =	vmul.f32 v54, v42;
	v54 =	vld [tilespmem:s16+$0x42F0]  }
0xb5: {  	s15 =	sadd.s32 $0x200, s15;
	v52 =	vld [tilespmem:s17+$0x280];
	v60 =	vmax.f32 v61, v63;
	v59 =	vmul.f32 $2.000000030e-01, v55;
	v56 =	vadd.f32 v62, v56  }
0xb6: {  	v61 =	vld [tilespmem:s17+$0x4280];
	v57 =	vadd.f32 v58, v57;
	v58 =	vmul.f32 v60, v43  }
0xb7: {  	v60 =	vld [tilespmem:s17+$0x290];
	v55 =	vmax.f32 v55, v59;
	v62 =	vmul.f32 $2.000000030e-01, v56;
	v50 =	vadd.f32 v53, v50  }
0xb8: {  	v53 =	vld [tilespmem:s17+$0x4290];
	v57 =	vadd.f32 v58, v57;
	v55 =	vmul.f32 v55, v44  }
0xb9: {  	v58 =	vld [tilespmem:s17+$0x2A0];
	v56 =	vmax.f32 v56, v62;
	v63 =	vmul.f32 $2.000000030e-01, v50;
	v51 =	vadd.f32 v54, v51  }
0xba: {  	v54 =	vld [tilespmem:s17+$0x42A0];
	v55 =	vadd.f32 v55, v57;
	v56 =	vmul.f32 v56, v45  }
0xbb: {  	v57 =	vld [tilespmem:s17+$0x2B0];
	v52 =	vadd.f32 v61, v52;
	v50 =	vmax.f32 v50, v63;
	v59 =	vmul.f32 $2.000000030e-01, v51  }
0xbc: {  	v61 =	vld [tilespmem:s17+$0x42B0];
	v55 =	vadd.f32 v56, v55;
	v50 =	vmul.f32 v50, v46  }
0xbd: {  	v56 =	vld [tilespmem:s17+$0x2C0];
	v53 =	vadd.f32 v53, v60;
	v60 =	vmul.f32 $2.000000030e-01, v52;
	v51 =	vmax.f32 v51, v59  }
0xbe: {  	v59 =	vld [tilespmem:s17+$0x42C0];
	v50 =	vadd.f32 v50, v55;
	v51 =	vmul.f32 v51, v47  }
0xbf: {  	v55 =	vld [tilespmem:s17+$0x2D0];
	v54 =	vadd.f32 v54, v58;
	v52 =	vmax.f32 v52, v60;
	v60 =	vmul.f32 $2.000000030e-01, v53  }
0xc0: {  	v58 =	vld [tilespmem:s17+$0x42D0];
	v52 =	vmul.f32 v52, v40;
	v50 =	vadd.f32 v51, v50  }
0xc1: {  	v51 =	vld [tilespmem:s17+$0x2E0];
	v57 =	vadd.f32 v61, v57;
	v53 =	vmax.f32 v53, v60;
	v60 =	vmul.f32 $2.000000030e-01, v54  }
0xc2: {  	v61 =	vld [tilespmem:s17+$0x42E0];
	v52 =	vadd.f32 $0.0e+00, v52;
	v53 =	vmul.f32 v53, v41;
	[tilespmem:s16+$0x8280] =	vst v50  }
0xc3: {  	v63 =	vmul.f32 $2.000000030e-01, v57;
	v56 =	vadd.f32 v59, v56;
	v62 =	vmax.f32 v54, v60;
	v59 =	vld [tilespmem:s17+$0x2F0]  }
0xc4: {  	v52 =	vadd.f32 v53, v52;
	v50 =	vmul.f32 v62, v42;
	v53 =	vld [tilespmem:s17+$0x42F0]  }
0xc5: {  	v55 =	vadd.f32 v58, v55;
	v54 =	vmax.f32 v57, v63;
	v60 =	vmul.f32 $2.000000030e-01, v56  }
0xc6: {  	v62 =	vmul.f32 v54, v43;
	v50 =	vadd.f32 v50, v52  }
0xc7: {  	v51 =	vadd.f32 v61, v51;
	v63 =	vmax.f32 v56, v60;
	v60 =	vmul.f32 $2.000000030e-01, v55  }
0xc8: {  	v50 =	vadd.f32 v62, v50;
	v62 =	vmul.f32 v63, v44  }
0xc9: {  	v57 =	vmul.f32 $2.000000030e-01, v51;
	v63 =	vmax.f32 v55, v60;
	v53 =	vadd.f32 v53, v59  }
0xca: {  	v58 =	vmul.f32 v63, v45;
	v50 =	vadd.f32 v62, v50  }
0xcb: {  	v51 =	vmax.f32 v51, v57;
	v59 =	vmul.f32 $2.000000030e-01, v53  }
0xcc: {  	v51 =	vmul.f32 v51, v46;
	v50 =	vadd.f32 v58, v50  }
0xcd: {  	v60 =	vmax.f32 v53, v59  }
0xce: {  	v50 =	vadd.f32 v51, v50;
	v61 =	vmul.f32 v60, v47;
	_ =	sdelay $0x1  }
0xcf: {  	v50 =	vadd.f32 v61, v50;
	_ =	sdelay $0x1  }
0xd0: {  	[tilespmem:s17+$0x8280] =	vst v50  }
0xd1: {  	v50 =	vld.idx.msk [tilespmem:v1+s30+$0x0], $0xffff;
	_ =	sdelay $0x1  }
0xd2: {  	v62 =	vld.idx.msk [tilespmem:v5+s30+$0x0], $0xffff;
	_ =	sdelay $0x1  }
0xd3: {  	v63 =	vld.idx.msk [tilespmem:v6+s30+$0x0], $0xffff  }
0xd4: {  	v50 =	vadd.f32 $0.0e+00, v50  }
0xd5: {  	v56 =	vld.idx.msk [tilespmem:v7+s30+$0x0], $0xffff  }
0xd6: {  	v50 =	vadd.f32 v62, v50  }
0xd7: {  	v57 =	vld.idx.msk [tilespmem:v8+s30+$0x0], $0xffff  }
0xd8: {  	v50 =	vadd.f32 v63, v50  }
0xd9: {  	v58 =	vld.idx.msk [tilespmem:v9+s30+$0x0], $0xffff  }
0xda: {  	v50 =	vadd.f32 v56, v50  }
0xdb: {  	v59 =	vld.idx.msk [tilespmem:v10+s30+$0x0], $0xffff  }
0xdc: {  	v50 =	vadd.f32 v57, v50  }
0xdd: {  	v60 =	vld.idx.msk [tilespmem:v11+s30+$0x0], $0xffff  }
0xde: {  	v50 =	vadd.f32 v58, v50  }
0xdf: {  	v61 =	vld.idx.msk [tilespmem:v12+s30+$0x0], $0xffff  }
0xe0: {  	v50 =	vadd.f32 v59, v50  }
0xe1: {  	v62 =	vld.idx.msk [tilespmem:v13+s30+$0x0], $0xffff  }
0xe2: {  	v50 =	vadd.f32 v60, v50  }
0xe3: {  	v63 =	vld.idx.msk [tilespmem:v14+s30+$0x0], $0xffff  }
0xe4: {  	v50 =	vadd.f32 v61, v50  }
0xe5: {  	v56 =	vld.idx.msk [tilespmem:v15+s30+$0x0], $0xffff  }
0xe6: {  	v50 =	vadd.f32 v62, v50  }
0xe7: {  	v57 =	vld.idx.msk [tilespmem:v16+s30+$0x0], $0xffff  }
0xe8: {  	v50 =	vadd.f32 v63, v50  }
0xe9: {  	v58 =	vld.idx.msk [tilespmem:v17+s30+$0x0], $0xffff  }
0xea: {  	v50 =	vadd.f32 v56, v50  }
0xeb: {  	v59 =	vld.idx.msk [tilespmem:v18+s30+$0x0], $0xffff  }
0xec: {  	v50 =	vadd.f32 v57, v50  }
0xed: {  	v60 =	vld.idx.msk [tilespmem:v19+s30+$0x0], $0xffff  }
0xee: {  	v50 =	vadd.f32 v58, v50;
	_ =	sdelay $0x1  }
0xef: {  	v50 =	vadd.f32 v59, v50;
	_ =	sdelay $0x1  }
0xf0: {  	v50 =	vadd.f32 v60, v50;
	_ =	sdelay $0x1  }
0xf1: {  	v50 =	vmul.f32 $1.442695020e+00, v50;
	_ =	sdelay $0x1  }
0xf2: {  	(erf) = vpow2.f32 v50;
	_ =	sdelay $0x8  }
0xf3: {  	v50 =	vpop (erf)  }
0xf4: {  	[tilespmem:$0xC280] =	vst v50  }
0xf5: {  	[tilespmem:s11+$0xC300] =	vst v50  }
0xf6: {  	v50 =	vld.idx.msk [tilespmem:v20+s30+$0x0], $0xffff;
	_ =	sdelay $0x1  }
0xf7: {  	v61 =	vld.idx.msk [tilespmem:v21+s30+$0x0], $0xffff;
	_ =	sdelay $0x1  }
0xf8: {  	v62 =	vld.idx.msk [tilespmem:v22+s30+$0x0], $0xffff  }
0xf9: {  	v50 =	vadd.f32 $0.0e+00, v50  }
0xfa: {  	v63 =	vld.idx.msk [tilespmem:v23+s30+$0x0], $0xffff  }
0xfb: {  	v50 =	vadd.f32 v61, v50  }
0xfc: {  	v56 =	vld.idx.msk [tilespmem:v24+s30+$0x0], $0xffff  }
0xfd: {  	v50 =	vadd.f32 v62, v50  }
0xfe: {  	v57 =	vld.idx.msk [tilespmem:v25+s30+$0x0], $0xffff  }
0xff: {  	v50 =	vadd.f32 v63, v50  }
0x100: {  	v58 =	vld.idx.msk [tilespmem:v26+s30+$0x0], $0xffff  }
0x101: {  	v50 =	vadd.f32 v56, v50  }
0x102: {  	v59 =	vld.idx.msk [tilespmem:v27+s30+$0x0], $0xffff  }
0x103: {  	v50 =	vadd.f32 v57, v50  }
0x104: {  	v60 =	vld.idx.msk [tilespmem:v28+s30+$0x0], $0xffff  }
0x105: {  	v50 =	vadd.f32 v58, v50  }
0x106: {  	v61 =	vld.idx.msk [tilespmem:v29+s30+$0x0], $0xffff  }
0x107: {  	v50 =	vadd.f32 v59, v50  }
0x108: {  	v62 =	vld.idx.msk [tilespmem:v30+s30+$0x0], $0xffff  }
0x109: {  	v50 =	vadd.f32 v60, v50  }
0x10a: {  	v63 =	vld.idx.msk [tilespmem:v31+s30+$0x0], $0xffff  }
0x10b: {  	v50 =	vadd.f32 v61, v50  }
0x10c: {  	v56 =	vld.idx.msk [tilespmem:v32+s30+$0x0], $0xffff  }
0x10d: {  	v50 =	vadd.f32 v62, v50  }
0x10e: {  	v57 =	vld.idx.msk [tilespmem:v33+s30+$0x0], $0xffff  }
0x10f: {  	v50 =	vadd.f32 v63, v50  }
0x110: {  	v58 =	vld.idx.msk [tilespmem:v34+s30+$0x0], $0xffff  }
0x111: {  	v50 =	vadd.f32 v56, v50  }
0x112: {  	v59 =	vld.idx.msk [tilespmem:v35+s30+$0x0], $0xffff  }
0x113: {  	v50 =	vadd.f32 v57, v50;
	_ =	sdelay $0x1  }
0x114: {  	v50 =	vadd.f32 v58, v50;
	_ =	sdelay $0x1  }
0x115: {  	v50 =	vadd.f32 v59, v50;
	_ =	sdelay $0x1  }
0x116: {  	v50 =	vmul.f32 $1.442695020e+00, v50;
	_ =	sdelay $0x1  }
0x117: {  	(erf) = vpow2.f32 v50;
	_ =	sdelay $0x8  }
0x118: {  	v50 =	vpop (erf)  }
0x119: {  	[tilespmem:$0xC290] =	vst v50  }
0x11a: {  	[tilespmem:s11+$0xC310] =	vst v50  }
0x11b: {  	v50 =	vld.idx.msk [tilespmem:v36+s30+$0x0], $0xffff;
	_ =	sdelay $0x1  }
0x11c: {  	v60 =	vld.idx.msk [tilespmem:v37+s30+$0x0], $0xffff  }
0x11d: {  	v61 =	vor.u32 $0x1004, v1  }
0x11e: {  	v62 =	vld.idx.msk [tilespmem:v38+s30+$0x0], $0xffff  }
0x11f: {  	v63 =	vor.u32 $0x1005, v1;
	v50 =	vadd.f32 $0.0e+00, v50  }
0x120: {  	v57 =	vld.idx.msk [tilespmem:v39+s30+$0x0], $0xffff  }
0x121: {  	v58 =	vor.u32 $0x1006, v1;
	v50 =	vadd.f32 v60, v50  }
0x122: {  	v52 =	vld.idx.msk [tilespmem:v61+s30+$0x0], $0xffff  }
0x123: {  	v59 =	vor.u32 $0x1007, v1;
	v50 =	vadd.f32 v62, v50  }
0x124: {  	v54 =	vld.idx.msk [tilespmem:v63+s30+$0x0], $0xffff  }
0x125: {  	v60 =	vor.u32 $0x1008, v1;
	v50 =	vadd.f32 v57, v50  }
0x126: {  	v51 =	vld.idx.msk [tilespmem:v58+s30+$0x0], $0xffff  }
0x127: {  	v61 =	vor.u32 $0x1009, v1;
	v50 =	vadd.f32 v52, v50  }
0x128: {  	v53 =	vld.idx.msk [tilespmem:v59+s30+$0x0], $0xffff  }
0x129: {  	v62 =	vor.u32 $0x100A, v1;
	v50 =	vadd.f32 v54, v50  }
0x12a: {  	v55 =	vld.idx.msk [tilespmem:v60+s30+$0x0], $0xffff  }
0x12b: {  	v63 =	vor.u32 $0x100B, v1;
	v50 =	vadd.f32 v51, v50  }
0x12c: {  	v52 =	vld.idx.msk [tilespmem:v61+s30+$0x0], $0xffff  }
0x12d: {  	v57 =	vor.u32 $0x100C, v1;
	v50 =	vadd.f32 v53, v50  }
0x12e: {  	v54 =	vld.idx.msk [tilespmem:v62+s30+$0x0], $0xffff  }
0x12f: {  	v58 =	vor.u32 $0x100D, v1;
	v50 =	vadd.f32 v55, v50  }
0x130: {  	v51 =	vld.idx.msk [tilespmem:v63+s30+$0x0], $0xffff  }
0x131: {  	v59 =	vor.u32 $0x100E, v1;
	v50 =	vadd.f32 v52, v50  }
0x132: {  	v53 =	vld.idx.msk [tilespmem:v57+s30+$0x0], $0xffff  }
0x133: {  	v60 =	vor.u32 $0x100F, v1;
	v50 =	vadd.f32 v54, v50  }
0x134: {  	v55 =	vld.idx.msk [tilespmem:v58+s30+$0x0], $0xffff  }
0x135: {  	v50 =	vadd.f32 v51, v50  }
0x136: {  	v61 =	vld.idx.msk [tilespmem:v59+s30+$0x0], $0xffff  }
0x137: {  	v50 =	vadd.f32 v53, v50  }
0x138: {  	v62 =	vld.idx.msk [tilespmem:v60+s30+$0x0], $0xffff  }
0x139: {  	v50 =	vadd.f32 v55, v50;
	_ =	sdelay $0x1  }
0x13a: {  	v50 =	vadd.f32 v61, v50;
	_ =	sdelay $0x1  }
0x13b: {  	v50 =	vadd.f32 v62, v50;
	_ =	sdelay $0x1  }
0x13c: {  	v50 =	vmul.f32 $1.442695020e+00, v50;
	_ =	sdelay $0x1  }
0x13d: {  	(erf) = vpow2.f32 v50;
	_ =	sdelay $0x6  }
0x13e: {  	v63 =	vor.u32 $0x1800, v1;
	_ =	sdelay $0x1  }
0x13f: {  	v57 =	vor.u32 $0x1801, v1;
	v56 =	vpop (erf)  }
0x140: {  	[tilespmem:$0xC2A0] =	vst v56  }
0x141: {  	v58 =	vor.u32 $0x1802, v1;
	[tilespmem:s11+$0xC320] =	vst v56  }
0x142: {  	v50 =	vld.idx.msk [tilespmem:v63+s30+$0x0], $0xffff  }
0x143: {  	v59 =	vor.u32 $0x1803, v1  }
0x144: {  	v52 =	vld.idx.msk [tilespmem:v57+s30+$0x0], $0xffff  }
0x145: {  	v60 =	vor.u32 $0x1804, v1  }
0x146: {  	v51 =	vld.idx.msk [tilespmem:v58+s30+$0x0], $0xffff  }
0x147: {  	v61 =	vor.u32 $0x1805, v1;
	v50 =	vadd.f32 $0.0e+00, v50  }
0x148: {  	v53 =	vld.idx.msk [tilespmem:v59+s30+$0x0], $0xffff  }
0x149: {  	v62 =	vor.u32 $0x1806, v1;
	v50 =	vadd.f32 v52, v50  }
0x14a: {  	v54 =	vld.idx.msk [tilespmem:v60+s30+$0x0], $0xffff  }
0x14b: {  	v63 =	vor.u32 $0x1807, v1;
	v50 =	vadd.f32 v51, v50  }
0x14c: {  	v55 =	vld.idx.msk [tilespmem:v61+s30+$0x0], $0xffff  }
0x14d: {  	v57 =	vor.u32 $0x1808, v1;
	v50 =	vadd.f32 v53, v50  }
0x14e: {  	v52 =	vld.idx.msk [tilespmem:v62+s30+$0x0], $0xffff  }
0x14f: {  	v58 =	vor.u32 $0x1809, v1;
	v50 =	vadd.f32 v54, v50  }
0x150: {  	v51 =	vld.idx.msk [tilespmem:v63+s30+$0x0], $0xffff  }
0x151: {  	v59 =	vor.u32 $0x180A, v1;
	v50 =	vadd.f32 v55, v50  }
0x152: {  	v53 =	vld.idx.msk [tilespmem:v57+s30+$0x0], $0xffff  }
0x153: {  	v60 =	vor.u32 $0x180B, v1;
	v50 =	vadd.f32 v52, v50  }
0x154: {  	v54 =	vld.idx.msk [tilespmem:v58+s30+$0x0], $0xffff  }
0x155: {  	v61 =	vor.u32 $0x180C, v1;
	v50 =	vadd.f32 v51, v50  }
0x156: {  	v55 =	vld.idx.msk [tilespmem:v59+s30+$0x0], $0xffff  }
0x157: {  	v62 =	vor.u32 $0x180D, v1;
	v50 =	vadd.f32 v53, v50  }
0x158: {  	v52 =	vld.idx.msk [tilespmem:v60+s30+$0x0], $0xffff  }
0x159: {  	v63 =	vor.u32 $0x180E, v1;
	v50 =	vadd.f32 v54, v50  }
0x15a: {  	v51 =	vld.idx.msk [tilespmem:v61+s30+$0x0], $0xffff  }
0x15b: {  	v57 =	vor.u32 $0x180F, v1;
	v50 =	vadd.f32 v55, v50  }
0x15c: {  	v53 =	vld.idx.msk [tilespmem:v62+s30+$0x0], $0xffff  }
0x15d: {  	v50 =	vadd.f32 v52, v50  }
0x15e: {  	v58 =	vld.idx.msk [tilespmem:v63+s30+$0x0], $0xffff  }
0x15f: {  	v50 =	vadd.f32 v51, v50  }
0x160: {  	v59 =	vld.idx.msk [tilespmem:v57+s30+$0x0], $0xffff  }
0x161: {  	v50 =	vadd.f32 v53, v50;
	_ =	sdelay $0x1  }
0x162: {  	v50 =	vadd.f32 v58, v50;
	_ =	sdelay $0x1  }
0x163: {  	v50 =	vadd.f32 v59, v50;
	_ =	sdelay $0x1  }
0x164: {  	v50 =	vmul.f32 $1.442695020e+00, v50;
	_ =	sdelay $0x1  }
0x165: {  	(erf) = vpow2.f32 v50;
	_ =	sdelay $0x6  }
0x166: {  	v60 =	vor.u32 $0x2000, v1;
	_ =	sdelay $0x1  }
0x167: {  	v62 =	vor.u32 $0x2001, v1;
	v61 =	vpop (erf)  }
0x168: {  	[tilespmem:$0xC2B0] =	vst v61  }
0x169: {  	v63 =	vor.u32 $0x2002, v1;
	[tilespmem:s11+$0xC330] =	vst v61  }
0x16a: {  	v50 =	vld.idx.msk [tilespmem:v60+s30+$0x0], $0xffff  }
0x16b: {  	v57 =	vor.u32 $0x2003, v1  }
0x16c: {  	v52 =	vld.idx.msk [tilespmem:v62+s30+$0x0], $0xffff  }
0x16d: {  	v58 =	vor.u32 $0x2004, v1  }
0x16e: {  	v51 =	vld.idx.msk [tilespmem:v63+s30+$0x0], $0xffff  }
0x16f: {  	v59 =	vor.u32 $0x2005, v1;
	v50 =	vadd.f32 $0.0e+00, v50  }
0x170: {  	v53 =	vld.idx.msk [tilespmem:v57+s30+$0x0], $0xffff  }
0x171: {  	v60 =	vor.u32 $0x2006, v1;
	v50 =	vadd.f32 v52, v50  }
0x172: {  	v54 =	vld.idx.msk [tilespmem:v58+s30+$0x0], $0xffff  }
0x173: {  	v61 =	vor.u32 $0x2007, v1;
	v50 =	vadd.f32 v51, v50  }
0x174: {  	v55 =	vld.idx.msk [tilespmem:v59+s30+$0x0], $0xffff  }
0x175: {  	v62 =	vor.u32 $0x2008, v1;
	v50 =	vadd.f32 v53, v50  }
0x176: {  	v52 =	vld.idx.msk [tilespmem:v60+s30+$0x0], $0xffff  }
0x177: {  	v63 =	vor.u32 $0x2009, v1;
	v50 =	vadd.f32 v54, v50  }
0x178: {  	v51 =	vld.idx.msk [tilespmem:v61+s30+$0x0], $0xffff  }
0x179: {  	v57 =	vor.u32 $0x200A, v1;
	v50 =	vadd.f32 v55, v50  }
0x17a: {  	v53 =	vld.idx.msk [tilespmem:v62+s30+$0x0], $0xffff  }
0x17b: {  	v58 =	vor.u32 $0x200B, v1;
	v50 =	vadd.f32 v52, v50  }
0x17c: {  	v54 =	vld.idx.msk [tilespmem:v63+s30+$0x0], $0xffff  }
0x17d: {  	v59 =	vor.u32 $0x200C, v1;
	v50 =	vadd.f32 v51, v50  }
0x17e: {  	v55 =	vld.idx.msk [tilespmem:v57+s30+$0x0], $0xffff  }
0x17f: {  	v60 =	vor.u32 $0x200D, v1;
	v50 =	vadd.f32 v53, v50  }
0x180: {  	v52 =	vld.idx.msk [tilespmem:v58+s30+$0x0], $0xffff  }
0x181: {  	v61 =	vor.u32 $0x200E, v1;
	v50 =	vadd.f32 v54, v50  }
0x182: {  	v51 =	vld.idx.msk [tilespmem:v59+s30+$0x0], $0xffff  }
0x183: {  	v62 =	vor.u32 $0x200F, v1;
	v50 =	vadd.f32 v55, v50  }
0x184: {  	v53 =	vld.idx.msk [tilespmem:v60+s30+$0x0], $0xffff  }
0x185: {  	v50 =	vadd.f32 v52, v50  }
0x186: {  	v63 =	vld.idx.msk [tilespmem:v61+s30+$0x0], $0xffff  }
0x187: {  	v50 =	vadd.f32 v51, v50  }
0x188: {  	v56 =	vld.idx.msk [tilespmem:v62+s30+$0x0], $0xffff  }
0x189: {  	v50 =	vadd.f32 v53, v50;
	_ =	sdelay $0x1  }
0x18a: {  	v50 =	vadd.f32 v63, v50;
	_ =	sdelay $0x1  }
0x18b: {  	v50 =	vadd.f32 v56, v50;
	_ =	sdelay $0x1  }
0x18c: {  	v50 =	vmul.f32 $1.442695020e+00, v50;
	_ =	sdelay $0x1  }
0x18d: {  	(erf) = vpow2.f32 v50;
	_ =	sdelay $0x6  }
0x18e: {  	v57 =	vor.u32 $0x2800, v1;
	_ =	sdelay $0x1  }
0x18f: {  	v59 =	vor.u32 $0x2801, v1;
	v58 =	vpop (erf)  }
0x190: {  	[tilespmem:$0xC2C0] =	vst v58  }
0x191: {  	v60 =	vor.u32 $0x2802, v1;
	[tilespmem:s11+$0xC340] =	vst v58  }
0x192: {  	v50 =	vld.idx.msk [tilespmem:v57+s30+$0x0], $0xffff  }
0x193: {  	v61 =	vor.u32 $0x2803, v1  }
0x194: {  	v52 =	vld.idx.msk [tilespmem:v59+s30+$0x0], $0xffff  }
0x195: {  	v62 =	vor.u32 $0x2804, v1  }
0x196: {  	v51 =	vld.idx.msk [tilespmem:v60+s30+$0x0], $0xffff  }
0x197: {  	v63 =	vor.u32 $0x2805, v1;
	v50 =	vadd.f32 $0.0e+00, v50  }
0x198: {  	v53 =	vld.idx.msk [tilespmem:v61+s30+$0x0], $0xffff  }
0x199: {  	v57 =	vor.u32 $0x2806, v1;
	v50 =	vadd.f32 v52, v50  }
0x19a: {  	v54 =	vld.idx.msk [tilespmem:v62+s30+$0x0], $0xffff  }
0x19b: {  	v58 =	vor.u32 $0x2807, v1;
	v50 =	vadd.f32 v51, v50  }
0x19c: {  	v55 =	vld.idx.msk [tilespmem:v63+s30+$0x0], $0xffff  }
0x19d: {  	v59 =	vor.u32 $0x2808, v1;
	v50 =	vadd.f32 v53, v50  }
0x19e: {  	v52 =	vld.idx.msk [tilespmem:v57+s30+$0x0], $0xffff  }
0x19f: {  	v60 =	vor.u32 $0x2809, v1;
	v50 =	vadd.f32 v54, v50  }
0x1a0: {  	v51 =	vld.idx.msk [tilespmem:v58+s30+$0x0], $0xffff  }
0x1a1: {  	v61 =	vor.u32 $0x280A, v1;
	v50 =	vadd.f32 v55, v50  }
0x1a2: {  	v53 =	vld.idx.msk [tilespmem:v59+s30+$0x0], $0xffff  }
0x1a3: {  	v62 =	vor.u32 $0x280B, v1;
	v50 =	vadd.f32 v52, v50  }
0x1a4: {  	v54 =	vld.idx.msk [tilespmem:v60+s30+$0x0], $0xffff  }
0x1a5: {  	v63 =	vor.u32 $0x280C, v1;
	v50 =	vadd.f32 v51, v50  }
0x1a6: {  	v55 =	vld.idx.msk [tilespmem:v61+s30+$0x0], $0xffff  }
0x1a7: {  	v57 =	vor.u32 $0x280D, v1;
	v50 =	vadd.f32 v53, v50  }
0x1a8: {  	v52 =	vld.idx.msk [tilespmem:v62+s30+$0x0], $0xffff  }
0x1a9: {  	v58 =	vor.u32 $0x280E, v1;
	v50 =	vadd.f32 v54, v50  }
0x1aa: {  	v51 =	vld.idx.msk [tilespmem:v63+s30+$0x0], $0xffff  }
0x1ab: {  	v59 =	vor.u32 $0x280F, v1;
	v50 =	vadd.f32 v55, v50  }
0x1ac: {  	v53 =	vld.idx.msk [tilespmem:v57+s30+$0x0], $0xffff  }
0x1ad: {  	v50 =	vadd.f32 v52, v50  }
0x1ae: {  	v60 =	vld.idx.msk [tilespmem:v58+s30+$0x0], $0xffff  }
0x1af: {  	v50 =	vadd.f32 v51, v50  }
0x1b0: {  	v61 =	vld.idx.msk [tilespmem:v59+s30+$0x0], $0xffff  }
0x1b1: {  	v50 =	vadd.f32 v53, v50;
	_ =	sdelay $0x1  }
0x1b2: {  	v50 =	vadd.f32 v60, v50;
	_ =	sdelay $0x1  }
0x1b3: {  	v50 =	vadd.f32 v61, v50;
	_ =	sdelay $0x1  }
0x1b4: {  	v50 =	vmul.f32 $1.442695020e+00, v50;
	_ =	sdelay $0x1  }
0x1b5: {  	(erf) = vpow2.f32 v50;
	_ =	sdelay $0x6  }
0x1b6: {  	v62 =	vor.u32 $0x3000, v1;
	_ =	sdelay $0x1  }
0x1b7: {  	v56 =	vor.u32 $0x3001, v1;
	v63 =	vpop (erf)  }
0x1b8: {  	[tilespmem:$0xC2D0] =	vst v63  }
0x1b9: {  	v57 =	vor.u32 $0x3002, v1;
	[tilespmem:s11+$0xC350] =	vst v63  }
0x1ba: {  	v50 =	vld.idx.msk [tilespmem:v62+s30+$0x0], $0xffff  }
0x1bb: {  	v58 =	vor.u32 $0x3003, v1  }
0x1bc: {  	v52 =	vld.idx.msk [tilespmem:v56+s30+$0x0], $0xffff  }
0x1bd: {  	v59 =	vor.u32 $0x3004, v1  }
0x1be: {  	v51 =	vld.idx.msk [tilespmem:v57+s30+$0x0], $0xffff  }
0x1bf: {  	v60 =	vor.u32 $0x3005, v1;
	v50 =	vadd.f32 $0.0e+00, v50  }
0x1c0: {  	v53 =	vld.idx.msk [tilespmem:v58+s30+$0x0], $0xffff  }
0x1c1: {  	v61 =	vor.u32 $0x3006, v1;
	v50 =	vadd.f32 v52, v50  }
0x1c2: {  	v54 =	vld.idx.msk [tilespmem:v59+s30+$0x0], $0xffff  }
0x1c3: {  	v62 =	vor.u32 $0x3007, v1;
	v50 =	vadd.f32 v51, v50  }
0x1c4: {  	v55 =	vld.idx.msk [tilespmem:v60+s30+$0x0], $0xffff  }
0x1c5: {  	v63 =	vor.u32 $0x3008, v1;
	v50 =	vadd.f32 v53, v50  }
0x1c6: {  	v52 =	vld.idx.msk [tilespmem:v61+s30+$0x0], $0xffff  }
0x1c7: {  	v57 =	vor.u32 $0x3009, v1;
	v50 =	vadd.f32 v54, v50  }
0x1c8: {  	v51 =	vld.idx.msk [tilespmem:v62+s30+$0x0], $0xffff  }
0x1c9: {  	v58 =	vor.u32 $0x300A, v1;
	v50 =	vadd.f32 v55, v50  }
0x1ca: {  	v53 =	vld.idx.msk [tilespmem:v63+s30+$0x0], $0xffff  }
0x1cb: {  	v59 =	vor.u32 $0x300B, v1;
	v50 =	vadd.f32 v52, v50  }
0x1cc: {  	v54 =	vld.idx.msk [tilespmem:v57+s30+$0x0], $0xffff  }
0x1cd: {  	v60 =	vor.u32 $0x300C, v1;
	v50 =	vadd.f32 v51, v50  }
0x1ce: {  	v55 =	vld.idx.msk [tilespmem:v58+s30+$0x0], $0xffff  }
0x1cf: {  	v61 =	vor.u32 $0x300D, v1;
	v50 =	vadd.f32 v53, v50  }
0x1d0: {  	v52 =	vld.idx.msk [tilespmem:v59+s30+$0x0], $0xffff  }
0x1d1: {  	v62 =	vor.u32 $0x300E, v1;
	v50 =	vadd.f32 v54, v50  }
0x1d2: {  	v51 =	vld.idx.msk [tilespmem:v60+s30+$0x0], $0xffff  }
0x1d3: {  	v63 =	vor.u32 $0x300F, v1;
	v50 =	vadd.f32 v55, v50  }
0x1d4: {  	v53 =	vld.idx.msk [tilespmem:v61+s30+$0x0], $0xffff  }
0x1d5: {  	v50 =	vadd.f32 v52, v50  }
0x1d6: {  	v57 =	vld.idx.msk [tilespmem:v62+s30+$0x0], $0xffff  }
0x1d7: {  	v50 =	vadd.f32 v51, v50  }
0x1d8: {  	v58 =	vld.idx.msk [tilespmem:v63+s30+$0x0], $0xffff  }
0x1d9: {  	v50 =	vadd.f32 v53, v50;
	_ =	sdelay $0x1  }
0x1da: {  	v50 =	vadd.f32 v57, v50;
	_ =	sdelay $0x1  }
0x1db: {  	v50 =	vadd.f32 v58, v50;
	_ =	sdelay $0x1  }
0x1dc: {  	v50 =	vmul.f32 $1.442695020e+00, v50;
	_ =	sdelay $0x1  }
0x1dd: {  	(erf) = vpow2.f32 v50;
	_ =	sdelay $0x6  }
0x1de: {  	v59 =	vor.u32 $0x3800, v1;
	_ =	sdelay $0x1  }
0x1df: {  	v61 =	vor.u32 $0x3801, v1;
	v60 =	vpop (erf)  }
0x1e0: {  	[tilespmem:$0xC2E0] =	vst v60  }
0x1e1: {  	v62 =	vor.u32 $0x3802, v1;
	[tilespmem:s11+$0xC360] =	vst v60  }
0x1e2: {  	v50 =	vld.idx.msk [tilespmem:v59+s30+$0x0], $0xffff  }
0x1e3: {  	v63 =	vor.u32 $0x3803, v1  }
0x1e4: {  	v52 =	vld.idx.msk [tilespmem:v61+s30+$0x0], $0xffff  }
0x1e5: {  	v57 =	vor.u32 $0x3804, v1  }
0x1e6: {  	v51 =	vld.idx.msk [tilespmem:v62+s30+$0x0], $0xffff  }
0x1e7: {  	v58 =	vor.u32 $0x3805, v1;
	v50 =	vadd.f32 $0.0e+00, v50  }
0x1e8: {  	v53 =	vld.idx.msk [tilespmem:v63+s30+$0x0], $0xffff  }
0x1e9: {  	v59 =	vor.u32 $0x3806, v1;
	v50 =	vadd.f32 v52, v50  }
0x1ea: {  	v54 =	vld.idx.msk [tilespmem:v57+s30+$0x0], $0xffff  }
0x1eb: {  	v60 =	vor.u32 $0x3807, v1;
	v50 =	vadd.f32 v51, v50  }
0x1ec: {  	v55 =	vld.idx.msk [tilespmem:v58+s30+$0x0], $0xffff  }
0x1ed: {  	v61 =	vor.u32 $0x3808, v1;
	v50 =	vadd.f32 v53, v50  }
0x1ee: {  	v52 =	vld.idx.msk [tilespmem:v59+s30+$0x0], $0xffff  }
0x1ef: {  	v62 =	vor.u32 $0x3809, v1;
	v50 =	vadd.f32 v54, v50  }
0x1f0: {  	v51 =	vld.idx.msk [tilespmem:v60+s30+$0x0], $0xffff  }
0x1f1: {  	v63 =	vor.u32 $0x380A, v1;
	v50 =	vadd.f32 v55, v50  }
0x1f2: {  	v53 =	vld.idx.msk [tilespmem:v61+s30+$0x0], $0xffff  }
0x1f3: {  	v57 =	vor.u32 $0x380B, v1;
	v50 =	vadd.f32 v52, v50  }
0x1f4: {  	v54 =	vld.idx.msk [tilespmem:v62+s30+$0x0], $0xffff  }
0x1f5: {  	v58 =	vor.u32 $0x380C, v1;
	v50 =	vadd.f32 v51, v50  }
0x1f6: {  	v55 =	vld.idx.msk [tilespmem:v63+s30+$0x0], $0xffff  }
0x1f7: {  	v59 =	vor.u32 $0x380D, v1;
	v50 =	vadd.f32 v53, v50  }
0x1f8: {  	v52 =	vld.idx.msk [tilespmem:v57+s30+$0x0], $0xffff  }
0x1f9: {  	v60 =	vor.u32 $0x380E, v1;
	v50 =	vadd.f32 v54, v50  }
0x1fa: {  	v51 =	vld.idx.msk [tilespmem:v58+s30+$0x0], $0xffff  }
0x1fb: {  	v61 =	vor.u32 $0x380F, v1;
	v50 =	vadd.f32 v55, v50  }
0x1fc: {  	v53 =	vld.idx.msk [tilespmem:v59+s30+$0x0], $0xffff  }
0x1fd: {  	v50 =	vadd.f32 v52, v50  }
0x1fe: {  	v62 =	vld.idx.msk [tilespmem:v60+s30+$0x0], $0xffff  }
0x1ff: {  	v50 =	vadd.f32 v51, v50  }
0x200: {  	v63 =	vld.idx.msk [tilespmem:v61+s30+$0x0], $0xffff  }
0x201: {  	v50 =	vadd.f32 v53, v50;
	_ =	sdelay $0x1  }
0x202: {  	v50 =	vadd.f32 v62, v50;
	_ =	sdelay $0x1  }
0x203: {  	v50 =	vadd.f32 v63, v50;
	_ =	sdelay $0x1  }
0x204: {  	v50 =	vmul.f32 $1.442695020e+00, v50;
	_ =	sdelay $0x1  }
0x205: {  	(erf) = vpow2.f32 v50;
	_ =	sdelay $0x6  }
.Ltmp8:
0x206: {  	_ = 	snop;
	(pc) =	sbr.rel .LBB2_17-.Ltmp8, $4  }
0x207: {  	_ = 	snop  }
0x208: {  	v50 =	vpop (erf)  }
0x209: {  	[tilespmem:$0xC2F0] =	vst v50  }
0x20a: {  	[tilespmem:s11+$0xC370] =	vst v50  }
.LBB2_23:
0x20b: {  	_ =	swait.ge [sflag:s23], $0x4000  }
0x20c: {  	[sflag:s23] =	ssyncset.done $0x0  }
0x20d: {  	[sflag:s23] =	ssyncadd.s32 $0xFFFFC000  }
0x20e: {  	v50 =	vld [tilespmem:s11+$0xC300];
	_ =	sdelay $0x4  }
0x20f: {  	[tilespmem:$0xC280] =	vst v50  }
0x210: {  	v50 =	vld [tilespmem:s11+$0xC310];
	_ =	sdelay $0x4  }
0x211: {  	[tilespmem:$0xC290] =	vst v50  }
0x212: {  	v50 =	vld [tilespmem:s11+$0xC320];
	_ =	sdelay $0x4  }
0x213: {  	[tilespmem:$0xC2A0] =	vst v50  }
0x214: {  	v50 =	vld [tilespmem:s11+$0xC330];
	_ =	sdelay $0x4  }
0x215: {  	[tilespmem:$0xC2B0] =	vst v50  }
0x216: {  	v50 =	vld [tilespmem:s11+$0xC340];
	_ =	sdelay $0x4  }
0x217: {  	[tilespmem:$0xC2C0] =	vst v50  }
0x218: {  	v50 =	vld [tilespmem:s11+$0xC350];
	_ =	sdelay $0x4  }
0x219: {  	[tilespmem:$0xC2D0] =	vst v50  }
0x21a: {  	v50 =	vld [tilespmem:s11+$0xC360];
	_ =	sdelay $0x4  }
0x21b: {  	[tilespmem:$0xC2E0] =	vst v50  }
0x21c: {  	v50 =	vld [tilespmem:s11+$0xC370];
	_ =	sdelay $0x4  }
0x21d: {  	[tilespmem:$0xC2F0] =	vst v50  }
.LBB2_17:
0x21e: {  	v50 =	vld [tilespmem:$0x200];
	_ =	sdelay $0x2  }
0x21f: {  	v51 =	vld [tilespmem:$0xC280];
	_ =	sdelay $0x4  }
0x220: {  	[tilespmem:v50+s31+$0x0] =	vst.idx.add.f32.msk $0xffff, v51  }
0x221: {  	v50 =	vld [tilespmem:$0x210];
	_ =	sdelay $0x2  }
0x222: {  	v51 =	vld [tilespmem:$0xC290];
	_ =	sdelay $0x4  }
0x223: {  	[tilespmem:v50+s31+$0x0] =	vst.idx.add.f32.msk $0xffff, v51  }
0x224: {  	v50 =	vld [tilespmem:$0x220];
	_ =	sdelay $0x2  }
0x225: {  	v51 =	vld [tilespmem:$0xC2A0];
	_ =	sdelay $0x4  }
0x226: {  	[tilespmem:v50+s31+$0x0] =	vst.idx.add.f32.msk $0xffff, v51  }
0x227: {  	v50 =	vld [tilespmem:$0x230];
	_ =	sdelay $0x2  }
0x228: {  	v51 =	vld [tilespmem:$0xC2B0];
	_ =	sdelay $0x4  }
0x229: {  	[tilespmem:v50+s31+$0x0] =	vst.idx.add.f32.msk $0xffff, v51  }
0x22a: {  	v50 =	vld [tilespmem:$0x240];
	_ =	sdelay $0x2  }
0x22b: {  	v51 =	vld [tilespmem:$0xC2C0];
	_ =	sdelay $0x4  }
0x22c: {  	[tilespmem:v50+s31+$0x0] =	vst.idx.add.f32.msk $0xffff, v51  }
0x22d: {  	v50 =	vld [tilespmem:$0x250];
	_ =	sdelay $0x2  }
0x22e: {  	v51 =	vld [tilespmem:$0xC2D0];
	_ =	sdelay $0x4  }
0x22f: {  	[tilespmem:v50+s31+$0x0] =	vst.idx.add.f32.msk $0xffff, v51  }
0x230: {  	v50 =	vld [tilespmem:$0x260];
	_ =	sdelay $0x2  }
0x231: {  	v51 =	vld [tilespmem:$0xC2E0];
	_ =	sdelay $0x4  }
0x232: {  	[tilespmem:v50+s31+$0x0] =	vst.idx.add.f32.msk $0xffff, v51  }
0x233: {  	v50 =	vld [tilespmem:$0x270];
	_ =	sdelay $0x2  }
0x234: {  	v51 =	vld [tilespmem:$0xC2F0];
	_ =	sdelay $0x2  }
0x235: {  	s11 =	simm.s32 $0x0  }
0x236: {  	v52 =	vmov s11  }
0x237: {  	s11 =	simm.s32 $0x2C0;
	[tilespmem:v50+s31+$0x0] =	vst.idx.add.f32.msk $0xffff, v51  }
0x238: {  	v54 =	vld [tilespmem:s11+$0x30]  }
0x239: {  	v57 =	vld [tilespmem:s11+$0x10]  }
0x23a: {  	v55 =	vld [tilespmem:s11+$0xFFFFFFC0]  }
0x23b: {  	v51 =	vld.idx.msk [tilespmem:v52+s0+$0x0], $0xffff  }
0x23c: {  	v59 =	vld [tilespmem:s11+$0xFFFFFFE0]  }
0x23d: {  	v50 =	vld [tilespmem:s11+$0xFFFFFFF0]  }
0x23e: {  	v52 =	vld [tilespmem:s11+$0x20]  }
0x23f: {  	v53 =	vld [tilespmem:s11+$0xFFFFFFD0]  }
0x240: {  	v58 =	vmul.f32 v54, v51;
	v54 =	vld [tilespmem:s11+$0x0]  }
0x241: {  	v56 =	vmul.f32 v55, v51  }
0x242: {  	s15 =	simm.s32 $0x1;
	s16 =	simm.s32 $0x2C0;
	v55 =	vmul.f32 v59, v51;
	v57 =	vmul.f32 v57, v51  }
.LBB2_18:
0x243: {  	p4 =	sne.s32 s15, $0x7F  }
0x244: {  	v53 =	vmul.f32 v53, v51;
	v52 =	vmul.f32 v52, v51;
	[tilespmem:s11+$0x30] =	vst v58;
	s16 =	sadd.s32 $0x80, s16;
	s17 =	smov.u32 s15;
	s15 =	sadd.s32 $0x1, s15  }
0x245: {  	[tilespmem:s11+$0xFFFFFFC0] =	vst v56;
	v56 =	vmul.f32 v50, v51;
	v51 =	vmul.f32 v54, v51  }
0x246: {  	[tilespmem:s11+$0x10] =	vst v57  }
0x247: {  	v54 =	vmov s17;
	[tilespmem:s11+$0xFFFFFFE0] =	vst v55  }
0x248: {  	v50 =	vld [tilespmem:s16+$0xFFFFFFF0];
	[tilespmem:s11+$0xFFFFFFF0] =	vst v56  }
0x249: {  	v55 =	vld [tilespmem:s16+$0x30];
	[tilespmem:s11+$0x0] =	vst v51  }
0x24a: {  	v57 =	vld [tilespmem:s16+$0x10];
	[tilespmem:s11+$0x20] =	vst v52  }
0x24b: {  	v56 =	vld [tilespmem:s16+$0xFFFFFFC0];
	[tilespmem:s11+$0xFFFFFFD0] =	vst v53;
	s11 =	smov.u32 s16  }
0x24c: {  	v51 =	vld.idx.msk [tilespmem:v54+s0+$0x0], $0xffff  }
0x24d: {  	v59 =	vld [tilespmem:s16+$0xFFFFFFE0]  }
0x24e: {  	v52 =	vld [tilespmem:s16+$0x20]  }
.Ltmp9:
0x24f: {  	v53 =	vld [tilespmem:s16+$0xFFFFFFD0];
	(pc) =	sbr.rel @p4 .LBB2_18-.Ltmp9, $3  }
0x250: {  	v54 =	vld [tilespmem:s16+$0x0];
	_ =	sdelay $0x1  }
0x251: {  	v56 =	vmul.f32 v56, v51;
	v58 =	vmul.f32 v55, v51  }
0x252: {  	v57 =	vmul.f32 v57, v51;
	v55 =	vmul.f32 v59, v51  }
0x253: {  	[tilespmem:s11+$0x30] =	vst v58  }
0x254: {  	[tilespmem:s11+$0xFFFFFFC0] =	vst v56  }
0x255: {  	v50 =	vmul.f32 v50, v51;
	[tilespmem:s11+$0x10] =	vst v57  }
0x256: {  	v52 =	vmul.f32 v52, v51;
	[tilespmem:s11+$0xFFFFFFE0] =	vst v55  }
0x257: {  	v63 =	vmul.f32 v53, v51;
	[tilespmem:s11+$0xFFFFFFF0] =	vst v50  }
0x258: {  	s8 =	sadd.s32 $0x1, s8;
	v54 =	vmul.f32 v54, v51;
	[tilespmem:s11+$0x20] =	vst v52  }
0x259: {  	p4 =	sne.s32 s8, $0x54;
	[tilespmem:s11+$0xFFFFFFD0] =	vst v63  }
.Ltmp10:
0x25a: {  	[tilespmem:s11+$0x0] =	vst v54;
	(pc) =	sbr.rel @p4 .LBB2_13-.Ltmp10, $4  }
0x25b: {  	[spmem:s3] =	stream.indirect.scatter.add.f32 [tilespmem:s26], [sflag:$0x4], $0x80, s18, s22, $0xb8;
	[tilespmem:$0x1B200] =	vst v63  }
0x25c: {  	_ =	swait.ge [sflag:s20], $0x4000  }
0x25d: {  	[sflag:s20] =	ssyncset.done $0x0  }
0x25e: {  	[sflag:s20] =	ssyncadd.s32 $0xFFFFC000  }
0x25f: {  	s8 =	rddreg [dreg:$0x4];
	s11 =	simm.s32 $0x30;
	s15 =	simm.s32 $0x10F80  }
0x260: {  	[spmem:s8] =	stream.indirect.scatter.add.f32 [tilespmem:s31], [sflag:$0x4], $0x80, s15, s11, $0xb8;
	[tilespmem:$0x1B200] =	vst v63  }
0x261: {  	s17 =	sshrl.u32 s12, $0x3;
	_ =	swait.ge [sflag:s20], $0x1800  }
0x262: {  	s2 =	smul.u32 @!p1 $0x500, s2;
	[sflag:s20] =	ssyncset.done $0x0;
	s11 =	rddreg [dreg:$0xa]  }
0x263: {  	s4 =	smul.u32 @!p1 $0x280, s4;
	s8 =	sadd.s32 s11, s10;
	[sflag:s20] =	ssyncadd.s32 $0xFFFFE800  }
0x264: {  	s8 =	sadd.s32 s13, s8;
	[bflag:$0x0] =	sbarrier.arrive $0xFFFF;
	s13 =	stileid.u32  }
0x265: {  	s8 =	sshll.u32 s8, $0x4;
	s15 =	sshll.u32 s13, $0x6;
	s16 =	rddreg [dreg:$0x6]  }
0x266: {  	s19 =	sadd.s32 $0x1, s19;
	s8 =	sadd.s32 s16, s8;
	s10 =	sor.u32 $0x1C04, s15  }
0x267: {  	[hbm:s8], [sflag:s10] =	dma.local [spmem:s17], $0x1400  }
0x268: {  	p3 =	sne.s32 s19, $0x8;
	_ =	swait.ge [sflag:s20], $0x1400  }
0x269: {  	s2 =	sadd.s32 @!p1 s4, s2;
	s4 =	sshll.u32 @!p1 s13, $0x6;
	s8 =	rddreg [dreg:$0xb]  }
0x26a: {  	[sflag:s20] =	ssyncset.done $0x0;
	s2 =	sadd.s32 @!p1 s2, s8;
	s8 =	rddreg [dreg:$0x9]  }
0x26b: {  	s4 =	sor.u32 @!p1 $0x1C03, s4;
	[sflag:s20] =	ssyncadd.s32 $0xFFFFEC00;
	s8 =	sshrl.u32 @!p1 s8, $0x3  }
0x26c: {  	[hbm:s2], [sflag:s4] =	dma.local @!p1 [spmem:s8], $0x80  }
.Ltmp11:
0x26d: {  	_ = 	snop;
	(pc) =	sbr.rel @p3 .LBB2_4-.Ltmp11, $4  }
0x26e: {  	s2 =	simm.s32 @!p1 $0x3  }
0x26f: {  	_ =	swait.ge @!p1 [sflag:s2], $0x80  }
0x270: {  	[sflag:s2] =	ssyncset.done @!p1 $0x0  }
0x271: {  	s10 =	stileid.u32;
	[sflag:s2] =	ssyncadd.s32 @!p1 $0xFFFFFF80  }
0x272: {  	s4 =	rddreg [dreg:$0xd]  }
0x273: {  	s2 =	rddreg [dreg:$0xc];
	s4 =	sadd.s32 $0x1, s4  }
0x274: {  	p3 =	sne.s32 s4, s2  }
.Ltmp12:
0x275: {  	_ = 	snop;
	(pc) =	sbr.rel @p3 .LBB2_1-.Ltmp12, $1  }
0x276: {  	_ =	sdelay $0x3  }
0x277: {  	_ =	sfence.sel $0x180000  }
0x278: {  	[bflag:$0x0] =	sbarrier.arrive $0xFFFF  }
0x279: {  	_ =	strace $0x90000047  }
0x27a: {  	[bflag:$0x2] =	sbarrier.arrive $0xFFFF  }
0x27b: {  	p0 =	sne.s32 s10, $0x0;
	s0 =	rddreg [dreg:$0x5]  }
0x27c: {  	s0 =	sadd.s32 @!p0 $0x100000, s0  }
0x27d: {  	[sflag:s0] =	ssyncadd.tile.s32 @!p0 $0x1;
	_ =	shalt  }
.Lfunc_end2:
_tile_overlayer_lowered:
.L_overlay_start_2:
0x27e: {  	(tag) =	ssettag $0x2  }
0x27f: {  	s0 =	rddreg [dreg:$0x0];
	s2 =	stileid.u32  }
0x280: {  	s1 =	rddreg [dreg:$0x1];
	p0 =	sne.s32 s2, $0x0  }
0x281: {  	s3 =	rddreg [dreg:$0x2];
	[bflag:$0x3] =	sbarrier.arrive $0xFFFF;
	s2 =	simm.s32 @!p0 $0x1C03  }
0x282: {  	[timem:s3], [sflag:s2] =	dma.local @!p0 [hbm:s0], s1  }
0x283: {  	s0 =	simm.s32 @!p0 $0x3  }
0x284: {  	_ =	swait.ge @!p0 [sflag:s0], s1  }
0x285: {  	s1 =	ssub.s32 @!p0 $0x0, s1;
	[sflag:s0] =	ssyncset.done @!p0 $0x0  }
0x286: {  	[sflag:s0] =	ssyncadd.s32 @!p0 s1  }
0x287: {  	[bflag:$0x3] =	sbarrier.arrive $0xFFFF  }
0x288: {  	_ =	shalt  }

</sc_bundles>
